<compile_context>
chip_gen: v7x
topology: tpu7x:2x2x1
jax: 0.10.2.dev20260603
libtpu: 0.0.44.dev20260713+nightly
codegen_flags: <defaults>
</compile_context>

<pallas_src>
import functools

import jax
import jax.numpy as jnp
from jax import lax
from jax.experimental import pallas as pl
from jax.experimental.pallas import tpu as pltpu
from jax.experimental.pallas import tpu_sc as plsc

NS = 16
NC = 2
C = 128
CG = 128
KIDX = 8


def _ceil_to(a, m):
    return -(-a // m) * m



def _make_deg_kernel(n, kch_half, d_rows, r_d):
    mesh = plsc.VectorSubcoreMesh(core_axis_name="c", subcore_axis_name="s")
    kch = kch_half * NC

    @functools.partial(
        pl.kernel,
        out_type=[jax.ShapeDtypeStruct((d_rows,), jnp.float32),
                  jax.ShapeDtypeStruct((d_rows,), jnp.float32)],
        mesh=mesh,
        scratch_types=[
            pltpu.VMEM_SHARED((d_rows,), jnp.float32),
            pltpu.VMEM((kch, C), jnp.int32),
            pltpu.VMEM((C,), jnp.float32),
            pltpu.VMEM((r_d,), jnp.float32),
        ],
    )
    def deg_kernel(dst3_hbm, ones_hbm, zeros_hbm, d0_hbm, d1_hbm,
                   dacc, dstv, onesv, zbuf):
        c = lax.axis_index("c")
        s = lax.axis_index("s")
        pltpu.sync_copy(zeros_hbm, zbuf)
        pltpu.sync_copy(zbuf, dacc.at[pl.ds(s * r_d, r_d)])
        pltpu.sync_copy(ones_hbm.at[pl.ds(0, C)], onesv)
        pltpu.sync_copy(dst3_hbm.at[s], dstv)
        plsc.subcore_barrier()

        def body(kk, carry):
            k = c * kch_half + kk
            pltpu.sync_copy(onesv, dacc.at[dstv.at[k]], add=True)
            return carry

        lax.fori_loop(0, kch_half, body, 0)
        plsc.subcore_barrier()
        pltpu.sync_copy(dacc.at[pl.ds(s * r_d, r_d)], zbuf)

        @pl.when(c == 0)
        def _():
            pltpu.sync_copy(zbuf, d0_hbm.at[pl.ds(s * r_d, r_d)])

        @pl.when(c == 1)
        def _():
            pltpu.sync_copy(zbuf, d1_hbm.at[pl.ds(s * r_d, r_d)])

    return deg_kernel


def _make_agg_kernel(n, h, kch, acc_rows, r_z, r_w):
    mesh = plsc.VectorSubcoreMesh(core_axis_name="c", subcore_axis_name="s")
    assert kch % 2 == 0

    @functools.partial(
        pl.kernel,
        out_type=jax.ShapeDtypeStruct((2 * n, h), jnp.float32),
        mesh=mesh,
        scratch_types=[
            pltpu.VMEM_SHARED((acc_rows, h), jnp.float32),
            pltpu.VMEM((kch, CG), jnp.int32),
            pltpu.VMEM((2, CG), jnp.int32),
            pltpu.VMEM((CG, h), jnp.float32),
            pltpu.VMEM((CG, h), jnp.float32),
            pltpu.SemaphoreType.DMA,
            pltpu.SemaphoreType.DMA,
            pltpu.SemaphoreType.DMA,
            pltpu.SemaphoreType.DMA,
        ],
    )
    def agg_kernel(h_hbm, src4_hbm, dst3_hbm, zeros_hbm, out_hbm,
                   acc, srcv, di, rows_a, rows_b, sem_a, sem_b, sem_d0,
                   sem_d1):
        c = lax.axis_index("c")
        s = lax.axis_index("s")
        pltpu.sync_copy(src4_hbm.at[c, s], srcv)

        pltpu.sync_copy(zeros_hbm, rows_a)
        off = 0
        while off < r_z:
            cnt = min(CG, r_z - off)
            pltpu.sync_copy(rows_a.at[pl.ds(0, cnt)],
                            acc.at[pl.ds(s * r_z + off, cnt)])
            off += cnt

        pltpu.async_copy(dst3_hbm.at[s, 0], di.at[0], sem_d0)
        pltpu.async_copy(dst3_hbm.at[s, 1], di.at[1], sem_d1)
        pltpu.async_copy(h_hbm.at[srcv.at[0]], rows_a, sem_a)
        pltpu.async_copy(h_hbm.at[srcv.at[1]], rows_b, sem_b)
        plsc.subcore_barrier()

        def stage(k, rows, sem, di_slot, sem_d):
            pltpu.make_async_copy(h_hbm.at[srcv.at[k]], rows, sem).wait()
            pltpu.make_async_copy(dst3_hbm.at[s, k], di_slot, sem_d).wait()
            pltpu.sync_copy(rows, acc.at[di_slot], add=True)

            @pl.when(k + 2 < kch)
            def _():
                pltpu.async_copy(dst3_hbm.at[s, k + 2], di_slot, sem_d)
                pltpu.async_copy(h_hbm.at[srcv.at[k + 2]], rows, sem)

        def body(t, carry):
            stage(2 * t, rows_a, sem_a, di.at[0], sem_d0)
            stage(2 * t + 1, rows_b, sem_b, di.at[1], sem_d1)
            return carry

        lax.fori_loop(0, kch // 2, body, 0)
        plsc.subcore_barrier()

        rows_l = [rows_a, rows_b]
        sem_l = [sem_a, sem_b]

        def writeout(base, nrows):
            off = 0
            p = 0
            last = [None, None]
            while off < nrows:
                cnt = min(CG, nrows - off)
                b = p % 2
                if last[b] is not None:
                    lcnt, loff = last[b]
                    pltpu.make_async_copy(
                        rows_l[b].at[pl.ds(0, lcnt)],
                        out_hbm.at[pl.ds(c * n + base + loff, lcnt)],
                        sem_l[b]).wait()
                pltpu.sync_copy(acc.at[pl.ds(base + off, cnt)],
                                rows_l[b].at[pl.ds(0, cnt)])
                pltpu.async_copy(rows_l[b].at[pl.ds(0, cnt)],
                                 out_hbm.at[pl.ds(c * n + base + off, cnt)],
                                 sem_l[b])
                last[b] = (cnt, off)
                off += cnt
                p += 1
            for b in range(2):
                if last[b] is not None:
                    lcnt, loff = last[b]
                    pltpu.make_async_copy(
                        rows_l[b].at[pl.ds(0, lcnt)],
                        out_hbm.at[pl.ds(c * n + base + loff, lcnt)],
                        sem_l[b]).wait()

        @pl.when(s < NS - 1)
        def _():
            writeout(s * r_w, r_w)

        @pl.when(s == NS - 1)
        def _():
            writeout((NS - 1) * r_w, n - (NS - 1) * r_w)

    return agg_kernel



def _k1_body(n, x_ref, w_ref, d0_ref, d1_ref, hp_ref, dinv_ref):
    deg = d0_ref[...] + d1_ref[...] + 1.0
    dinv = lax.rsqrt(deg)
    hp = jnp.dot(x_ref[...], w_ref[...], preferred_element_type=jnp.float32)
    hp_ref[...] = hp * dinv
    dinv_ref[...] = dinv


def _k_stats_body(agg_ref, hp_ref, dinv_ref, pre_ref, s_ref, q_ref):
    i = pl.program_id(1)
    pre = (agg_ref[...] + hp_ref[...]) * dinv_ref[...]
    pre_ref[...] = pre
    ps = jnp.sum(pre, axis=0)[None, None, :]
    pq = jnp.sum(pre * pre, axis=0)[None, None, :]

    @pl.when(i == 0)
    def _():
        s_ref[...] = ps
        q_ref[...] = pq

    @pl.when(i > 0)
    def _():
        s_ref[...] += ps
        q_ref[...] += pq


def _bn_scale_shift(n, s_ref, q_ref, g_ref, b_ref, eps=1e-5):
    mean = s_ref[...] / n
    var = q_ref[...] / n - mean * mean
    scale = lax.rsqrt(var + eps) * g_ref[...]
    shift = b_ref[...] - mean * scale
    return scale, shift


def _k_mid_body(n, h, p0_ref, p1_ref, s_ref, q_ref, g_ref, b_ref, w_ref,
                dinv_ref, hp2_ref):
    scale, shift = _bn_scale_shift(n, s_ref, q_ref, g_ref, b_ref)
    z0 = jnp.maximum(p0_ref[...] * scale[0] + shift[0], 0.0)
    z1 = jnp.maximum(p1_ref[...] * scale[1] + shift[1], 0.0)
    h2 = (jnp.dot(z0, w_ref[:h, :], preferred_element_type=jnp.float32)
          + jnp.dot(z1, w_ref[h:, :], preferred_element_type=jnp.float32))
    hp2_ref[...] = h2 * dinv_ref[...]


def _k_final_body(n, p0_ref, p1_ref, s_ref, q_ref, g_ref, b_ref, out_ref):
    scale, shift = _bn_scale_shift(n, s_ref, q_ref, g_ref, b_ref)
    z0 = p0_ref[...] * scale[0] + shift[0]
    z1 = p1_ref[...] * scale[1] + shift[1]
    out_ref[...] = jnp.concatenate([z0, z1], axis=1)



def kernel(x, edge_index, W1, b1, gamma1, beta1, W2, b2, gamma2, beta2):
    n, d = x.shape
    e = edge_index.shape[1]
    h = d // 2

    kch = _ceil_to(-(-e // (NS * CG)), KIDX)
    e_pad = NS * kch * CG
    kchd = e_pad // (NS * C)
    src = jnp.concatenate(
        [edge_index[0], jnp.zeros((e_pad - e,), jnp.int32)])
    dst = jnp.concatenate(
        [edge_index[1], jnp.full((e_pad - e,), n, jnp.int32)])
    s3 = src.reshape(NS, kch, CG)
    src4 = jnp.stack([s3, s3 + n])
    dst3 = dst.reshape(NS, kch, CG)
    dst3d = dst.reshape(NS, kchd, C)

    r_z = _ceil_to(-(-(n + 1) // NS), 8)
    acc_rows = NS * r_z
    r_w = (n // NS) // 8 * 8
    r_d = _ceil_to(-(-(n + 1) // NS), 128)
    d_rows = NS * r_d

    zeros_rows = jnp.zeros((CG, h), jnp.float32)
    zeros_vec = jnp.zeros((r_d,), jnp.float32)
    ones_vec = jnp.ones((r_d,), jnp.float32)

    deg_kernel = _make_deg_kernel(n, kchd // NC, d_rows, r_d)
    d0, d1 = deg_kernel(dst3d, ones_vec, zeros_vec)
    d0s = d0[:n].reshape(n, 1)
    d1s = d1[:n].reshape(n, 1)

    R = 2000
    nb = n // R
    hp1, dinv = pl.pallas_call(
        functools.partial(_k1_body, n),
        grid=(nb, 2),
        in_specs=[
            pl.BlockSpec((R, d), lambda i, j: (i, 0)),
            pl.BlockSpec((d, h), lambda i, j: (0, j)),
            pl.BlockSpec((R, 1), lambda i, j: (i, 0)),
            pl.BlockSpec((R, 1), lambda i, j: (i, 0)),
        ],
        out_specs=[
            pl.BlockSpec((R, h), lambda i, j: (j * nb + i, 0)),
            pl.BlockSpec((R, 1), lambda i, j: (i, 0)),
        ],
        out_shape=[
            jax.ShapeDtypeStruct((2 * n, h), jnp.float32),
            jax.ShapeDtypeStruct((n, 1), jnp.float32),
        ],
    )(x, W1, d0s, d1s)

    agg_kernel = _make_agg_kernel(n, h, kch, acc_rows, r_z, r_w)

    def stats_call(agg, hp):
        return pl.pallas_call(
            _k_stats_body,
            grid=(2, nb),
            in_specs=[
                pl.BlockSpec((R, h), lambda c, i: (c * nb + i, 0)),
                pl.BlockSpec((R, h), lambda c, i: (c * nb + i, 0)),
                pl.BlockSpec((R, 1), lambda c, i: (i, 0)),
            ],
            out_specs=[
                pl.BlockSpec((R, h), lambda c, i: (c * nb + i, 0)),
                pl.BlockSpec((1, 1, h), lambda c, i: (c, 0, 0)),
                pl.BlockSpec((1, 1, h), lambda c, i: (c, 0, 0)),
            ],
            out_shape=[
                jax.ShapeDtypeStruct((2 * n, h), jnp.float32),
                jax.ShapeDtypeStruct((2, 1, h), jnp.float32),
                jax.ShapeDtypeStruct((2, 1, h), jnp.float32),
            ],
        )(agg, hp, dinv)

    agg1 = agg_kernel(hp1, src4, dst3, zeros_rows)
    pre1, s1, q1 = stats_call(agg1, hp1)

    g1 = gamma1.reshape(2, 1, h)
    be1 = beta1.reshape(2, 1, h)
    hp2 = pl.pallas_call(
        functools.partial(_k_mid_body, n, h),
        grid=(nb, 2),
        in_specs=[
            pl.BlockSpec((R, h), lambda i, j: (i, 0)),
            pl.BlockSpec((R, h), lambda i, j: (nb + i, 0)),
            pl.BlockSpec((2, 1, h), lambda i, j: (0, 0, 0)),
            pl.BlockSpec((2, 1, h), lambda i, j: (0, 0, 0)),
            pl.BlockSpec((2, 1, h), lambda i, j: (0, 0, 0)),
            pl.BlockSpec((2, 1, h), lambda i, j: (0, 0, 0)),
            pl.BlockSpec((d, h), lambda i, j: (0, j)),
            pl.BlockSpec((R, 1), lambda i, j: (i, 0)),
        ],
        out_specs=pl.BlockSpec((R, h), lambda i, j: (j * nb + i, 0)),
        out_shape=jax.ShapeDtypeStruct((2 * n, h), jnp.float32),
    )(pre1, pre1, s1, q1, g1, be1, W2, dinv)

    agg2 = agg_kernel(hp2, src4, dst3, zeros_rows)
    pre2, s2, q2 = stats_call(agg2, hp2)

    g2 = gamma2.reshape(2, 1, h)
    be2 = beta2.reshape(2, 1, h)
    out = pl.pallas_call(
        functools.partial(_k_final_body, n),
        grid=(nb,),
        in_specs=[
            pl.BlockSpec((R, h), lambda i: (i, 0)),
            pl.BlockSpec((R, h), lambda i: (nb + i, 0)),
            pl.BlockSpec((2, 1, h), lambda i: (0, 0, 0)),
            pl.BlockSpec((2, 1, h), lambda i: (0, 0, 0)),
            pl.BlockSpec((2, 1, h), lambda i: (0, 0, 0)),
            pl.BlockSpec((2, 1, h), lambda i: (0, 0, 0)),
        ],
        out_specs=pl.BlockSpec((R, d), lambda i: (i, 0)),
        out_shape=jax.ShapeDtypeStruct((n, d), jnp.float32),
    )(pre2, pre2, s2, q2, g2, be2)
    return out

# --- scband reference (transcript-rebuilt; emitter-appended) ---
"""Pipeline reference for scband-residual-block-16329465660185 (READ-ONLY COPY).

The authoritative reference and input builder live on the scoring server;
editing this copy changes nothing except your own understanding.
"""

import jax, jax.numpy as jnp
import numpy as np

N = 10000
E = 160000
D = 256


def setup_inputs(seed: int = 0) -> dict:
    key = jax.random.key(seed)
    ks = jax.random.split(key, 10)
    x = jax.random.normal(ks[0], (N, D), dtype=jnp.float32)
    edge_index = jax.random.randint(ks[1], (2, E), 0, N, dtype=jnp.int32)
    scale = 1.0 / np.sqrt(D)
    W1 = jax.random.normal(ks[2], (D, D), dtype=jnp.float32) * scale
    b1 = jnp.zeros((D,), dtype=jnp.float32)
    gamma1 = jnp.ones((D,), dtype=jnp.float32)
    beta1 = jnp.zeros((D,), dtype=jnp.float32)
    W2 = jax.random.normal(ks[3], (D, D), dtype=jnp.float32) * scale
    b2 = jnp.zeros((D,), dtype=jnp.float32)
    gamma2 = jnp.ones((D,), dtype=jnp.float32)
    beta2 = jnp.zeros((D,), dtype=jnp.float32)
    return {"x": x, "edge_index": edge_index, "W1": W1, "b1": b1,
            "gamma1": gamma1, "beta1": beta1, "W2": W2, "b2": b2,
            "gamma2": gamma2, "beta2": beta2}


def gcn_conv(x, edge_index, W, b):
    # PyG GCNConv: add self-loops, symmetric normalization, linear transform, scatter-add aggregate
    n = x.shape[0]
    loop = jnp.arange(n, dtype=edge_index.dtype)
    src = jnp.concatenate([edge_index[0], loop])
    dst = jnp.concatenate([edge_index[1], loop])
    h = x @ W
    deg = jnp.zeros((n,), dtype=h.dtype).at[dst].add(1.0)
    dinv = jax.lax.rsqrt(jnp.maximum(deg, 1.0))
    norm = dinv[src] * dinv[dst]
    msg = h[src] * norm[:, None]
    out = jnp.zeros_like(h).at[dst].add(msg)
    return out + b


def batch_norm(x, gamma, beta, eps=1e-5):
    # training-mode BatchNorm1d over the node dimension (biased variance)
    mean = jnp.mean(x, axis=0)
    var = jnp.mean((x - mean) ** 2, axis=0)
    return (x - mean) * jax.lax.rsqrt(var + eps) * gamma + beta


def reference(x, edge_index, W1, b1, gamma1, beta1, W2, b2, gamma2, beta2):
    out = gcn_conv(x, edge_index, W1, b1)
    out = batch_norm(out, gamma1, beta1)
    out = jax.nn.relu(out)
    # dropout is identity in eval mode
    out = gcn_conv(out, edge_index, W2, b2)
    out = batch_norm(out, gamma2, beta2)
    return out

if __name__ == "__main__":
    import jax
    _d = setup_inputs()
    print(jax.jit(kernel)(*tuple(_d.values())))

</pallas_src>

<mosaic_0001>
#map = affine_map<(d0, d1) -> (0, 0)>
#map1 = affine_map<(d0, d1) -> (0, 0, 0, 0)>
#map2 = affine_map<(d0, d1) -> (0, 0, 0)>
module attributes {stable_mosaic.version = 14 : i64} {
  func.func @agg_kernel(%arg0: i32, %arg1: i32, %arg2: memref<20000x128xf32, #tpu.memory_space<hbm>>, %arg3: memref<2x16x80x128xi32, #tpu.memory_space<hbm>>, %arg4: memref<16x80x128xi32, #tpu.memory_space<hbm>>, %arg5: memref<128x128xf32, #tpu.memory_space<hbm>>, %arg6: memref<20000x128xf32, #tpu.memory_space<hbm>>, %arg7: memref<10112x128xf32, #tpu.memory_space<vmem_shared>>, %arg8: memref<80x128xi32, #tpu.memory_space<vmem>>, %arg9: memref<2x128xi32, #tpu.memory_space<vmem>>, %arg10: memref<128x128xf32, #tpu.memory_space<vmem>>, %arg11: memref<128x128xf32, #tpu.memory_space<vmem>>, %arg12: memref<!tpu.dma_semaphore, #tpu.memory_space<semaphore_mem>>, %arg13: memref<!tpu.dma_semaphore, #tpu.memory_space<semaphore_mem>>, %arg14: memref<!tpu.dma_semaphore, #tpu.memory_space<semaphore_mem>>, %arg15: memref<!tpu.dma_semaphore, #tpu.memory_space<semaphore_mem>>) attributes {dimension_semantics = [#tpu.dimension_semantics<core_parallel>, #tpu.dimension_semantics<subcore_parallel>], iteration_bounds = array<i64: 2, 16>, scalar_prefetch = 0 : i64, scratch_operands = 9 : i64, tpu.core_type = #tpu.core_type<sc_vector_subcore>, window_params = [{transform_indices = #map}, {transform_indices = #map1}, {transform_indices = #map2}, {transform_indices = #map}, {transform_indices = #map}]} {
    "tpu.region"() ({
      %run_scoped3A = tpu.sem_alloc : memref<!tpu.dma_semaphore, #tpu.memory_space<semaphore_mem>>
      %dma_start3A_71 = arith.constant 0 : i32
      %dma_start3A_72 = arith.constant 0 : i32
      %dma_start3A_73 = tpu.memref_slice %arg3[%arg0, %arg1, %dma_start3A_71, %dma_start3A_72] : memref<2x16x80x128xi32, #tpu.memory_space<hbm>> -> memref<1x1x80x128xi32, #tpu.memory_space<hbm>>
      %dma_start3A_74 = tpu.memref_squeeze %dma_start3A_73 : memref<1x1x80x128xi32, #tpu.memory_space<hbm>> -> memref<80x128xi32, #tpu.memory_space<hbm>>
      %dma_start3A_75 = arith.constant 0 : i32
      %dma_start3A_76 = arith.constant 0 : i32
      %dma_start3A_77 = tpu.memref_slice %arg3[%arg0, %arg1, %dma_start3A_75, %dma_start3A_76] : memref<2x16x80x128xi32, #tpu.memory_space<hbm>> -> memref<1x1x80x128xi32, #tpu.memory_space<hbm>>
      %dma_start3A_78 = tpu.memref_squeeze %dma_start3A_77 : memref<1x1x80x128xi32, #tpu.memory_space<hbm>> -> memref<80x128xi32, #tpu.memory_space<hbm>>
      tpu.enqueue_dma source(%dma_start3A_78 : memref<80x128xi32, #tpu.memory_space<hbm>>) target(%arg8 : memref<80x128xi32, #tpu.memory_space<vmem>>) target_semaphore(%run_scoped3A : memref<!tpu.dma_semaphore, #tpu.memory_space<semaphore_mem>>)
      %dma_wait3A = arith.constant 0 : i32
      %dma_wait3A_79 = arith.constant 0 : i32
      %dma_wait3A_80 = tpu.memref_slice %arg3[%arg0, %arg1, %dma_wait3A, %dma_wait3A_79] : memref<2x16x80x128xi32, #tpu.memory_space<hbm>> -> memref<1x1x80x128xi32, #tpu.memory_space<hbm>>
      %dma_wait3A_81 = tpu.memref_squeeze %dma_wait3A_80 : memref<1x1x80x128xi32, #tpu.memory_space<hbm>> -> memref<80x128xi32, #tpu.memory_space<hbm>>
      %dma_wait3A_82 = arith.constant 0 : i32
      %dma_wait3A_83 = arith.constant 0 : i32
      %dma_wait3A_84 = tpu.memref_slice %arg3[%arg0, %arg1, %dma_wait3A_82, %dma_wait3A_83] : memref<2x16x80x128xi32, #tpu.memory_space<hbm>> -> memref<1x1x80x128xi32, #tpu.memory_space<hbm>>
      %dma_wait3A_85 = tpu.memref_squeeze %dma_wait3A_84 : memref<1x1x80x128xi32, #tpu.memory_space<hbm>> -> memref<80x128xi32, #tpu.memory_space<hbm>>
      tpu.wait_dma2 semaphore(%run_scoped3A : memref<!tpu.dma_semaphore, #tpu.memory_space<semaphore_mem>>) src(%dma_wait3A_85 : memref<80x128xi32, #tpu.memory_space<hbm>>) dst(%arg8 : memref<80x128xi32, #tpu.memory_space<vmem>>)
      tpu.yield
    }) : () -> ()
    "tpu.region"() ({
      %run_scoped3A = tpu.sem_alloc : memref<!tpu.dma_semaphore, #tpu.memory_space<semaphore_mem>>
      tpu.enqueue_dma source(%arg5 : memref<128x128xf32, #tpu.memory_space<hbm>>) target(%arg10 : memref<128x128xf32, #tpu.memory_space<vmem>>) target_semaphore(%run_scoped3A : memref<!tpu.dma_semaphore, #tpu.memory_space<semaphore_mem>>)
      tpu.wait_dma2 semaphore(%run_scoped3A : memref<!tpu.dma_semaphore, #tpu.memory_space<semaphore_mem>>) src(%arg5 : memref<128x128xf32, #tpu.memory_space<hbm>>) dst(%arg10 : memref<128x128xf32, #tpu.memory_space<vmem>>)
      tpu.yield
    }) : () -> ()
    %mul3A = arith.constant 632 : i32
    %mul3A_0 = arith.muli %arg1, %mul3A : i32
    %add3A = arith.constant 0 : i32
    %add3A_1 = arith.addi %mul3A_0, %add3A : i32
    "tpu.region"() ({
      %run_scoped3A = tpu.sem_alloc : memref<!tpu.dma_semaphore, #tpu.memory_space<semaphore_mem>>
      %dma_start3A_71 = arith.constant 0 : i32
      %dma_start3A_72 = arith.constant 0 : i32
      %dma_start3A_73 = tpu.memref_slice %arg10[%dma_start3A_71, %dma_start3A_72] : memref<128x128xf32, #tpu.memory_space<vmem>> -> memref<128x128xf32, #tpu.memory_space<vmem>>
      %dma_start3A_74 = arith.constant 0 : i32
      %dma_start3A_75 = tpu.memref_slice %arg7[%add3A_1, %dma_start3A_74] : memref<10112x128xf32, #tpu.memory_space<vmem_shared>> -> memref<128x128xf32, #tpu.memory_space<vmem_shared>>
      %dma_start3A_76 = arith.constant 0 : i32
      %dma_start3A_77 = tpu.memref_slice %arg7[%add3A_1, %dma_start3A_76] : memref<10112x128xf32, #tpu.memory_space<vmem_shared>> -> memref<128x128xf32, #tpu.memory_space<vmem_shared>>
      %dma_start3A_78 = arith.constant 0 : i32
      %dma_start3A_79 = arith.constant 0 : i32
      %dma_start3A_80 = tpu.memref_slice %arg10[%dma_start3A_78, %dma_start3A_79] : memref<128x128xf32, #tpu.memory_space<vmem>> -> memref<128x128xf32, #tpu.memory_space<vmem>>
      tpu.enqueue_dma source(%dma_start3A_80 : memref<128x128xf32, #tpu.memory_space<vmem>>) target(%dma_start3A_77 : memref<128x128xf32, #tpu.memory_space<vmem_shared>>) target_semaphore(%run_scoped3A : memref<!tpu.dma_semaphore, #tpu.memory_space<semaphore_mem>>)
      %dma_wait3A = arith.constant 0 : i32
      %dma_wait3A_81 = arith.constant 0 : i32
      %dma_wait3A_82 = tpu.memref_slice %arg10[%dma_wait3A, %dma_wait3A_81] : memref<128x128xf32, #tpu.memory_space<vmem>> -> memref<128x128xf32, #tpu.memory_space<vmem>>
      %dma_wait3A_83 = arith.constant 0 : i32
      %dma_wait3A_84 = tpu.memref_slice %arg7[%add3A_1, %dma_wait3A_83] : memref<10112x128xf32, #tpu.memory_space<vmem_shared>> -> memref<128x128xf32, #tpu.memory_space<vmem_shared>>
      %dma_wait3A_85 = arith.constant 0 : i32
      %dma_wait3A_86 = tpu.memref_slice %arg7[%add3A_1, %dma_wait3A_85] : memref<10112x128xf32, #tpu.memory_space<vmem_shared>> -> memref<128x128xf32, #tpu.memory_space<vmem_shared>>
      %dma_wait3A_87 = arith.constant 0 : i32
      %dma_wait3A_88 = arith.constant 0 : i32
      %dma_wait3A_89 = tpu.memref_slice %arg10[%dma_wait3A_87, %dma_wait3A_88] : memref<128x128xf32, #tpu.memory_space<vmem>> -> memref<128x128xf32, #tpu.memory_space<vmem>>
      tpu.wait_dma2 semaphore(%run_scoped3A : memref<!tpu.dma_semaphore, #tpu.memory_space<semaphore_mem>>) src(%dma_wait3A_89 : memref<128x128xf32, #tpu.memory_space<vmem>>) dst(%dma_wait3A_86 : memref<128x128xf32, #tpu.memory_space<vmem_shared>>)
      tpu.yield
    }) : () -> ()
    %mul3A_2 = arith.constant 632 : i32
    %mul3A_3 = arith.muli %arg1, %mul3A_2 : i32
    %add3A_4 = arith.constant 128 : i32
    %add3A_5 = arith.addi %mul3A_3, %add3A_4 : i32
    "tpu.region"() ({
      %run_scoped3A = tpu.sem_alloc : memref<!tpu.dma_semaphore, #tpu.memory_space<semaphore_mem>>
      %dma_start3A_71 = arith.constant 0 : i32
      %dma_start3A_72 = arith.constant 0 : i32
      %dma_start3A_73 = tpu.memref_slice %arg10[%dma_start3A_71, %dma_start3A_72] : memref<128x128xf32, #tpu.memory_space<vmem>> -> memref<128x128xf32, #tpu.memory_space<vmem>>
      %dma_start3A_74 = arith.constant 0 : i32
      %dma_start3A_75 = tpu.memref_slice %arg7[%add3A_5, %dma_start3A_74] : memref<10112x128xf32, #tpu.memory_space<vmem_shared>> -> memref<128x128xf32, #tpu.memory_space<vmem_shared>>
      %dma_start3A_76 = arith.constant 0 : i32
      %dma_start3A_77 = tpu.memref_slice %arg7[%add3A_5, %dma_start3A_76] : memref<10112x128xf32, #tpu.memory_space<vmem_shared>> -> memref<128x128xf32, #tpu.memory_space<vmem_shared>>
      %dma_start3A_78 = arith.constant 0 : i32
      %dma_start3A_79 = arith.constant 0 : i32
      %dma_start3A_80 = tpu.memref_slice %arg10[%dma_start3A_78, %dma_start3A_79] : memref<128x128xf32, #tpu.memory_space<vmem>> -> memref<128x128xf32, #tpu.memory_space<vmem>>
      tpu.enqueue_dma source(%dma_start3A_80 : memref<128x128xf32, #tpu.memory_space<vmem>>) target(%dma_start3A_77 : memref<128x128xf32, #tpu.memory_space<vmem_shared>>) target_semaphore(%run_scoped3A : memref<!tpu.dma_semaphore, #tpu.memory_space<semaphore_mem>>)
      %dma_wait3A = arith.constant 0 : i32
      %dma_wait3A_81 = arith.constant 0 : i32
      %dma_wait3A_82 = tpu.memref_slice %arg10[%dma_wait3A, %dma_wait3A_81] : memref<128x128xf32, #tpu.memory_space<vmem>> -> memref<128x128xf32, #tpu.memory_space<vmem>>
      %dma_wait3A_83 = arith.constant 0 : i32
      %dma_wait3A_84 = tpu.memref_slice %arg7[%add3A_5, %dma_wait3A_83] : memref<10112x128xf32, #tpu.memory_space<vmem_shared>> -> memref<128x128xf32, #tpu.memory_space<vmem_shared>>
      %dma_wait3A_85 = arith.constant 0 : i32
      %dma_wait3A_86 = tpu.memref_slice %arg7[%add3A_5, %dma_wait3A_85] : memref<10112x128xf32, #tpu.memory_space<vmem_shared>> -> memref<128x128xf32, #tpu.memory_space<vmem_shared>>
      %dma_wait3A_87 = arith.constant 0 : i32
      %dma_wait3A_88 = arith.constant 0 : i32
      %dma_wait3A_89 = tpu.memref_slice %arg10[%dma_wait3A_87, %dma_wait3A_88] : memref<128x128xf32, #tpu.memory_space<vmem>> -> memref<128x128xf32, #tpu.memory_space<vmem>>
      tpu.wait_dma2 semaphore(%run_scoped3A : memref<!tpu.dma_semaphore, #tpu.memory_space<semaphore_mem>>) src(%dma_wait3A_89 : memref<128x128xf32, #tpu.memory_space<vmem>>) dst(%dma_wait3A_86 : memref<128x128xf32, #tpu.memory_space<vmem_shared>>)
      tpu.yield
    }) : () -> ()
    %mul3A_6 = arith.constant 632 : i32
    %mul3A_7 = arith.muli %arg1, %mul3A_6 : i32
    %add3A_8 = arith.constant 256 : i32
    %add3A_9 = arith.addi %mul3A_7, %add3A_8 : i32
    "tpu.region"() ({
      %run_scoped3A = tpu.sem_alloc : memref<!tpu.dma_semaphore, #tpu.memory_space<semaphore_mem>>
      %dma_start3A_71 = arith.constant 0 : i32
      %dma_start3A_72 = arith.constant 0 : i32
      %dma_start3A_73 = tpu.memref_slice %arg10[%dma_start3A_71, %dma_start3A_72] : memref<128x128xf32, #tpu.memory_space<vmem>> -> memref<128x128xf32, #tpu.memory_space<vmem>>
      %dma_start3A_74 = arith.constant 0 : i32
      %dma_start3A_75 = tpu.memref_slice %arg7[%add3A_9, %dma_start3A_74] : memref<10112x128xf32, #tpu.memory_space<vmem_shared>> -> memref<128x128xf32, #tpu.memory_space<vmem_shared>>
      %dma_start3A_76 = arith.constant 0 : i32
      %dma_start3A_77 = tpu.memref_slice %arg7[%add3A_9, %dma_start3A_76] : memref<10112x128xf32, #tpu.memory_space<vmem_shared>> -> memref<128x128xf32, #tpu.memory_space<vmem_shared>>
      %dma_start3A_78 = arith.constant 0 : i32
      %dma_start3A_79 = arith.constant 0 : i32
      %dma_start3A_80 = tpu.memref_slice %arg10[%dma_start3A_78, %dma_start3A_79] : memref<128x128xf32, #tpu.memory_space<vmem>> -> memref<128x128xf32, #tpu.memory_space<vmem>>
      tpu.enqueue_dma source(%dma_start3A_80 : memref<128x128xf32, #tpu.memory_space<vmem>>) target(%dma_start3A_77 : memref<128x128xf32, #tpu.memory_space<vmem_shared>>) target_semaphore(%run_scoped3A : memref<!tpu.dma_semaphore, #tpu.memory_space<semaphore_mem>>)
      %dma_wait3A = arith.constant 0 : i32
      %dma_wait3A_81 = arith.constant 0 : i32
      %dma_wait3A_82 = tpu.memref_slice %arg10[%dma_wait3A, %dma_wait3A_81] : memref<128x128xf32, #tpu.memory_space<vmem>> -> memref<128x128xf32, #tpu.memory_space<vmem>>
      %dma_wait3A_83 = arith.constant 0 : i32
      %dma_wait3A_84 = tpu.memref_slice %arg7[%add3A_9, %dma_wait3A_83] : memref<10112x128xf32, #tpu.memory_space<vmem_shared>> -> memref<128x128xf32, #tpu.memory_space<vmem_shared>>
      %dma_wait3A_85 = arith.constant 0 : i32
      %dma_wait3A_86 = tpu.memref_slice %arg7[%add3A_9, %dma_wait3A_85] : memref<10112x128xf32, #tpu.memory_space<vmem_shared>> -> memref<128x128xf32, #tpu.memory_space<vmem_shared>>
      %dma_wait3A_87 = arith.constant 0 : i32
      %dma_wait3A_88 = arith.constant 0 : i32
      %dma_wait3A_89 = tpu.memref_slice %arg10[%dma_wait3A_87, %dma_wait3A_88] : memref<128x128xf32, #tpu.memory_space<vmem>> -> memref<128x128xf32, #tpu.memory_space<vmem>>
      tpu.wait_dma2 semaphore(%run_scoped3A : memref<!tpu.dma_semaphore, #tpu.memory_space<semaphore_mem>>) src(%dma_wait3A_89 : memref<128x128xf32, #tpu.memory_space<vmem>>) dst(%dma_wait3A_86 : memref<128x128xf32, #tpu.memory_space<vmem_shared>>)
      tpu.yield
    }) : () -> ()
    %mul3A_10 = arith.constant 632 : i32
    %mul3A_11 = arith.muli %arg1, %mul3A_10 : i32
    %add3A_12 = arith.constant 384 : i32
    %add3A_13 = arith.addi %mul3A_11, %add3A_12 : i32
    "tpu.region"() ({
      %run_scoped3A = tpu.sem_alloc : memref<!tpu.dma_semaphore, #tpu.memory_space<semaphore_mem>>
      %dma_start3A_71 = arith.constant 0 : i32
      %dma_start3A_72 = arith.constant 0 : i32
      %dma_start3A_73 = tpu.memref_slice %arg10[%dma_start3A_71, %dma_start3A_72] : memref<128x128xf32, #tpu.memory_space<vmem>> -> memref<128x128xf32, #tpu.memory_space<vmem>>
      %dma_start3A_74 = arith.constant 0 : i32
      %dma_start3A_75 = tpu.memref_slice %arg7[%add3A_13, %dma_start3A_74] : memref<10112x128xf32, #tpu.memory_space<vmem_shared>> -> memref<128x128xf32, #tpu.memory_space<vmem_shared>>
      %dma_start3A_76 = arith.constant 0 : i32
      %dma_start3A_77 = tpu.memref_slice %arg7[%add3A_13, %dma_start3A_76] : memref<10112x128xf32, #tpu.memory_space<vmem_shared>> -> memref<128x128xf32, #tpu.memory_space<vmem_shared>>
      %dma_start3A_78 = arith.constant 0 : i32
      %dma_start3A_79 = arith.constant 0 : i32
      %dma_start3A_80 = tpu.memref_slice %arg10[%dma_start3A_78, %dma_start3A_79] : memref<128x128xf32, #tpu.memory_space<vmem>> -> memref<128x128xf32, #tpu.memory_space<vmem>>
      tpu.enqueue_dma source(%dma_start3A_80 : memref<128x128xf32, #tpu.memory_space<vmem>>) target(%dma_start3A_77 : memref<128x128xf32, #tpu.memory_space<vmem_shared>>) target_semaphore(%run_scoped3A : memref<!tpu.dma_semaphore, #tpu.memory_space<semaphore_mem>>)
      %dma_wait3A = arith.constant 0 : i32
      %dma_wait3A_81 = arith.constant 0 : i32
      %dma_wait3A_82 = tpu.memref_slice %arg10[%dma_wait3A, %dma_wait3A_81] : memref<128x128xf32, #tpu.memory_space<vmem>> -> memref<128x128xf32, #tpu.memory_space<vmem>>
      %dma_wait3A_83 = arith.constant 0 : i32
      %dma_wait3A_84 = tpu.memref_slice %arg7[%add3A_13, %dma_wait3A_83] : memref<10112x128xf32, #tpu.memory_space<vmem_shared>> -> memref<128x128xf32, #tpu.memory_space<vmem_shared>>
      %dma_wait3A_85 = arith.constant 0 : i32
      %dma_wait3A_86 = tpu.memref_slice %arg7[%add3A_13, %dma_wait3A_85] : memref<10112x128xf32, #tpu.memory_space<vmem_shared>> -> memref<128x128xf32, #tpu.memory_space<vmem_shared>>
      %dma_wait3A_87 = arith.constant 0 : i32
      %dma_wait3A_88 = arith.constant 0 : i32
      %dma_wait3A_89 = tpu.memref_slice %arg10[%dma_wait3A_87, %dma_wait3A_88] : memref<128x128xf32, #tpu.memory_space<vmem>> -> memref<128x128xf32, #tpu.memory_space<vmem>>
      tpu.wait_dma2 semaphore(%run_scoped3A : memref<!tpu.dma_semaphore, #tpu.memory_space<semaphore_mem>>) src(%dma_wait3A_89 : memref<128x128xf32, #tpu.memory_space<vmem>>) dst(%dma_wait3A_86 : memref<128x128xf32, #tpu.memory_space<vmem_shared>>)
      tpu.yield
    }) : () -> ()
    %mul3A_14 = arith.constant 632 : i32
    %mul3A_15 = arith.muli %arg1, %mul3A_14 : i32
    %add3A_16 = arith.constant 512 : i32
    %add3A_17 = arith.addi %mul3A_15, %add3A_16 : i32
    "tpu.region"() ({
      %run_scoped3A = tpu.sem_alloc : memref<!tpu.dma_semaphore, #tpu.memory_space<semaphore_mem>>
      %dma_start3A_71 = arith.constant 0 : i32
      %dma_start3A_72 = arith.constant 0 : i32
      %dma_start3A_73 = tpu.memref_slice %arg10[%dma_start3A_71, %dma_start3A_72] : memref<128x128xf32, #tpu.memory_space<vmem>> -> memref<120x128xf32, #tpu.memory_space<vmem>>
      %dma_start3A_74 = arith.constant 0 : i32
      %dma_start3A_75 = tpu.memref_slice %arg7[%add3A_17, %dma_start3A_74] : memref<10112x128xf32, #tpu.memory_space<vmem_shared>> -> memref<120x128xf32, #tpu.memory_space<vmem_shared>>
      %dma_start3A_76 = arith.constant 0 : i32
      %dma_start3A_77 = tpu.memref_slice %arg7[%add3A_17, %dma_start3A_76] : memref<10112x128xf32, #tpu.memory_space<vmem_shared>> -> memref<120x128xf32, #tpu.memory_space<vmem_shared>>
      %dma_start3A_78 = arith.constant 0 : i32
      %dma_start3A_79 = arith.constant 0 : i32
      %dma_start3A_80 = tpu.memref_slice %arg10[%dma_start3A_78, %dma_start3A_79] : memref<128x128xf32, #tpu.memory_space<vmem>> -> memref<120x128xf32, #tpu.memory_space<vmem>>
      tpu.enqueue_dma source(%dma_start3A_80 : memref<120x128xf32, #tpu.memory_space<vmem>>) target(%dma_start3A_77 : memref<120x128xf32, #tpu.memory_space<vmem_shared>>) target_semaphore(%run_scoped3A : memref<!tpu.dma_semaphore, #tpu.memory_space<semaphore_mem>>)
      %dma_wait3A = arith.constant 0 : i32
      %dma_wait3A_81 = arith.constant 0 : i32
      %dma_wait3A_82 = tpu.memref_slice %arg10[%dma_wait3A, %dma_wait3A_81] : memref<128x128xf32, #tpu.memory_space<vmem>> -> memref<120x128xf32, #tpu.memory_space<vmem>>
      %dma_wait3A_83 = arith.constant 0 : i32
      %dma_wait3A_84 = tpu.memref_slice %arg7[%add3A_17, %dma_wait3A_83] : memref<10112x128xf32, #tpu.memory_space<vmem_shared>> -> memref<120x128xf32, #tpu.memory_space<vmem_shared>>
      %dma_wait3A_85 = arith.constant 0 : i32
      %dma_wait3A_86 = tpu.memref_slice %arg7[%add3A_17, %dma_wait3A_85] : memref<10112x128xf32, #tpu.memory_space<vmem_shared>> -> memref<120x128xf32, #tpu.memory_space<vmem_shared>>
      %dma_wait3A_87 = arith.constant 0 : i32
      %dma_wait3A_88 = arith.constant 0 : i32
      %dma_wait3A_89 = tpu.memref_slice %arg10[%dma_wait3A_87, %dma_wait3A_88] : memref<128x128xf32, #tpu.memory_space<vmem>> -> memref<120x128xf32, #tpu.memory_space<vmem>>
      tpu.wait_dma2 semaphore(%run_scoped3A : memref<!tpu.dma_semaphore, #tpu.memory_space<semaphore_mem>>) src(%dma_wait3A_89 : memref<120x128xf32, #tpu.memory_space<vmem>>) dst(%dma_wait3A_86 : memref<120x128xf32, #tpu.memory_space<vmem_shared>>)
      tpu.yield
    }) : () -> ()
    %dma_start3A = arith.constant 0 : i32
    %dma_start3A_18 = arith.constant 0 : i32
    %dma_start3A_19 = arith.constant 0 : i32
    %dma_start3A_20 = tpu.memref_slice %arg9[%dma_start3A_18, %dma_start3A_19] : memref<2x128xi32, #tpu.memory_space<vmem>> -> memref<1x128xi32, #tpu.memory_space<vmem>>
    %dma_start3A_21 = tpu.memref_squeeze %dma_start3A_20 : memref<1x128xi32, #tpu.memory_space<vmem>> -> memref<128xi32, #tpu.memory_space<vmem>>
    %dma_start3A_22 = arith.constant 0 : i32
    %dma_start3A_23 = tpu.memref_slice %arg4[%arg1, %dma_start3A, %dma_start3A_22] : memref<16x80x128xi32, #tpu.memory_space<hbm>> -> memref<1x1x128xi32, #tpu.memory_space<hbm>>
    %dma_start3A_24 = tpu.memref_squeeze %dma_start3A_23 : memref<1x1x128xi32, #tpu.memory_space<hbm>> -> memref<128xi32, #tpu.memory_space<hbm>>
    %dma_start3A_25 = arith.constant 0 : i32
    %dma_start3A_26 = tpu.memref_slice %arg9[%dma_start3A_18, %dma_start3A_25] : memref<2x128xi32, #tpu.memory_space<vmem>> -> memref<1x128xi32, #tpu.memory_space<vmem>>
    %dma_start3A_27 = tpu.memref_squeeze %dma_start3A_26 : memref<1x128xi32, #tpu.memory_space<vmem>> -> memref<128xi32, #tpu.memory_space<vmem>>
    %dma_start3A_28 = arith.constant 0 : i32
    %dma_start3A_29 = tpu.memref_slice %arg4[%arg1, %dma_start3A, %dma_start3A_28] : memref<16x80x128xi32, #tpu.memory_space<hbm>> -> memref<1x1x128xi32, #tpu.memory_space<hbm>>
    %dma_start3A_30 = tpu.memref_squeeze %dma_start3A_29 : memref<1x1x128xi32, #tpu.memory_space<hbm>> -> memref<128xi32, #tpu.memory_space<hbm>>
    tpu.enqueue_dma source(%dma_start3A_30 : memref<128xi32, #tpu.memory_space<hbm>>) target(%dma_start3A_27 : memref<128xi32, #tpu.memory_space<vmem>>) target_semaphore(%arg14 : memref<!tpu.dma_semaphore, #tpu.memory_space<semaphore_mem>>)
    %dma_start3A_31 = arith.constant 1 : i32
    %dma_start3A_32 = arith.constant 1 : i32
    %dma_start3A_33 = arith.constant 0 : i32
    %dma_start3A_34 = tpu.memref_slice %arg9[%dma_start3A_32, %dma_start3A_33] : memref<2x128xi32, #tpu.memory_space<vmem>> -> memref<1x128xi32, #tpu.memory_space<vmem>>
    %dma_start3A_35 = tpu.memref_squeeze %dma_start3A_34 : memref<1x128xi32, #tpu.memory_space<vmem>> -> memref<128xi32, #tpu.memory_space<vmem>>
    %dma_start3A_36 = arith.constant 0 : i32
    %dma_start3A_37 = tpu.memref_slice %arg4[%arg1, %dma_start3A_31, %dma_start3A_36] : memref<16x80x128xi32, #tpu.memory_space<hbm>> -> memref<1x1x128xi32, #tpu.memory_space<hbm>>
    %dma_start3A_38 = tpu.memref_squeeze %dma_start3A_37 : memref<1x1x128xi32, #tpu.memory_space<hbm>> -> memref<128xi32, #tpu.memory_space<hbm>>
    %dma_start3A_39 = arith.constant 0 : i32
    %dma_start3A_40 = tpu.memref_slice %arg9[%dma_start3A_32, %dma_start3A_39] : memref<2x128xi32, #tpu.memory_space<vmem>> -> memref<1x128xi32, #tpu.memory_space<vmem>>
    %dma_start3A_41 = tpu.memref_squeeze %dma_start3A_40 : memref<1x128xi32, #tpu.memory_space<vmem>> -> memref<128xi32, #tpu.memory_space<vmem>>
    %dma_start3A_42 = arith.constant 0 : i32
    %dma_start3A_43 = tpu.memref_slice %arg4[%arg1, %dma_start3A_31, %dma_start3A_42] : memref<16x80x128xi32, #tpu.memory_space<hbm>> -> memref<1x1x128xi32, #tpu.memory_space<hbm>>
    %dma_start3A_44 = tpu.memref_squeeze %dma_start3A_43 : memref<1x1x128xi32, #tpu.memory_space<hbm>> -> memref<128xi32, #tpu.memory_space<hbm>>
    tpu.enqueue_dma source(%dma_start3A_44 : memref<128xi32, #tpu.memory_space<hbm>>) target(%dma_start3A_41 : memref<128xi32, #tpu.memory_space<vmem>>) target_semaphore(%arg15 : memref<!tpu.dma_semaphore, #tpu.memory_space<semaphore_mem>>)
    %dma_start3A_45 = arith.constant 0 : i32
    %dma_start3A_46 = arith.constant 0 : i32
    %dma_start3A_47 = tpu.memref_slice %arg8[%dma_start3A_45, %dma_start3A_46] : memref<80x128xi32, #tpu.memory_space<vmem>> -> memref<1x128xi32, #tpu.memory_space<vmem>>
    %dma_start3A_48 = tpu.memref_squeeze %dma_start3A_47 : memref<1x128xi32, #tpu.memory_space<vmem>> -> memref<128xi32, #tpu.memory_space<vmem>>
    %dma_start3A_49 = arith.constant 0 : i32
    %dma_start3A_50 = arith.constant 0 : i32
    %dma_start3A_51 = tpu.memref_slice %arg2[%dma_start3A_49, %dma_start3A_50] : memref<20000x128xf32, #tpu.memory_space<hbm>> -> memref<20000x128xf32, #tpu.memory_space<hbm>>
    tpu.enqueue_indirect_dma source(%dma_start3A_51 : memref<20000x128xf32, #tpu.memory_space<hbm>>) target(%arg10 : memref<128x128xf32, #tpu.memory_space<vmem>>) offsets(%dma_start3A_48 : memref<128xi32, #tpu.memory_space<vmem>>) semaphore(%arg12 : memref<!tpu.dma_semaphore, #tpu.memory_space<semaphore_mem>>)
    %dma_start3A_52 = arith.constant 1 : i32
    %dma_start3A_53 = arith.constant 0 : i32
    %dma_start3A_54 = tpu.memref_slice %arg8[%dma_start3A_52, %dma_start3A_53] : memref<80x128xi32, #tpu.memory_space<vmem>> -> memref<1x128xi32, #tpu.memory_space<vmem>>
    %dma_start3A_55 = tpu.memref_squeeze %dma_start3A_54 : memref<1x128xi32, #tpu.memory_space<vmem>> -> memref<128xi32, #tpu.memory_space<vmem>>
    %dma_start3A_56 = arith.constant 0 : i32
    %dma_start3A_57 = arith.constant 0 : i32
    %dma_start3A_58 = tpu.memref_slice %arg2[%dma_start3A_56, %dma_start3A_57] : memref<20000x128xf32, #tpu.memory_space<hbm>> -> memref<20000x128xf32, #tpu.memory_space<hbm>>
    tpu.enqueue_indirect_dma source(%dma_start3A_58 : memref<20000x128xf32, #tpu.memory_space<hbm>>) target(%arg11 : memref<128x128xf32, #tpu.memory_space<vmem>>) offsets(%dma_start3A_55 : memref<128xi32, #tpu.memory_space<vmem>>) semaphore(%arg13 : memref<!tpu.dma_semaphore, #tpu.memory_space<semaphore_mem>>)
    %barrier3A = arith.constant 0 : index
    tpu.barrier barrier_id(%barrier3A)
    %scan3A = arith.constant 0 : i32
    %scan3A_59 = arith.constant 0 : i32
    %scan3A_60 = arith.constant 40 : i32
    %scan3A_61 = arith.addi %scan3A_59, %scan3A_60 : i32
    %scan3A_62 = arith.constant 1 : i32
    scf.for %scan3A_71 = %scan3A_59 to %scan3A_61 step %scan3A_62  : i32 {
      %mul3A_72 = arith.constant 2 : i32
      %mul3A_73 = arith.muli %mul3A_72, %scan3A_71 : i32
      %dma_wait3A = arith.constant 0 : i32
      %dma_wait3A_74 = tpu.memref_slice %arg8[%mul3A_73, %dma_wait3A] : memref<80x128xi32, #tpu.memory_space<vmem>> -> memref<1x128xi32, #tpu.memory_space<vmem>>
      %dma_wait3A_75 = tpu.memref_squeeze %dma_wait3A_74 : memref<1x128xi32, #tpu.memory_space<vmem>> -> memref<128xi32, #tpu.memory_space<vmem>>
      %dma_wait3A_76 = arith.constant 0 : i32
      %dma_wait3A_77 = arith.constant 0 : i32
      %dma_wait3A_78 = tpu.memref_slice %arg2[%dma_wait3A_76, %dma_wait3A_77] : memref<20000x128xf32, #tpu.memory_space<hbm>> -> memref<20000x128xf32, #tpu.memory_space<hbm>>
      tpu.wait_indirect_dma semaphore(%arg12 : memref<!tpu.dma_semaphore, #tpu.memory_space<semaphore_mem>>) src(%dma_wait3A_78 : memref<20000x128xf32, #tpu.memory_space<hbm>>) dst(%arg10 : memref<128x128xf32, #tpu.memory_space<vmem>>)
      %dma_wait3A_79 = arith.constant 0 : i32
      %dma_wait3A_80 = arith.constant 0 : i32
      %dma_wait3A_81 = tpu.memref_slice %arg9[%dma_wait3A_79, %dma_wait3A_80] : memref<2x128xi32, #tpu.memory_space<vmem>> -> memref<1x128xi32, #tpu.memory_space<vmem>>
      %dma_wait3A_82 = tpu.memref_squeeze %dma_wait3A_81 : memref<1x128xi32, #tpu.memory_space<vmem>> -> memref<128xi32, #tpu.memory_space<vmem>>
      %dma_wait3A_83 = arith.constant 0 : i32
      %dma_wait3A_84 = tpu.memref_slice %arg4[%arg1, %mul3A_73, %dma_wait3A_83] : memref<16x80x128xi32, #tpu.memory_space<hbm>> -> memref<1x1x128xi32, #tpu.memory_space<hbm>>
      %dma_wait3A_85 = tpu.memref_squeeze %dma_wait3A_84 : memref<1x1x128xi32, #tpu.memory_space<hbm>> -> memref<128xi32, #tpu.memory_space<hbm>>
      %dma_wait3A_86 = arith.constant 0 : i32
      %dma_wait3A_87 = tpu.memref_slice %arg9[%dma_wait3A_79, %dma_wait3A_86] : memref<2x128xi32, #tpu.memory_space<vmem>> -> memref<1x128xi32, #tpu.memory_space<vmem>>
      %dma_wait3A_88 = tpu.memref_squeeze %dma_wait3A_87 : memref<1x128xi32, #tpu.memory_space<vmem>> -> memref<128xi32, #tpu.memory_space<vmem>>
      %dma_wait3A_89 = arith.constant 0 : i32
      %dma_wait3A_90 = tpu.memref_slice %arg4[%arg1, %mul3A_73, %dma_wait3A_89] : memref<16x80x128xi32, #tpu.memory_space<hbm>> -> memref<1x1x128xi32, #tpu.memory_space<hbm>>
      %dma_wait3A_91 = tpu.memref_squeeze %dma_wait3A_90 : memref<1x1x128xi32, #tpu.memory_space<hbm>> -> memref<128xi32, #tpu.memory_space<hbm>>
      tpu.wait_dma2 semaphore(%arg14 : memref<!tpu.dma_semaphore, #tpu.memory_space<semaphore_mem>>) src(%dma_wait3A_91 : memref<128xi32, #tpu.memory_space<hbm>>) dst(%dma_wait3A_88 : memref<128xi32, #tpu.memory_space<vmem>>)
      %run_scoped3A = arith.constant 0 : i32
      "tpu.region"() ({
        %run_scoped3A_132 = tpu.sem_alloc : memref<!tpu.dma_semaphore, #tpu.memory_space<semaphore_mem>>
        %dma_start3A_133 = arith.constant 0 : i32
        %dma_start3A_134 = tpu.memref_slice %arg9[%run_scoped3A, %dma_start3A_133] : memref<2x128xi32, #tpu.memory_space<vmem>> -> memref<1x128xi32, #tpu.memory_space<vmem>>
        %dma_start3A_135 = tpu.memref_squeeze %dma_start3A_134 : memref<1x128xi32, #tpu.memory_space<vmem>> -> memref<128xi32, #tpu.memory_space<vmem>>
        %dma_start3A_136 = arith.constant 0 : i32
        %dma_start3A_137 = arith.constant 0 : i32
        %dma_start3A_138 = tpu.memref_slice %arg7[%dma_start3A_136, %dma_start3A_137] : memref<10112x128xf32, #tpu.memory_space<vmem_shared>> -> memref<10112x128xf32, #tpu.memory_space<vmem_shared>>
        tpu.enqueue_indirect_dma source(%arg10 : memref<128x128xf32, #tpu.memory_space<vmem>>) target(%dma_start3A_138 : memref<10112x128xf32, #tpu.memory_space<vmem_shared>>) offsets(%dma_start3A_135 : memref<128xi32, #tpu.memory_space<vmem>>) semaphore(%run_scoped3A_132 : memref<!tpu.dma_semaphore, #tpu.memory_space<semaphore_mem>>) {add = true}
        %dma_wait3A_139 = arith.constant 0 : i32
        %dma_wait3A_140 = tpu.memref_slice %arg9[%run_scoped3A, %dma_wait3A_139] : memref<2x128xi32, #tpu.memory_space<vmem>> -> memref<1x128xi32, #tpu.memory_space<vmem>>
        %dma_wait3A_141 = tpu.memref_squeeze %dma_wait3A_140 : memref<1x128xi32, #tpu.memory_space<vmem>> -> memref<128xi32, #tpu.memory_space<vmem>>
        %dma_wait3A_142 = arith.constant 0 : i32
        %dma_wait3A_143 = arith.constant 0 : i32
        %dma_wait3A_144 = tpu.memref_slice %arg7[%dma_wait3A_142, %dma_wait3A_143] : memref<10112x128xf32, #tpu.memory_space<vmem_shared>> -> memref<10112x128xf32, #tpu.memory_space<vmem_shared>>
        tpu.wait_indirect_dma semaphore(%run_scoped3A_132 : memref<!tpu.dma_semaphore, #tpu.memory_space<semaphore_mem>>) src(%arg10 : memref<128x128xf32, #tpu.memory_space<vmem>>) dst(%dma_wait3A_144 : memref<10112x128xf32, #tpu.memory_space<vmem_shared>>)
        tpu.yield
      }) : () -> ()
      %add3A_92 = arith.constant 2 : i32
      %add3A_93 = arith.addi %mul3A_73, %add3A_92 : i32
      %lt3A_94 = arith.constant 80 : i32
      %lt3A_95 = arith.cmpi slt, %add3A_93, %lt3A_94 : i32
      %convert_element_type3A_96 = arith.extui %lt3A_95 : i1 to i32
      %cond3A_97 = arith.constant 0 : i32
      %cond3A_98 = arith.constant 0 : i32
      %cond3A_99 = arith.cmpi ne, %convert_element_type3A_96, %cond3A_98 : i32
      scf.if %cond3A_99 {
        %add3A_132 = arith.constant 2 : i32
        %add3A_133 = arith.addi %mul3A_73, %add3A_132 : i32
        %dma_start3A_134 = arith.constant 0 : i32
        %dma_start3A_135 = tpu.memref_slice %arg9[%cond3A_97, %dma_start3A_134] : memref<2x128xi32, #tpu.memory_space<vmem>> -> memref<1x128xi32, #tpu.memory_space<vmem>>
        %dma_start3A_136 = tpu.memref_squeeze %dma_start3A_135 : memref<1x128xi32, #tpu.memory_space<vmem>> -> memref<128xi32, #tpu.memory_space<vmem>>
        %dma_start3A_137 = arith.constant 0 : i32
        %dma_start3A_138 = tpu.memref_slice %arg4[%arg1, %add3A_133, %dma_start3A_137] : memref<16x80x128xi32, #tpu.memory_space<hbm>> -> memref<1x1x128xi32, #tpu.memory_space<hbm>>
        %dma_start3A_139 = tpu.memref_squeeze %dma_start3A_138 : memref<1x1x128xi32, #tpu.memory_space<hbm>> -> memref<128xi32, #tpu.memory_space<hbm>>
        %dma_start3A_140 = arith.constant 0 : i32
        %dma_start3A_141 = tpu.memref_slice %arg9[%cond3A_97, %dma_start3A_140] : memref<2x128xi32, #tpu.memory_space<vmem>> -> memref<1x128xi32, #tpu.memory_space<vmem>>
        %dma_start3A_142 = tpu.memref_squeeze %dma_start3A_141 : memref<1x128xi32, #tpu.memory_space<vmem>> -> memref<128xi32, #tpu.memory_space<vmem>>
        %dma_start3A_143 = arith.constant 0 : i32
        %dma_start3A_144 = tpu.memref_slice %arg4[%arg1, %add3A_133, %dma_start3A_143] : memref<16x80x128xi32, #tpu.memory_space<hbm>> -> memref<1x1x128xi32, #tpu.memory_space<hbm>>
        %dma_start3A_145 = tpu.memref_squeeze %dma_start3A_144 : memref<1x1x128xi32, #tpu.memory_space<hbm>> -> memref<128xi32, #tpu.memory_space<hbm>>
        tpu.enqueue_dma source(%dma_start3A_145 : memref<128xi32, #tpu.memory_space<hbm>>) target(%dma_start3A_142 : memref<128xi32, #tpu.memory_space<vmem>>) target_semaphore(%arg14 : memref<!tpu.dma_semaphore, #tpu.memory_space<semaphore_mem>>)
        %add3A_146 = arith.constant 2 : i32
        %add3A_147 = arith.addi %mul3A_73, %add3A_146 : i32
        %dma_start3A_148 = arith.constant 0 : i32
        %dma_start3A_149 = tpu.memref_slice %arg8[%add3A_147, %dma_start3A_148] : memref<80x128xi32, #tpu.memory_space<vmem>> -> memref<1x128xi32, #tpu.memory_space<vmem>>
        %dma_start3A_150 = tpu.memref_squeeze %dma_start3A_149 : memref<1x128xi32, #tpu.memory_space<vmem>> -> memref<128xi32, #tpu.memory_space<vmem>>
        %dma_start3A_151 = arith.constant 0 : i32
        %dma_start3A_152 = arith.constant 0 : i32
        %dma_start3A_153 = tpu.memref_slice %arg2[%dma_start3A_151, %dma_start3A_152] : memref<20000x128xf32, #tpu.memory_space<hbm>> -> memref<20000x128xf32, #tpu.memory_space<hbm>>
        tpu.enqueue_indirect_dma source(%dma_start3A_153 : memref<20000x128xf32, #tpu.memory_space<hbm>>) target(%arg10 : memref<128x128xf32, #tpu.memory_space<vmem>>) offsets(%dma_start3A_150 : memref<128xi32, #tpu.memory_space<vmem>>) semaphore(%arg12 : memref<!tpu.dma_semaphore, #tpu.memory_space<semaphore_mem>>)
      } else {
      }
      %mul3A_100 = arith.constant 2 : i32
      %mul3A_101 = arith.muli %mul3A_100, %scan3A_71 : i32
      %add3A_102 = arith.constant 1 : i32
      %add3A_103 = arith.addi %mul3A_101, %add3A_102 : i32
      %dma_wait3A_104 = arith.constant 0 : i32
      %dma_wait3A_105 = tpu.memref_slice %arg8[%add3A_103, %dma_wait3A_104] : memref<80x128xi32, #tpu.memory_space<vmem>> -> memref<1x128xi32, #tpu.memory_space<vmem>>
      %dma_wait3A_106 = tpu.memref_squeeze %dma_wait3A_105 : memref<1x128xi32, #tpu.memory_space<vmem>> -> memref<128xi32, #tpu.memory_space<vmem>>
      %dma_wait3A_107 = arith.constant 0 : i32
      %dma_wait3A_108 = arith.constant 0 : i32
      %dma_wait3A_109 = tpu.memref_slice %arg2[%dma_wait3A_107, %dma_wait3A_108] : memref<20000x128xf32, #tpu.memory_space<hbm>> -> memref<20000x128xf32, #tpu.memory_space<hbm>>
      tpu.wait_indirect_dma semaphore(%arg13 : memref<!tpu.dma_semaphore, #tpu.memory_space<semaphore_mem>>) src(%dma_wait3A_109 : memref<20000x128xf32, #tpu.memory_space<hbm>>) dst(%arg11 : memref<128x128xf32, #tpu.memory_space<vmem>>)
      %dma_wait3A_110 = arith.constant 1 : i32
      %dma_wait3A_111 = arith.constant 0 : i32
      %dma_wait3A_112 = tpu.memref_slice %arg9[%dma_wait3A_110, %dma_wait3A_111] : memref<2x128xi32, #tpu.memory_space<vmem>> -> memref<1x128xi32, #tpu.memory_space<vmem>>
      %dma_wait3A_113 = tpu.memref_squeeze %dma_wait3A_112 : memref<1x128xi32, #tpu.memory_space<vmem>> -> memref<128xi32, #tpu.memory_space<vmem>>
      %dma_wait3A_114 = arith.constant 0 : i32
      %dma_wait3A_115 = tpu.memref_slice %arg4[%arg1, %add3A_103, %dma_wait3A_114] : memref<16x80x128xi32, #tpu.memory_space<hbm>> -> memref<1x1x128xi32, #tpu.memory_space<hbm>>
      %dma_wait3A_116 = tpu.memref_squeeze %dma_wait3A_115 : memref<1x1x128xi32, #tpu.memory_space<hbm>> -> memref<128xi32, #tpu.memory_space<hbm>>
      %dma_wait3A_117 = arith.constant 0 : i32
      %dma_wait3A_118 = tpu.memref_slice %arg9[%dma_wait3A_110, %dma_wait3A_117] : memref<2x128xi32, #tpu.memory_space<vmem>> -> memref<1x128xi32, #tpu.memory_space<vmem>>
      %dma_wait3A_119 = tpu.memref_squeeze %dma_wait3A_118 : memref<1x128xi32, #tpu.memory_space<vmem>> -> memref<128xi32, #tpu.memory_space<vmem>>
      %dma_wait3A_120 = arith.constant 0 : i32
      %dma_wait3A_121 = tpu.memref_slice %arg4[%arg1, %add3A_103, %dma_wait3A_120] : memref<16x80x128xi32, #tpu.memory_space<hbm>> -> memref<1x1x128xi32, #tpu.memory_space<hbm>>
      %dma_wait3A_122 = tpu.memref_squeeze %dma_wait3A_121 : memref<1x1x128xi32, #tpu.memory_space<hbm>> -> memref<128xi32, #tpu.memory_space<hbm>>
      tpu.wait_dma2 semaphore(%arg15 : memref<!tpu.dma_semaphore, #tpu.memory_space<semaphore_mem>>) src(%dma_wait3A_122 : memref<128xi32, #tpu.memory_space<hbm>>) dst(%dma_wait3A_119 : memref<128xi32, #tpu.memory_space<vmem>>)
      %run_scoped3A_123 = arith.constant 1 : i32
      "tpu.region"() ({
        %run_scoped3A_132 = tpu.sem_alloc : memref<!tpu.dma_semaphore, #tpu.memory_space<semaphore_mem>>
        %dma_start3A_133 = arith.constant 0 : i32
        %dma_start3A_134 = tpu.memref_slice %arg9[%run_scoped3A_123, %dma_start3A_133] : memref<2x128xi32, #tpu.memory_space<vmem>> -> memref<1x128xi32, #tpu.memory_space<vmem>>
        %dma_start3A_135 = tpu.memref_squeeze %dma_start3A_134 : memref<1x128xi32, #tpu.memory_space<vmem>> -> memref<128xi32, #tpu.memory_space<vmem>>
        %dma_start3A_136 = arith.constant 0 : i32
        %dma_start3A_137 = arith.constant 0 : i32
        %dma_start3A_138 = tpu.memref_slice %arg7[%dma_start3A_136, %dma_start3A_137] : memref<10112x128xf32, #tpu.memory_space<vmem_shared>> -> memref<10112x128xf32, #tpu.memory_space<vmem_shared>>
        tpu.enqueue_indirect_dma source(%arg11 : memref<128x128xf32, #tpu.memory_space<vmem>>) target(%dma_start3A_138 : memref<10112x128xf32, #tpu.memory_space<vmem_shared>>) offsets(%dma_start3A_135 : memref<128xi32, #tpu.memory_space<vmem>>) semaphore(%run_scoped3A_132 : memref<!tpu.dma_semaphore, #tpu.memory_space<semaphore_mem>>) {add = true}
        %dma_wait3A_139 = arith.constant 0 : i32
        %dma_wait3A_140 = tpu.memref_slice %arg9[%run_scoped3A_123, %dma_wait3A_139] : memref<2x128xi32, #tpu.memory_space<vmem>> -> memref<1x128xi32, #tpu.memory_space<vmem>>
        %dma_wait3A_141 = tpu.memref_squeeze %dma_wait3A_140 : memref<1x128xi32, #tpu.memory_space<vmem>> -> memref<128xi32, #tpu.memory_space<vmem>>
        %dma_wait3A_142 = arith.constant 0 : i32
        %dma_wait3A_143 = arith.constant 0 : i32
        %dma_wait3A_144 = tpu.memref_slice %arg7[%dma_wait3A_142, %dma_wait3A_143] : memref<10112x128xf32, #tpu.memory_space<vmem_shared>> -> memref<10112x128xf32, #tpu.memory_space<vmem_shared>>
        tpu.wait_indirect_dma semaphore(%run_scoped3A_132 : memref<!tpu.dma_semaphore, #tpu.memory_space<semaphore_mem>>) src(%arg11 : memref<128x128xf32, #tpu.memory_space<vmem>>) dst(%dma_wait3A_144 : memref<10112x128xf32, #tpu.memory_space<vmem_shared>>)
        tpu.yield
      }) : () -> ()
      %add3A_124 = arith.constant 2 : i32
      %add3A_125 = arith.addi %add3A_103, %add3A_124 : i32
      %lt3A_126 = arith.constant 80 : i32
      %lt3A_127 = arith.cmpi slt, %add3A_125, %lt3A_126 : i32
      %convert_element_type3A_128 = arith.extui %lt3A_127 : i1 to i32
      %cond3A_129 = arith.constant 1 : i32
      %cond3A_130 = arith.constant 0 : i32
      %cond3A_131 = arith.cmpi ne, %convert_element_type3A_128, %cond3A_130 : i32
      scf.if %cond3A_131 {
        %add3A_132 = arith.constant 2 : i32
        %add3A_133 = arith.addi %add3A_103, %add3A_132 : i32
        %dma_start3A_134 = arith.constant 0 : i32
        %dma_start3A_135 = tpu.memref_slice %arg9[%cond3A_129, %dma_start3A_134] : memref<2x128xi32, #tpu.memory_space<vmem>> -> memref<1x128xi32, #tpu.memory_space<vmem>>
        %dma_start3A_136 = tpu.memref_squeeze %dma_start3A_135 : memref<1x128xi32, #tpu.memory_space<vmem>> -> memref<128xi32, #tpu.memory_space<vmem>>
        %dma_start3A_137 = arith.constant 0 : i32
        %dma_start3A_138 = tpu.memref_slice %arg4[%arg1, %add3A_133, %dma_start3A_137] : memref<16x80x128xi32, #tpu.memory_space<hbm>> -> memref<1x1x128xi32, #tpu.memory_space<hbm>>
        %dma_start3A_139 = tpu.memref_squeeze %dma_start3A_138 : memref<1x1x128xi32, #tpu.memory_space<hbm>> -> memref<128xi32, #tpu.memory_space<hbm>>
        %dma_start3A_140 = arith.constant 0 : i32
        %dma_start3A_141 = tpu.memref_slice %arg9[%cond3A_129, %dma_start3A_140] : memref<2x128xi32, #tpu.memory_space<vmem>> -> memref<1x128xi32, #tpu.memory_space<vmem>>
        %dma_start3A_142 = tpu.memref_squeeze %dma_start3A_141 : memref<1x128xi32, #tpu.memory_space<vmem>> -> memref<128xi32, #tpu.memory_space<vmem>>
        %dma_start3A_143 = arith.constant 0 : i32
        %dma_start3A_144 = tpu.memref_slice %arg4[%arg1, %add3A_133, %dma_start3A_143] : memref<16x80x128xi32, #tpu.memory_space<hbm>> -> memref<1x1x128xi32, #tpu.memory_space<hbm>>
        %dma_start3A_145 = tpu.memref_squeeze %dma_start3A_144 : memref<1x1x128xi32, #tpu.memory_space<hbm>> -> memref<128xi32, #tpu.memory_space<hbm>>
        tpu.enqueue_dma source(%dma_start3A_145 : memref<128xi32, #tpu.memory_space<hbm>>) target(%dma_start3A_142 : memref<128xi32, #tpu.memory_space<vmem>>) target_semaphore(%arg15 : memref<!tpu.dma_semaphore, #tpu.memory_space<semaphore_mem>>)
        %add3A_146 = arith.constant 2 : i32
        %add3A_147 = arith.addi %add3A_103, %add3A_146 : i32
        %dma_start3A_148 = arith.constant 0 : i32
        %dma_start3A_149 = tpu.memref_slice %arg8[%add3A_147, %dma_start3A_148] : memref<80x128xi32, #tpu.memory_space<vmem>> -> memref<1x128xi32, #tpu.memory_space<vmem>>
        %dma_start3A_150 = tpu.memref_squeeze %dma_start3A_149 : memref<1x128xi32, #tpu.memory_space<vmem>> -> memref<128xi32, #tpu.memory_space<vmem>>
        %dma_start3A_151 = arith.constant 0 : i32
        %dma_start3A_152 = arith.constant 0 : i32
        %dma_start3A_153 = tpu.memref_slice %arg2[%dma_start3A_151, %dma_start3A_152] : memref<20000x128xf32, #tpu.memory_space<hbm>> -> memref<20000x128xf32, #tpu.memory_space<hbm>>
        tpu.enqueue_indirect_dma source(%dma_start3A_153 : memref<20000x128xf32, #tpu.memory_space<hbm>>) target(%arg11 : memref<128x128xf32, #tpu.memory_space<vmem>>) offsets(%dma_start3A_150 : memref<128xi32, #tpu.memory_space<vmem>>) semaphore(%arg13 : memref<!tpu.dma_semaphore, #tpu.memory_space<semaphore_mem>>)
      } else {
      }
    }
    %scan3A_63 = arith.constant 40 : i32
    %barrier3A_64 = arith.constant 0 : index
    tpu.barrier barrier_id(%barrier3A_64)
    %lt3A = arith.constant 15 : i32
    %lt3A_65 = arith.cmpi slt, %arg1, %lt3A : i32
    %convert_element_type3A = arith.extui %lt3A_65 : i1 to i32
    %cond3A = arith.constant 0 : i32
    %cond3A_66 = arith.cmpi ne, %convert_element_type3A, %cond3A : i32
    scf.if %cond3A_66 {
      %mul3A_71 = arith.constant 624 : i32
      %mul3A_72 = arith.muli %arg1, %mul3A_71 : i32
      %add3A_73 = arith.constant 0 : i32
      %add3A_74 = arith.addi %mul3A_72, %add3A_73 : i32
      "tpu.region"() ({
        %run_scoped3A = tpu.sem_alloc : memref<!tpu.dma_semaphore, #tpu.memory_space<semaphore_mem>>
        %dma_start3A_232 = arith.constant 0 : i32
        %dma_start3A_233 = arith.constant 0 : i32
        %dma_start3A_234 = tpu.memref_slice %arg10[%dma_start3A_232, %dma_start3A_233] : memref<128x128xf32, #tpu.memory_space<vmem>> -> memref<128x128xf32, #tpu.memory_space<vmem>>
        %dma_start3A_235 = arith.constant 0 : i32
        %dma_start3A_236 = tpu.memref_slice %arg7[%add3A_74, %dma_start3A_235] : memref<10112x128xf32, #tpu.memory_space<vmem_shared>> -> memref<128x128xf32, #tpu.memory_space<vmem_shared>>
        %dma_start3A_237 = arith.constant 0 : i32
        %dma_start3A_238 = arith.constant 0 : i32
        %dma_start3A_239 = tpu.memref_slice %arg10[%dma_start3A_237, %dma_start3A_238] : memref<128x128xf32, #tpu.memory_space<vmem>> -> memref<128x128xf32, #tpu.memory_space<vmem>>
        %dma_start3A_240 = arith.constant 0 : i32
        %dma_start3A_241 = tpu.memref_slice %arg7[%add3A_74, %dma_start3A_240] : memref<10112x128xf32, #tpu.memory_space<vmem_shared>> -> memref<128x128xf32, #tpu.memory_space<vmem_shared>>
        tpu.enqueue_dma source(%dma_start3A_241 : memref<128x128xf32, #tpu.memory_space<vmem_shared>>) target(%dma_start3A_239 : memref<128x128xf32, #tpu.memory_space<vmem>>) target_semaphore(%run_scoped3A : memref<!tpu.dma_semaphore, #tpu.memory_space<semaphore_mem>>)
        %dma_wait3A_242 = arith.constant 0 : i32
        %dma_wait3A_243 = arith.constant 0 : i32
        %dma_wait3A_244 = tpu.memref_slice %arg10[%dma_wait3A_242, %dma_wait3A_243] : memref<128x128xf32, #tpu.memory_space<vmem>> -> memref<128x128xf32, #tpu.memory_space<vmem>>
        %dma_wait3A_245 = arith.constant 0 : i32
        %dma_wait3A_246 = tpu.memref_slice %arg7[%add3A_74, %dma_wait3A_245] : memref<10112x128xf32, #tpu.memory_space<vmem_shared>> -> memref<128x128xf32, #tpu.memory_space<vmem_shared>>
        %dma_wait3A_247 = arith.constant 0 : i32
        %dma_wait3A_248 = arith.constant 0 : i32
        %dma_wait3A_249 = tpu.memref_slice %arg10[%dma_wait3A_247, %dma_wait3A_248] : memref<128x128xf32, #tpu.memory_space<vmem>> -> memref<128x128xf32, #tpu.memory_space<vmem>>
        %dma_wait3A_250 = arith.constant 0 : i32
        %dma_wait3A_251 = tpu.memref_slice %arg7[%add3A_74, %dma_wait3A_250] : memref<10112x128xf32, #tpu.memory_space<vmem_shared>> -> memref<128x128xf32, #tpu.memory_space<vmem_shared>>
        tpu.wait_dma2 semaphore(%run_scoped3A : memref<!tpu.dma_semaphore, #tpu.memory_space<semaphore_mem>>) src(%dma_wait3A_251 : memref<128x128xf32, #tpu.memory_space<vmem_shared>>) dst(%dma_wait3A_249 : memref<128x128xf32, #tpu.memory_space<vmem>>)
        tpu.yield
      }) : () -> ()
      %mul3A_75 = arith.constant 10000 : i32
      %mul3A_76 = arith.muli %arg0, %mul3A_75 : i32
      %add3A_77 = arith.addi %mul3A_76, %mul3A_72 : i32
      %add3A_78 = arith.constant 0 : i32
      %add3A_79 = arith.addi %add3A_77, %add3A_78 : i32
      %dma_start3A_80 = arith.constant 0 : i32
      %dma_start3A_81 = arith.constant 0 : i32
      %dma_start3A_82 = tpu.memref_slice %arg10[%dma_start3A_80, %dma_start3A_81] : memref<128x128xf32, #tpu.memory_space<vmem>> -> memref<128x128xf32, #tpu.memory_space<vmem>>
      %dma_start3A_83 = arith.constant 0 : i32
      %dma_start3A_84 = tpu.memref_slice %arg6[%add3A_79, %dma_start3A_83] : memref<20000x128xf32, #tpu.memory_space<hbm>> -> memref<128x128xf32, #tpu.memory_space<hbm>>
      %dma_start3A_85 = arith.constant 0 : i32
      %dma_start3A_86 = tpu.memref_slice %arg6[%add3A_79, %dma_start3A_85] : memref<20000x128xf32, #tpu.memory_space<hbm>> -> memref<128x128xf32, #tpu.memory_space<hbm>>
      %dma_start3A_87 = arith.constant 0 : i32
      %dma_start3A_88 = arith.constant 0 : i32
      %dma_start3A_89 = tpu.memref_slice %arg10[%dma_start3A_87, %dma_start3A_88] : memref<128x128xf32, #tpu.memory_space<vmem>> -> memref<128x128xf32, #tpu.memory_space<vmem>>
      tpu.enqueue_dma source(%dma_start3A_89 : memref<128x128xf32, #tpu.memory_space<vmem>>) target(%dma_start3A_86 : memref<128x128xf32, #tpu.memory_space<hbm>>) target_semaphore(%arg12 : memref<!tpu.dma_semaphore, #tpu.memory_space<semaphore_mem>>)
      %add3A_90 = arith.constant 128 : i32
      %add3A_91 = arith.addi %mul3A_72, %add3A_90 : i32
      "tpu.region"() ({
        %run_scoped3A = tpu.sem_alloc : memref<!tpu.dma_semaphore, #tpu.memory_space<semaphore_mem>>
        %dma_start3A_232 = arith.constant 0 : i32
        %dma_start3A_233 = arith.constant 0 : i32
        %dma_start3A_234 = tpu.memref_slice %arg11[%dma_start3A_232, %dma_start3A_233] : memref<128x128xf32, #tpu.memory_space<vmem>> -> memref<128x128xf32, #tpu.memory_space<vmem>>
        %dma_start3A_235 = arith.constant 0 : i32
        %dma_start3A_236 = tpu.memref_slice %arg7[%add3A_91, %dma_start3A_235] : memref<10112x128xf32, #tpu.memory_space<vmem_shared>> -> memref<128x128xf32, #tpu.memory_space<vmem_shared>>
        %dma_start3A_237 = arith.constant 0 : i32
        %dma_start3A_238 = arith.constant 0 : i32
        %dma_start3A_239 = tpu.memref_slice %arg11[%dma_start3A_237, %dma_start3A_238] : memref<128x128xf32, #tpu.memory_space<vmem>> -> memref<128x128xf32, #tpu.memory_space<vmem>>
        %dma_start3A_240 = arith.constant 0 : i32
        %dma_start3A_241 = tpu.memref_slice %arg7[%add3A_91, %dma_start3A_240] : memref<10112x128xf32, #tpu.memory_space<vmem_shared>> -> memref<128x128xf32, #tpu.memory_space<vmem_shared>>
        tpu.enqueue_dma source(%dma_start3A_241 : memref<128x128xf32, #tpu.memory_space<vmem_shared>>) target(%dma_start3A_239 : memref<128x128xf32, #tpu.memory_space<vmem>>) target_semaphore(%run_scoped3A : memref<!tpu.dma_semaphore, #tpu.memory_space<semaphore_mem>>)
        %dma_wait3A_242 = arith.constant 0 : i32
        %dma_wait3A_243 = arith.constant 0 : i32
        %dma_wait3A_244 = tpu.memref_slice %arg11[%dma_wait3A_242, %dma_wait3A_243] : memref<128x128xf32, #tpu.memory_space<vmem>> -> memref<128x128xf32, #tpu.memory_space<vmem>>
        %dma_wait3A_245 = arith.constant 0 : i32
        %dma_wait3A_246 = tpu.memref_slice %arg7[%add3A_91, %dma_wait3A_245] : memref<10112x128xf32, #tpu.memory_space<vmem_shared>> -> memref<128x128xf32, #tpu.memory_space<vmem_shared>>
        %dma_wait3A_247 = arith.constant 0 : i32
        %dma_wait3A_248 = arith.constant 0 : i32
        %dma_wait3A_249 = tpu.memref_slice %arg11[%dma_wait3A_247, %dma_wait3A_248] : memref<128x128xf32, #tpu.memory_space<vmem>> -> memref<128x128xf32, #tpu.memory_space<vmem>>
        %dma_wait3A_250 = arith.constant 0 : i32
        %dma_wait3A_251 = tpu.memref_slice %arg7[%add3A_91, %dma_wait3A_250] : memref<10112x128xf32, #tpu.memory_space<vmem_shared>> -> memref<128x128xf32, #tpu.memory_space<vmem_shared>>
        tpu.wait_dma2 semaphore(%run_scoped3A : memref<!tpu.dma_semaphore, #tpu.memory_space<semaphore_mem>>) src(%dma_wait3A_251 : memref<128x128xf32, #tpu.memory_space<vmem_shared>>) dst(%dma_wait3A_249 : memref<128x128xf32, #tpu.memory_space<vmem>>)
        tpu.yield
      }) : () -> ()
      %mul3A_92 = arith.constant 10000 : i32
      %mul3A_93 = arith.muli %arg0, %mul3A_92 : i32
      %add3A_94 = arith.addi %mul3A_93, %mul3A_72 : i32
      %add3A_95 = arith.constant 128 : i32
      %add3A_96 = arith.addi %add3A_94, %add3A_95 : i32
      %dma_start3A_97 = arith.constant 0 : i32
      %dma_start3A_98 = arith.constant 0 : i32
      %dma_start3A_99 = tpu.memref_slice %arg11[%dma_start3A_97, %dma_start3A_98] : memref<128x128xf32, #tpu.memory_space<vmem>> -> memref<128x128xf32, #tpu.memory_space<vmem>>
      %dma_start3A_100 = arith.constant 0 : i32
      %dma_start3A_101 = tpu.memref_slice %arg6[%add3A_96, %dma_start3A_100] : memref<20000x128xf32, #tpu.memory_space<hbm>> -> memref<128x128xf32, #tpu.memory_space<hbm>>
      %dma_start3A_102 = arith.constant 0 : i32
      %dma_start3A_103 = tpu.memref_slice %arg6[%add3A_96, %dma_start3A_102] : memref<20000x128xf32, #tpu.memory_space<hbm>> -> memref<128x128xf32, #tpu.memory_space<hbm>>
      %dma_start3A_104 = arith.constant 0 : i32
      %dma_start3A_105 = arith.constant 0 : i32
      %dma_start3A_106 = tpu.memref_slice %arg11[%dma_start3A_104, %dma_start3A_105] : memref<128x128xf32, #tpu.memory_space<vmem>> -> memref<128x128xf32, #tpu.memory_space<vmem>>
      tpu.enqueue_dma source(%dma_start3A_106 : memref<128x128xf32, #tpu.memory_space<vmem>>) target(%dma_start3A_103 : memref<128x128xf32, #tpu.memory_space<hbm>>) target_semaphore(%arg13 : memref<!tpu.dma_semaphore, #tpu.memory_space<semaphore_mem>>)
      %mul3A_107 = arith.constant 10000 : i32
      %mul3A_108 = arith.muli %arg0, %mul3A_107 : i32
      %add3A_109 = arith.addi %mul3A_108, %mul3A_72 : i32
      %add3A_110 = arith.constant 0 : i32
      %add3A_111 = arith.addi %add3A_109, %add3A_110 : i32
      %dma_wait3A = arith.constant 0 : i32
      %dma_wait3A_112 = arith.constant 0 : i32
      %dma_wait3A_113 = tpu.memref_slice %arg10[%dma_wait3A, %dma_wait3A_112] : memref<128x128xf32, #tpu.memory_space<vmem>> -> memref<128x128xf32, #tpu.memory_space<vmem>>
      %dma_wait3A_114 = arith.constant 0 : i32
      %dma_wait3A_115 = tpu.memref_slice %arg6[%add3A_111, %dma_wait3A_114] : memref<20000x128xf32, #tpu.memory_space<hbm>> -> memref<128x128xf32, #tpu.memory_space<hbm>>
      %dma_wait3A_116 = arith.constant 0 : i32
      %dma_wait3A_117 = tpu.memref_slice %arg6[%add3A_111, %dma_wait3A_116] : memref<20000x128xf32, #tpu.memory_space<hbm>> -> memref<128x128xf32, #tpu.memory_space<hbm>>
      %dma_wait3A_118 = arith.constant 0 : i32
      %dma_wait3A_119 = arith.constant 0 : i32
      %dma_wait3A_120 = tpu.memref_slice %arg10[%dma_wait3A_118, %dma_wait3A_119] : memref<128x128xf32, #tpu.memory_space<vmem>> -> memref<128x128xf32, #tpu.memory_space<vmem>>
      tpu.wait_dma2 semaphore(%arg12 : memref<!tpu.dma_semaphore, #tpu.memory_space<semaphore_mem>>) src(%dma_wait3A_120 : memref<128x128xf32, #tpu.memory_space<vmem>>) dst(%dma_wait3A_117 : memref<128x128xf32, #tpu.memory_space<hbm>>)
      %add3A_121 = arith.constant 256 : i32
      %add3A_122 = arith.addi %mul3A_72, %add3A_121 : i32
      "tpu.region"() ({
        %run_scoped3A = tpu.sem_alloc : memref<!tpu.dma_semaphore, #tpu.memory_space<semaphore_mem>>
        %dma_start3A_232 = arith.constant 0 : i32
        %dma_start3A_233 = arith.constant 0 : i32
        %dma_start3A_234 = tpu.memref_slice %arg10[%dma_start3A_232, %dma_start3A_233] : memref<128x128xf32, #tpu.memory_space<vmem>> -> memref<128x128xf32, #tpu.memory_space<vmem>>
        %dma_start3A_235 = arith.constant 0 : i32
        %dma_start3A_236 = tpu.memref_slice %arg7[%add3A_122, %dma_start3A_235] : memref<10112x128xf32, #tpu.memory_space<vmem_shared>> -> memref<128x128xf32, #tpu.memory_space<vmem_shared>>
        %dma_start3A_237 = arith.constant 0 : i32
        %dma_start3A_238 = arith.constant 0 : i32
        %dma_start3A_239 = tpu.memref_slice %arg10[%dma_start3A_237, %dma_start3A_238] : memref<128x128xf32, #tpu.memory_space<vmem>> -> memref<128x128xf32, #tpu.memory_space<vmem>>
        %dma_start3A_240 = arith.constant 0 : i32
        %dma_start3A_241 = tpu.memref_slice %arg7[%add3A_122, %dma_start3A_240] : memref<10112x128xf32, #tpu.memory_space<vmem_shared>> -> memref<128x128xf32, #tpu.memory_space<vmem_shared>>
        tpu.enqueue_dma source(%dma_start3A_241 : memref<128x128xf32, #tpu.memory_space<vmem_shared>>) target(%dma_start3A_239 : memref<128x128xf32, #tpu.memory_space<vmem>>) target_semaphore(%run_scoped3A : memref<!tpu.dma_semaphore, #tpu.memory_space<semaphore_mem>>)
        %dma_wait3A_242 = arith.constant 0 : i32
        %dma_wait3A_243 = arith.constant 0 : i32
        %dma_wait3A_244 = tpu.memref_slice %arg10[%dma_wait3A_242, %dma_wait3A_243] : memref<128x128xf32, #tpu.memory_space<vmem>> -> memref<128x128xf32, #tpu.memory_space<vmem>>
        %dma_wait3A_245 = arith.constant 0 : i32
        %dma_wait3A_246 = tpu.memref_slice %arg7[%add3A_122, %dma_wait3A_245] : memref<10112x128xf32, #tpu.memory_space<vmem_shared>> -> memref<128x128xf32, #tpu.memory_space<vmem_shared>>
        %dma_wait3A_247 = arith.constant 0 : i32
        %dma_wait3A_248 = arith.constant 0 : i32
        %dma_wait3A_249 = tpu.memref_slice %arg10[%dma_wait3A_247, %dma_wait3A_248] : memref<128x128xf32, #tpu.memory_space<vmem>> -> memref<128x128xf32, #tpu.memory_space<vmem>>
        %dma_wait3A_250 = arith.constant 0 : i32
        %dma_wait3A_251 = tpu.memref_slice %arg7[%add3A_122, %dma_wait3A_250] : memref<10112x128xf32, #tpu.memory_space<vmem_shared>> -> memref<128x128xf32, #tpu.memory_space<vmem_shared>>
        tpu.wait_dma2 semaphore(%run_scoped3A : memref<!tpu.dma_semaphore, #tpu.memory_space<semaphore_mem>>) src(%dma_wait3A_251 : memref<128x128xf32, #tpu.memory_space<vmem_shared>>) dst(%dma_wait3A_249 : memref<128x128xf32, #tpu.memory_space<vmem>>)
        tpu.yield
      }) : () -> ()
      %mul3A_123 = arith.constant 10000 : i32
      %mul3A_124 = arith.muli %arg0, %mul3A_123 : i32
      %add3A_125 = arith.addi %mul3A_124, %mul3A_72 : i32
      %add3A_126 = arith.constant 256 : i32
      %add3A_127 = arith.addi %add3A_125, %add3A_126 : i32
      %dma_start3A_128 = arith.constant 0 : i32
      %dma_start3A_129 = arith.constant 0 : i32
      %dma_start3A_130 = tpu.memref_slice %arg10[%dma_start3A_128, %dma_start3A_129] : memref<128x128xf32, #tpu.memory_space<vmem>> -> memref<128x128xf32, #tpu.memory_space<vmem>>
      %dma_start3A_131 = arith.constant 0 : i32
      %dma_start3A_132 = tpu.memref_slice %arg6[%add3A_127, %dma_start3A_131] : memref<20000x128xf32, #tpu.memory_space<hbm>> -> memref<128x128xf32, #tpu.memory_space<hbm>>
      %dma_start3A_133 = arith.constant 0 : i32
      %dma_start3A_134 = tpu.memref_slice %arg6[%add3A_127, %dma_start3A_133] : memref<20000x128xf32, #tpu.memory_space<hbm>> -> memref<128x128xf32, #tpu.memory_space<hbm>>
      %dma_start3A_135 = arith.constant 0 : i32
      %dma_start3A_136 = arith.constant 0 : i32
      %dma_start3A_137 = tpu.memref_slice %arg10[%dma_start3A_135, %dma_start3A_136] : memref<128x128xf32, #tpu.memory_space<vmem>> -> memref<128x128xf32, #tpu.memory_space<vmem>>
      tpu.enqueue_dma source(%dma_start3A_137 : memref<128x128xf32, #tpu.memory_space<vmem>>) target(%dma_start3A_134 : memref<128x128xf32, #tpu.memory_space<hbm>>) target_semaphore(%arg12 : memref<!tpu.dma_semaphore, #tpu.memory_space<semaphore_mem>>)
      %mul3A_138 = arith.constant 10000 : i32
      %mul3A_139 = arith.muli %arg0, %mul3A_138 : i32
      %add3A_140 = arith.addi %mul3A_139, %mul3A_72 : i32
      %add3A_141 = arith.constant 128 : i32
      %add3A_142 = arith.addi %add3A_140, %add3A_141 : i32
      %dma_wait3A_143 = arith.constant 0 : i32
      %dma_wait3A_144 = arith.constant 0 : i32
      %dma_wait3A_145 = tpu.memref_slice %arg11[%dma_wait3A_143, %dma_wait3A_144] : memref<128x128xf32, #tpu.memory_space<vmem>> -> memref<128x128xf32, #tpu.memory_space<vmem>>
      %dma_wait3A_146 = arith.constant 0 : i32
      %dma_wait3A_147 = tpu.memref_slice %arg6[%add3A_142, %dma_wait3A_146] : memref<20000x128xf32, #tpu.memory_space<hbm>> -> memref<128x128xf32, #tpu.memory_space<hbm>>
      %dma_wait3A_148 = arith.constant 0 : i32
      %dma_wait3A_149 = tpu.memref_slice %arg6[%add3A_142, %dma_wait3A_148] : memref<20000x128xf32, #tpu.memory_space<hbm>> -> memref<128x128xf32, #tpu.memory_space<hbm>>
      %dma_wait3A_150 = arith.constant 0 : i32
      %dma_wait3A_151 = arith.constant 0 : i32
      %dma_wait3A_152 = tpu.memref_slice %arg11[%dma_wait3A_150, %dma_wait3A_151] : memref<128x128xf32, #tpu.memory_space<vmem>> -> memref<128x128xf32, #tpu.memory_space<vmem>>
      tpu.wait_dma2 semaphore(%arg13 : memref<!tpu.dma_semaphore, #tpu.memory_space<semaphore_mem>>) src(%dma_wait3A_152 : memref<128x128xf32, #tpu.memory_space<vmem>>) dst(%dma_wait3A_149 : memref<128x128xf32, #tpu.memory_space<hbm>>)
      %add3A_153 = arith.constant 384 : i32
      %add3A_154 = arith.addi %mul3A_72, %add3A_153 : i32
      "tpu.region"() ({
        %run_scoped3A = tpu.sem_alloc : memref<!tpu.dma_semaphore, #tpu.memory_space<semaphore_mem>>
        %dma_start3A_232 = arith.constant 0 : i32
        %dma_start3A_233 = arith.constant 0 : i32
        %dma_start3A_234 = tpu.memref_slice %arg11[%dma_start3A_232, %dma_start3A_233] : memref<128x128xf32, #tpu.memory_space<vmem>> -> memref<128x128xf32, #tpu.memory_space<vmem>>
        %dma_start3A_235 = arith.constant 0 : i32
        %dma_start3A_236 = tpu.memref_slice %arg7[%add3A_154, %dma_start3A_235] : memref<10112x128xf32, #tpu.memory_space<vmem_shared>> -> memref<128x128xf32, #tpu.memory_space<vmem_shared>>
        %dma_start3A_237 = arith.constant 0 : i32
        %dma_start3A_238 = arith.constant 0 : i32
        %dma_start3A_239 = tpu.memref_slice %arg11[%dma_start3A_237, %dma_start3A_238] : memref<128x128xf32, #tpu.memory_space<vmem>> -> memref<128x128xf32, #tpu.memory_space<vmem>>
        %dma_start3A_240 = arith.constant 0 : i32
        %dma_start3A_241 = tpu.memref_slice %arg7[%add3A_154, %dma_start3A_240] : memref<10112x128xf32, #tpu.memory_space<vmem_shared>> -> memref<128x128xf32, #tpu.memory_space<vmem_shared>>
        tpu.enqueue_dma source(%dma_start3A_241 : memref<128x128xf32, #tpu.memory_space<vmem_shared>>) target(%dma_start3A_239 : memref<128x128xf32, #tpu.memory_space<vmem>>) target_semaphore(%run_scoped3A : memref<!tpu.dma_semaphore, #tpu.memory_space<semaphore_mem>>)
        %dma_wait3A_242 = arith.constant 0 : i32
        %dma_wait3A_243 = arith.constant 0 : i32
        %dma_wait3A_244 = tpu.memref_slice %arg11[%dma_wait3A_242, %dma_wait3A_243] : memref<128x128xf32, #tpu.memory_space<vmem>> -> memref<128x128xf32, #tpu.memory_space<vmem>>
        %dma_wait3A_245 = arith.constant 0 : i32
        %dma_wait3A_246 = tpu.memref_slice %arg7[%add3A_154, %dma_wait3A_245] : memref<10112x128xf32, #tpu.memory_space<vmem_shared>> -> memref<128x128xf32, #tpu.memory_space<vmem_shared>>
        %dma_wait3A_247 = arith.constant 0 : i32
        %dma_wait3A_248 = arith.constant 0 : i32
        %dma_wait3A_249 = tpu.memref_slice %arg11[%dma_wait3A_247, %dma_wait3A_248] : memref<128x128xf32, #tpu.memory_space<vmem>> -> memref<128x128xf32, #tpu.memory_space<vmem>>
        %dma_wait3A_250 = arith.constant 0 : i32
        %dma_wait3A_251 = tpu.memref_slice %arg7[%add3A_154, %dma_wait3A_250] : memref<10112x128xf32, #tpu.memory_space<vmem_shared>> -> memref<128x128xf32, #tpu.memory_space<vmem_shared>>
        tpu.wait_dma2 semaphore(%run_scoped3A : memref<!tpu.dma_semaphore, #tpu.memory_space<semaphore_mem>>) src(%dma_wait3A_251 : memref<128x128xf32, #tpu.memory_space<vmem_shared>>) dst(%dma_wait3A_249 : memref<128x128xf32, #tpu.memory_space<vmem>>)
        tpu.yield
      }) : () -> ()
      %mul3A_155 = arith.constant 10000 : i32
      %mul3A_156 = arith.muli %arg0, %mul3A_155 : i32
      %add3A_157 = arith.addi %mul3A_156, %mul3A_72 : i32
      %add3A_158 = arith.constant 384 : i32
      %add3A_159 = arith.addi %add3A_157, %add3A_158 : i32
      %dma_start3A_160 = arith.constant 0 : i32
      %dma_start3A_161 = arith.constant 0 : i32
      %dma_start3A_162 = tpu.memref_slice %arg11[%dma_start3A_160, %dma_start3A_161] : memref<128x128xf32, #tpu.memory_space<vmem>> -> memref<128x128xf32, #tpu.memory_space<vmem>>
      %dma_start3A_163 = arith.constant 0 : i32
      %dma_start3A_164 = tpu.memref_slice %arg6[%add3A_159, %dma_start3A_163] : memref<20000x128xf32, #tpu.memory_space<hbm>> -> memref<128x128xf32, #tpu.memory_space<hbm>>
      %dma_start3A_165 = arith.constant 0 : i32
      %dma_start3A_166 = tpu.memref_slice %arg6[%add3A_159, %dma_start3A_165] : memref<20000x128xf32, #tpu.memory_space<hbm>> -> memref<128x128xf32, #tpu.memory_space<hbm>>
      %dma_start3A_167 = arith.constant 0 : i32
      %dma_start3A_168 = arith.constant 0 : i32
      %dma_start3A_169 = tpu.memref_slice %arg11[%dma_start3A_167, %dma_start3A_168] : memref<128x128xf32, #tpu.memory_space<vmem>> -> memref<128x128xf32, #tpu.memory_space<vmem>>
      tpu.enqueue_dma source(%dma_start3A_169 : memref<128x128xf32, #tpu.memory_space<vmem>>) target(%dma_start3A_166 : memref<128x128xf32, #tpu.memory_space<hbm>>) target_semaphore(%arg13 : memref<!tpu.dma_semaphore, #tpu.memory_space<semaphore_mem>>)
      %mul3A_170 = arith.constant 10000 : i32
      %mul3A_171 = arith.muli %arg0, %mul3A_170 : i32
      %add3A_172 = arith.addi %mul3A_171, %mul3A_72 : i32
      %add3A_173 = arith.constant 256 : i32
      %add3A_174 = arith.addi %add3A_172, %add3A_173 : i32
      %dma_wait3A_175 = arith.constant 0 : i32
      %dma_wait3A_176 = arith.constant 0 : i32
      %dma_wait3A_177 = tpu.memref_slice %arg10[%dma_wait3A_175, %dma_wait3A_176] : memref<128x128xf32, #tpu.memory_space<vmem>> -> memref<128x128xf32, #tpu.memory_space<vmem>>
      %dma_wait3A_178 = arith.constant 0 : i32
      %dma_wait3A_179 = tpu.memref_slice %arg6[%add3A_174, %dma_wait3A_178] : memref<20000x128xf32, #tpu.memory_space<hbm>> -> memref<128x128xf32, #tpu.memory_space<hbm>>
      %dma_wait3A_180 = arith.constant 0 : i32
      %dma_wait3A_181 = tpu.memref_slice %arg6[%add3A_174, %dma_wait3A_180] : memref<20000x128xf32, #tpu.memory_space<hbm>> -> memref<128x128xf32, #tpu.memory_space<hbm>>
      %dma_wait3A_182 = arith.constant 0 : i32
      %dma_wait3A_183 = arith.constant 0 : i32
      %dma_wait3A_184 = tpu.memref_slice %arg10[%dma_wait3A_182, %dma_wait3A_183] : memref<128x128xf32, #tpu.memory_space<vmem>> -> memref<128x128xf32, #tpu.memory_space<vmem>>
      tpu.wait_dma2 semaphore(%arg12 : memref<!tpu.dma_semaphore, #tpu.memory_space<semaphore_mem>>) src(%dma_wait3A_184 : memref<128x128xf32, #tpu.memory_space<vmem>>) dst(%dma_wait3A_181 : memref<128x128xf32, #tpu.memory_space<hbm>>)
      %add3A_185 = arith.constant 512 : i32
      %add3A_186 = arith.addi %mul3A_72, %add3A_185 : i32
      "tpu.region"() ({
        %run_scoped3A = tpu.sem_alloc : memref<!tpu.dma_semaphore, #tpu.memory_space<semaphore_mem>>
        %dma_start3A_232 = arith.constant 0 : i32
        %dma_start3A_233 = arith.constant 0 : i32
        %dma_start3A_234 = tpu.memref_slice %arg10[%dma_start3A_232, %dma_start3A_233] : memref<128x128xf32, #tpu.memory_space<vmem>> -> memref<112x128xf32, #tpu.memory_space<vmem>>
        %dma_start3A_235 = arith.constant 0 : i32
        %dma_start3A_236 = tpu.memref_slice %arg7[%add3A_186, %dma_start3A_235] : memref<10112x128xf32, #tpu.memory_space<vmem_shared>> -> memref<112x128xf32, #tpu.memory_space<vmem_shared>>
        %dma_start3A_237 = arith.constant 0 : i32
        %dma_start3A_238 = arith.constant 0 : i32
        %dma_start3A_239 = tpu.memref_slice %arg10[%dma_start3A_237, %dma_start3A_238] : memref<128x128xf32, #tpu.memory_space<vmem>> -> memref<112x128xf32, #tpu.memory_space<vmem>>
        %dma_start3A_240 = arith.constant 0 : i32
        %dma_start3A_241 = tpu.memref_slice %arg7[%add3A_186, %dma_start3A_240] : memref<10112x128xf32, #tpu.memory_space<vmem_shared>> -> memref<112x128xf32, #tpu.memory_space<vmem_shared>>
        tpu.enqueue_dma source(%dma_start3A_241 : memref<112x128xf32, #tpu.memory_space<vmem_shared>>) target(%dma_start3A_239 : memref<112x128xf32, #tpu.memory_space<vmem>>) target_semaphore(%run_scoped3A : memref<!tpu.dma_semaphore, #tpu.memory_space<semaphore_mem>>)
        %dma_wait3A_242 = arith.constant 0 : i32
        %dma_wait3A_243 = arith.constant 0 : i32
        %dma_wait3A_244 = tpu.memref_slice %arg10[%dma_wait3A_242, %dma_wait3A_243] : memref<128x128xf32, #tpu.memory_space<vmem>> -> memref<112x128xf32, #tpu.memory_space<vmem>>
        %dma_wait3A_245 = arith.constant 0 : i32
        %dma_wait3A_246 = tpu.memref_slice %arg7[%add3A_186, %dma_wait3A_245] : memref<10112x128xf32, #tpu.memory_space<vmem_shared>> -> memref<112x128xf32, #tpu.memory_space<vmem_shared>>
        %dma_wait3A_247 = arith.constant 0 : i32
        %dma_wait3A_248 = arith.constant 0 : i32
        %dma_wait3A_249 = tpu.memref_slice %arg10[%dma_wait3A_247, %dma_wait3A_248] : memref<128x128xf32, #tpu.memory_space<vmem>> -> memref<112x128xf32, #tpu.memory_space<vmem>>
        %dma_wait3A_250 = arith.constant 0 : i32
        %dma_wait3A_251 = tpu.memref_slice %arg7[%add3A_186, %dma_wait3A_250] : memref<10112x128xf32, #tpu.memory_space<vmem_shared>> -> memref<112x128xf32, #tpu.memory_space<vmem_shared>>
        tpu.wait_dma2 semaphore(%run_scoped3A : memref<!tpu.dma_semaphore, #tpu.memory_space<semaphore_mem>>) src(%dma_wait3A_251 : memref<112x128xf32, #tpu.memory_space<vmem_shared>>) dst(%dma_wait3A_249 : memref<112x128xf32, #tpu.memory_space<vmem>>)
        tpu.yield
      }) : () -> ()
      %mul3A_187 = arith.constant 10000 : i32
      %mul3A_188 = arith.muli %arg0, %mul3A_187 : i32
      %add3A_189 = arith.addi %mul3A_188, %mul3A_72 : i32
      %add3A_190 = arith.constant 512 : i32
      %add3A_191 = arith.addi %add3A_189, %add3A_190 : i32
      %dma_start3A_192 = arith.constant 0 : i32
      %dma_start3A_193 = arith.constant 0 : i32
      %dma_start3A_194 = tpu.memref_slice %arg10[%dma_start3A_192, %dma_start3A_193] : memref<128x128xf32, #tpu.memory_space<vmem>> -> memref<112x128xf32, #tpu.memory_space<vmem>>
      %dma_start3A_195 = arith.constant 0 : i32
      %dma_start3A_196 = tpu.memref_slice %arg6[%add3A_191, %dma_start3A_195] : memref<20000x128xf32, #tpu.memory_space<hbm>> -> memref<112x128xf32, #tpu.memory_space<hbm>>
      %dma_start3A_197 = arith.constant 0 : i32
      %dma_start3A_198 = tpu.memref_slice %arg6[%add3A_191, %dma_start3A_197] : memref<20000x128xf32, #tpu.memory_space<hbm>> -> memref<112x128xf32, #tpu.memory_space<hbm>>
      %dma_start3A_199 = arith.constant 0 : i32
      %dma_start3A_200 = arith.constant 0 : i32
      %dma_start3A_201 = tpu.memref_slice %arg10[%dma_start3A_199, %dma_start3A_200] : memref<128x128xf32, #tpu.memory_space<vmem>> -> memref<112x128xf32, #tpu.memory_space<vmem>>
      tpu.enqueue_dma source(%dma_start3A_201 : memref<112x128xf32, #tpu.memory_space<vmem>>) target(%dma_start3A_198 : memref<112x128xf32, #tpu.memory_space<hbm>>) target_semaphore(%arg12 : memref<!tpu.dma_semaphore, #tpu.memory_space<semaphore_mem>>)
      %mul3A_202 = arith.constant 10000 : i32
      %mul3A_203 = arith.muli %arg0, %mul3A_202 : i32
      %add3A_204 = arith.addi %mul3A_203, %mul3A_72 : i32
      %add3A_205 = arith.constant 512 : i32
      %add3A_206 = arith.addi %add3A_204, %add3A_205 : i32
      %dma_wait3A_207 = arith.constant 0 : i32
      %dma_wait3A_208 = arith.constant 0 : i32
      %dma_wait3A_209 = tpu.memref_slice %arg10[%dma_wait3A_207, %dma_wait3A_208] : memref<128x128xf32, #tpu.memory_space<vmem>> -> memref<112x128xf32, #tpu.memory_space<vmem>>
      %dma_wait3A_210 = arith.constant 0 : i32
      %dma_wait3A_211 = tpu.memref_slice %arg6[%add3A_206, %dma_wait3A_210] : memref<20000x128xf32, #tpu.memory_space<hbm>> -> memref<112x128xf32, #tpu.memory_space<hbm>>
      %dma_wait3A_212 = arith.constant 0 : i32
      %dma_wait3A_213 = tpu.memref_slice %arg6[%add3A_206, %dma_wait3A_212] : memref<20000x128xf32, #tpu.memory_space<hbm>> -> memref<112x128xf32, #tpu.memory_space<hbm>>
      %dma_wait3A_214 = arith.constant 0 : i32
      %dma_wait3A_215 = arith.constant 0 : i32
      %dma_wait3A_216 = tpu.memref_slice %arg10[%dma_wait3A_214, %dma_wait3A_215] : memref<128x128xf32, #tpu.memory_space<vmem>> -> memref<112x128xf32, #tpu.memory_space<vmem>>
      tpu.wait_dma2 semaphore(%arg12 : memref<!tpu.dma_semaphore, #tpu.memory_space<semaphore_mem>>) src(%dma_wait3A_216 : memref<112x128xf32, #tpu.memory_space<vmem>>) dst(%dma_wait3A_213 : memref<112x128xf32, #tpu.memory_space<hbm>>)
      %mul3A_217 = arith.constant 10000 : i32
      %mul3A_218 = arith.muli %arg0, %mul3A_217 : i32
      %add3A_219 = arith.addi %mul3A_218, %mul3A_72 : i32
      %add3A_220 = arith.constant 384 : i32
      %add3A_221 = arith.addi %add3A_219, %add3A_220 : i32
      %dma_wait3A_222 = arith.constant 0 : i32
      %dma_wait3A_223 = arith.constant 0 : i32
      %dma_wait3A_224 = tpu.memref_slice %arg11[%dma_wait3A_222, %dma_wait3A_223] : memref<128x128xf32, #tpu.memory_space<vmem>> -> memref<128x128xf32, #tpu.memory_space<vmem>>
      %dma_wait3A_225 = arith.constant 0 : i32
      %dma_wait3A_226 = tpu.memref_slice %arg6[%add3A_221, %dma_wait3A_225] : memref<20000x128xf32, #tpu.memory_space<hbm>> -> memref<128x128xf32, #tpu.memory_space<hbm>>
      %dma_wait3A_227 = arith.constant 0 : i32
      %dma_wait3A_228 = tpu.memref_slice %arg6[%add3A_221, %dma_wait3A_227] : memref<20000x128xf32, #tpu.memory_space<hbm>> -> memref<128x128xf32, #tpu.memory_space<hbm>>
      %dma_wait3A_229 = arith.constant 0 : i32
      %dma_wait3A_230 = arith.constant 0 : i32
      %dma_wait3A_231 = tpu.memref_slice %arg11[%dma_wait3A_229, %dma_wait3A_230] : memref<128x128xf32, #tpu.memory_space<vmem>> -> memref<128x128xf32, #tpu.memory_space<vmem>>
      tpu.wait_dma2 semaphore(%arg13 : memref<!tpu.dma_semaphore, #tpu.memory_space<semaphore_mem>>) src(%dma_wait3A_231 : memref<128x128xf32, #tpu.memory_space<vmem>>) dst(%dma_wait3A_228 : memref<128x128xf32, #tpu.memory_space<hbm>>)
    } else {
    }
    %eq3A = arith.constant 15 : i32
    %eq3A_67 = arith.cmpi eq, %arg1, %eq3A : i32
    %convert_element_type3A_68 = arith.extui %eq3A_67 : i1 to i32
    %cond3A_69 = arith.constant 0 : i32
    %cond3A_70 = arith.cmpi ne, %convert_element_type3A_68, %cond3A_69 : i32
    scf.if %cond3A_70 {
      "tpu.region"() ({
        %run_scoped3A = tpu.sem_alloc : memref<!tpu.dma_semaphore, #tpu.memory_space<semaphore_mem>>
        %dma_start3A_230 = arith.constant 0 : i32
        %dma_start3A_231 = arith.constant 0 : i32
        %dma_start3A_232 = tpu.memref_slice %arg10[%dma_start3A_230, %dma_start3A_231] : memref<128x128xf32, #tpu.memory_space<vmem>> -> memref<128x128xf32, #tpu.memory_space<vmem>>
        %dma_start3A_233 = arith.constant 9360 : i32
        %dma_start3A_234 = arith.constant 0 : i32
        %dma_start3A_235 = tpu.memref_slice %arg7[%dma_start3A_233, %dma_start3A_234] : memref<10112x128xf32, #tpu.memory_space<vmem_shared>> -> memref<128x128xf32, #tpu.memory_space<vmem_shared>>
        %dma_start3A_236 = arith.constant 0 : i32
        %dma_start3A_237 = arith.constant 0 : i32
        %dma_start3A_238 = tpu.memref_slice %arg10[%dma_start3A_236, %dma_start3A_237] : memref<128x128xf32, #tpu.memory_space<vmem>> -> memref<128x128xf32, #tpu.memory_space<vmem>>
        %dma_start3A_239 = arith.constant 9360 : i32
        %dma_start3A_240 = arith.constant 0 : i32
        %dma_start3A_241 = tpu.memref_slice %arg7[%dma_start3A_239, %dma_start3A_240] : memref<10112x128xf32, #tpu.memory_space<vmem_shared>> -> memref<128x128xf32, #tpu.memory_space<vmem_shared>>
        tpu.enqueue_dma source(%dma_start3A_241 : memref<128x128xf32, #tpu.memory_space<vmem_shared>>) target(%dma_start3A_238 : memref<128x128xf32, #tpu.memory_space<vmem>>) target_semaphore(%run_scoped3A : memref<!tpu.dma_semaphore, #tpu.memory_space<semaphore_mem>>)
        %dma_wait3A_242 = arith.constant 0 : i32
        %dma_wait3A_243 = arith.constant 0 : i32
        %dma_wait3A_244 = tpu.memref_slice %arg10[%dma_wait3A_242, %dma_wait3A_243] : memref<128x128xf32, #tpu.memory_space<vmem>> -> memref<128x128xf32, #tpu.memory_space<vmem>>
        %dma_wait3A_245 = arith.constant 9360 : i32
        %dma_wait3A_246 = arith.constant 0 : i32
        %dma_wait3A_247 = tpu.memref_slice %arg7[%dma_wait3A_245, %dma_wait3A_246] : memref<10112x128xf32, #tpu.memory_space<vmem_shared>> -> memref<128x128xf32, #tpu.memory_space<vmem_shared>>
        %dma_wait3A_248 = arith.constant 0 : i32
        %dma_wait3A_249 = arith.constant 0 : i32
        %dma_wait3A_250 = tpu.memref_slice %arg10[%dma_wait3A_248, %dma_wait3A_249] : memref<128x128xf32, #tpu.memory_space<vmem>> -> memref<128x128xf32, #tpu.memory_space<vmem>>
        %dma_wait3A_251 = arith.constant 9360 : i32
        %dma_wait3A_252 = arith.constant 0 : i32
        %dma_wait3A_253 = tpu.memref_slice %arg7[%dma_wait3A_251, %dma_wait3A_252] : memref<10112x128xf32, #tpu.memory_space<vmem_shared>> -> memref<128x128xf32, #tpu.memory_space<vmem_shared>>
        tpu.wait_dma2 semaphore(%run_scoped3A : memref<!tpu.dma_semaphore, #tpu.memory_space<semaphore_mem>>) src(%dma_wait3A_253 : memref<128x128xf32, #tpu.memory_space<vmem_shared>>) dst(%dma_wait3A_250 : memref<128x128xf32, #tpu.memory_space<vmem>>)
        tpu.yield
      }) : () -> ()
      %mul3A_71 = arith.constant 10000 : i32
      %mul3A_72 = arith.muli %arg0, %mul3A_71 : i32
      %add3A_73 = arith.constant 9360 : i32
      %add3A_74 = arith.addi %mul3A_72, %add3A_73 : i32
      %add3A_75 = arith.constant 0 : i32
      %add3A_76 = arith.addi %add3A_74, %add3A_75 : i32
      %dma_start3A_77 = arith.constant 0 : i32
      %dma_start3A_78 = arith.constant 0 : i32
      %dma_start3A_79 = tpu.memref_slice %arg10[%dma_start3A_77, %dma_start3A_78] : memref<128x128xf32, #tpu.memory_space<vmem>> -> memref<128x128xf32, #tpu.memory_space<vmem>>
      %dma_start3A_80 = arith.constant 0 : i32
      %dma_start3A_81 = tpu.memref_slice %arg6[%add3A_76, %dma_start3A_80] : memref<20000x128xf32, #tpu.memory_space<hbm>> -> memref<128x128xf32, #tpu.memory_space<hbm>>
      %dma_start3A_82 = arith.constant 0 : i32
      %dma_start3A_83 = tpu.memref_slice %arg6[%add3A_76, %dma_start3A_82] : memref<20000x128xf32, #tpu.memory_space<hbm>> -> memref<128x128xf32, #tpu.memory_space<hbm>>
      %dma_start3A_84 = arith.constant 0 : i32
      %dma_start3A_85 = arith.constant 0 : i32
      %dma_start3A_86 = tpu.memref_slice %arg10[%dma_start3A_84, %dma_start3A_85] : memref<128x128xf32, #tpu.memory_space<vmem>> -> memref<128x128xf32, #tpu.memory_space<vmem>>
      tpu.enqueue_dma source(%dma_start3A_86 : memref<128x128xf32, #tpu.memory_space<vmem>>) target(%dma_start3A_83 : memref<128x128xf32, #tpu.memory_space<hbm>>) target_semaphore(%arg12 : memref<!tpu.dma_semaphore, #tpu.memory_space<semaphore_mem>>)
      "tpu.region"() ({
        %run_scoped3A = tpu.sem_alloc : memref<!tpu.dma_semaphore, #tpu.memory_space<semaphore_mem>>
        %dma_start3A_230 = arith.constant 0 : i32
        %dma_start3A_231 = arith.constant 0 : i32
        %dma_start3A_232 = tpu.memref_slice %arg11[%dma_start3A_230, %dma_start3A_231] : memref<128x128xf32, #tpu.memory_space<vmem>> -> memref<128x128xf32, #tpu.memory_space<vmem>>
        %dma_start3A_233 = arith.constant 9488 : i32
        %dma_start3A_234 = arith.constant 0 : i32
        %dma_start3A_235 = tpu.memref_slice %arg7[%dma_start3A_233, %dma_start3A_234] : memref<10112x128xf32, #tpu.memory_space<vmem_shared>> -> memref<128x128xf32, #tpu.memory_space<vmem_shared>>
        %dma_start3A_236 = arith.constant 0 : i32
        %dma_start3A_237 = arith.constant 0 : i32
        %dma_start3A_238 = tpu.memref_slice %arg11[%dma_start3A_236, %dma_start3A_237] : memref<128x128xf32, #tpu.memory_space<vmem>> -> memref<128x128xf32, #tpu.memory_space<vmem>>
        %dma_start3A_239 = arith.constant 9488 : i32
        %dma_start3A_240 = arith.constant 0 : i32
        %dma_start3A_241 = tpu.memref_slice %arg7[%dma_start3A_239, %dma_start3A_240] : memref<10112x128xf32, #tpu.memory_space<vmem_shared>> -> memref<128x128xf32, #tpu.memory_space<vmem_shared>>
        tpu.enqueue_dma source(%dma_start3A_241 : memref<128x128xf32, #tpu.memory_space<vmem_shared>>) target(%dma_start3A_238 : memref<128x128xf32, #tpu.memory_space<vmem>>) target_semaphore(%run_scoped3A : memref<!tpu.dma_semaphore, #tpu.memory_space<semaphore_mem>>)
        %dma_wait3A_242 = arith.constant 0 : i32
        %dma_wait3A_243 = arith.constant 0 : i32
        %dma_wait3A_244 = tpu.memref_slice %arg11[%dma_wait3A_242, %dma_wait3A_243] : memref<128x128xf32, #tpu.memory_space<vmem>> -> memref<128x128xf32, #tpu.memory_space<vmem>>
        %dma_wait3A_245 = arith.constant 9488 : i32
        %dma_wait3A_246 = arith.constant 0 : i32
        %dma_wait3A_247 = tpu.memref_slice %arg7[%dma_wait3A_245, %dma_wait3A_246] : memref<10112x128xf32, #tpu.memory_space<vmem_shared>> -> memref<128x128xf32, #tpu.memory_space<vmem_shared>>
        %dma_wait3A_248 = arith.constant 0 : i32
        %dma_wait3A_249 = arith.constant 0 : i32
        %dma_wait3A_250 = tpu.memref_slice %arg11[%dma_wait3A_248, %dma_wait3A_249] : memref<128x128xf32, #tpu.memory_space<vmem>> -> memref<128x128xf32, #tpu.memory_space<vmem>>
        %dma_wait3A_251 = arith.constant 9488 : i32
        %dma_wait3A_252 = arith.constant 0 : i32
        %dma_wait3A_253 = tpu.memref_slice %arg7[%dma_wait3A_251, %dma_wait3A_252] : memref<10112x128xf32, #tpu.memory_space<vmem_shared>> -> memref<128x128xf32, #tpu.memory_space<vmem_shared>>
        tpu.wait_dma2 semaphore(%run_scoped3A : memref<!tpu.dma_semaphore, #tpu.memory_space<semaphore_mem>>) src(%dma_wait3A_253 : memref<128x128xf32, #tpu.memory_space<vmem_shared>>) dst(%dma_wait3A_250 : memref<128x128xf32, #tpu.memory_space<vmem>>)
        tpu.yield
      }) : () -> ()
      %mul3A_87 = arith.constant 10000 : i32
      %mul3A_88 = arith.muli %arg0, %mul3A_87 : i32
      %add3A_89 = arith.constant 9360 : i32
      %add3A_90 = arith.addi %mul3A_88, %add3A_89 : i32
      %add3A_91 = arith.constant 128 : i32
      %add3A_92 = arith.addi %add3A_90, %add3A_91 : i32
      %dma_start3A_93 = arith.constant 0 : i32
      %dma_start3A_94 = arith.constant 0 : i32
      %dma_start3A_95 = tpu.memref_slice %arg11[%dma_start3A_93, %dma_start3A_94] : memref<128x128xf32, #tpu.memory_space<vmem>> -> memref<128x128xf32, #tpu.memory_space<vmem>>
      %dma_start3A_96 = arith.constant 0 : i32
      %dma_start3A_97 = tpu.memref_slice %arg6[%add3A_92, %dma_start3A_96] : memref<20000x128xf32, #tpu.memory_space<hbm>> -> memref<128x128xf32, #tpu.memory_space<hbm>>
      %dma_start3A_98 = arith.constant 0 : i32
      %dma_start3A_99 = tpu.memref_slice %arg6[%add3A_92, %dma_start3A_98] : memref<20000x128xf32, #tpu.memory_space<hbm>> -> memref<128x128xf32, #tpu.memory_space<hbm>>
      %dma_start3A_100 = arith.constant 0 : i32
      %dma_start3A_101 = arith.constant 0 : i32
      %dma_start3A_102 = tpu.memref_slice %arg11[%dma_start3A_100, %dma_start3A_101] : memref<128x128xf32, #tpu.memory_space<vmem>> -> memref<128x128xf32, #tpu.memory_space<vmem>>
      tpu.enqueue_dma source(%dma_start3A_102 : memref<128x128xf32, #tpu.memory_space<vmem>>) target(%dma_start3A_99 : memref<128x128xf32, #tpu.memory_space<hbm>>) target_semaphore(%arg13 : memref<!tpu.dma_semaphore, #tpu.memory_space<semaphore_mem>>)
      %mul3A_103 = arith.constant 10000 : i32
      %mul3A_104 = arith.muli %arg0, %mul3A_103 : i32
      %add3A_105 = arith.constant 9360 : i32
      %add3A_106 = arith.addi %mul3A_104, %add3A_105 : i32
      %add3A_107 = arith.constant 0 : i32
      %add3A_108 = arith.addi %add3A_106, %add3A_107 : i32
      %dma_wait3A = arith.constant 0 : i32
      %dma_wait3A_109 = arith.constant 0 : i32
      %dma_wait3A_110 = tpu.memref_slice %arg10[%dma_wait3A, %dma_wait3A_109] : memref<128x128xf32, #tpu.memory_space<vmem>> -> memref<128x128xf32, #tpu.memory_space<vmem>>
      %dma_wait3A_111 = arith.constant 0 : i32
      %dma_wait3A_112 = tpu.memref_slice %arg6[%add3A_108, %dma_wait3A_111] : memref<20000x128xf32, #tpu.memory_space<hbm>> -> memref<128x128xf32, #tpu.memory_space<hbm>>
      %dma_wait3A_113 = arith.constant 0 : i32
      %dma_wait3A_114 = tpu.memref_slice %arg6[%add3A_108, %dma_wait3A_113] : memref<20000x128xf32, #tpu.memory_space<hbm>> -> memref<128x128xf32, #tpu.memory_space<hbm>>
      %dma_wait3A_115 = arith.constant 0 : i32
      %dma_wait3A_116 = arith.constant 0 : i32
      %dma_wait3A_117 = tpu.memref_slice %arg10[%dma_wait3A_115, %dma_wait3A_116] : memref<128x128xf32, #tpu.memory_space<vmem>> -> memref<128x128xf32, #tpu.memory_space<vmem>>
      tpu.wait_dma2 semaphore(%arg12 : memref<!tpu.dma_semaphore, #tpu.memory_space<semaphore_mem>>) src(%dma_wait3A_117 : memref<128x128xf32, #tpu.memory_space<vmem>>) dst(%dma_wait3A_114 : memref<128x128xf32, #tpu.memory_space<hbm>>)
      "tpu.region"() ({
        %run_scoped3A = tpu.sem_alloc : memref<!tpu.dma_semaphore, #tpu.memory_space<semaphore_mem>>
        %dma_start3A_230 = arith.constant 0 : i32
        %dma_start3A_231 = arith.constant 0 : i32
        %dma_start3A_232 = tpu.memref_slice %arg10[%dma_start3A_230, %dma_start3A_231] : memref<128x128xf32, #tpu.memory_space<vmem>> -> memref<128x128xf32, #tpu.memory_space<vmem>>
        %dma_start3A_233 = arith.constant 9616 : i32
        %dma_start3A_234 = arith.constant 0 : i32
        %dma_start3A_235 = tpu.memref_slice %arg7[%dma_start3A_233, %dma_start3A_234] : memref<10112x128xf32, #tpu.memory_space<vmem_shared>> -> memref<128x128xf32, #tpu.memory_space<vmem_shared>>
        %dma_start3A_236 = arith.constant 0 : i32
        %dma_start3A_237 = arith.constant 0 : i32
        %dma_start3A_238 = tpu.memref_slice %arg10[%dma_start3A_236, %dma_start3A_237] : memref<128x128xf32, #tpu.memory_space<vmem>> -> memref<128x128xf32, #tpu.memory_space<vmem>>
        %dma_start3A_239 = arith.constant 9616 : i32
        %dma_start3A_240 = arith.constant 0 : i32
        %dma_start3A_241 = tpu.memref_slice %arg7[%dma_start3A_239, %dma_start3A_240] : memref<10112x128xf32, #tpu.memory_space<vmem_shared>> -> memref<128x128xf32, #tpu.memory_space<vmem_shared>>
        tpu.enqueue_dma source(%dma_start3A_241 : memref<128x128xf32, #tpu.memory_space<vmem_shared>>) target(%dma_start3A_238 : memref<128x128xf32, #tpu.memory_space<vmem>>) target_semaphore(%run_scoped3A : memref<!tpu.dma_semaphore, #tpu.memory_space<semaphore_mem>>)
        %dma_wait3A_242 = arith.constant 0 : i32
        %dma_wait3A_243 = arith.constant 0 : i32
        %dma_wait3A_244 = tpu.memref_slice %arg10[%dma_wait3A_242, %dma_wait3A_243] : memref<128x128xf32, #tpu.memory_space<vmem>> -> memref<128x128xf32, #tpu.memory_space<vmem>>
        %dma_wait3A_245 = arith.constant 9616 : i32
        %dma_wait3A_246 = arith.constant 0 : i32
        %dma_wait3A_247 = tpu.memref_slice %arg7[%dma_wait3A_245, %dma_wait3A_246] : memref<10112x128xf32, #tpu.memory_space<vmem_shared>> -> memref<128x128xf32, #tpu.memory_space<vmem_shared>>
        %dma_wait3A_248 = arith.constant 0 : i32
        %dma_wait3A_249 = arith.constant 0 : i32
        %dma_wait3A_250 = tpu.memref_slice %arg10[%dma_wait3A_248, %dma_wait3A_249] : memref<128x128xf32, #tpu.memory_space<vmem>> -> memref<128x128xf32, #tpu.memory_space<vmem>>
        %dma_wait3A_251 = arith.constant 9616 : i32
        %dma_wait3A_252 = arith.constant 0 : i32
        %dma_wait3A_253 = tpu.memref_slice %arg7[%dma_wait3A_251, %dma_wait3A_252] : memref<10112x128xf32, #tpu.memory_space<vmem_shared>> -> memref<128x128xf32, #tpu.memory_space<vmem_shared>>
        tpu.wait_dma2 semaphore(%run_scoped3A : memref<!tpu.dma_semaphore, #tpu.memory_space<semaphore_mem>>) src(%dma_wait3A_253 : memref<128x128xf32, #tpu.memory_space<vmem_shared>>) dst(%dma_wait3A_250 : memref<128x128xf32, #tpu.memory_space<vmem>>)
        tpu.yield
      }) : () -> ()
      %mul3A_118 = arith.constant 10000 : i32
      %mul3A_119 = arith.muli %arg0, %mul3A_118 : i32
      %add3A_120 = arith.constant 9360 : i32
      %add3A_121 = arith.addi %mul3A_119, %add3A_120 : i32
      %add3A_122 = arith.constant 256 : i32
      %add3A_123 = arith.addi %add3A_121, %add3A_122 : i32
      %dma_start3A_124 = arith.constant 0 : i32
      %dma_start3A_125 = arith.constant 0 : i32
      %dma_start3A_126 = tpu.memref_slice %arg10[%dma_start3A_124, %dma_start3A_125] : memref<128x128xf32, #tpu.memory_space<vmem>> -> memref<128x128xf32, #tpu.memory_space<vmem>>
      %dma_start3A_127 = arith.constant 0 : i32
      %dma_start3A_128 = tpu.memref_slice %arg6[%add3A_123, %dma_start3A_127] : memref<20000x128xf32, #tpu.memory_space<hbm>> -> memref<128x128xf32, #tpu.memory_space<hbm>>
      %dma_start3A_129 = arith.constant 0 : i32
      %dma_start3A_130 = tpu.memref_slice %arg6[%add3A_123, %dma_start3A_129] : memref<20000x128xf32, #tpu.memory_space<hbm>> -> memref<128x128xf32, #tpu.memory_space<hbm>>
      %dma_start3A_131 = arith.constant 0 : i32
      %dma_start3A_132 = arith.constant 0 : i32
      %dma_start3A_133 = tpu.memref_slice %arg10[%dma_start3A_131, %dma_start3A_132] : memref<128x128xf32, #tpu.memory_space<vmem>> -> memref<128x128xf32, #tpu.memory_space<vmem>>
      tpu.enqueue_dma source(%dma_start3A_133 : memref<128x128xf32, #tpu.memory_space<vmem>>) target(%dma_start3A_130 : memref<128x128xf32, #tpu.memory_space<hbm>>) target_semaphore(%arg12 : memref<!tpu.dma_semaphore, #tpu.memory_space<semaphore_mem>>)
      %mul3A_134 = arith.constant 10000 : i32
      %mul3A_135 = arith.muli %arg0, %mul3A_134 : i32
      %add3A_136 = arith.constant 9360 : i32
      %add3A_137 = arith.addi %mul3A_135, %add3A_136 : i32
      %add3A_138 = arith.constant 128 : i32
      %add3A_139 = arith.addi %add3A_137, %add3A_138 : i32
      %dma_wait3A_140 = arith.constant 0 : i32
      %dma_wait3A_141 = arith.constant 0 : i32
      %dma_wait3A_142 = tpu.memref_slice %arg11[%dma_wait3A_140, %dma_wait3A_141] : memref<128x128xf32, #tpu.memory_space<vmem>> -> memref<128x128xf32, #tpu.memory_space<vmem>>
      %dma_wait3A_143 = arith.constant 0 : i32
      %dma_wait3A_144 = tpu.memref_slice %arg6[%add3A_139, %dma_wait3A_143] : memref<20000x128xf32, #tpu.memory_space<hbm>> -> memref<128x128xf32, #tpu.memory_space<hbm>>
      %dma_wait3A_145 = arith.constant 0 : i32
      %dma_wait3A_146 = tpu.memref_slice %arg6[%add3A_139, %dma_wait3A_145] : memref<20000x128xf32, #tpu.memory_space<hbm>> -> memref<128x128xf32, #tpu.memory_space<hbm>>
      %dma_wait3A_147 = arith.constant 0 : i32
      %dma_wait3A_148 = arith.constant 0 : i32
      %dma_wait3A_149 = tpu.memref_slice %arg11[%dma_wait3A_147, %dma_wait3A_148] : memref<128x128xf32, #tpu.memory_space<vmem>> -> memref<128x128xf32, #tpu.memory_space<vmem>>
      tpu.wait_dma2 semaphore(%arg13 : memref<!tpu.dma_semaphore, #tpu.memory_space<semaphore_mem>>) src(%dma_wait3A_149 : memref<128x128xf32, #tpu.memory_space<vmem>>) dst(%dma_wait3A_146 : memref<128x128xf32, #tpu.memory_space<hbm>>)
      "tpu.region"() ({
        %run_scoped3A = tpu.sem_alloc : memref<!tpu.dma_semaphore, #tpu.memory_space<semaphore_mem>>
        %dma_start3A_230 = arith.constant 0 : i32
        %dma_start3A_231 = arith.constant 0 : i32
        %dma_start3A_232 = tpu.memref_slice %arg11[%dma_start3A_230, %dma_start3A_231] : memref<128x128xf32, #tpu.memory_space<vmem>> -> memref<128x128xf32, #tpu.memory_space<vmem>>
        %dma_start3A_233 = arith.constant 9744 : i32
        %dma_start3A_234 = arith.constant 0 : i32
        %dma_start3A_235 = tpu.memref_slice %arg7[%dma_start3A_233, %dma_start3A_234] : memref<10112x128xf32, #tpu.memory_space<vmem_shared>> -> memref<128x128xf32, #tpu.memory_space<vmem_shared>>
        %dma_start3A_236 = arith.constant 0 : i32
        %dma_start3A_237 = arith.constant 0 : i32
        %dma_start3A_238 = tpu.memref_slice %arg11[%dma_start3A_236, %dma_start3A_237] : memref<128x128xf32, #tpu.memory_space<vmem>> -> memref<128x128xf32, #tpu.memory_space<vmem>>
        %dma_start3A_239 = arith.constant 9744 : i32
        %dma_start3A_240 = arith.constant 0 : i32
        %dma_start3A_241 = tpu.memref_slice %arg7[%dma_start3A_239, %dma_start3A_240] : memref<10112x128xf32, #tpu.memory_space<vmem_shared>> -> memref<128x128xf32, #tpu.memory_space<vmem_shared>>
        tpu.enqueue_dma source(%dma_start3A_241 : memref<128x128xf32, #tpu.memory_space<vmem_shared>>) target(%dma_start3A_238 : memref<128x128xf32, #tpu.memory_space<vmem>>) target_semaphore(%run_scoped3A : memref<!tpu.dma_semaphore, #tpu.memory_space<semaphore_mem>>)
        %dma_wait3A_242 = arith.constant 0 : i32
        %dma_wait3A_243 = arith.constant 0 : i32
        %dma_wait3A_244 = tpu.memref_slice %arg11[%dma_wait3A_242, %dma_wait3A_243] : memref<128x128xf32, #tpu.memory_space<vmem>> -> memref<128x128xf32, #tpu.memory_space<vmem>>
        %dma_wait3A_245 = arith.constant 9744 : i32
        %dma_wait3A_246 = arith.constant 0 : i32
        %dma_wait3A_247 = tpu.memref_slice %arg7[%dma_wait3A_245, %dma_wait3A_246] : memref<10112x128xf32, #tpu.memory_space<vmem_shared>> -> memref<128x128xf32, #tpu.memory_space<vmem_shared>>
        %dma_wait3A_248 = arith.constant 0 : i32
        %dma_wait3A_249 = arith.constant 0 : i32
        %dma_wait3A_250 = tpu.memref_slice %arg11[%dma_wait3A_248, %dma_wait3A_249] : memref<128x128xf32, #tpu.memory_space<vmem>> -> memref<128x128xf32, #tpu.memory_space<vmem>>
        %dma_wait3A_251 = arith.constant 9744 : i32
        %dma_wait3A_252 = arith.constant 0 : i32
        %dma_wait3A_253 = tpu.memref_slice %arg7[%dma_wait3A_251, %dma_wait3A_252] : memref<10112x128xf32, #tpu.memory_space<vmem_shared>> -> memref<128x128xf32, #tpu.memory_space<vmem_shared>>
        tpu.wait_dma2 semaphore(%run_scoped3A : memref<!tpu.dma_semaphore, #tpu.memory_space<semaphore_mem>>) src(%dma_wait3A_253 : memref<128x128xf32, #tpu.memory_space<vmem_shared>>) dst(%dma_wait3A_250 : memref<128x128xf32, #tpu.memory_space<vmem>>)
        tpu.yield
      }) : () -> ()
      %mul3A_150 = arith.constant 10000 : i32
      %mul3A_151 = arith.muli %arg0, %mul3A_150 : i32
      %add3A_152 = arith.constant 9360 : i32
      %add3A_153 = arith.addi %mul3A_151, %add3A_152 : i32
      %add3A_154 = arith.constant 384 : i32
      %add3A_155 = arith.addi %add3A_153, %add3A_154 : i32
      %dma_start3A_156 = arith.constant 0 : i32
      %dma_start3A_157 = arith.constant 0 : i32
      %dma_start3A_158 = tpu.memref_slice %arg11[%dma_start3A_156, %dma_start3A_157] : memref<128x128xf32, #tpu.memory_space<vmem>> -> memref<128x128xf32, #tpu.memory_space<vmem>>
      %dma_start3A_159 = arith.constant 0 : i32
      %dma_start3A_160 = tpu.memref_slice %arg6[%add3A_155, %dma_start3A_159] : memref<20000x128xf32, #tpu.memory_space<hbm>> -> memref<128x128xf32, #tpu.memory_space<hbm>>
      %dma_start3A_161 = arith.constant 0 : i32
      %dma_start3A_162 = tpu.memref_slice %arg6[%add3A_155, %dma_start3A_161] : memref<20000x128xf32, #tpu.memory_space<hbm>> -> memref<128x128xf32, #tpu.memory_space<hbm>>
      %dma_start3A_163 = arith.constant 0 : i32
      %dma_start3A_164 = arith.constant 0 : i32
      %dma_start3A_165 = tpu.memref_slice %arg11[%dma_start3A_163, %dma_start3A_164] : memref<128x128xf32, #tpu.memory_space<vmem>> -> memref<128x128xf32, #tpu.memory_space<vmem>>
      tpu.enqueue_dma source(%dma_start3A_165 : memref<128x128xf32, #tpu.memory_space<vmem>>) target(%dma_start3A_162 : memref<128x128xf32, #tpu.memory_space<hbm>>) target_semaphore(%arg13 : memref<!tpu.dma_semaphore, #tpu.memory_space<semaphore_mem>>)
      %mul3A_166 = arith.constant 10000 : i32
      %mul3A_167 = arith.muli %arg0, %mul3A_166 : i32
      %add3A_168 = arith.constant 9360 : i32
      %add3A_169 = arith.addi %mul3A_167, %add3A_168 : i32
      %add3A_170 = arith.constant 256 : i32
      %add3A_171 = arith.addi %add3A_169, %add3A_170 : i32
      %dma_wait3A_172 = arith.constant 0 : i32
      %dma_wait3A_173 = arith.constant 0 : i32
      %dma_wait3A_174 = tpu.memref_slice %arg10[%dma_wait3A_172, %dma_wait3A_173] : memref<128x128xf32, #tpu.memory_space<vmem>> -> memref<128x128xf32, #tpu.memory_space<vmem>>
      %dma_wait3A_175 = arith.constant 0 : i32
      %dma_wait3A_176 = tpu.memref_slice %arg6[%add3A_171, %dma_wait3A_175] : memref<20000x128xf32, #tpu.memory_space<hbm>> -> memref<128x128xf32, #tpu.memory_space<hbm>>
      %dma_wait3A_177 = arith.constant 0 : i32
      %dma_wait3A_178 = tpu.memref_slice %arg6[%add3A_171, %dma_wait3A_177] : memref<20000x128xf32, #tpu.memory_space<hbm>> -> memref<128x128xf32, #tpu.memory_space<hbm>>
      %dma_wait3A_179 = arith.constant 0 : i32
      %dma_wait3A_180 = arith.constant 0 : i32
      %dma_wait3A_181 = tpu.memref_slice %arg10[%dma_wait3A_179, %dma_wait3A_180] : memref<128x128xf32, #tpu.memory_space<vmem>> -> memref<128x128xf32, #tpu.memory_space<vmem>>
      tpu.wait_dma2 semaphore(%arg12 : memref<!tpu.dma_semaphore, #tpu.memory_space<semaphore_mem>>) src(%dma_wait3A_181 : memref<128x128xf32, #tpu.memory_space<vmem>>) dst(%dma_wait3A_178 : memref<128x128xf32, #tpu.memory_space<hbm>>)
      "tpu.region"() ({
        %run_scoped3A = tpu.sem_alloc : memref<!tpu.dma_semaphore, #tpu.memory_space<semaphore_mem>>
        %dma_start3A_230 = arith.constant 0 : i32
        %dma_start3A_231 = arith.constant 0 : i32
        %dma_start3A_232 = tpu.memref_slice %arg10[%dma_start3A_230, %dma_start3A_231] : memref<128x128xf32, #tpu.memory_space<vmem>> -> memref<128x128xf32, #tpu.memory_space<vmem>>
        %dma_start3A_233 = arith.constant 9872 : i32
        %dma_start3A_234 = arith.constant 0 : i32
        %dma_start3A_235 = tpu.memref_slice %arg7[%dma_start3A_233, %dma_start3A_234] : memref<10112x128xf32, #tpu.memory_space<vmem_shared>> -> memref<128x128xf32, #tpu.memory_space<vmem_shared>>
        %dma_start3A_236 = arith.constant 0 : i32
        %dma_start3A_237 = arith.constant 0 : i32
        %dma_start3A_238 = tpu.memref_slice %arg10[%dma_start3A_236, %dma_start3A_237] : memref<128x128xf32, #tpu.memory_space<vmem>> -> memref<128x128xf32, #tpu.memory_space<vmem>>
        %dma_start3A_239 = arith.constant 9872 : i32
        %dma_start3A_240 = arith.constant 0 : i32
        %dma_start3A_241 = tpu.memref_slice %arg7[%dma_start3A_239, %dma_start3A_240] : memref<10112x128xf32, #tpu.memory_space<vmem_shared>> -> memref<128x128xf32, #tpu.memory_space<vmem_shared>>
        tpu.enqueue_dma source(%dma_start3A_241 : memref<128x128xf32, #tpu.memory_space<vmem_shared>>) target(%dma_start3A_238 : memref<128x128xf32, #tpu.memory_space<vmem>>) target_semaphore(%run_scoped3A : memref<!tpu.dma_semaphore, #tpu.memory_space<semaphore_mem>>)
        %dma_wait3A_242 = arith.constant 0 : i32
        %dma_wait3A_243 = arith.constant 0 : i32
        %dma_wait3A_244 = tpu.memref_slice %arg10[%dma_wait3A_242, %dma_wait3A_243] : memref<128x128xf32, #tpu.memory_space<vmem>> -> memref<128x128xf32, #tpu.memory_space<vmem>>
        %dma_wait3A_245 = arith.constant 9872 : i32
        %dma_wait3A_246 = arith.constant 0 : i32
        %dma_wait3A_247 = tpu.memref_slice %arg7[%dma_wait3A_245, %dma_wait3A_246] : memref<10112x128xf32, #tpu.memory_space<vmem_shared>> -> memref<128x128xf32, #tpu.memory_space<vmem_shared>>
        %dma_wait3A_248 = arith.constant 0 : i32
        %dma_wait3A_249 = arith.constant 0 : i32
        %dma_wait3A_250 = tpu.memref_slice %arg10[%dma_wait3A_248, %dma_wait3A_249] : memref<128x128xf32, #tpu.memory_space<vmem>> -> memref<128x128xf32, #tpu.memory_space<vmem>>
        %dma_wait3A_251 = arith.constant 9872 : i32
        %dma_wait3A_252 = arith.constant 0 : i32
        %dma_wait3A_253 = tpu.memref_slice %arg7[%dma_wait3A_251, %dma_wait3A_252] : memref<10112x128xf32, #tpu.memory_space<vmem_shared>> -> memref<128x128xf32, #tpu.memory_space<vmem_shared>>
        tpu.wait_dma2 semaphore(%run_scoped3A : memref<!tpu.dma_semaphore, #tpu.memory_space<semaphore_mem>>) src(%dma_wait3A_253 : memref<128x128xf32, #tpu.memory_space<vmem_shared>>) dst(%dma_wait3A_250 : memref<128x128xf32, #tpu.memory_space<vmem>>)
        tpu.yield
      }) : () -> ()
      %mul3A_182 = arith.constant 10000 : i32
      %mul3A_183 = arith.muli %arg0, %mul3A_182 : i32
      %add3A_184 = arith.constant 9360 : i32
      %add3A_185 = arith.addi %mul3A_183, %add3A_184 : i32
      %add3A_186 = arith.constant 512 : i32
      %add3A_187 = arith.addi %add3A_185, %add3A_186 : i32
      %dma_start3A_188 = arith.constant 0 : i32
      %dma_start3A_189 = arith.constant 0 : i32
      %dma_start3A_190 = tpu.memref_slice %arg10[%dma_start3A_188, %dma_start3A_189] : memref<128x128xf32, #tpu.memory_space<vmem>> -> memref<128x128xf32, #tpu.memory_space<vmem>>
      %dma_start3A_191 = arith.constant 0 : i32
      %dma_start3A_192 = tpu.memref_slice %arg6[%add3A_187, %dma_start3A_191] : memref<20000x128xf32, #tpu.memory_space<hbm>> -> memref<128x128xf32, #tpu.memory_space<hbm>>
      %dma_start3A_193 = arith.constant 0 : i32
      %dma_start3A_194 = tpu.memref_slice %arg6[%add3A_187, %dma_start3A_193] : memref<20000x128xf32, #tpu.memory_space<hbm>> -> memref<128x128xf32, #tpu.memory_space<hbm>>
      %dma_start3A_195 = arith.constant 0 : i32
      %dma_start3A_196 = arith.constant 0 : i32
      %dma_start3A_197 = tpu.memref_slice %arg10[%dma_start3A_195, %dma_start3A_196] : memref<128x128xf32, #tpu.memory_space<vmem>> -> memref<128x128xf32, #tpu.memory_space<vmem>>
      tpu.enqueue_dma source(%dma_start3A_197 : memref<128x128xf32, #tpu.memory_space<vmem>>) target(%dma_start3A_194 : memref<128x128xf32, #tpu.memory_space<hbm>>) target_semaphore(%arg12 : memref<!tpu.dma_semaphore, #tpu.memory_space<semaphore_mem>>)
      %mul3A_198 = arith.constant 10000 : i32
      %mul3A_199 = arith.muli %arg0, %mul3A_198 : i32
      %add3A_200 = arith.constant 9360 : i32
      %add3A_201 = arith.addi %mul3A_199, %add3A_200 : i32
      %add3A_202 = arith.constant 512 : i32
      %add3A_203 = arith.addi %add3A_201, %add3A_202 : i32
      %dma_wait3A_204 = arith.constant 0 : i32
      %dma_wait3A_205 = arith.constant 0 : i32
      %dma_wait3A_206 = tpu.memref_slice %arg10[%dma_wait3A_204, %dma_wait3A_205] : memref<128x128xf32, #tpu.memory_space<vmem>> -> memref<128x128xf32, #tpu.memory_space<vmem>>
      %dma_wait3A_207 = arith.constant 0 : i32
      %dma_wait3A_208 = tpu.memref_slice %arg6[%add3A_203, %dma_wait3A_207] : memref<20000x128xf32, #tpu.memory_space<hbm>> -> memref<128x128xf32, #tpu.memory_space<hbm>>
      %dma_wait3A_209 = arith.constant 0 : i32
      %dma_wait3A_210 = tpu.memref_slice %arg6[%add3A_203, %dma_wait3A_209] : memref<20000x128xf32, #tpu.memory_space<hbm>> -> memref<128x128xf32, #tpu.memory_space<hbm>>
      %dma_wait3A_211 = arith.constant 0 : i32
      %dma_wait3A_212 = arith.constant 0 : i32
      %dma_wait3A_213 = tpu.memref_slice %arg10[%dma_wait3A_211, %dma_wait3A_212] : memref<128x128xf32, #tpu.memory_space<vmem>> -> memref<128x128xf32, #tpu.memory_space<vmem>>
      tpu.wait_dma2 semaphore(%arg12 : memref<!tpu.dma_semaphore, #tpu.memory_space<semaphore_mem>>) src(%dma_wait3A_213 : memref<128x128xf32, #tpu.memory_space<vmem>>) dst(%dma_wait3A_210 : memref<128x128xf32, #tpu.memory_space<hbm>>)
      %mul3A_214 = arith.constant 10000 : i32
      %mul3A_215 = arith.muli %arg0, %mul3A_214 : i32
      %add3A_216 = arith.constant 9360 : i32
      %add3A_217 = arith.addi %mul3A_215, %add3A_216 : i32
      %add3A_218 = arith.constant 384 : i32
      %add3A_219 = arith.addi %add3A_217, %add3A_218 : i32
      %dma_wait3A_220 = arith.constant 0 : i32
      %dma_wait3A_221 = arith.constant 0 : i32
      %dma_wait3A_222 = tpu.memref_slice %arg11[%dma_wait3A_220, %dma_wait3A_221] : memref<128x128xf32, #tpu.memory_space<vmem>> -> memref<128x128xf32, #tpu.memory_space<vmem>>
      %dma_wait3A_223 = arith.constant 0 : i32
      %dma_wait3A_224 = tpu.memref_slice %arg6[%add3A_219, %dma_wait3A_223] : memref<20000x128xf32, #tpu.memory_space<hbm>> -> memref<128x128xf32, #tpu.memory_space<hbm>>
      %dma_wait3A_225 = arith.constant 0 : i32
      %dma_wait3A_226 = tpu.memref_slice %arg6[%add3A_219, %dma_wait3A_225] : memref<20000x128xf32, #tpu.memory_space<hbm>> -> memref<128x128xf32, #tpu.memory_space<hbm>>
      %dma_wait3A_227 = arith.constant 0 : i32
      %dma_wait3A_228 = arith.constant 0 : i32
      %dma_wait3A_229 = tpu.memref_slice %arg11[%dma_wait3A_227, %dma_wait3A_228] : memref<128x128xf32, #tpu.memory_space<vmem>> -> memref<128x128xf32, #tpu.memory_space<vmem>>
      tpu.wait_dma2 semaphore(%arg13 : memref<!tpu.dma_semaphore, #tpu.memory_space<semaphore_mem>>) src(%dma_wait3A_229 : memref<128x128xf32, #tpu.memory_space<vmem>>) dst(%dma_wait3A_226 : memref<128x128xf32, #tpu.memory_space<hbm>>)
    } else {
    }
    return
  }
}

#map = affine_map<(d0, d1) -> (0, 0, 0)>
#map1 = affine_map<(d0, d1) -> (0)>
module attributes {stable_mosaic.version = 14 : i64} {
  func.func @deg_kernel(%arg0: i32, %arg1: i32, %arg2: memref<16x80x128xi32, #tpu.memory_space<hbm>>, %arg3: memref<640xf32, #tpu.memory_space<hbm>>, %arg4: memref<640xf32, #tpu.memory_space<hbm>>, %arg5: memref<10240xf32, #tpu.memory_space<hbm>>, %arg6: memref<10240xf32, #tpu.memory_space<hbm>>, %arg7: memref<10240xf32, #tpu.memory_space<vmem_shared>>, %arg8: memref<80x128xi32, #tpu.memory_space<vmem>>, %arg9: memref<128xf32, #tpu.memory_space<vmem>>, %arg10: memref<640xf32, #tpu.memory_space<vmem>>) attributes {dimension_semantics = [#tpu.dimension_semantics<core_parallel>, #tpu.dimension_semantics<subcore_parallel>], iteration_bounds = array<i64: 2, 16>, scalar_prefetch = 0 : i64, scratch_operands = 4 : i64, tpu.core_type = #tpu.core_type<sc_vector_subcore>, window_params = [{transform_indices = #map}, {transform_indices = #map1}, {transform_indices = #map1}, {transform_indices = #map1}, {transform_indices = #map1}]} {
    "tpu.region"() ({
      %run_scoped3A = tpu.sem_alloc : memref<!tpu.dma_semaphore, #tpu.memory_space<semaphore_mem>>
      tpu.enqueue_dma source(%arg4 : memref<640xf32, #tpu.memory_space<hbm>>) target(%arg10 : memref<640xf32, #tpu.memory_space<vmem>>) target_semaphore(%run_scoped3A : memref<!tpu.dma_semaphore, #tpu.memory_space<semaphore_mem>>)
      tpu.wait_dma2 semaphore(%run_scoped3A : memref<!tpu.dma_semaphore, #tpu.memory_space<semaphore_mem>>) src(%arg4 : memref<640xf32, #tpu.memory_space<hbm>>) dst(%arg10 : memref<640xf32, #tpu.memory_space<vmem>>)
      tpu.yield
    }) : () -> ()
    %mul3A = arith.constant 640 : i32
    %mul3A_0 = arith.muli %arg1, %mul3A : i32
    "tpu.region"() ({
      %run_scoped3A = tpu.sem_alloc : memref<!tpu.dma_semaphore, #tpu.memory_space<semaphore_mem>>
      %dma_start3A = tpu.memref_slice %arg7[%mul3A_0] : memref<10240xf32, #tpu.memory_space<vmem_shared>> -> memref<640xf32, #tpu.memory_space<vmem_shared>>
      %dma_start3A_16 = tpu.memref_slice %arg7[%mul3A_0] : memref<10240xf32, #tpu.memory_space<vmem_shared>> -> memref<640xf32, #tpu.memory_space<vmem_shared>>
      tpu.enqueue_dma source(%arg10 : memref<640xf32, #tpu.memory_space<vmem>>) target(%dma_start3A_16 : memref<640xf32, #tpu.memory_space<vmem_shared>>) target_semaphore(%run_scoped3A : memref<!tpu.dma_semaphore, #tpu.memory_space<semaphore_mem>>)
      %dma_wait3A = tpu.memref_slice %arg7[%mul3A_0] : memref<10240xf32, #tpu.memory_space<vmem_shared>> -> memref<640xf32, #tpu.memory_space<vmem_shared>>
      %dma_wait3A_17 = tpu.memref_slice %arg7[%mul3A_0] : memref<10240xf32, #tpu.memory_space<vmem_shared>> -> memref<640xf32, #tpu.memory_space<vmem_shared>>
      tpu.wait_dma2 semaphore(%run_scoped3A : memref<!tpu.dma_semaphore, #tpu.memory_space<semaphore_mem>>) src(%arg10 : memref<640xf32, #tpu.memory_space<vmem>>) dst(%dma_wait3A_17 : memref<640xf32, #tpu.memory_space<vmem_shared>>)
      tpu.yield
    }) : () -> ()
    "tpu.region"() ({
      %run_scoped3A = tpu.sem_alloc : memref<!tpu.dma_semaphore, #tpu.memory_space<semaphore_mem>>
      %dma_start3A = arith.constant 0 : i32
      %dma_start3A_16 = tpu.memref_slice %arg3[%dma_start3A] : memref<640xf32, #tpu.memory_space<hbm>> -> memref<128xf32, #tpu.memory_space<hbm>>
      %dma_start3A_17 = arith.constant 0 : i32
      %dma_start3A_18 = tpu.memref_slice %arg3[%dma_start3A_17] : memref<640xf32, #tpu.memory_space<hbm>> -> memref<128xf32, #tpu.memory_space<hbm>>
      tpu.enqueue_dma source(%dma_start3A_18 : memref<128xf32, #tpu.memory_space<hbm>>) target(%arg9 : memref<128xf32, #tpu.memory_space<vmem>>) target_semaphore(%run_scoped3A : memref<!tpu.dma_semaphore, #tpu.memory_space<semaphore_mem>>)
      %dma_wait3A = arith.constant 0 : i32
      %dma_wait3A_19 = tpu.memref_slice %arg3[%dma_wait3A] : memref<640xf32, #tpu.memory_space<hbm>> -> memref<128xf32, #tpu.memory_space<hbm>>
      %dma_wait3A_20 = arith.constant 0 : i32
      %dma_wait3A_21 = tpu.memref_slice %arg3[%dma_wait3A_20] : memref<640xf32, #tpu.memory_space<hbm>> -> memref<128xf32, #tpu.memory_space<hbm>>
      tpu.wait_dma2 semaphore(%run_scoped3A : memref<!tpu.dma_semaphore, #tpu.memory_space<semaphore_mem>>) src(%dma_wait3A_21 : memref<128xf32, #tpu.memory_space<hbm>>) dst(%arg9 : memref<128xf32, #tpu.memory_space<vmem>>)
      tpu.yield
    }) : () -> ()
    "tpu.region"() ({
      %run_scoped3A = tpu.sem_alloc : memref<!tpu.dma_semaphore, #tpu.memory_space<semaphore_mem>>
      %dma_start3A = arith.constant 0 : i32
      %dma_start3A_16 = arith.constant 0 : i32
      %dma_start3A_17 = tpu.memref_slice %arg2[%arg1, %dma_start3A, %dma_start3A_16] : memref<16x80x128xi32, #tpu.memory_space<hbm>> -> memref<1x80x128xi32, #tpu.memory_space<hbm>>
      %dma_start3A_18 = tpu.memref_squeeze %dma_start3A_17 : memref<1x80x128xi32, #tpu.memory_space<hbm>> -> memref<80x128xi32, #tpu.memory_space<hbm>>
      %dma_start3A_19 = arith.constant 0 : i32
      %dma_start3A_20 = arith.constant 0 : i32
      %dma_start3A_21 = tpu.memref_slice %arg2[%arg1, %dma_start3A_19, %dma_start3A_20] : memref<16x80x128xi32, #tpu.memory_space<hbm>> -> memref<1x80x128xi32, #tpu.memory_space<hbm>>
      %dma_start3A_22 = tpu.memref_squeeze %dma_start3A_21 : memref<1x80x128xi32, #tpu.memory_space<hbm>> -> memref<80x128xi32, #tpu.memory_space<hbm>>
      tpu.enqueue_dma source(%dma_start3A_22 : memref<80x128xi32, #tpu.memory_space<hbm>>) target(%arg8 : memref<80x128xi32, #tpu.memory_space<vmem>>) target_semaphore(%run_scoped3A : memref<!tpu.dma_semaphore, #tpu.memory_space<semaphore_mem>>)
      %dma_wait3A = arith.constant 0 : i32
      %dma_wait3A_23 = arith.constant 0 : i32
      %dma_wait3A_24 = tpu.memref_slice %arg2[%arg1, %dma_wait3A, %dma_wait3A_23] : memref<16x80x128xi32, #tpu.memory_space<hbm>> -> memref<1x80x128xi32, #tpu.memory_space<hbm>>
      %dma_wait3A_25 = tpu.memref_squeeze %dma_wait3A_24 : memref<1x80x128xi32, #tpu.memory_space<hbm>> -> memref<80x128xi32, #tpu.memory_space<hbm>>
      %dma_wait3A_26 = arith.constant 0 : i32
      %dma_wait3A_27 = arith.constant 0 : i32
      %dma_wait3A_28 = tpu.memref_slice %arg2[%arg1, %dma_wait3A_26, %dma_wait3A_27] : memref<16x80x128xi32, #tpu.memory_space<hbm>> -> memref<1x80x128xi32, #tpu.memory_space<hbm>>
      %dma_wait3A_29 = tpu.memref_squeeze %dma_wait3A_28 : memref<1x80x128xi32, #tpu.memory_space<hbm>> -> memref<80x128xi32, #tpu.memory_space<hbm>>
      tpu.wait_dma2 semaphore(%run_scoped3A : memref<!tpu.dma_semaphore, #tpu.memory_space<semaphore_mem>>) src(%dma_wait3A_29 : memref<80x128xi32, #tpu.memory_space<hbm>>) dst(%arg8 : memref<80x128xi32, #tpu.memory_space<vmem>>)
      tpu.yield
    }) : () -> ()
    %barrier3A = arith.constant 0 : index
    tpu.barrier barrier_id(%barrier3A)
    %scan3A = arith.constant 0 : i32
    %scan3A_1 = arith.constant 0 : i32
    %scan3A_2 = arith.constant 40 : i32
    %scan3A_3 = arith.addi %scan3A_1, %scan3A_2 : i32
    %scan3A_4 = arith.constant 1 : i32
    scf.for %scan3A_16 = %scan3A_1 to %scan3A_3 step %scan3A_4  : i32 {
      %mul3A_17 = arith.constant 40 : i32
      %mul3A_18 = arith.muli %arg0, %mul3A_17 : i32
      %add3A = arith.addi %mul3A_18, %scan3A_16 : i32
      "tpu.region"() ({
        %run_scoped3A = tpu.sem_alloc : memref<!tpu.dma_semaphore, #tpu.memory_space<semaphore_mem>>
        %dma_start3A = arith.constant 0 : i32
        %dma_start3A_19 = tpu.memref_slice %arg8[%add3A, %dma_start3A] : memref<80x128xi32, #tpu.memory_space<vmem>> -> memref<1x128xi32, #tpu.memory_space<vmem>>
        %dma_start3A_20 = tpu.memref_squeeze %dma_start3A_19 : memref<1x128xi32, #tpu.memory_space<vmem>> -> memref<128xi32, #tpu.memory_space<vmem>>
        %dma_start3A_21 = arith.constant 0 : i32
        %dma_start3A_22 = tpu.memref_slice %arg7[%dma_start3A_21] : memref<10240xf32, #tpu.memory_space<vmem_shared>> -> memref<10240xf32, #tpu.memory_space<vmem_shared>>
        tpu.enqueue_indirect_dma source(%arg9 : memref<128xf32, #tpu.memory_space<vmem>>) target(%dma_start3A_22 : memref<10240xf32, #tpu.memory_space<vmem_shared>>) offsets(%dma_start3A_20 : memref<128xi32, #tpu.memory_space<vmem>>) semaphore(%run_scoped3A : memref<!tpu.dma_semaphore, #tpu.memory_space<semaphore_mem>>) {add = true}
        %dma_wait3A = arith.constant 0 : i32
        %dma_wait3A_23 = tpu.memref_slice %arg8[%add3A, %dma_wait3A] : memref<80x128xi32, #tpu.memory_space<vmem>> -> memref<1x128xi32, #tpu.memory_space<vmem>>
        %dma_wait3A_24 = tpu.memref_squeeze %dma_wait3A_23 : memref<1x128xi32, #tpu.memory_space<vmem>> -> memref<128xi32, #tpu.memory_space<vmem>>
        %dma_wait3A_25 = arith.constant 0 : i32
        %dma_wait3A_26 = tpu.memref_slice %arg7[%dma_wait3A_25] : memref<10240xf32, #tpu.memory_space<vmem_shared>> -> memref<10240xf32, #tpu.memory_space<vmem_shared>>
        tpu.wait_indirect_dma semaphore(%run_scoped3A : memref<!tpu.dma_semaphore, #tpu.memory_space<semaphore_mem>>) src(%arg9 : memref<128xf32, #tpu.memory_space<vmem>>) dst(%dma_wait3A_26 : memref<10240xf32, #tpu.memory_space<vmem_shared>>)
        tpu.yield
      }) : () -> ()
    }
    %scan3A_5 = arith.constant 40 : i32
    %barrier3A_6 = arith.constant 0 : index
    tpu.barrier barrier_id(%barrier3A_6)
    %mul3A_7 = arith.constant 640 : i32
    %mul3A_8 = arith.muli %arg1, %mul3A_7 : i32
    "tpu.region"() ({
      %run_scoped3A = tpu.sem_alloc : memref<!tpu.dma_semaphore, #tpu.memory_space<semaphore_mem>>
      %dma_start3A = tpu.memref_slice %arg7[%mul3A_8] : memref<10240xf32, #tpu.memory_space<vmem_shared>> -> memref<640xf32, #tpu.memory_space<vmem_shared>>
      %dma_start3A_16 = tpu.memref_slice %arg7[%mul3A_8] : memref<10240xf32, #tpu.memory_space<vmem_shared>> -> memref<640xf32, #tpu.memory_space<vmem_shared>>
      tpu.enqueue_dma source(%dma_start3A_16 : memref<640xf32, #tpu.memory_space<vmem_shared>>) target(%arg10 : memref<640xf32, #tpu.memory_space<vmem>>) target_semaphore(%run_scoped3A : memref<!tpu.dma_semaphore, #tpu.memory_space<semaphore_mem>>)
      %dma_wait3A = tpu.memref_slice %arg7[%mul3A_8] : memref<10240xf32, #tpu.memory_space<vmem_shared>> -> memref<640xf32, #tpu.memory_space<vmem_shared>>
      %dma_wait3A_17 = tpu.memref_slice %arg7[%mul3A_8] : memref<10240xf32, #tpu.memory_space<vmem_shared>> -> memref<640xf32, #tpu.memory_space<vmem_shared>>
      tpu.wait_dma2 semaphore(%run_scoped3A : memref<!tpu.dma_semaphore, #tpu.memory_space<semaphore_mem>>) src(%dma_wait3A_17 : memref<640xf32, #tpu.memory_space<vmem_shared>>) dst(%arg10 : memref<640xf32, #tpu.memory_space<vmem>>)
      tpu.yield
    }) : () -> ()
    %eq3A = arith.constant 0 : i32
    %eq3A_9 = arith.cmpi eq, %arg0, %eq3A : i32
    %convert_element_type3A = arith.extui %eq3A_9 : i1 to i32
    %cond3A = arith.constant 0 : i32
    %cond3A_10 = arith.cmpi ne, %convert_element_type3A, %cond3A : i32
    scf.if %cond3A_10 {
      %mul3A_16 = arith.constant 640 : i32
      %mul3A_17 = arith.muli %arg1, %mul3A_16 : i32
      "tpu.region"() ({
        %run_scoped3A = tpu.sem_alloc : memref<!tpu.dma_semaphore, #tpu.memory_space<semaphore_mem>>
        %dma_start3A = tpu.memref_slice %arg5[%mul3A_17] : memref<10240xf32, #tpu.memory_space<hbm>> -> memref<640xf32, #tpu.memory_space<hbm>>
        %dma_start3A_18 = tpu.memref_slice %arg5[%mul3A_17] : memref<10240xf32, #tpu.memory_space<hbm>> -> memref<640xf32, #tpu.memory_space<hbm>>
        tpu.enqueue_dma source(%arg10 : memref<640xf32, #tpu.memory_space<vmem>>) target(%dma_start3A_18 : memref<640xf32, #tpu.memory_space<hbm>>) target_semaphore(%run_scoped3A : memref<!tpu.dma_semaphore, #tpu.memory_space<semaphore_mem>>)
        %dma_wait3A = tpu.memref_slice %arg5[%mul3A_17] : memref<10240xf32, #tpu.memory_space<hbm>> -> memref<640xf32, #tpu.memory_space<hbm>>
        %dma_wait3A_19 = tpu.memref_slice %arg5[%mul3A_17] : memref<10240xf32, #tpu.memory_space<hbm>> -> memref<640xf32, #tpu.memory_space<hbm>>
        tpu.wait_dma2 semaphore(%run_scoped3A : memref<!tpu.dma_semaphore, #tpu.memory_space<semaphore_mem>>) src(%arg10 : memref<640xf32, #tpu.memory_space<vmem>>) dst(%dma_wait3A_19 : memref<640xf32, #tpu.memory_space<hbm>>)
        tpu.yield
      }) : () -> ()
    } else {
    }
    %eq3A_11 = arith.constant 1 : i32
    %eq3A_12 = arith.cmpi eq, %arg0, %eq3A_11 : i32
    %convert_element_type3A_13 = arith.extui %eq3A_12 : i1 to i32
    %cond3A_14 = arith.constant 0 : i32
    %cond3A_15 = arith.cmpi ne, %convert_element_type3A_13, %cond3A_14 : i32
    scf.if %cond3A_15 {
      %mul3A_16 = arith.constant 640 : i32
      %mul3A_17 = arith.muli %arg1, %mul3A_16 : i32
      "tpu.region"() ({
        %run_scoped3A = tpu.sem_alloc : memref<!tpu.dma_semaphore, #tpu.memory_space<semaphore_mem>>
        %dma_start3A = tpu.memref_slice %arg6[%mul3A_17] : memref<10240xf32, #tpu.memory_space<hbm>> -> memref<640xf32, #tpu.memory_space<hbm>>
        %dma_start3A_18 = tpu.memref_slice %arg6[%mul3A_17] : memref<10240xf32, #tpu.memory_space<hbm>> -> memref<640xf32, #tpu.memory_space<hbm>>
        tpu.enqueue_dma source(%arg10 : memref<640xf32, #tpu.memory_space<vmem>>) target(%dma_start3A_18 : memref<640xf32, #tpu.memory_space<hbm>>) target_semaphore(%run_scoped3A : memref<!tpu.dma_semaphore, #tpu.memory_space<semaphore_mem>>)
        %dma_wait3A = tpu.memref_slice %arg6[%mul3A_17] : memref<10240xf32, #tpu.memory_space<hbm>> -> memref<640xf32, #tpu.memory_space<hbm>>
        %dma_wait3A_19 = tpu.memref_slice %arg6[%mul3A_17] : memref<10240xf32, #tpu.memory_space<hbm>> -> memref<640xf32, #tpu.memory_space<hbm>>
        tpu.wait_dma2 semaphore(%run_scoped3A : memref<!tpu.dma_semaphore, #tpu.memory_space<semaphore_mem>>) src(%arg10 : memref<640xf32, #tpu.memory_space<vmem>>) dst(%dma_wait3A_19 : memref<640xf32, #tpu.memory_space<hbm>>)
        tpu.yield
      }) : () -> ()
    } else {
    }
    return
  }
}

#map = affine_map<(d0, d1) -> (0, 0)>
#map1 = affine_map<(d0, d1) -> (0, 0, 0, 0)>
#map2 = affine_map<(d0, d1) -> (0, 0, 0)>
module attributes {stable_mosaic.version = 14 : i64} {
  func.func @agg_kernel(%arg0: i32, %arg1: i32, %arg2: memref<20000x128xf32, #tpu.memory_space<hbm>>, %arg3: memref<2x16x80x128xi32, #tpu.memory_space<hbm>>, %arg4: memref<16x80x128xi32, #tpu.memory_space<hbm>>, %arg5: memref<128x128xf32, #tpu.memory_space<hbm>>, %arg6: memref<20000x128xf32, #tpu.memory_space<hbm>>, %arg7: memref<10112x128xf32, #tpu.memory_space<vmem_shared>>, %arg8: memref<80x128xi32, #tpu.memory_space<vmem>>, %arg9: memref<2x128xi32, #tpu.memory_space<vmem>>, %arg10: memref<128x128xf32, #tpu.memory_space<vmem>>, %arg11: memref<128x128xf32, #tpu.memory_space<vmem>>, %arg12: memref<!tpu.dma_semaphore, #tpu.memory_space<semaphore_mem>>, %arg13: memref<!tpu.dma_semaphore, #tpu.memory_space<semaphore_mem>>, %arg14: memref<!tpu.dma_semaphore, #tpu.memory_space<semaphore_mem>>, %arg15: memref<!tpu.dma_semaphore, #tpu.memory_space<semaphore_mem>>) attributes {dimension_semantics = [#tpu.dimension_semantics<core_parallel>, #tpu.dimension_semantics<subcore_parallel>], iteration_bounds = array<i64: 2, 16>, scalar_prefetch = 0 : i64, scratch_operands = 9 : i64, tpu.core_type = #tpu.core_type<sc_vector_subcore>, window_params = [{transform_indices = #map}, {transform_indices = #map1}, {transform_indices = #map2}, {transform_indices = #map}, {transform_indices = #map}]} {
    "tpu.region"() ({
      %run_scoped3A = tpu.sem_alloc : memref<!tpu.dma_semaphore, #tpu.memory_space<semaphore_mem>>
      %dma_start3A_71 = arith.constant 0 : i32
      %dma_start3A_72 = arith.constant 0 : i32
      %dma_start3A_73 = tpu.memref_slice %arg3[%arg0, %arg1, %dma_start3A_71, %dma_start3A_72] : memref<2x16x80x128xi32, #tpu.memory_space<hbm>> -> memref<1x1x80x128xi32, #tpu.memory_space<hbm>>
      %dma_start3A_74 = tpu.memref_squeeze %dma_start3A_73 : memref<1x1x80x128xi32, #tpu.memory_space<hbm>> -> memref<80x128xi32, #tpu.memory_space<hbm>>
      %dma_start3A_75 = arith.constant 0 : i32
      %dma_start3A_76 = arith.constant 0 : i32
      %dma_start3A_77 = tpu.memref_slice %arg3[%arg0, %arg1, %dma_start3A_75, %dma_start3A_76] : memref<2x16x80x128xi32, #tpu.memory_space<hbm>> -> memref<1x1x80x128xi32, #tpu.memory_space<hbm>>
      %dma_start3A_78 = tpu.memref_squeeze %dma_start3A_77 : memref<1x1x80x128xi32, #tpu.memory_space<hbm>> -> memref<80x128xi32, #tpu.memory_space<hbm>>
      tpu.enqueue_dma source(%dma_start3A_78 : memref<80x128xi32, #tpu.memory_space<hbm>>) target(%arg8 : memref<80x128xi32, #tpu.memory_space<vmem>>) target_semaphore(%run_scoped3A : memref<!tpu.dma_semaphore, #tpu.memory_space<semaphore_mem>>)
      %dma_wait3A = arith.constant 0 : i32
      %dma_wait3A_79 = arith.constant 0 : i32
      %dma_wait3A_80 = tpu.memref_slice %arg3[%arg0, %arg1, %dma_wait3A, %dma_wait3A_79] : memref<2x16x80x128xi32, #tpu.memory_space<hbm>> -> memref<1x1x80x128xi32, #tpu.memory_space<hbm>>
      %dma_wait3A_81 = tpu.memref_squeeze %dma_wait3A_80 : memref<1x1x80x128xi32, #tpu.memory_space<hbm>> -> memref<80x128xi32, #tpu.memory_space<hbm>>
      %dma_wait3A_82 = arith.constant 0 : i32
      %dma_wait3A_83 = arith.constant 0 : i32
      %dma_wait3A_84 = tpu.memref_slice %arg3[%arg0, %arg1, %dma_wait3A_82, %dma_wait3A_83] : memref<2x16x80x128xi32, #tpu.memory_space<hbm>> -> memref<1x1x80x128xi32, #tpu.memory_space<hbm>>
      %dma_wait3A_85 = tpu.memref_squeeze %dma_wait3A_84 : memref<1x1x80x128xi32, #tpu.memory_space<hbm>> -> memref<80x128xi32, #tpu.memory_space<hbm>>
      tpu.wait_dma2 semaphore(%run_scoped3A : memref<!tpu.dma_semaphore, #tpu.memory_space<semaphore_mem>>) src(%dma_wait3A_85 : memref<80x128xi32, #tpu.memory_space<hbm>>) dst(%arg8 : memref<80x128xi32, #tpu.memory_space<vmem>>)
      tpu.yield
    }) : () -> ()
    "tpu.region"() ({
      %run_scoped3A = tpu.sem_alloc : memref<!tpu.dma_semaphore, #tpu.memory_space<semaphore_mem>>
      tpu.enqueue_dma source(%arg5 : memref<128x128xf32, #tpu.memory_space<hbm>>) target(%arg10 : memref<128x128xf32, #tpu.memory_space<vmem>>) target_semaphore(%run_scoped3A : memref<!tpu.dma_semaphore, #tpu.memory_space<semaphore_mem>>)
      tpu.wait_dma2 semaphore(%run_scoped3A : memref<!tpu.dma_semaphore, #tpu.memory_space<semaphore_mem>>) src(%arg5 : memref<128x128xf32, #tpu.memory_space<hbm>>) dst(%arg10 : memref<128x128xf32, #tpu.memory_space<vmem>>)
      tpu.yield
    }) : () -> ()
    %mul3A = arith.constant 632 : i32
    %mul3A_0 = arith.muli %arg1, %mul3A : i32
    %add3A = arith.constant 0 : i32
    %add3A_1 = arith.addi %mul3A_0, %add3A : i32
    "tpu.region"() ({
      %run_scoped3A = tpu.sem_alloc : memref<!tpu.dma_semaphore, #tpu.memory_space<semaphore_mem>>
      %dma_start3A_71 = arith.constant 0 : i32
      %dma_start3A_72 = arith.constant 0 : i32
      %dma_start3A_73 = tpu.memref_slice %arg10[%dma_start3A_71, %dma_start3A_72] : memref<128x128xf32, #tpu.memory_space<vmem>> -> memref<128x128xf32, #tpu.memory_space<vmem>>
      %dma_start3A_74 = arith.constant 0 : i32
      %dma_start3A_75 = tpu.memref_slice %arg7[%add3A_1, %dma_start3A_74] : memref<10112x128xf32, #tpu.memory_space<vmem_shared>> -> memref<128x128xf32, #tpu.memory_space<vmem_shared>>
      %dma_start3A_76 = arith.constant 0 : i32
      %dma_start3A_77 = tpu.memref_slice %arg7[%add3A_1, %dma_start3A_76] : memref<10112x128xf32, #tpu.memory_space<vmem_shared>> -> memref<128x128xf32, #tpu.memory_space<vmem_shared>>
      %dma_start3A_78 = arith.constant 0 : i32
      %dma_start3A_79 = arith.constant 0 : i32
      %dma_start3A_80 = tpu.memref_slice %arg10[%dma_start3A_78, %dma_start3A_79] : memref<128x128xf32, #tpu.memory_space<vmem>> -> memref<128x128xf32, #tpu.memory_space<vmem>>
      tpu.enqueue_dma source(%dma_start3A_80 : memref<128x128xf32, #tpu.memory_space<vmem>>) target(%dma_start3A_77 : memref<128x128xf32, #tpu.memory_space<vmem_shared>>) target_semaphore(%run_scoped3A : memref<!tpu.dma_semaphore, #tpu.memory_space<semaphore_mem>>)
      %dma_wait3A = arith.constant 0 : i32
      %dma_wait3A_81 = arith.constant 0 : i32
      %dma_wait3A_82 = tpu.memref_slice %arg10[%dma_wait3A, %dma_wait3A_81] : memref<128x128xf32, #tpu.memory_space<vmem>> -> memref<128x128xf32, #tpu.memory_space<vmem>>
      %dma_wait3A_83 = arith.constant 0 : i32
      %dma_wait3A_84 = tpu.memref_slice %arg7[%add3A_1, %dma_wait3A_83] : memref<10112x128xf32, #tpu.memory_space<vmem_shared>> -> memref<128x128xf32, #tpu.memory_space<vmem_shared>>
      %dma_wait3A_85 = arith.constant 0 : i32
      %dma_wait3A_86 = tpu.memref_slice %arg7[%add3A_1, %dma_wait3A_85] : memref<10112x128xf32, #tpu.memory_space<vmem_shared>> -> memref<128x128xf32, #tpu.memory_space<vmem_shared>>
      %dma_wait3A_87 = arith.constant 0 : i32
      %dma_wait3A_88 = arith.constant 0 : i32
      %dma_wait3A_89 = tpu.memref_slice %arg10[%dma_wait3A_87, %dma_wait3A_88] : memref<128x128xf32, #tpu.memory_space<vmem>> -> memref<128x128xf32, #tpu.memory_space<vmem>>
      tpu.wait_dma2 semaphore(%run_scoped3A : memref<!tpu.dma_semaphore, #tpu.memory_space<semaphore_mem>>) src(%dma_wait3A_89 : memref<128x128xf32, #tpu.memory_space<vmem>>) dst(%dma_wait3A_86 : memref<128x128xf32, #tpu.memory_space<vmem_shared>>)
      tpu.yield
    }) : () -> ()
    %mul3A_2 = arith.constant 632 : i32
    %mul3A_3 = arith.muli %arg1, %mul3A_2 : i32
    %add3A_4 = arith.constant 128 : i32
    %add3A_5 = arith.addi %mul3A_3, %add3A_4 : i32
    "tpu.region"() ({
      %run_scoped3A = tpu.sem_alloc : memref<!tpu.dma_semaphore, #tpu.memory_space<semaphore_mem>>
      %dma_start3A_71 = arith.constant 0 : i32
      %dma_start3A_72 = arith.constant 0 : i32
      %dma_start3A_73 = tpu.memref_slice %arg10[%dma_start3A_71, %dma_start3A_72] : memref<128x128xf32, #tpu.memory_space<vmem>> -> memref<128x128xf32, #tpu.memory_space<vmem>>
      %dma_start3A_74 = arith.constant 0 : i32
      %dma_start3A_75 = tpu.memref_slice %arg7[%add3A_5, %dma_start3A_74] : memref<10112x128xf32, #tpu.memory_space<vmem_shared>> -> memref<128x128xf32, #tpu.memory_space<vmem_shared>>
      %dma_start3A_76 = arith.constant 0 : i32
      %dma_start3A_77 = tpu.memref_slice %arg7[%add3A_5, %dma_start3A_76] : memref<10112x128xf32, #tpu.memory_space<vmem_shared>> -> memref<128x128xf32, #tpu.memory_space<vmem_shared>>
      %dma_start3A_78 = arith.constant 0 : i32
      %dma_start3A_79 = arith.constant 0 : i32
      %dma_start3A_80 = tpu.memref_slice %arg10[%dma_start3A_78, %dma_start3A_79] : memref<128x128xf32, #tpu.memory_space<vmem>> -> memref<128x128xf32, #tpu.memory_space<vmem>>
      tpu.enqueue_dma source(%dma_start3A_80 : memref<128x128xf32, #tpu.memory_space<vmem>>) target(%dma_start3A_77 : memref<128x128xf32, #tpu.memory_space<vmem_shared>>) target_semaphore(%run_scoped3A : memref<!tpu.dma_semaphore, #tpu.memory_space<semaphore_mem>>)
      %dma_wait3A = arith.constant 0 : i32
      %dma_wait3A_81 = arith.constant 0 : i32
      %dma_wait3A_82 = tpu.memref_slice %arg10[%dma_wait3A, %dma_wait3A_81] : memref<128x128xf32, #tpu.memory_space<vmem>> -> memref<128x128xf32, #tpu.memory_space<vmem>>
      %dma_wait3A_83 = arith.constant 0 : i32
      %dma_wait3A_84 = tpu.memref_slice %arg7[%add3A_5, %dma_wait3A_83] : memref<10112x128xf32, #tpu.memory_space<vmem_shared>> -> memref<128x128xf32, #tpu.memory_space<vmem_shared>>
      %dma_wait3A_85 = arith.constant 0 : i32
      %dma_wait3A_86 = tpu.memref_slice %arg7[%add3A_5, %dma_wait3A_85] : memref<10112x128xf32, #tpu.memory_space<vmem_shared>> -> memref<128x128xf32, #tpu.memory_space<vmem_shared>>
      %dma_wait3A_87 = arith.constant 0 : i32
      %dma_wait3A_88 = arith.constant 0 : i32
      %dma_wait3A_89 = tpu.memref_slice %arg10[%dma_wait3A_87, %dma_wait3A_88] : memref<128x128xf32, #tpu.memory_space<vmem>> -> memref<128x128xf32, #tpu.memory_space<vmem>>
      tpu.wait_dma2 semaphore(%run_scoped3A : memref<!tpu.dma_semaphore, #tpu.memory_space<semaphore_mem>>) src(%dma_wait3A_89 : memref<128x128xf32, #tpu.memory_space<vmem>>) dst(%dma_wait3A_86 : memref<128x128xf32, #tpu.memory_space<vmem_shared>>)
      tpu.yield
    }) : () -> ()
    %mul3A_6 = arith.constant 632 : i32
    %mul3A_7 = arith.muli %arg1, %mul3A_6 : i32
    %add3A_8 = arith.constant 256 : i32
    %add3A_9 = arith.addi %mul3A_7, %add3A_8 : i32
    "tpu.region"() ({
      %run_scoped3A = tpu.sem_alloc : memref<!tpu.dma_semaphore, #tpu.memory_space<semaphore_mem>>
      %dma_start3A_71 = arith.constant 0 : i32
      %dma_start3A_72 = arith.constant 0 : i32
      %dma_start3A_73 = tpu.memref_slice %arg10[%dma_start3A_71, %dma_start3A_72] : memref<128x128xf32, #tpu.memory_space<vmem>> -> memref<128x128xf32, #tpu.memory_space<vmem>>
      %dma_start3A_74 = arith.constant 0 : i32
      %dma_start3A_75 = tpu.memref_slice %arg7[%add3A_9, %dma_start3A_74] : memref<10112x128xf32, #tpu.memory_space<vmem_shared>> -> memref<128x128xf32, #tpu.memory_space<vmem_shared>>
      %dma_start3A_76 = arith.constant 0 : i32
      %dma_start3A_77 = tpu.memref_slice %arg7[%add3A_9, %dma_start3A_76] : memref<10112x128xf32, #tpu.memory_space<vmem_shared>> -> memref<128x128xf32, #tpu.memory_space<vmem_shared>>
      %dma_start3A_78 = arith.constant 0 : i32
      %dma_start3A_79 = arith.constant 0 : i32
      %dma_start3A_80 = tpu.memref_slice %arg10[%dma_start3A_78, %dma_start3A_79] : memref<128x128xf32, #tpu.memory_space<vmem>> -> memref<128x128xf32, #tpu.memory_space<vmem>>
      tpu.enqueue_dma source(%dma_start3A_80 : memref<128x128xf32, #tpu.memory_space<vmem>>) target(%dma_start3A_77 : memref<128x128xf32, #tpu.memory_space<vmem_shared>>) target_semaphore(%run_scoped3A : memref<!tpu.dma_semaphore, #tpu.memory_space<semaphore_mem>>)
      %dma_wait3A = arith.constant 0 : i32
      %dma_wait3A_81 = arith.constant 0 : i32
      %dma_wait3A_82 = tpu.memref_slice %arg10[%dma_wait3A, %dma_wait3A_81] : memref<128x128xf32, #tpu.memory_space<vmem>> -> memref<128x128xf32, #tpu.memory_space<vmem>>
      %dma_wait3A_83 = arith.constant 0 : i32
      %dma_wait3A_84 = tpu.memref_slice %arg7[%add3A_9, %dma_wait3A_83] : memref<10112x128xf32, #tpu.memory_space<vmem_shared>> -> memref<128x128xf32, #tpu.memory_space<vmem_shared>>
      %dma_wait3A_85 = arith.constant 0 : i32
      %dma_wait3A_86 = tpu.memref_slice %arg7[%add3A_9, %dma_wait3A_85] : memref<10112x128xf32, #tpu.memory_space<vmem_shared>> -> memref<128x128xf32, #tpu.memory_space<vmem_shared>>
      %dma_wait3A_87 = arith.constant 0 : i32
      %dma_wait3A_88 = arith.constant 0 : i32
      %dma_wait3A_89 = tpu.memref_slice %arg10[%dma_wait3A_87, %dma_wait3A_88] : memref<128x128xf32, #tpu.memory_space<vmem>> -> memref<128x128xf32, #tpu.memory_space<vmem>>
      tpu.wait_dma2 semaphore(%run_scoped3A : memref<!tpu.dma_semaphore, #tpu.memory_space<semaphore_mem>>) src(%dma_wait3A_89 : memref<128x128xf32, #tpu.memory_space<vmem>>) dst(%dma_wait3A_86 : memref<128x128xf32, #tpu.memory_space<vmem_shared>>)
      tpu.yield
    }) : () -> ()
    %mul3A_10 = arith.constant 632 : i32
    %mul3A_11 = arith.muli %arg1, %mul3A_10 : i32
    %add3A_12 = arith.constant 384 : i32
    %add3A_13 = arith.addi %mul3A_11, %add3A_12 : i32
    "tpu.region"() ({
      %run_scoped3A = tpu.sem_alloc : memref<!tpu.dma_semaphore, #tpu.memory_space<semaphore_mem>>
      %dma_start3A_71 = arith.constant 0 : i32
      %dma_start3A_72 = arith.constant 0 : i32
      %dma_start3A_73 = tpu.memref_slice %arg10[%dma_start3A_71, %dma_start3A_72] : memref<128x128xf32, #tpu.memory_space<vmem>> -> memref<128x128xf32, #tpu.memory_space<vmem>>
      %dma_start3A_74 = arith.constant 0 : i32
      %dma_start3A_75 = tpu.memref_slice %arg7[%add3A_13, %dma_start3A_74] : memref<10112x128xf32, #tpu.memory_space<vmem_shared>> -> memref<128x128xf32, #tpu.memory_space<vmem_shared>>
      %dma_start3A_76 = arith.constant 0 : i32
      %dma_start3A_77 = tpu.memref_slice %arg7[%add3A_13, %dma_start3A_76] : memref<10112x128xf32, #tpu.memory_space<vmem_shared>> -> memref<128x128xf32, #tpu.memory_space<vmem_shared>>
      %dma_start3A_78 = arith.constant 0 : i32
      %dma_start3A_79 = arith.constant 0 : i32
      %dma_start3A_80 = tpu.memref_slice %arg10[%dma_start3A_78, %dma_start3A_79] : memref<128x128xf32, #tpu.memory_space<vmem>> -> memref<128x128xf32, #tpu.memory_space<vmem>>
      tpu.enqueue_dma source(%dma_start3A_80 : memref<128x128xf32, #tpu.memory_space<vmem>>) target(%dma_start3A_77 : memref<128x128xf32, #tpu.memory_space<vmem_shared>>) target_semaphore(%run_scoped3A : memref<!tpu.dma_semaphore, #tpu.memory_space<semaphore_mem>>)
      %dma_wait3A = arith.constant 0 : i32
      %dma_wait3A_81 = arith.constant 0 : i32
      %dma_wait3A_82 = tpu.memref_slice %arg10[%dma_wait3A, %dma_wait3A_81] : memref<128x128xf32, #tpu.memory_space<vmem>> -> memref<128x128xf32, #tpu.memory_space<vmem>>
      %dma_wait3A_83 = arith.constant 0 : i32
      %dma_wait3A_84 = tpu.memref_slice %arg7[%add3A_13, %dma_wait3A_83] : memref<10112x128xf32, #tpu.memory_space<vmem_shared>> -> memref<128x128xf32, #tpu.memory_space<vmem_shared>>
      %dma_wait3A_85 = arith.constant 0 : i32
      %dma_wait3A_86 = tpu.memref_slice %arg7[%add3A_13, %dma_wait3A_85] : memref<10112x128xf32, #tpu.memory_space<vmem_shared>> -> memref<128x128xf32, #tpu.memory_space<vmem_shared>>
      %dma_wait3A_87 = arith.constant 0 : i32
      %dma_wait3A_88 = arith.constant 0 : i32
      %dma_wait3A_89 = tpu.memref_slice %arg10[%dma_wait3A_87, %dma_wait3A_88] : memref<128x128xf32, #tpu.memory_space<vmem>> -> memref<128x128xf32, #tpu.memory_space<vmem>>
      tpu.wait_dma2 semaphore(%run_scoped3A : memref<!tpu.dma_semaphore, #tpu.memory_space<semaphore_mem>>) src(%dma_wait3A_89 : memref<128x128xf32, #tpu.memory_space<vmem>>) dst(%dma_wait3A_86 : memref<128x128xf32, #tpu.memory_space<vmem_shared>>)
      tpu.yield
    }) : () -> ()
    %mul3A_14 = arith.constant 632 : i32
    %mul3A_15 = arith.muli %arg1, %mul3A_14 : i32
    %add3A_16 = arith.constant 512 : i32
    %add3A_17 = arith.addi %mul3A_15, %add3A_16 : i32
    "tpu.region"() ({
      %run_scoped3A = tpu.sem_alloc : memref<!tpu.dma_semaphore, #tpu.memory_space<semaphore_mem>>
      %dma_start3A_71 = arith.constant 0 : i32
      %dma_start3A_72 = arith.constant 0 : i32
      %dma_start3A_73 = tpu.memref_slice %arg10[%dma_start3A_71, %dma_start3A_72] : memref<128x128xf32, #tpu.memory_space<vmem>> -> memref<120x128xf32, #tpu.memory_space<vmem>>
      %dma_start3A_74 = arith.constant 0 : i32
      %dma_start3A_75 = tpu.memref_slice %arg7[%add3A_17, %dma_start3A_74] : memref<10112x128xf32, #tpu.memory_space<vmem_shared>> -> memref<120x128xf32, #tpu.memory_space<vmem_shared>>
      %dma_start3A_76 = arith.constant 0 : i32
      %dma_start3A_77 = tpu.memref_slice %arg7[%add3A_17, %dma_start3A_76] : memref<10112x128xf32, #tpu.memory_space<vmem_shared>> -> memref<120x128xf32, #tpu.memory_space<vmem_shared>>
      %dma_start3A_78 = arith.constant 0 : i32
      %dma_start3A_79 = arith.constant 0 : i32
      %dma_start3A_80 = tpu.memref_slice %arg10[%dma_start3A_78, %dma_start3A_79] : memref<128x128xf32, #tpu.memory_space<vmem>> -> memref<120x128xf32, #tpu.memory_space<vmem>>
      tpu.enqueue_dma source(%dma_start3A_80 : memref<120x128xf32, #tpu.memory_space<vmem>>) target(%dma_start3A_77 : memref<120x128xf32, #tpu.memory_space<vmem_shared>>) target_semaphore(%run_scoped3A : memref<!tpu.dma_semaphore, #tpu.memory_space<semaphore_mem>>)
      %dma_wait3A = arith.constant 0 : i32
      %dma_wait3A_81 = arith.constant 0 : i32
      %dma_wait3A_82 = tpu.memref_slice %arg10[%dma_wait3A, %dma_wait3A_81] : memref<128x128xf32, #tpu.memory_space<vmem>> -> memref<120x128xf32, #tpu.memory_space<vmem>>
      %dma_wait3A_83 = arith.constant 0 : i32
      %dma_wait3A_84 = tpu.memref_slice %arg7[%add3A_17, %dma_wait3A_83] : memref<10112x128xf32, #tpu.memory_space<vmem_shared>> -> memref<120x128xf32, #tpu.memory_space<vmem_shared>>
      %dma_wait3A_85 = arith.constant 0 : i32
      %dma_wait3A_86 = tpu.memref_slice %arg7[%add3A_17, %dma_wait3A_85] : memref<10112x128xf32, #tpu.memory_space<vmem_shared>> -> memref<120x128xf32, #tpu.memory_space<vmem_shared>>
      %dma_wait3A_87 = arith.constant 0 : i32
      %dma_wait3A_88 = arith.constant 0 : i32
      %dma_wait3A_89 = tpu.memref_slice %arg10[%dma_wait3A_87, %dma_wait3A_88] : memref<128x128xf32, #tpu.memory_space<vmem>> -> memref<120x128xf32, #tpu.memory_space<vmem>>
      tpu.wait_dma2 semaphore(%run_scoped3A : memref<!tpu.dma_semaphore, #tpu.memory_space<semaphore_mem>>) src(%dma_wait3A_89 : memref<120x128xf32, #tpu.memory_space<vmem>>) dst(%dma_wait3A_86 : memref<120x128xf32, #tpu.memory_space<vmem_shared>>)
      tpu.yield
    }) : () -> ()
    %dma_start3A = arith.constant 0 : i32
    %dma_start3A_18 = arith.constant 0 : i32
    %dma_start3A_19 = arith.constant 0 : i32
    %dma_start3A_20 = tpu.memref_slice %arg9[%dma_start3A_18, %dma_start3A_19] : memref<2x128xi32, #tpu.memory_space<vmem>> -> memref<1x128xi32, #tpu.memory_space<vmem>>
    %dma_start3A_21 = tpu.memref_squeeze %dma_start3A_20 : memref<1x128xi32, #tpu.memory_space<vmem>> -> memref<128xi32, #tpu.memory_space<vmem>>
    %dma_start3A_22 = arith.constant 0 : i32
    %dma_start3A_23 = tpu.memref_slice %arg4[%arg1, %dma_start3A, %dma_start3A_22] : memref<16x80x128xi32, #tpu.memory_space<hbm>> -> memref<1x1x128xi32, #tpu.memory_space<hbm>>
    %dma_start3A_24 = tpu.memref_squeeze %dma_start3A_23 : memref<1x1x128xi32, #tpu.memory_space<hbm>> -> memref<128xi32, #tpu.memory_space<hbm>>
    %dma_start3A_25 = arith.constant 0 : i32
    %dma_start3A_26 = tpu.memref_slice %arg9[%dma_start3A_18, %dma_start3A_25] : memref<2x128xi32, #tpu.memory_space<vmem>> -> memref<1x128xi32, #tpu.memory_space<vmem>>
    %dma_start3A_27 = tpu.memref_squeeze %dma_start3A_26 : memref<1x128xi32, #tpu.memory_space<vmem>> -> memref<128xi32, #tpu.memory_space<vmem>>
    %dma_start3A_28 = arith.constant 0 : i32
    %dma_start3A_29 = tpu.memref_slice %arg4[%arg1, %dma_start3A, %dma_start3A_28] : memref<16x80x128xi32, #tpu.memory_space<hbm>> -> memref<1x1x128xi32, #tpu.memory_space<hbm>>
    %dma_start3A_30 = tpu.memref_squeeze %dma_start3A_29 : memref<1x1x128xi32, #tpu.memory_space<hbm>> -> memref<128xi32, #tpu.memory_space<hbm>>
    tpu.enqueue_dma source(%dma_start3A_30 : memref<128xi32, #tpu.memory_space<hbm>>) target(%dma_start3A_27 : memref<128xi32, #tpu.memory_space<vmem>>) target_semaphore(%arg14 : memref<!tpu.dma_semaphore, #tpu.memory_space<semaphore_mem>>)
    %dma_start3A_31 = arith.constant 1 : i32
    %dma_start3A_32 = arith.constant 1 : i32
    %dma_start3A_33 = arith.constant 0 : i32
    %dma_start3A_34 = tpu.memref_slice %arg9[%dma_start3A_32, %dma_start3A_33] : memref<2x128xi32, #tpu.memory_space<vmem>> -> memref<1x128xi32, #tpu.memory_space<vmem>>
    %dma_start3A_35 = tpu.memref_squeeze %dma_start3A_34 : memref<1x128xi32, #tpu.memory_space<vmem>> -> memref<128xi32, #tpu.memory_space<vmem>>
    %dma_start3A_36 = arith.constant 0 : i32
    %dma_start3A_37 = tpu.memref_slice %arg4[%arg1, %dma_start3A_31, %dma_start3A_36] : memref<16x80x128xi32, #tpu.memory_space<hbm>> -> memref<1x1x128xi32, #tpu.memory_space<hbm>>
    %dma_start3A_38 = tpu.memref_squeeze %dma_start3A_37 : memref<1x1x128xi32, #tpu.memory_space<hbm>> -> memref<128xi32, #tpu.memory_space<hbm>>
    %dma_start3A_39 = arith.constant 0 : i32
    %dma_start3A_40 = tpu.memref_slice %arg9[%dma_start3A_32, %dma_start3A_39] : memref<2x128xi32, #tpu.memory_space<vmem>> -> memref<1x128xi32, #tpu.memory_space<vmem>>
    %dma_start3A_41 = tpu.memref_squeeze %dma_start3A_40 : memref<1x128xi32, #tpu.memory_space<vmem>> -> memref<128xi32, #tpu.memory_space<vmem>>
    %dma_start3A_42 = arith.constant 0 : i32
    %dma_start3A_43 = tpu.memref_slice %arg4[%arg1, %dma_start3A_31, %dma_start3A_42] : memref<16x80x128xi32, #tpu.memory_space<hbm>> -> memref<1x1x128xi32, #tpu.memory_space<hbm>>
    %dma_start3A_44 = tpu.memref_squeeze %dma_start3A_43 : memref<1x1x128xi32, #tpu.memory_space<hbm>> -> memref<128xi32, #tpu.memory_space<hbm>>
    tpu.enqueue_dma source(%dma_start3A_44 : memref<128xi32, #tpu.memory_space<hbm>>) target(%dma_start3A_41 : memref<128xi32, #tpu.memory_space<vmem>>) target_semaphore(%arg15 : memref<!tpu.dma_semaphore, #tpu.memory_space<semaphore_mem>>)
    %dma_start3A_45 = arith.constant 0 : i32
    %dma_start3A_46 = arith.constant 0 : i32
    %dma_start3A_47 = tpu.memref_slice %arg8[%dma_start3A_45, %dma_start3A_46] : memref<80x128xi32, #tpu.memory_space<vmem>> -> memref<1x128xi32, #tpu.memory_space<vmem>>
    %dma_start3A_48 = tpu.memref_squeeze %dma_start3A_47 : memref<1x128xi32, #tpu.memory_space<vmem>> -> memref<128xi32, #tpu.memory_space<vmem>>
    %dma_start3A_49 = arith.constant 0 : i32
    %dma_start3A_50 = arith.constant 0 : i32
    %dma_start3A_51 = tpu.memref_slice %arg2[%dma_start3A_49, %dma_start3A_50] : memref<20000x128xf32, #tpu.memory_space<hbm>> -> memref<20000x128xf32, #tpu.memory_space<hbm>>
    tpu.enqueue_indirect_dma source(%dma_start3A_51 : memref<20000x128xf32, #tpu.memory_space<hbm>>) target(%arg10 : memref<128x128xf32, #tpu.memory_space<vmem>>) offsets(%dma_start3A_48 : memref<128xi32, #tpu.memory_space<vmem>>) semaphore(%arg12 : memref<!tpu.dma_semaphore, #tpu.memory_space<semaphore_mem>>)
    %dma_start3A_52 = arith.constant 1 : i32
    %dma_start3A_53 = arith.constant 0 : i32
    %dma_start3A_54 = tpu.memref_slice %arg8[%dma_start3A_52, %dma_start3A_53] : memref<80x128xi32, #tpu.memory_space<vmem>> -> memref<1x128xi32, #tpu.memory_space<vmem>>
    %dma_start3A_55 = tpu.memref_squeeze %dma_start3A_54 : memref<1x128xi32, #tpu.memory_space<vmem>> -> memref<128xi32, #tpu.memory_space<vmem>>
    %dma_start3A_56 = arith.constant 0 : i32
    %dma_start3A_57 = arith.constant 0 : i32
    %dma_start3A_58 = tpu.memref_slice %arg2[%dma_start3A_56, %dma_start3A_57] : memref<20000x128xf32, #tpu.memory_space<hbm>> -> memref<20000x128xf32, #tpu.memory_space<hbm>>
    tpu.enqueue_indirect_dma source(%dma_start3A_58 : memref<20000x128xf32, #tpu.memory_space<hbm>>) target(%arg11 : memref<128x128xf32, #tpu.memory_space<vmem>>) offsets(%dma_start3A_55 : memref<128xi32, #tpu.memory_space<vmem>>) semaphore(%arg13 : memref<!tpu.dma_semaphore, #tpu.memory_space<semaphore_mem>>)
    %barrier3A = arith.constant 0 : index
    tpu.barrier barrier_id(%barrier3A)
    %scan3A = arith.constant 0 : i32
    %scan3A_59 = arith.constant 0 : i32
    %scan3A_60 = arith.constant 40 : i32
    %scan3A_61 = arith.addi %scan3A_59, %scan3A_60 : i32
    %scan3A_62 = arith.constant 1 : i32
    scf.for %scan3A_71 = %scan3A_59 to %scan3A_61 step %scan3A_62  : i32 {
      %mul3A_72 = arith.constant 2 : i32
      %mul3A_73 = arith.muli %mul3A_72, %scan3A_71 : i32
      %dma_wait3A = arith.constant 0 : i32
      %dma_wait3A_74 = tpu.memref_slice %arg8[%mul3A_73, %dma_wait3A] : memref<80x128xi32, #tpu.memory_space<vmem>> -> memref<1x128xi32, #tpu.memory_space<vmem>>
      %dma_wait3A_75 = tpu.memref_squeeze %dma_wait3A_74 : memref<1x128xi32, #tpu.memory_space<vmem>> -> memref<128xi32, #tpu.memory_space<vmem>>
      %dma_wait3A_76 = arith.constant 0 : i32
      %dma_wait3A_77 = arith.constant 0 : i32
      %dma_wait3A_78 = tpu.memref_slice %arg2[%dma_wait3A_76, %dma_wait3A_77] : memref<20000x128xf32, #tpu.memory_space<hbm>> -> memref<20000x128xf32, #tpu.memory_space<hbm>>
      tpu.wait_indirect_dma semaphore(%arg12 : memref<!tpu.dma_semaphore, #tpu.memory_space<semaphore_mem>>) src(%dma_wait3A_78 : memref<20000x128xf32, #tpu.memory_space<hbm>>) dst(%arg10 : memref<128x128xf32, #tpu.memory_space<vmem>>)
      %dma_wait3A_79 = arith.constant 0 : i32
      %dma_wait3A_80 = arith.constant 0 : i32
      %dma_wait3A_81 = tpu.memref_slice %arg9[%dma_wait3A_79, %dma_wait3A_80] : memref<2x128xi32, #tpu.memory_space<vmem>> -> memref<1x128xi32, #tpu.memory_space<vmem>>
      %dma_wait3A_82 = tpu.memref_squeeze %dma_wait3A_81 : memref<1x128xi32, #tpu.memory_space<vmem>> -> memref<128xi32, #tpu.memory_space<vmem>>
      %dma_wait3A_83 = arith.constant 0 : i32
      %dma_wait3A_84 = tpu.memref_slice %arg4[%arg1, %mul3A_73, %dma_wait3A_83] : memref<16x80x128xi32, #tpu.memory_space<hbm>> -> memref<1x1x128xi32, #tpu.memory_space<hbm>>
      %dma_wait3A_85 = tpu.memref_squeeze %dma_wait3A_84 : memref<1x1x128xi32, #tpu.memory_space<hbm>> -> memref<128xi32, #tpu.memory_space<hbm>>
      %dma_wait3A_86 = arith.constant 0 : i32
      %dma_wait3A_87 = tpu.memref_slice %arg9[%dma_wait3A_79, %dma_wait3A_86] : memref<2x128xi32, #tpu.memory_space<vmem>> -> memref<1x128xi32, #tpu.memory_space<vmem>>
      %dma_wait3A_88 = tpu.memref_squeeze %dma_wait3A_87 : memref<1x128xi32, #tpu.memory_space<vmem>> -> memref<128xi32, #tpu.memory_space<vmem>>
      %dma_wait3A_89 = arith.constant 0 : i32
      %dma_wait3A_90 = tpu.memref_slice %arg4[%arg1, %mul3A_73, %dma_wait3A_89] : memref<16x80x128xi32, #tpu.memory_space<hbm>> -> memref<1x1x128xi32, #tpu.memory_space<hbm>>
      %dma_wait3A_91 = tpu.memref_squeeze %dma_wait3A_90 : memref<1x1x128xi32, #tpu.memory_space<hbm>> -> memref<128xi32, #tpu.memory_space<hbm>>
      tpu.wait_dma2 semaphore(%arg14 : memref<!tpu.dma_semaphore, #tpu.memory_space<semaphore_mem>>) src(%dma_wait3A_91 : memref<128xi32, #tpu.memory_space<hbm>>) dst(%dma_wait3A_88 : memref<128xi32, #tpu.memory_space<vmem>>)
      %run_scoped3A = arith.constant 0 : i32
      "tpu.region"() ({
        %run_scoped3A_132 = tpu.sem_alloc : memref<!tpu.dma_semaphore, #tpu.memory_space<semaphore_mem>>
        %dma_start3A_133 = arith.constant 0 : i32
        %dma_start3A_134 = tpu.memref_slice %arg9[%run_scoped3A, %dma_start3A_133] : memref<2x128xi32, #tpu.memory_space<vmem>> -> memref<1x128xi32, #tpu.memory_space<vmem>>
        %dma_start3A_135 = tpu.memref_squeeze %dma_start3A_134 : memref<1x128xi32, #tpu.memory_space<vmem>> -> memref<128xi32, #tpu.memory_space<vmem>>
        %dma_start3A_136 = arith.constant 0 : i32
        %dma_start3A_137 = arith.constant 0 : i32
        %dma_start3A_138 = tpu.memref_slice %arg7[%dma_start3A_136, %dma_start3A_137] : memref<10112x128xf32, #tpu.memory_space<vmem_shared>> -> memref<10112x128xf32, #tpu.memory_space<vmem_shared>>
        tpu.enqueue_indirect_dma source(%arg10 : memref<128x128xf32, #tpu.memory_space<vmem>>) target(%dma_start3A_138 : memref<10112x128xf32, #tpu.memory_space<vmem_shared>>) offsets(%dma_start3A_135 : memref<128xi32, #tpu.memory_space<vmem>>) semaphore(%run_scoped3A_132 : memref<!tpu.dma_semaphore, #tpu.memory_space<semaphore_mem>>) {add = true}
        %dma_wait3A_139 = arith.constant 0 : i32
        %dma_wait3A_140 = tpu.memref_slice %arg9[%run_scoped3A, %dma_wait3A_139] : memref<2x128xi32, #tpu.memory_space<vmem>> -> memref<1x128xi32, #tpu.memory_space<vmem>>
        %dma_wait3A_141 = tpu.memref_squeeze %dma_wait3A_140 : memref<1x128xi32, #tpu.memory_space<vmem>> -> memref<128xi32, #tpu.memory_space<vmem>>
        %dma_wait3A_142 = arith.constant 0 : i32
        %dma_wait3A_143 = arith.constant 0 : i32
        %dma_wait3A_144 = tpu.memref_slice %arg7[%dma_wait3A_142, %dma_wait3A_143] : memref<10112x128xf32, #tpu.memory_space<vmem_shared>> -> memref<10112x128xf32, #tpu.memory_space<vmem_shared>>
        tpu.wait_indirect_dma semaphore(%run_scoped3A_132 : memref<!tpu.dma_semaphore, #tpu.memory_space<semaphore_mem>>) src(%arg10 : memref<128x128xf32, #tpu.memory_space<vmem>>) dst(%dma_wait3A_144 : memref<10112x128xf32, #tpu.memory_space<vmem_shared>>)
        tpu.yield
      }) : () -> ()
      %add3A_92 = arith.constant 2 : i32
      %add3A_93 = arith.addi %mul3A_73, %add3A_92 : i32
      %lt3A_94 = arith.constant 80 : i32
      %lt3A_95 = arith.cmpi slt, %add3A_93, %lt3A_94 : i32
      %convert_element_type3A_96 = arith.extui %lt3A_95 : i1 to i32
      %cond3A_97 = arith.constant 0 : i32
      %cond3A_98 = arith.constant 0 : i32
      %cond3A_99 = arith.cmpi ne, %convert_element_type3A_96, %cond3A_98 : i32
      scf.if %cond3A_99 {
        %add3A_132 = arith.constant 2 : i32
        %add3A_133 = arith.addi %mul3A_73, %add3A_132 : i32
        %dma_start3A_134 = arith.constant 0 : i32
        %dma_start3A_135 = tpu.memref_slice %arg9[%cond3A_97, %dma_start3A_134] : memref<2x128xi32, #tpu.memory_space<vmem>> -> memref<1x128xi32, #tpu.memory_space<vmem>>
        %dma_start3A_136 = tpu.memref_squeeze %dma_start3A_135 : memref<1x128xi32, #tpu.memory_space<vmem>> -> memref<128xi32, #tpu.memory_space<vmem>>
        %dma_start3A_137 = arith.constant 0 : i32
        %dma_start3A_138 = tpu.memref_slice %arg4[%arg1, %add3A_133, %dma_start3A_137] : memref<16x80x128xi32, #tpu.memory_space<hbm>> -> memref<1x1x128xi32, #tpu.memory_space<hbm>>
        %dma_start3A_139 = tpu.memref_squeeze %dma_start3A_138 : memref<1x1x128xi32, #tpu.memory_space<hbm>> -> memref<128xi32, #tpu.memory_space<hbm>>
        %dma_start3A_140 = arith.constant 0 : i32
        %dma_start3A_141 = tpu.memref_slice %arg9[%cond3A_97, %dma_start3A_140] : memref<2x128xi32, #tpu.memory_space<vmem>> -> memref<1x128xi32, #tpu.memory_space<vmem>>
        %dma_start3A_142 = tpu.memref_squeeze %dma_start3A_141 : memref<1x128xi32, #tpu.memory_space<vmem>> -> memref<128xi32, #tpu.memory_space<vmem>>
        %dma_start3A_143 = arith.constant 0 : i32
        %dma_start3A_144 = tpu.memref_slice %arg4[%arg1, %add3A_133, %dma_start3A_143] : memref<16x80x128xi32, #tpu.memory_space<hbm>> -> memref<1x1x128xi32, #tpu.memory_space<hbm>>
        %dma_start3A_145 = tpu.memref_squeeze %dma_start3A_144 : memref<1x1x128xi32, #tpu.memory_space<hbm>> -> memref<128xi32, #tpu.memory_space<hbm>>
        tpu.enqueue_dma source(%dma_start3A_145 : memref<128xi32, #tpu.memory_space<hbm>>) target(%dma_start3A_142 : memref<128xi32, #tpu.memory_space<vmem>>) target_semaphore(%arg14 : memref<!tpu.dma_semaphore, #tpu.memory_space<semaphore_mem>>)
        %add3A_146 = arith.constant 2 : i32
        %add3A_147 = arith.addi %mul3A_73, %add3A_146 : i32
        %dma_start3A_148 = arith.constant 0 : i32
        %dma_start3A_149 = tpu.memref_slice %arg8[%add3A_147, %dma_start3A_148] : memref<80x128xi32, #tpu.memory_space<vmem>> -> memref<1x128xi32, #tpu.memory_space<vmem>>
        %dma_start3A_150 = tpu.memref_squeeze %dma_start3A_149 : memref<1x128xi32, #tpu.memory_space<vmem>> -> memref<128xi32, #tpu.memory_space<vmem>>
        %dma_start3A_151 = arith.constant 0 : i32
        %dma_start3A_152 = arith.constant 0 : i32
        %dma_start3A_153 = tpu.memref_slice %arg2[%dma_start3A_151, %dma_start3A_152] : memref<20000x128xf32, #tpu.memory_space<hbm>> -> memref<20000x128xf32, #tpu.memory_space<hbm>>
        tpu.enqueue_indirect_dma source(%dma_start3A_153 : memref<20000x128xf32, #tpu.memory_space<hbm>>) target(%arg10 : memref<128x128xf32, #tpu.memory_space<vmem>>) offsets(%dma_start3A_150 : memref<128xi32, #tpu.memory_space<vmem>>) semaphore(%arg12 : memref<!tpu.dma_semaphore, #tpu.memory_space<semaphore_mem>>)
      } else {
      }
      %mul3A_100 = arith.constant 2 : i32
      %mul3A_101 = arith.muli %mul3A_100, %scan3A_71 : i32
      %add3A_102 = arith.constant 1 : i32
      %add3A_103 = arith.addi %mul3A_101, %add3A_102 : i32
      %dma_wait3A_104 = arith.constant 0 : i32
      %dma_wait3A_105 = tpu.memref_slice %arg8[%add3A_103, %dma_wait3A_104] : memref<80x128xi32, #tpu.memory_space<vmem>> -> memref<1x128xi32, #tpu.memory_space<vmem>>
      %dma_wait3A_106 = tpu.memref_squeeze %dma_wait3A_105 : memref<1x128xi32, #tpu.memory_space<vmem>> -> memref<128xi32, #tpu.memory_space<vmem>>
      %dma_wait3A_107 = arith.constant 0 : i32
      %dma_wait3A_108 = arith.constant 0 : i32
      %dma_wait3A_109 = tpu.memref_slice %arg2[%dma_wait3A_107, %dma_wait3A_108] : memref<20000x128xf32, #tpu.memory_space<hbm>> -> memref<20000x128xf32, #tpu.memory_space<hbm>>
      tpu.wait_indirect_dma semaphore(%arg13 : memref<!tpu.dma_semaphore, #tpu.memory_space<semaphore_mem>>) src(%dma_wait3A_109 : memref<20000x128xf32, #tpu.memory_space<hbm>>) dst(%arg11 : memref<128x128xf32, #tpu.memory_space<vmem>>)
      %dma_wait3A_110 = arith.constant 1 : i32
      %dma_wait3A_111 = arith.constant 0 : i32
      %dma_wait3A_112 = tpu.memref_slice %arg9[%dma_wait3A_110, %dma_wait3A_111] : memref<2x128xi32, #tpu.memory_space<vmem>> -> memref<1x128xi32, #tpu.memory_space<vmem>>
      %dma_wait3A_113 = tpu.memref_squeeze %dma_wait3A_112 : memref<1x128xi32, #tpu.memory_space<vmem>> -> memref<128xi32, #tpu.memory_space<vmem>>
      %dma_wait3A_114 = arith.constant 0 : i32
      %dma_wait3A_115 = tpu.memref_slice %arg4[%arg1, %add3A_103, %dma_wait3A_114] : memref<16x80x128xi32, #tpu.memory_space<hbm>> -> memref<1x1x128xi32, #tpu.memory_space<hbm>>
      %dma_wait3A_116 = tpu.memref_squeeze %dma_wait3A_115 : memref<1x1x128xi32, #tpu.memory_space<hbm>> -> memref<128xi32, #tpu.memory_space<hbm>>
      %dma_wait3A_117 = arith.constant 0 : i32
      %dma_wait3A_118 = tpu.memref_slice %arg9[%dma_wait3A_110, %dma_wait3A_117] : memref<2x128xi32, #tpu.memory_space<vmem>> -> memref<1x128xi32, #tpu.memory_space<vmem>>
      %dma_wait3A_119 = tpu.memref_squeeze %dma_wait3A_118 : memref<1x128xi32, #tpu.memory_space<vmem>> -> memref<128xi32, #tpu.memory_space<vmem>>
      %dma_wait3A_120 = arith.constant 0 : i32
      %dma_wait3A_121 = tpu.memref_slice %arg4[%arg1, %add3A_103, %dma_wait3A_120] : memref<16x80x128xi32, #tpu.memory_space<hbm>> -> memref<1x1x128xi32, #tpu.memory_space<hbm>>
      %dma_wait3A_122 = tpu.memref_squeeze %dma_wait3A_121 : memref<1x1x128xi32, #tpu.memory_space<hbm>> -> memref<128xi32, #tpu.memory_space<hbm>>
      tpu.wait_dma2 semaphore(%arg15 : memref<!tpu.dma_semaphore, #tpu.memory_space<semaphore_mem>>) src(%dma_wait3A_122 : memref<128xi32, #tpu.memory_space<hbm>>) dst(%dma_wait3A_119 : memref<128xi32, #tpu.memory_space<vmem>>)
      %run_scoped3A_123 = arith.constant 1 : i32
      "tpu.region"() ({
        %run_scoped3A_132 = tpu.sem_alloc : memref<!tpu.dma_semaphore, #tpu.memory_space<semaphore_mem>>
        %dma_start3A_133 = arith.constant 0 : i32
        %dma_start3A_134 = tpu.memref_slice %arg9[%run_scoped3A_123, %dma_start3A_133] : memref<2x128xi32, #tpu.memory_space<vmem>> -> memref<1x128xi32, #tpu.memory_space<vmem>>
        %dma_start3A_135 = tpu.memref_squeeze %dma_start3A_134 : memref<1x128xi32, #tpu.memory_space<vmem>> -> memref<128xi32, #tpu.memory_space<vmem>>
        %dma_start3A_136 = arith.constant 0 : i32
        %dma_start3A_137 = arith.constant 0 : i32
        %dma_start3A_138 = tpu.memref_slice %arg7[%dma_start3A_136, %dma_start3A_137] : memref<10112x128xf32, #tpu.memory_space<vmem_shared>> -> memref<10112x128xf32, #tpu.memory_space<vmem_shared>>
        tpu.enqueue_indirect_dma source(%arg11 : memref<128x128xf32, #tpu.memory_space<vmem>>) target(%dma_start3A_138 : memref<10112x128xf32, #tpu.memory_space<vmem_shared>>) offsets(%dma_start3A_135 : memref<128xi32, #tpu.memory_space<vmem>>) semaphore(%run_scoped3A_132 : memref<!tpu.dma_semaphore, #tpu.memory_space<semaphore_mem>>) {add = true}
        %dma_wait3A_139 = arith.constant 0 : i32
        %dma_wait3A_140 = tpu.memref_slice %arg9[%run_scoped3A_123, %dma_wait3A_139] : memref<2x128xi32, #tpu.memory_space<vmem>> -> memref<1x128xi32, #tpu.memory_space<vmem>>
        %dma_wait3A_141 = tpu.memref_squeeze %dma_wait3A_140 : memref<1x128xi32, #tpu.memory_space<vmem>> -> memref<128xi32, #tpu.memory_space<vmem>>
        %dma_wait3A_142 = arith.constant 0 : i32
        %dma_wait3A_143 = arith.constant 0 : i32
        %dma_wait3A_144 = tpu.memref_slice %arg7[%dma_wait3A_142, %dma_wait3A_143] : memref<10112x128xf32, #tpu.memory_space<vmem_shared>> -> memref<10112x128xf32, #tpu.memory_space<vmem_shared>>
        tpu.wait_indirect_dma semaphore(%run_scoped3A_132 : memref<!tpu.dma_semaphore, #tpu.memory_space<semaphore_mem>>) src(%arg11 : memref<128x128xf32, #tpu.memory_space<vmem>>) dst(%dma_wait3A_144 : memref<10112x128xf32, #tpu.memory_space<vmem_shared>>)
        tpu.yield
      }) : () -> ()
      %add3A_124 = arith.constant 2 : i32
      %add3A_125 = arith.addi %add3A_103, %add3A_124 : i32
      %lt3A_126 = arith.constant 80 : i32
      %lt3A_127 = arith.cmpi slt, %add3A_125, %lt3A_126 : i32
      %convert_element_type3A_128 = arith.extui %lt3A_127 : i1 to i32
      %cond3A_129 = arith.constant 1 : i32
      %cond3A_130 = arith.constant 0 : i32
      %cond3A_131 = arith.cmpi ne, %convert_element_type3A_128, %cond3A_130 : i32
      scf.if %cond3A_131 {
        %add3A_132 = arith.constant 2 : i32
        %add3A_133 = arith.addi %add3A_103, %add3A_132 : i32
        %dma_start3A_134 = arith.constant 0 : i32
        %dma_start3A_135 = tpu.memref_slice %arg9[%cond3A_129, %dma_start3A_134] : memref<2x128xi32, #tpu.memory_space<vmem>> -> memref<1x128xi32, #tpu.memory_space<vmem>>
        %dma_start3A_136 = tpu.memref_squeeze %dma_start3A_135 : memref<1x128xi32, #tpu.memory_space<vmem>> -> memref<128xi32, #tpu.memory_space<vmem>>
        %dma_start3A_137 = arith.constant 0 : i32
        %dma_start3A_138 = tpu.memref_slice %arg4[%arg1, %add3A_133, %dma_start3A_137] : memref<16x80x128xi32, #tpu.memory_space<hbm>> -> memref<1x1x128xi32, #tpu.memory_space<hbm>>
        %dma_start3A_139 = tpu.memref_squeeze %dma_start3A_138 : memref<1x1x128xi32, #tpu.memory_space<hbm>> -> memref<128xi32, #tpu.memory_space<hbm>>
        %dma_start3A_140 = arith.constant 0 : i32
        %dma_start3A_141 = tpu.memref_slice %arg9[%cond3A_129, %dma_start3A_140] : memref<2x128xi32, #tpu.memory_space<vmem>> -> memref<1x128xi32, #tpu.memory_space<vmem>>
        %dma_start3A_142 = tpu.memref_squeeze %dma_start3A_141 : memref<1x128xi32, #tpu.memory_space<vmem>> -> memref<128xi32, #tpu.memory_space<vmem>>
        %dma_start3A_143 = arith.constant 0 : i32
        %dma_start3A_144 = tpu.memref_slice %arg4[%arg1, %add3A_133, %dma_start3A_143] : memref<16x80x128xi32, #tpu.memory_space<hbm>> -> memref<1x1x128xi32, #tpu.memory_space<hbm>>
        %dma_start3A_145 = tpu.memref_squeeze %dma_start3A_144 : memref<1x1x128xi32, #tpu.memory_space<hbm>> -> memref<128xi32, #tpu.memory_space<hbm>>
        tpu.enqueue_dma source(%dma_start3A_145 : memref<128xi32, #tpu.memory_space<hbm>>) target(%dma_start3A_142 : memref<128xi32, #tpu.memory_space<vmem>>) target_semaphore(%arg15 : memref<!tpu.dma_semaphore, #tpu.memory_space<semaphore_mem>>)
        %add3A_146 = arith.constant 2 : i32
        %add3A_147 = arith.addi %add3A_103, %add3A_146 : i32
        %dma_start3A_148 = arith.constant 0 : i32
        %dma_start3A_149 = tpu.memref_slice %arg8[%add3A_147, %dma_start3A_148] : memref<80x128xi32, #tpu.memory_space<vmem>> -> memref<1x128xi32, #tpu.memory_space<vmem>>
        %dma_start3A_150 = tpu.memref_squeeze %dma_start3A_149 : memref<1x128xi32, #tpu.memory_space<vmem>> -> memref<128xi32, #tpu.memory_space<vmem>>
        %dma_start3A_151 = arith.constant 0 : i32
        %dma_start3A_152 = arith.constant 0 : i32
        %dma_start3A_153 = tpu.memref_slice %arg2[%dma_start3A_151, %dma_start3A_152] : memref<20000x128xf32, #tpu.memory_space<hbm>> -> memref<20000x128xf32, #tpu.memory_space<hbm>>
        tpu.enqueue_indirect_dma source(%dma_start3A_153 : memref<20000x128xf32, #tpu.memory_space<hbm>>) target(%arg11 : memref<128x128xf32, #tpu.memory_space<vmem>>) offsets(%dma_start3A_150 : memref<128xi32, #tpu.memory_space<vmem>>) semaphore(%arg13 : memref<!tpu.dma_semaphore, #tpu.memory_space<semaphore_mem>>)
      } else {
      }
    }
    %scan3A_63 = arith.constant 40 : i32
    %barrier3A_64 = arith.constant 0 : index
    tpu.barrier barrier_id(%barrier3A_64)
    %lt3A = arith.constant 15 : i32
    %lt3A_65 = arith.cmpi slt, %arg1, %lt3A : i32
    %convert_element_type3A = arith.extui %lt3A_65 : i1 to i32
    %cond3A = arith.constant 0 : i32
    %cond3A_66 = arith.cmpi ne, %convert_element_type3A, %cond3A : i32
    scf.if %cond3A_66 {
      %mul3A_71 = arith.constant 624 : i32
      %mul3A_72 = arith.muli %arg1, %mul3A_71 : i32
      %add3A_73 = arith.constant 0 : i32
      %add3A_74 = arith.addi %mul3A_72, %add3A_73 : i32
      "tpu.region"() ({
        %run_scoped3A = tpu.sem_alloc : memref<!tpu.dma_semaphore, #tpu.memory_space<semaphore_mem>>
        %dma_start3A_232 = arith.constant 0 : i32
        %dma_start3A_233 = arith.constant 0 : i32
        %dma_start3A_234 = tpu.memref_slice %arg10[%dma_start3A_232, %dma_start3A_233] : memref<128x128xf32, #tpu.memory_space<vmem>> -> memref<128x128xf32, #tpu.memory_space<vmem>>
        %dma_start3A_235 = arith.constant 0 : i32
        %dma_start3A_236 = tpu.memref_slice %arg7[%add3A_74, %dma_start3A_235] : memref<10112x128xf32, #tpu.memory_space<vmem_shared>> -> memref<128x128xf32, #tpu.memory_space<vmem_shared>>
        %dma_start3A_237 = arith.constant 0 : i32
        %dma_start3A_238 = arith.constant 0 : i32
        %dma_start3A_239 = tpu.memref_slice %arg10[%dma_start3A_237, %dma_start3A_238] : memref<128x128xf32, #tpu.memory_space<vmem>> -> memref<128x128xf32, #tpu.memory_space<vmem>>
        %dma_start3A_240 = arith.constant 0 : i32
        %dma_start3A_241 = tpu.memref_slice %arg7[%add3A_74, %dma_start3A_240] : memref<10112x128xf32, #tpu.memory_space<vmem_shared>> -> memref<128x128xf32, #tpu.memory_space<vmem_shared>>
        tpu.enqueue_dma source(%dma_start3A_241 : memref<128x128xf32, #tpu.memory_space<vmem_shared>>) target(%dma_start3A_239 : memref<128x128xf32, #tpu.memory_space<vmem>>) target_semaphore(%run_scoped3A : memref<!tpu.dma_semaphore, #tpu.memory_space<semaphore_mem>>)
        %dma_wait3A_242 = arith.constant 0 : i32
        %dma_wait3A_243 = arith.constant 0 : i32
        %dma_wait3A_244 = tpu.memref_slice %arg10[%dma_wait3A_242, %dma_wait3A_243] : memref<128x128xf32, #tpu.memory_space<vmem>> -> memref<128x128xf32, #tpu.memory_space<vmem>>
        %dma_wait3A_245 = arith.constant 0 : i32
        %dma_wait3A_246 = tpu.memref_slice %arg7[%add3A_74, %dma_wait3A_245] : memref<10112x128xf32, #tpu.memory_space<vmem_shared>> -> memref<128x128xf32, #tpu.memory_space<vmem_shared>>
        %dma_wait3A_247 = arith.constant 0 : i32
        %dma_wait3A_248 = arith.constant 0 : i32
        %dma_wait3A_249 = tpu.memref_slice %arg10[%dma_wait3A_247, %dma_wait3A_248] : memref<128x128xf32, #tpu.memory_space<vmem>> -> memref<128x128xf32, #tpu.memory_space<vmem>>
        %dma_wait3A_250 = arith.constant 0 : i32
        %dma_wait3A_251 = tpu.memref_slice %arg7[%add3A_74, %dma_wait3A_250] : memref<10112x128xf32, #tpu.memory_space<vmem_shared>> -> memref<128x128xf32, #tpu.memory_space<vmem_shared>>
        tpu.wait_dma2 semaphore(%run_scoped3A : memref<!tpu.dma_semaphore, #tpu.memory_space<semaphore_mem>>) src(%dma_wait3A_251 : memref<128x128xf32, #tpu.memory_space<vmem_shared>>) dst(%dma_wait3A_249 : memref<128x128xf32, #tpu.memory_space<vmem>>)
        tpu.yield
      }) : () -> ()
      %mul3A_75 = arith.constant 10000 : i32
      %mul3A_76 = arith.muli %arg0, %mul3A_75 : i32
      %add3A_77 = arith.addi %mul3A_76, %mul3A_72 : i32
      %add3A_78 = arith.constant 0 : i32
      %add3A_79 = arith.addi %add3A_77, %add3A_78 : i32
      %dma_start3A_80 = arith.constant 0 : i32
      %dma_start3A_81 = arith.constant 0 : i32
      %dma_start3A_82 = tpu.memref_slice %arg10[%dma_start3A_80, %dma_start3A_81] : memref<128x128xf32, #tpu.memory_space<vmem>> -> memref<128x128xf32, #tpu.memory_space<vmem>>
      %dma_start3A_83 = arith.constant 0 : i32
      %dma_start3A_84 = tpu.memref_slice %arg6[%add3A_79, %dma_start3A_83] : memref<20000x128xf32, #tpu.memory_space<hbm>> -> memref<128x128xf32, #tpu.memory_space<hbm>>
      %dma_start3A_85 = arith.constant 0 : i32
      %dma_start3A_86 = tpu.memref_slice %arg6[%add3A_79, %dma_start3A_85] : memref<20000x128xf32, #tpu.memory_space<hbm>> -> memref<128x128xf32, #tpu.memory_space<hbm>>
      %dma_start3A_87 = arith.constant 0 : i32
      %dma_start3A_88 = arith.constant 0 : i32
      %dma_start3A_89 = tpu.memref_slice %arg10[%dma_start3A_87, %dma_start3A_88] : memref<128x128xf32, #tpu.memory_space<vmem>> -> memref<128x128xf32, #tpu.memory_space<vmem>>
      tpu.enqueue_dma source(%dma_start3A_89 : memref<128x128xf32, #tpu.memory_space<vmem>>) target(%dma_start3A_86 : memref<128x128xf32, #tpu.memory_space<hbm>>) target_semaphore(%arg12 : memref<!tpu.dma_semaphore, #tpu.memory_space<semaphore_mem>>)
      %add3A_90 = arith.constant 128 : i32
      %add3A_91 = arith.addi %mul3A_72, %add3A_90 : i32
      "tpu.region"() ({
        %run_scoped3A = tpu.sem_alloc : memref<!tpu.dma_semaphore, #tpu.memory_space<semaphore_mem>>
        %dma_start3A_232 = arith.constant 0 : i32
        %dma_start3A_233 = arith.constant 0 : i32
        %dma_start3A_234 = tpu.memref_slice %arg11[%dma_start3A_232, %dma_start3A_233] : memref<128x128xf32, #tpu.memory_space<vmem>> -> memref<128x128xf32, #tpu.memory_space<vmem>>
        %dma_start3A_235 = arith.constant 0 : i32
        %dma_start3A_236 = tpu.memref_slice %arg7[%add3A_91, %dma_start3A_235] : memref<10112x128xf32, #tpu.memory_space<vmem_shared>> -> memref<128x128xf32, #tpu.memory_space<vmem_shared>>
        %dma_start3A_237 = arith.constant 0 : i32
        %dma_start3A_238 = arith.constant 0 : i32
        %dma_start3A_239 = tpu.memref_slice %arg11[%dma_start3A_237, %dma_start3A_238] : memref<128x128xf32, #tpu.memory_space<vmem>> -> memref<128x128xf32, #tpu.memory_space<vmem>>
        %dma_start3A_240 = arith.constant 0 : i32
        %dma_start3A_241 = tpu.memref_slice %arg7[%add3A_91, %dma_start3A_240] : memref<10112x128xf32, #tpu.memory_space<vmem_shared>> -> memref<128x128xf32, #tpu.memory_space<vmem_shared>>
        tpu.enqueue_dma source(%dma_start3A_241 : memref<128x128xf32, #tpu.memory_space<vmem_shared>>) target(%dma_start3A_239 : memref<128x128xf32, #tpu.memory_space<vmem>>) target_semaphore(%run_scoped3A : memref<!tpu.dma_semaphore, #tpu.memory_space<semaphore_mem>>)
        %dma_wait3A_242 = arith.constant 0 : i32
        %dma_wait3A_243 = arith.constant 0 : i32
        %dma_wait3A_244 = tpu.memref_slice %arg11[%dma_wait3A_242, %dma_wait3A_243] : memref<128x128xf32, #tpu.memory_space<vmem>> -> memref<128x128xf32, #tpu.memory_space<vmem>>
        %dma_wait3A_245 = arith.constant 0 : i32
        %dma_wait3A_246 = tpu.memref_slice %arg7[%add3A_91, %dma_wait3A_245] : memref<10112x128xf32, #tpu.memory_space<vmem_shared>> -> memref<128x128xf32, #tpu.memory_space<vmem_shared>>
        %dma_wait3A_247 = arith.constant 0 : i32
        %dma_wait3A_248 = arith.constant 0 : i32
        %dma_wait3A_249 = tpu.memref_slice %arg11[%dma_wait3A_247, %dma_wait3A_248] : memref<128x128xf32, #tpu.memory_space<vmem>> -> memref<128x128xf32, #tpu.memory_space<vmem>>
        %dma_wait3A_250 = arith.constant 0 : i32
        %dma_wait3A_251 = tpu.memref_slice %arg7[%add3A_91, %dma_wait3A_250] : memref<10112x128xf32, #tpu.memory_space<vmem_shared>> -> memref<128x128xf32, #tpu.memory_space<vmem_shared>>
        tpu.wait_dma2 semaphore(%run_scoped3A : memref<!tpu.dma_semaphore, #tpu.memory_space<semaphore_mem>>) src(%dma_wait3A_251 : memref<128x128xf32, #tpu.memory_space<vmem_shared>>) dst(%dma_wait3A_249 : memref<128x128xf32, #tpu.memory_space<vmem>>)
        tpu.yield
      }) : () -> ()
      %mul3A_92 = arith.constant 10000 : i32
      %mul3A_93 = arith.muli %arg0, %mul3A_92 : i32
      %add3A_94 = arith.addi %mul3A_93, %mul3A_72 : i32
      %add3A_95 = arith.constant 128 : i32
      %add3A_96 = arith.addi %add3A_94, %add3A_95 : i32
      %dma_start3A_97 = arith.constant 0 : i32
      %dma_start3A_98 = arith.constant 0 : i32
      %dma_start3A_99 = tpu.memref_slice %arg11[%dma_start3A_97, %dma_start3A_98] : memref<128x128xf32, #tpu.memory_space<vmem>> -> memref<128x128xf32, #tpu.memory_space<vmem>>
      %dma_start3A_100 = arith.constant 0 : i32
      %dma_start3A_101 = tpu.memref_slice %arg6[%add3A_96, %dma_start3A_100] : memref<20000x128xf32, #tpu.memory_space<hbm>> -> memref<128x128xf32, #tpu.memory_space<hbm>>
      %dma_start3A_102 = arith.constant 0 : i32
      %dma_start3A_103 = tpu.memref_slice %arg6[%add3A_96, %dma_start3A_102] : memref<20000x128xf32, #tpu.memory_space<hbm>> -> memref<128x128xf32, #tpu.memory_space<hbm>>
      %dma_start3A_104 = arith.constant 0 : i32
      %dma_start3A_105 = arith.constant 0 : i32
      %dma_start3A_106 = tpu.memref_slice %arg11[%dma_start3A_104, %dma_start3A_105] : memref<128x128xf32, #tpu.memory_space<vmem>> -> memref<128x128xf32, #tpu.memory_space<vmem>>
      tpu.enqueue_dma source(%dma_start3A_106 : memref<128x128xf32, #tpu.memory_space<vmem>>) target(%dma_start3A_103 : memref<128x128xf32, #tpu.memory_space<hbm>>) target_semaphore(%arg13 : memref<!tpu.dma_semaphore, #tpu.memory_space<semaphore_mem>>)
      %mul3A_107 = arith.constant 10000 : i32
      %mul3A_108 = arith.muli %arg0, %mul3A_107 : i32
      %add3A_109 = arith.addi %mul3A_108, %mul3A_72 : i32
      %add3A_110 = arith.constant 0 : i32
      %add3A_111 = arith.addi %add3A_109, %add3A_110 : i32
      %dma_wait3A = arith.constant 0 : i32
      %dma_wait3A_112 = arith.constant 0 : i32
      %dma_wait3A_113 = tpu.memref_slice %arg10[%dma_wait3A, %dma_wait3A_112] : memref<128x128xf32, #tpu.memory_space<vmem>> -> memref<128x128xf32, #tpu.memory_space<vmem>>
      %dma_wait3A_114 = arith.constant 0 : i32
      %dma_wait3A_115 = tpu.memref_slice %arg6[%add3A_111, %dma_wait3A_114] : memref<20000x128xf32, #tpu.memory_space<hbm>> -> memref<128x128xf32, #tpu.memory_space<hbm>>
      %dma_wait3A_116 = arith.constant 0 : i32
      %dma_wait3A_117 = tpu.memref_slice %arg6[%add3A_111, %dma_wait3A_116] : memref<20000x128xf32, #tpu.memory_space<hbm>> -> memref<128x128xf32, #tpu.memory_space<hbm>>
      %dma_wait3A_118 = arith.constant 0 : i32
      %dma_wait3A_119 = arith.constant 0 : i32
      %dma_wait3A_120 = tpu.memref_slice %arg10[%dma_wait3A_118, %dma_wait3A_119] : memref<128x128xf32, #tpu.memory_space<vmem>> -> memref<128x128xf32, #tpu.memory_space<vmem>>
      tpu.wait_dma2 semaphore(%arg12 : memref<!tpu.dma_semaphore, #tpu.memory_space<semaphore_mem>>) src(%dma_wait3A_120 : memref<128x128xf32, #tpu.memory_space<vmem>>) dst(%dma_wait3A_117 : memref<128x128xf32, #tpu.memory_space<hbm>>)
      %add3A_121 = arith.constant 256 : i32
      %add3A_122 = arith.addi %mul3A_72, %add3A_121 : i32
      "tpu.region"() ({
        %run_scoped3A = tpu.sem_alloc : memref<!tpu.dma_semaphore, #tpu.memory_space<semaphore_mem>>
        %dma_start3A_232 = arith.constant 0 : i32
        %dma_start3A_233 = arith.constant 0 : i32
        %dma_start3A_234 = tpu.memref_slice %arg10[%dma_start3A_232, %dma_start3A_233] : memref<128x128xf32, #tpu.memory_space<vmem>> -> memref<128x128xf32, #tpu.memory_space<vmem>>
        %dma_start3A_235 = arith.constant 0 : i32
        %dma_start3A_236 = tpu.memref_slice %arg7[%add3A_122, %dma_start3A_235] : memref<10112x128xf32, #tpu.memory_space<vmem_shared>> -> memref<128x128xf32, #tpu.memory_space<vmem_shared>>
        %dma_start3A_237 = arith.constant 0 : i32
        %dma_start3A_238 = arith.constant 0 : i32
        %dma_start3A_239 = tpu.memref_slice %arg10[%dma_start3A_237, %dma_start3A_238] : memref<128x128xf32, #tpu.memory_space<vmem>> -> memref<128x128xf32, #tpu.memory_space<vmem>>
        %dma_start3A_240 = arith.constant 0 : i32
        %dma_start3A_241 = tpu.memref_slice %arg7[%add3A_122, %dma_start3A_240] : memref<10112x128xf32, #tpu.memory_space<vmem_shared>> -> memref<128x128xf32, #tpu.memory_space<vmem_shared>>
        tpu.enqueue_dma source(%dma_start3A_241 : memref<128x128xf32, #tpu.memory_space<vmem_shared>>) target(%dma_start3A_239 : memref<128x128xf32, #tpu.memory_space<vmem>>) target_semaphore(%run_scoped3A : memref<!tpu.dma_semaphore, #tpu.memory_space<semaphore_mem>>)
        %dma_wait3A_242 = arith.constant 0 : i32
        %dma_wait3A_243 = arith.constant 0 : i32
        %dma_wait3A_244 = tpu.memref_slice %arg10[%dma_wait3A_242, %dma_wait3A_243] : memref<128x128xf32, #tpu.memory_space<vmem>> -> memref<128x128xf32, #tpu.memory_space<vmem>>
        %dma_wait3A_245 = arith.constant 0 : i32
        %dma_wait3A_246 = tpu.memref_slice %arg7[%add3A_122, %dma_wait3A_245] : memref<10112x128xf32, #tpu.memory_space<vmem_shared>> -> memref<128x128xf32, #tpu.memory_space<vmem_shared>>
        %dma_wait3A_247 = arith.constant 0 : i32
        %dma_wait3A_248 = arith.constant 0 : i32
        %dma_wait3A_249 = tpu.memref_slice %arg10[%dma_wait3A_247, %dma_wait3A_248] : memref<128x128xf32, #tpu.memory_space<vmem>> -> memref<128x128xf32, #tpu.memory_space<vmem>>
        %dma_wait3A_250 = arith.constant 0 : i32
        %dma_wait3A_251 = tpu.memref_slice %arg7[%add3A_122, %dma_wait3A_250] : memref<10112x128xf32, #tpu.memory_space<vmem_shared>> -> memref<128x128xf32, #tpu.memory_space<vmem_shared>>
        tpu.wait_dma2 semaphore(%run_scoped3A : memref<!tpu.dma_semaphore, #tpu.memory_space<semaphore_mem>>) src(%dma_wait3A_251 : memref<128x128xf32, #tpu.memory_space<vmem_shared>>) dst(%dma_wait3A_249 : memref<128x128xf32, #tpu.memory_space<vmem>>)
        tpu.yield
      }) : () -> ()
      %mul3A_123 = arith.constant 10000 : i32
      %mul3A_124 = arith.muli %arg0, %mul3A_123 : i32
      %add3A_125 = arith.addi %mul3A_124, %mul3A_72 : i32
      %add3A_126 = arith.constant 256 : i32
      %add3A_127 = arith.addi %add3A_125, %add3A_126 : i32
      %dma_start3A_128 = arith.constant 0 : i32
      %dma_start3A_129 = arith.constant 0 : i32
      %dma_start3A_130 = tpu.memref_slice %arg10[%dma_start3A_128, %dma_start3A_129] : memref<128x128xf32, #tpu.memory_space<vmem>> -> memref<128x128xf32, #tpu.memory_space<vmem>>
      %dma_start3A_131 = arith.constant 0 : i32
      %dma_start3A_132 = tpu.memref_slice %arg6[%add3A_127, %dma_start3A_131] : memref<20000x128xf32, #tpu.memory_space<hbm>> -> memref<128x128xf32, #tpu.memory_space<hbm>>
      %dma_start3A_133 = arith.constant 0 : i32
      %dma_start3A_134 = tpu.memref_slice %arg6[%add3A_127, %dma_start3A_133] : memref<20000x128xf32, #tpu.memory_space<hbm>> -> memref<128x128xf32, #tpu.memory_space<hbm>>
      %dma_start3A_135 = arith.constant 0 : i32
      %dma_start3A_136 = arith.constant 0 : i32
      %dma_start3A_137 = tpu.memref_slice %arg10[%dma_start3A_135, %dma_start3A_136] : memref<128x128xf32, #tpu.memory_space<vmem>> -> memref<128x128xf32, #tpu.memory_space<vmem>>
      tpu.enqueue_dma source(%dma_start3A_137 : memref<128x128xf32, #tpu.memory_space<vmem>>) target(%dma_start3A_134 : memref<128x128xf32, #tpu.memory_space<hbm>>) target_semaphore(%arg12 : memref<!tpu.dma_semaphore, #tpu.memory_space<semaphore_mem>>)
      %mul3A_138 = arith.constant 10000 : i32
      %mul3A_139 = arith.muli %arg0, %mul3A_138 : i32
      %add3A_140 = arith.addi %mul3A_139, %mul3A_72 : i32
      %add3A_141 = arith.constant 128 : i32
      %add3A_142 = arith.addi %add3A_140, %add3A_141 : i32
      %dma_wait3A_143 = arith.constant 0 : i32
      %dma_wait3A_144 = arith.constant 0 : i32
      %dma_wait3A_145 = tpu.memref_slice %arg11[%dma_wait3A_143, %dma_wait3A_144] : memref<128x128xf32, #tpu.memory_space<vmem>> -> memref<128x128xf32, #tpu.memory_space<vmem>>
      %dma_wait3A_146 = arith.constant 0 : i32
      %dma_wait3A_147 = tpu.memref_slice %arg6[%add3A_142, %dma_wait3A_146] : memref<20000x128xf32, #tpu.memory_space<hbm>> -> memref<128x128xf32, #tpu.memory_space<hbm>>
      %dma_wait3A_148 = arith.constant 0 : i32
      %dma_wait3A_149 = tpu.memref_slice %arg6[%add3A_142, %dma_wait3A_148] : memref<20000x128xf32, #tpu.memory_space<hbm>> -> memref<128x128xf32, #tpu.memory_space<hbm>>
      %dma_wait3A_150 = arith.constant 0 : i32
      %dma_wait3A_151 = arith.constant 0 : i32
      %dma_wait3A_152 = tpu.memref_slice %arg11[%dma_wait3A_150, %dma_wait3A_151] : memref<128x128xf32, #tpu.memory_space<vmem>> -> memref<128x128xf32, #tpu.memory_space<vmem>>
      tpu.wait_dma2 semaphore(%arg13 : memref<!tpu.dma_semaphore, #tpu.memory_space<semaphore_mem>>) src(%dma_wait3A_152 : memref<128x128xf32, #tpu.memory_space<vmem>>) dst(%dma_wait3A_149 : memref<128x128xf32, #tpu.memory_space<hbm>>)
      %add3A_153 = arith.constant 384 : i32
      %add3A_154 = arith.addi %mul3A_72, %add3A_153 : i32
      "tpu.region"() ({
        %run_scoped3A = tpu.sem_alloc : memref<!tpu.dma_semaphore, #tpu.memory_space<semaphore_mem>>
        %dma_start3A_232 = arith.constant 0 : i32
        %dma_start3A_233 = arith.constant 0 : i32
        %dma_start3A_234 = tpu.memref_slice %arg11[%dma_start3A_232, %dma_start3A_233] : memref<128x128xf32, #tpu.memory_space<vmem>> -> memref<128x128xf32, #tpu.memory_space<vmem>>
        %dma_start3A_235 = arith.constant 0 : i32
        %dma_start3A_236 = tpu.memref_slice %arg7[%add3A_154, %dma_start3A_235] : memref<10112x128xf32, #tpu.memory_space<vmem_shared>> -> memref<128x128xf32, #tpu.memory_space<vmem_shared>>
        %dma_start3A_237 = arith.constant 0 : i32
        %dma_start3A_238 = arith.constant 0 : i32
        %dma_start3A_239 = tpu.memref_slice %arg11[%dma_start3A_237, %dma_start3A_238] : memref<128x128xf32, #tpu.memory_space<vmem>> -> memref<128x128xf32, #tpu.memory_space<vmem>>
        %dma_start3A_240 = arith.constant 0 : i32
        %dma_start3A_241 = tpu.memref_slice %arg7[%add3A_154, %dma_start3A_240] : memref<10112x128xf32, #tpu.memory_space<vmem_shared>> -> memref<128x128xf32, #tpu.memory_space<vmem_shared>>
        tpu.enqueue_dma source(%dma_start3A_241 : memref<128x128xf32, #tpu.memory_space<vmem_shared>>) target(%dma_start3A_239 : memref<128x128xf32, #tpu.memory_space<vmem>>) target_semaphore(%run_scoped3A : memref<!tpu.dma_semaphore, #tpu.memory_space<semaphore_mem>>)
        %dma_wait3A_242 = arith.constant 0 : i32
        %dma_wait3A_243 = arith.constant 0 : i32
        %dma_wait3A_244 = tpu.memref_slice %arg11[%dma_wait3A_242, %dma_wait3A_243] : memref<128x128xf32, #tpu.memory_space<vmem>> -> memref<128x128xf32, #tpu.memory_space<vmem>>
        %dma_wait3A_245 = arith.constant 0 : i32
        %dma_wait3A_246 = tpu.memref_slice %arg7[%add3A_154, %dma_wait3A_245] : memref<10112x128xf32, #tpu.memory_space<vmem_shared>> -> memref<128x128xf32, #tpu.memory_space<vmem_shared>>
        %dma_wait3A_247 = arith.constant 0 : i32
        %dma_wait3A_248 = arith.constant 0 : i32
        %dma_wait3A_249 = tpu.memref_slice %arg11[%dma_wait3A_247, %dma_wait3A_248] : memref<128x128xf32, #tpu.memory_space<vmem>> -> memref<128x128xf32, #tpu.memory_space<vmem>>
        %dma_wait3A_250 = arith.constant 0 : i32
        %dma_wait3A_251 = tpu.memref_slice %arg7[%add3A_154, %dma_wait3A_250] : memref<10112x128xf32, #tpu.memory_space<vmem_shared>> -> memref<128x128xf32, #tpu.memory_space<vmem_shared>>
        tpu.wait_dma2 semaphore(%run_scoped3A : memref<!tpu.dma_semaphore, #tpu.memory_space<semaphore_mem>>) src(%dma_wait3A_251 : memref<128x128xf32, #tpu.memory_space<vmem_shared>>) dst(%dma_wait3A_249 : memref<128x128xf32, #tpu.memory_space<vmem>>)
        tpu.yield
      }) : () -> ()
      %mul3A_155 = arith.constant 10000 : i32
      %mul3A_156 = arith.muli %arg0, %mul3A_155 : i32
      %add3A_157 = arith.addi %mul3A_156, %mul3A_72 : i32
      %add3A_158 = arith.constant 384 : i32
      %add3A_159 = arith.addi %add3A_157, %add3A_158 : i32
      %dma_start3A_160 = arith.constant 0 : i32
      %dma_start3A_161 = arith.constant 0 : i32
      %dma_start3A_162 = tpu.memref_slice %arg11[%dma_start3A_160, %dma_start3A_161] : memref<128x128xf32, #tpu.memory_space<vmem>> -> memref<128x128xf32, #tpu.memory_space<vmem>>
      %dma_start3A_163 = arith.constant 0 : i32
      %dma_start3A_164 = tpu.memref_slice %arg6[%add3A_159, %dma_start3A_163] : memref<20000x128xf32, #tpu.memory_space<hbm>> -> memref<128x128xf32, #tpu.memory_space<hbm>>
      %dma_start3A_165 = arith.constant 0 : i32
      %dma_start3A_166 = tpu.memref_slice %arg6[%add3A_159, %dma_start3A_165] : memref<20000x128xf32, #tpu.memory_space<hbm>> -> memref<128x128xf32, #tpu.memory_space<hbm>>
      %dma_start3A_167 = arith.constant 0 : i32
      %dma_start3A_168 = arith.constant 0 : i32
      %dma_start3A_169 = tpu.memref_slice %arg11[%dma_start3A_167, %dma_start3A_168] : memref<128x128xf32, #tpu.memory_space<vmem>> -> memref<128x128xf32, #tpu.memory_space<vmem>>
      tpu.enqueue_dma source(%dma_start3A_169 : memref<128x128xf32, #tpu.memory_space<vmem>>) target(%dma_start3A_166 : memref<128x128xf32, #tpu.memory_space<hbm>>) target_semaphore(%arg13 : memref<!tpu.dma_semaphore, #tpu.memory_space<semaphore_mem>>)
      %mul3A_170 = arith.constant 10000 : i32
      %mul3A_171 = arith.muli %arg0, %mul3A_170 : i32
      %add3A_172 = arith.addi %mul3A_171, %mul3A_72 : i32
      %add3A_173 = arith.constant 256 : i32
      %add3A_174 = arith.addi %add3A_172, %add3A_173 : i32
      %dma_wait3A_175 = arith.constant 0 : i32
      %dma_wait3A_176 = arith.constant 0 : i32
      %dma_wait3A_177 = tpu.memref_slice %arg10[%dma_wait3A_175, %dma_wait3A_176] : memref<128x128xf32, #tpu.memory_space<vmem>> -> memref<128x128xf32, #tpu.memory_space<vmem>>
      %dma_wait3A_178 = arith.constant 0 : i32
      %dma_wait3A_179 = tpu.memref_slice %arg6[%add3A_174, %dma_wait3A_178] : memref<20000x128xf32, #tpu.memory_space<hbm>> -> memref<128x128xf32, #tpu.memory_space<hbm>>
      %dma_wait3A_180 = arith.constant 0 : i32
      %dma_wait3A_181 = tpu.memref_slice %arg6[%add3A_174, %dma_wait3A_180] : memref<20000x128xf32, #tpu.memory_space<hbm>> -> memref<128x128xf32, #tpu.memory_space<hbm>>
      %dma_wait3A_182 = arith.constant 0 : i32
      %dma_wait3A_183 = arith.constant 0 : i32
      %dma_wait3A_184 = tpu.memref_slice %arg10[%dma_wait3A_182, %dma_wait3A_183] : memref<128x128xf32, #tpu.memory_space<vmem>> -> memref<128x128xf32, #tpu.memory_space<vmem>>
      tpu.wait_dma2 semaphore(%arg12 : memref<!tpu.dma_semaphore, #tpu.memory_space<semaphore_mem>>) src(%dma_wait3A_184 : memref<128x128xf32, #tpu.memory_space<vmem>>) dst(%dma_wait3A_181 : memref<128x128xf32, #tpu.memory_space<hbm>>)
      %add3A_185 = arith.constant 512 : i32
      %add3A_186 = arith.addi %mul3A_72, %add3A_185 : i32
      "tpu.region"() ({
        %run_scoped3A = tpu.sem_alloc : memref<!tpu.dma_semaphore, #tpu.memory_space<semaphore_mem>>
        %dma_start3A_232 = arith.constant 0 : i32
        %dma_start3A_233 = arith.constant 0 : i32
        %dma_start3A_234 = tpu.memref_slice %arg10[%dma_start3A_232, %dma_start3A_233] : memref<128x128xf32, #tpu.memory_space<vmem>> -> memref<112x128xf32, #tpu.memory_space<vmem>>
        %dma_start3A_235 = arith.constant 0 : i32
        %dma_start3A_236 = tpu.memref_slice %arg7[%add3A_186, %dma_start3A_235] : memref<10112x128xf32, #tpu.memory_space<vmem_shared>> -> memref<112x128xf32, #tpu.memory_space<vmem_shared>>
        %dma_start3A_237 = arith.constant 0 : i32
        %dma_start3A_238 = arith.constant 0 : i32
        %dma_start3A_239 = tpu.memref_slice %arg10[%dma_start3A_237, %dma_start3A_238] : memref<128x128xf32, #tpu.memory_space<vmem>> -> memref<112x128xf32, #tpu.memory_space<vmem>>
        %dma_start3A_240 = arith.constant 0 : i32
        %dma_start3A_241 = tpu.memref_slice %arg7[%add3A_186, %dma_start3A_240] : memref<10112x128xf32, #tpu.memory_space<vmem_shared>> -> memref<112x128xf32, #tpu.memory_space<vmem_shared>>
        tpu.enqueue_dma source(%dma_start3A_241 : memref<112x128xf32, #tpu.memory_space<vmem_shared>>) target(%dma_start3A_239 : memref<112x128xf32, #tpu.memory_space<vmem>>) target_semaphore(%run_scoped3A : memref<!tpu.dma_semaphore, #tpu.memory_space<semaphore_mem>>)
        %dma_wait3A_242 = arith.constant 0 : i32
        %dma_wait3A_243 = arith.constant 0 : i32
        %dma_wait3A_244 = tpu.memref_slice %arg10[%dma_wait3A_242, %dma_wait3A_243] : memref<128x128xf32, #tpu.memory_space<vmem>> -> memref<112x128xf32, #tpu.memory_space<vmem>>
        %dma_wait3A_245 = arith.constant 0 : i32
        %dma_wait3A_246 = tpu.memref_slice %arg7[%add3A_186, %dma_wait3A_245] : memref<10112x128xf32, #tpu.memory_space<vmem_shared>> -> memref<112x128xf32, #tpu.memory_space<vmem_shared>>
        %dma_wait3A_247 = arith.constant 0 : i32
        %dma_wait3A_248 = arith.constant 0 : i32
        %dma_wait3A_249 = tpu.memref_slice %arg10[%dma_wait3A_247, %dma_wait3A_248] : memref<128x128xf32, #tpu.memory_space<vmem>> -> memref<112x128xf32, #tpu.memory_space<vmem>>
        %dma_wait3A_250 = arith.constant 0 : i32
        %dma_wait3A_251 = tpu.memref_slice %arg7[%add3A_186, %dma_wait3A_250] : memref<10112x128xf32, #tpu.memory_space<vmem_shared>> -> memref<112x128xf32, #tpu.memory_space<vmem_shared>>
        tpu.wait_dma2 semaphore(%run_scoped3A : memref<!tpu.dma_semaphore, #tpu.memory_space<semaphore_mem>>) src(%dma_wait3A_251 : memref<112x128xf32, #tpu.memory_space<vmem_shared>>) dst(%dma_wait3A_249 : memref<112x128xf32, #tpu.memory_space<vmem>>)
        tpu.yield
      }) : () -> ()
      %mul3A_187 = arith.constant 10000 : i32
      %mul3A_188 = arith.muli %arg0, %mul3A_187 : i32
      %add3A_189 = arith.addi %mul3A_188, %mul3A_72 : i32
      %add3A_190 = arith.constant 512 : i32
      %add3A_191 = arith.addi %add3A_189, %add3A_190 : i32
      %dma_start3A_192 = arith.constant 0 : i32
      %dma_start3A_193 = arith.constant 0 : i32
      %dma_start3A_194 = tpu.memref_slice %arg10[%dma_start3A_192, %dma_start3A_193] : memref<128x128xf32, #tpu.memory_space<vmem>> -> memref<112x128xf32, #tpu.memory_space<vmem>>
      %dma_start3A_195 = arith.constant 0 : i32
      %dma_start3A_196 = tpu.memref_slice %arg6[%add3A_191, %dma_start3A_195] : memref<20000x128xf32, #tpu.memory_space<hbm>> -> memref<112x128xf32, #tpu.memory_space<hbm>>
      %dma_start3A_197 = arith.constant 0 : i32
      %dma_start3A_198 = tpu.memref_slice %arg6[%add3A_191, %dma_start3A_197] : memref<20000x128xf32, #tpu.memory_space<hbm>> -> memref<112x128xf32, #tpu.memory_space<hbm>>
      %dma_start3A_199 = arith.constant 0 : i32
      %dma_start3A_200 = arith.constant 0 : i32
      %dma_start3A_201 = tpu.memref_slice %arg10[%dma_start3A_199, %dma_start3A_200] : memref<128x128xf32, #tpu.memory_space<vmem>> -> memref<112x128xf32, #tpu.memory_space<vmem>>
      tpu.enqueue_dma source(%dma_start3A_201 : memref<112x128xf32, #tpu.memory_space<vmem>>) target(%dma_start3A_198 : memref<112x128xf32, #tpu.memory_space<hbm>>) target_semaphore(%arg12 : memref<!tpu.dma_semaphore, #tpu.memory_space<semaphore_mem>>)
      %mul3A_202 = arith.constant 10000 : i32
      %mul3A_203 = arith.muli %arg0, %mul3A_202 : i32
      %add3A_204 = arith.addi %mul3A_203, %mul3A_72 : i32
      %add3A_205 = arith.constant 512 : i32
      %add3A_206 = arith.addi %add3A_204, %add3A_205 : i32
      %dma_wait3A_207 = arith.constant 0 : i32
      %dma_wait3A_208 = arith.constant 0 : i32
      %dma_wait3A_209 = tpu.memref_slice %arg10[%dma_wait3A_207, %dma_wait3A_208] : memref<128x128xf32, #tpu.memory_space<vmem>> -> memref<112x128xf32, #tpu.memory_space<vmem>>
      %dma_wait3A_210 = arith.constant 0 : i32
      %dma_wait3A_211 = tpu.memref_slice %arg6[%add3A_206, %dma_wait3A_210] : memref<20000x128xf32, #tpu.memory_space<hbm>> -> memref<112x128xf32, #tpu.memory_space<hbm>>
      %dma_wait3A_212 = arith.constant 0 : i32
      %dma_wait3A_213 = tpu.memref_slice %arg6[%add3A_206, %dma_wait3A_212] : memref<20000x128xf32, #tpu.memory_space<hbm>> -> memref<112x128xf32, #tpu.memory_space<hbm>>
      %dma_wait3A_214 = arith.constant 0 : i32
      %dma_wait3A_215 = arith.constant 0 : i32
      %dma_wait3A_216 = tpu.memref_slice %arg10[%dma_wait3A_214, %dma_wait3A_215] : memref<128x128xf32, #tpu.memory_space<vmem>> -> memref<112x128xf32, #tpu.memory_space<vmem>>
      tpu.wait_dma2 semaphore(%arg12 : memref<!tpu.dma_semaphore, #tpu.memory_space<semaphore_mem>>) src(%dma_wait3A_216 : memref<112x128xf32, #tpu.memory_space<vmem>>) dst(%dma_wait3A_213 : memref<112x128xf32, #tpu.memory_space<hbm>>)
      %mul3A_217 = arith.constant 10000 : i32
      %mul3A_218 = arith.muli %arg0, %mul3A_217 : i32
      %add3A_219 = arith.addi %mul3A_218, %mul3A_72 : i32
      %add3A_220 = arith.constant 384 : i32
      %add3A_221 = arith.addi %add3A_219, %add3A_220 : i32
      %dma_wait3A_222 = arith.constant 0 : i32
      %dma_wait3A_223 = arith.constant 0 : i32
      %dma_wait3A_224 = tpu.memref_slice %arg11[%dma_wait3A_222, %dma_wait3A_223] : memref<128x128xf32, #tpu.memory_space<vmem>> -> memref<128x128xf32, #tpu.memory_space<vmem>>
      %dma_wait3A_225 = arith.constant 0 : i32
      %dma_wait3A_226 = tpu.memref_slice %arg6[%add3A_221, %dma_wait3A_225] : memref<20000x128xf32, #tpu.memory_space<hbm>> -> memref<128x128xf32, #tpu.memory_space<hbm>>
      %dma_wait3A_227 = arith.constant 0 : i32
      %dma_wait3A_228 = tpu.memref_slice %arg6[%add3A_221, %dma_wait3A_227] : memref<20000x128xf32, #tpu.memory_space<hbm>> -> memref<128x128xf32, #tpu.memory_space<hbm>>
      %dma_wait3A_229 = arith.constant 0 : i32
      %dma_wait3A_230 = arith.constant 0 : i32
      %dma_wait3A_231 = tpu.memref_slice %arg11[%dma_wait3A_229, %dma_wait3A_230] : memref<128x128xf32, #tpu.memory_space<vmem>> -> memref<128x128xf32, #tpu.memory_space<vmem>>
      tpu.wait_dma2 semaphore(%arg13 : memref<!tpu.dma_semaphore, #tpu.memory_space<semaphore_mem>>) src(%dma_wait3A_231 : memref<128x128xf32, #tpu.memory_space<vmem>>) dst(%dma_wait3A_228 : memref<128x128xf32, #tpu.memory_space<hbm>>)
    } else {
    }
    %eq3A = arith.constant 15 : i32
    %eq3A_67 = arith.cmpi eq, %arg1, %eq3A : i32
    %convert_element_type3A_68 = arith.extui %eq3A_67 : i1 to i32
    %cond3A_69 = arith.constant 0 : i32
    %cond3A_70 = arith.cmpi ne, %convert_element_type3A_68, %cond3A_69 : i32
    scf.if %cond3A_70 {
      "tpu.region"() ({
        %run_scoped3A = tpu.sem_alloc : memref<!tpu.dma_semaphore, #tpu.memory_space<semaphore_mem>>
        %dma_start3A_230 = arith.constant 0 : i32
        %dma_start3A_231 = arith.constant 0 : i32
        %dma_start3A_232 = tpu.memref_slice %arg10[%dma_start3A_230, %dma_start3A_231] : memref<128x128xf32, #tpu.memory_space<vmem>> -> memref<128x128xf32, #tpu.memory_space<vmem>>
        %dma_start3A_233 = arith.constant 9360 : i32
        %dma_start3A_234 = arith.constant 0 : i32
        %dma_start3A_235 = tpu.memref_slice %arg7[%dma_start3A_233, %dma_start3A_234] : memref<10112x128xf32, #tpu.memory_space<vmem_shared>> -> memref<128x128xf32, #tpu.memory_space<vmem_shared>>
        %dma_start3A_236 = arith.constant 0 : i32
        %dma_start3A_237 = arith.constant 0 : i32
        %dma_start3A_238 = tpu.memref_slice %arg10[%dma_start3A_236, %dma_start3A_237] : memref<128x128xf32, #tpu.memory_space<vmem>> -> memref<128x128xf32, #tpu.memory_space<vmem>>
        %dma_start3A_239 = arith.constant 9360 : i32
        %dma_start3A_240 = arith.constant 0 : i32
        %dma_start3A_241 = tpu.memref_slice %arg7[%dma_start3A_239, %dma_start3A_240] : memref<10112x128xf32, #tpu.memory_space<vmem_shared>> -> memref<128x128xf32, #tpu.memory_space<vmem_shared>>
        tpu.enqueue_dma source(%dma_start3A_241 : memref<128x128xf32, #tpu.memory_space<vmem_shared>>) target(%dma_start3A_238 : memref<128x128xf32, #tpu.memory_space<vmem>>) target_semaphore(%run_scoped3A : memref<!tpu.dma_semaphore, #tpu.memory_space<semaphore_mem>>)
        %dma_wait3A_242 = arith.constant 0 : i32
        %dma_wait3A_243 = arith.constant 0 : i32
        %dma_wait3A_244 = tpu.memref_slice %arg10[%dma_wait3A_242, %dma_wait3A_243] : memref<128x128xf32, #tpu.memory_space<vmem>> -> memref<128x128xf32, #tpu.memory_space<vmem>>
        %dma_wait3A_245 = arith.constant 9360 : i32
        %dma_wait3A_246 = arith.constant 0 : i32
        %dma_wait3A_247 = tpu.memref_slice %arg7[%dma_wait3A_245, %dma_wait3A_246] : memref<10112x128xf32, #tpu.memory_space<vmem_shared>> -> memref<128x128xf32, #tpu.memory_space<vmem_shared>>
        %dma_wait3A_248 = arith.constant 0 : i32
        %dma_wait3A_249 = arith.constant 0 : i32
        %dma_wait3A_250 = tpu.memref_slice %arg10[%dma_wait3A_248, %dma_wait3A_249] : memref<128x128xf32, #tpu.memory_space<vmem>> -> memref<128x128xf32, #tpu.memory_space<vmem>>
        %dma_wait3A_251 = arith.constant 9360 : i32
        %dma_wait3A_252 = arith.constant 0 : i32
        %dma_wait3A_253 = tpu.memref_slice %arg7[%dma_wait3A_251, %dma_wait3A_252] : memref<10112x128xf32, #tpu.memory_space<vmem_shared>> -> memref<128x128xf32, #tpu.memory_space<vmem_shared>>
        tpu.wait_dma2 semaphore(%run_scoped3A : memref<!tpu.dma_semaphore, #tpu.memory_space<semaphore_mem>>) src(%dma_wait3A_253 : memref<128x128xf32, #tpu.memory_space<vmem_shared>>) dst(%dma_wait3A_250 : memref<128x128xf32, #tpu.memory_space<vmem>>)
        tpu.yield
      }) : () -> ()
      %mul3A_71 = arith.constant 10000 : i32
      %mul3A_72 = arith.muli %arg0, %mul3A_71 : i32
      %add3A_73 = arith.constant 9360 : i32
      %add3A_74 = arith.addi %mul3A_72, %add3A_73 : i32
      %add3A_75 = arith.constant 0 : i32
      %add3A_76 = arith.addi %add3A_74, %add3A_75 : i32
      %dma_start3A_77 = arith.constant 0 : i32
      %dma_start3A_78 = arith.constant 0 : i32
      %dma_start3A_79 = tpu.memref_slice %arg10[%dma_start3A_77, %dma_start3A_78] : memref<128x128xf32, #tpu.memory_space<vmem>> -> memref<128x128xf32, #tpu.memory_space<vmem>>
      %dma_start3A_80 = arith.constant 0 : i32
      %dma_start3A_81 = tpu.memref_slice %arg6[%add3A_76, %dma_start3A_80] : memref<20000x128xf32, #tpu.memory_space<hbm>> -> memref<128x128xf32, #tpu.memory_space<hbm>>
      %dma_start3A_82 = arith.constant 0 : i32
      %dma_start3A_83 = tpu.memref_slice %arg6[%add3A_76, %dma_start3A_82] : memref<20000x128xf32, #tpu.memory_space<hbm>> -> memref<128x128xf32, #tpu.memory_space<hbm>>
      %dma_start3A_84 = arith.constant 0 : i32
      %dma_start3A_85 = arith.constant 0 : i32
      %dma_start3A_86 = tpu.memref_slice %arg10[%dma_start3A_84, %dma_start3A_85] : memref<128x128xf32, #tpu.memory_space<vmem>> -> memref<128x128xf32, #tpu.memory_space<vmem>>
      tpu.enqueue_dma source(%dma_start3A_86 : memref<128x128xf32, #tpu.memory_space<vmem>>) target(%dma_start3A_83 : memref<128x128xf32, #tpu.memory_space<hbm>>) target_semaphore(%arg12 : memref<!tpu.dma_semaphore, #tpu.memory_space<semaphore_mem>>)
      "tpu.region"() ({
        %run_scoped3A = tpu.sem_alloc : memref<!tpu.dma_semaphore, #tpu.memory_space<semaphore_mem>>
        %dma_start3A_230 = arith.constant 0 : i32
        %dma_start3A_231 = arith.constant 0 : i32
        %dma_start3A_232 = tpu.memref_slice %arg11[%dma_start3A_230, %dma_start3A_231] : memref<128x128xf32, #tpu.memory_space<vmem>> -> memref<128x128xf32, #tpu.memory_space<vmem>>
        %dma_start3A_233 = arith.constant 9488 : i32
        %dma_start3A_234 = arith.constant 0 : i32
        %dma_start3A_235 = tpu.memref_slice %arg7[%dma_start3A_233, %dma_start3A_234] : memref<10112x128xf32, #tpu.memory_space<vmem_shared>> -> memref<128x128xf32, #tpu.memory_space<vmem_shared>>
        %dma_start3A_236 = arith.constant 0 : i32
        %dma_start3A_237 = arith.constant 0 : i32
        %dma_start3A_238 = tpu.memref_slice %arg11[%dma_start3A_236, %dma_start3A_237] : memref<128x128xf32, #tpu.memory_space<vmem>> -> memref<128x128xf32, #tpu.memory_space<vmem>>
        %dma_start3A_239 = arith.constant 9488 : i32
        %dma_start3A_240 = arith.constant 0 : i32
        %dma_start3A_241 = tpu.memref_slice %arg7[%dma_start3A_239, %dma_start3A_240] : memref<10112x128xf32, #tpu.memory_space<vmem_shared>> -> memref<128x128xf32, #tpu.memory_space<vmem_shared>>
        tpu.enqueue_dma source(%dma_start3A_241 : memref<128x128xf32, #tpu.memory_space<vmem_shared>>) target(%dma_start3A_238 : memref<128x128xf32, #tpu.memory_space<vmem>>) target_semaphore(%run_scoped3A : memref<!tpu.dma_semaphore, #tpu.memory_space<semaphore_mem>>)
        %dma_wait3A_242 = arith.constant 0 : i32
        %dma_wait3A_243 = arith.constant 0 : i32
        %dma_wait3A_244 = tpu.memref_slice %arg11[%dma_wait3A_242, %dma_wait3A_243] : memref<128x128xf32, #tpu.memory_space<vmem>> -> memref<128x128xf32, #tpu.memory_space<vmem>>
        %dma_wait3A_245 = arith.constant 9488 : i32
        %dma_wait3A_246 = arith.constant 0 : i32
        %dma_wait3A_247 = tpu.memref_slice %arg7[%dma_wait3A_245, %dma_wait3A_246] : memref<10112x128xf32, #tpu.memory_space<vmem_shared>> -> memref<128x128xf32, #tpu.memory_space<vmem_shared>>
        %dma_wait3A_248 = arith.constant 0 : i32
        %dma_wait3A_249 = arith.constant 0 : i32
        %dma_wait3A_250 = tpu.memref_slice %arg11[%dma_wait3A_248, %dma_wait3A_249] : memref<128x128xf32, #tpu.memory_space<vmem>> -> memref<128x128xf32, #tpu.memory_space<vmem>>
        %dma_wait3A_251 = arith.constant 9488 : i32
        %dma_wait3A_252 = arith.constant 0 : i32
        %dma_wait3A_253 = tpu.memref_slice %arg7[%dma_wait3A_251, %dma_wait3A_252] : memref<10112x128xf32, #tpu.memory_space<vmem_shared>> -> memref<128x128xf32, #tpu.memory_space<vmem_shared>>
        tpu.wait_dma2 semaphore(%run_scoped3A : memref<!tpu.dma_semaphore, #tpu.memory_space<semaphore_mem>>) src(%dma_wait3A_253 : memref<128x128xf32, #tpu.memory_space<vmem_shared>>) dst(%dma_wait3A_250 : memref<128x128xf32, #tpu.memory_space<vmem>>)
        tpu.yield
      }) : () -> ()
      %mul3A_87 = arith.constant 10000 : i32
      %mul3A_88 = arith.muli %arg0, %mul3A_87 : i32
      %add3A_89 = arith.constant 9360 : i32
      %add3A_90 = arith.addi %mul3A_88, %add3A_89 : i32
      %add3A_91 = arith.constant 128 : i32
      %add3A_92 = arith.addi %add3A_90, %add3A_91 : i32
      %dma_start3A_93 = arith.constant 0 : i32
      %dma_start3A_94 = arith.constant 0 : i32
      %dma_start3A_95 = tpu.memref_slice %arg11[%dma_start3A_93, %dma_start3A_94] : memref<128x128xf32, #tpu.memory_space<vmem>> -> memref<128x128xf32, #tpu.memory_space<vmem>>
      %dma_start3A_96 = arith.constant 0 : i32
      %dma_start3A_97 = tpu.memref_slice %arg6[%add3A_92, %dma_start3A_96] : memref<20000x128xf32, #tpu.memory_space<hbm>> -> memref<128x128xf32, #tpu.memory_space<hbm>>
      %dma_start3A_98 = arith.constant 0 : i32
      %dma_start3A_99 = tpu.memref_slice %arg6[%add3A_92, %dma_start3A_98] : memref<20000x128xf32, #tpu.memory_space<hbm>> -> memref<128x128xf32, #tpu.memory_space<hbm>>
      %dma_start3A_100 = arith.constant 0 : i32
      %dma_start3A_101 = arith.constant 0 : i32
      %dma_start3A_102 = tpu.memref_slice %arg11[%dma_start3A_100, %dma_start3A_101] : memref<128x128xf32, #tpu.memory_space<vmem>> -> memref<128x128xf32, #tpu.memory_space<vmem>>
      tpu.enqueue_dma source(%dma_start3A_102 : memref<128x128xf32, #tpu.memory_space<vmem>>) target(%dma_start3A_99 : memref<128x128xf32, #tpu.memory_space<hbm>>) target_semaphore(%arg13 : memref<!tpu.dma_semaphore, #tpu.memory_space<semaphore_mem>>)
      %mul3A_103 = arith.constant 10000 : i32
      %mul3A_104 = arith.muli %arg0, %mul3A_103 : i32
      %add3A_105 = arith.constant 9360 : i32
      %add3A_106 = arith.addi %mul3A_104, %add3A_105 : i32
      %add3A_107 = arith.constant 0 : i32
      %add3A_108 = arith.addi %add3A_106, %add3A_107 : i32
      %dma_wait3A = arith.constant 0 : i32
      %dma_wait3A_109 = arith.constant 0 : i32
      %dma_wait3A_110 = tpu.memref_slice %arg10[%dma_wait3A, %dma_wait3A_109] : memref<128x128xf32, #tpu.memory_space<vmem>> -> memref<128x128xf32, #tpu.memory_space<vmem>>
      %dma_wait3A_111 = arith.constant 0 : i32
      %dma_wait3A_112 = tpu.memref_slice %arg6[%add3A_108, %dma_wait3A_111] : memref<20000x128xf32, #tpu.memory_space<hbm>> -> memref<128x128xf32, #tpu.memory_space<hbm>>
      %dma_wait3A_113 = arith.constant 0 : i32
      %dma_wait3A_114 = tpu.memref_slice %arg6[%add3A_108, %dma_wait3A_113] : memref<20000x128xf32, #tpu.memory_space<hbm>> -> memref<128x128xf32, #tpu.memory_space<hbm>>
      %dma_wait3A_115 = arith.constant 0 : i32
      %dma_wait3A_116 = arith.constant 0 : i32
      %dma_wait3A_117 = tpu.memref_slice %arg10[%dma_wait3A_115, %dma_wait3A_116] : memref<128x128xf32, #tpu.memory_space<vmem>> -> memref<128x128xf32, #tpu.memory_space<vmem>>
      tpu.wait_dma2 semaphore(%arg12 : memref<!tpu.dma_semaphore, #tpu.memory_space<semaphore_mem>>) src(%dma_wait3A_117 : memref<128x128xf32, #tpu.memory_space<vmem>>) dst(%dma_wait3A_114 : memref<128x128xf32, #tpu.memory_space<hbm>>)
      "tpu.region"() ({
        %run_scoped3A = tpu.sem_alloc : memref<!tpu.dma_semaphore, #tpu.memory_space<semaphore_mem>>
        %dma_start3A_230 = arith.constant 0 : i32
        %dma_start3A_231 = arith.constant 0 : i32
        %dma_start3A_232 = tpu.memref_slice %arg10[%dma_start3A_230, %dma_start3A_231] : memref<128x128xf32, #tpu.memory_space<vmem>> -> memref<128x128xf32, #tpu.memory_space<vmem>>
        %dma_start3A_233 = arith.constant 9616 : i32
        %dma_start3A_234 = arith.constant 0 : i32
        %dma_start3A_235 = tpu.memref_slice %arg7[%dma_start3A_233, %dma_start3A_234] : memref<10112x128xf32, #tpu.memory_space<vmem_shared>> -> memref<128x128xf32, #tpu.memory_space<vmem_shared>>
        %dma_start3A_236 = arith.constant 0 : i32
        %dma_start3A_237 = arith.constant 0 : i32
        %dma_start3A_238 = tpu.memref_slice %arg10[%dma_start3A_236, %dma_start3A_237] : memref<128x128xf32, #tpu.memory_space<vmem>> -> memref<128x128xf32, #tpu.memory_space<vmem>>
        %dma_start3A_239 = arith.constant 9616 : i32
        %dma_start3A_240 = arith.constant 0 : i32
        %dma_start3A_241 = tpu.memref_slice %arg7[%dma_start3A_239, %dma_start3A_240] : memref<10112x128xf32, #tpu.memory_space<vmem_shared>> -> memref<128x128xf32, #tpu.memory_space<vmem_shared>>
        tpu.enqueue_dma source(%dma_start3A_241 : memref<128x128xf32, #tpu.memory_space<vmem_shared>>) target(%dma_start3A_238 : memref<128x128xf32, #tpu.memory_space<vmem>>) target_semaphore(%run_scoped3A : memref<!tpu.dma_semaphore, #tpu.memory_space<semaphore_mem>>)
        %dma_wait3A_242 = arith.constant 0 : i32
        %dma_wait3A_243 = arith.constant 0 : i32
        %dma_wait3A_244 = tpu.memref_slice %arg10[%dma_wait3A_242, %dma_wait3A_243] : memref<128x128xf32, #tpu.memory_space<vmem>> -> memref<128x128xf32, #tpu.memory_space<vmem>>
        %dma_wait3A_245 = arith.constant 9616 : i32
        %dma_wait3A_246 = arith.constant 0 : i32
        %dma_wait3A_247 = tpu.memref_slice %arg7[%dma_wait3A_245, %dma_wait3A_246] : memref<10112x128xf32, #tpu.memory_space<vmem_shared>> -> memref<128x128xf32, #tpu.memory_space<vmem_shared>>
        %dma_wait3A_248 = arith.constant 0 : i32
        %dma_wait3A_249 = arith.constant 0 : i32
        %dma_wait3A_250 = tpu.memref_slice %arg10[%dma_wait3A_248, %dma_wait3A_249] : memref<128x128xf32, #tpu.memory_space<vmem>> -> memref<128x128xf32, #tpu.memory_space<vmem>>
        %dma_wait3A_251 = arith.constant 9616 : i32
        %dma_wait3A_252 = arith.constant 0 : i32
        %dma_wait3A_253 = tpu.memref_slice %arg7[%dma_wait3A_251, %dma_wait3A_252] : memref<10112x128xf32, #tpu.memory_space<vmem_shared>> -> memref<128x128xf32, #tpu.memory_space<vmem_shared>>
        tpu.wait_dma2 semaphore(%run_scoped3A : memref<!tpu.dma_semaphore, #tpu.memory_space<semaphore_mem>>) src(%dma_wait3A_253 : memref<128x128xf32, #tpu.memory_space<vmem_shared>>) dst(%dma_wait3A_250 : memref<128x128xf32, #tpu.memory_space<vmem>>)
        tpu.yield
      }) : () -> ()
      %mul3A_118 = arith.constant 10000 : i32
      %mul3A_119 = arith.muli %arg0, %mul3A_118 : i32
      %add3A_120 = arith.constant 9360 : i32
      %add3A_121 = arith.addi %mul3A_119, %add3A_120 : i32
      %add3A_122 = arith.constant 256 : i32
      %add3A_123 = arith.addi %add3A_121, %add3A_122 : i32
      %dma_start3A_124 = arith.constant 0 : i32
      %dma_start3A_125 = arith.constant 0 : i32
      %dma_start3A_126 = tpu.memref_slice %arg10[%dma_start3A_124, %dma_start3A_125] : memref<128x128xf32, #tpu.memory_space<vmem>> -> memref<128x128xf32, #tpu.memory_space<vmem>>
      %dma_start3A_127 = arith.constant 0 : i32
      %dma_start3A_128 = tpu.memref_slice %arg6[%add3A_123, %dma_start3A_127] : memref<20000x128xf32, #tpu.memory_space<hbm>> -> memref<128x128xf32, #tpu.memory_space<hbm>>
      %dma_start3A_129 = arith.constant 0 : i32
      %dma_start3A_130 = tpu.memref_slice %arg6[%add3A_123, %dma_start3A_129] : memref<20000x128xf32, #tpu.memory_space<hbm>> -> memref<128x128xf32, #tpu.memory_space<hbm>>
      %dma_start3A_131 = arith.constant 0 : i32
      %dma_start3A_132 = arith.constant 0 : i32
      %dma_start3A_133 = tpu.memref_slice %arg10[%dma_start3A_131, %dma_start3A_132] : memref<128x128xf32, #tpu.memory_space<vmem>> -> memref<128x128xf32, #tpu.memory_space<vmem>>
      tpu.enqueue_dma source(%dma_start3A_133 : memref<128x128xf32, #tpu.memory_space<vmem>>) target(%dma_start3A_130 : memref<128x128xf32, #tpu.memory_space<hbm>>) target_semaphore(%arg12 : memref<!tpu.dma_semaphore, #tpu.memory_space<semaphore_mem>>)
      %mul3A_134 = arith.constant 10000 : i32
      %mul3A_135 = arith.muli %arg0, %mul3A_134 : i32
      %add3A_136 = arith.constant 9360 : i32
      %add3A_137 = arith.addi %mul3A_135, %add3A_136 : i32
      %add3A_138 = arith.constant 128 : i32
      %add3A_139 = arith.addi %add3A_137, %add3A_138 : i32
      %dma_wait3A_140 = arith.constant 0 : i32
      %dma_wait3A_141 = arith.constant 0 : i32
      %dma_wait3A_142 = tpu.memref_slice %arg11[%dma_wait3A_140, %dma_wait3A_141] : memref<128x128xf32, #tpu.memory_space<vmem>> -> memref<128x128xf32, #tpu.memory_space<vmem>>
      %dma_wait3A_143 = arith.constant 0 : i32
      %dma_wait3A_144 = tpu.memref_slice %arg6[%add3A_139, %dma_wait3A_143] : memref<20000x128xf32, #tpu.memory_space<hbm>> -> memref<128x128xf32, #tpu.memory_space<hbm>>
      %dma_wait3A_145 = arith.constant 0 : i32
      %dma_wait3A_146 = tpu.memref_slice %arg6[%add3A_139, %dma_wait3A_145] : memref<20000x128xf32, #tpu.memory_space<hbm>> -> memref<128x128xf32, #tpu.memory_space<hbm>>
      %dma_wait3A_147 = arith.constant 0 : i32
      %dma_wait3A_148 = arith.constant 0 : i32
      %dma_wait3A_149 = tpu.memref_slice %arg11[%dma_wait3A_147, %dma_wait3A_148] : memref<128x128xf32, #tpu.memory_space<vmem>> -> memref<128x128xf32, #tpu.memory_space<vmem>>
      tpu.wait_dma2 semaphore(%arg13 : memref<!tpu.dma_semaphore, #tpu.memory_space<semaphore_mem>>) src(%dma_wait3A_149 : memref<128x128xf32, #tpu.memory_space<vmem>>) dst(%dma_wait3A_146 : memref<128x128xf32, #tpu.memory_space<hbm>>)
      "tpu.region"() ({
        %run_scoped3A = tpu.sem_alloc : memref<!tpu.dma_semaphore, #tpu.memory_space<semaphore_mem>>
        %dma_start3A_230 = arith.constant 0 : i32
        %dma_start3A_231 = arith.constant 0 : i32
        %dma_start3A_232 = tpu.memref_slice %arg11[%dma_start3A_230, %dma_start3A_231] : memref<128x128xf32, #tpu.memory_space<vmem>> -> memref<128x128xf32, #tpu.memory_space<vmem>>
        %dma_start3A_233 = arith.constant 9744 : i32
        %dma_start3A_234 = arith.constant 0 : i32
        %dma_start3A_235 = tpu.memref_slice %arg7[%dma_start3A_233, %dma_start3A_234] : memref<10112x128xf32, #tpu.memory_space<vmem_shared>> -> memref<128x128xf32, #tpu.memory_space<vmem_shared>>
        %dma_start3A_236 = arith.constant 0 : i32
        %dma_start3A_237 = arith.constant 0 : i32
        %dma_start3A_238 = tpu.memref_slice %arg11[%dma_start3A_236, %dma_start3A_237] : memref<128x128xf32, #tpu.memory_space<vmem>> -> memref<128x128xf32, #tpu.memory_space<vmem>>
        %dma_start3A_239 = arith.constant 9744 : i32
        %dma_start3A_240 = arith.constant 0 : i32
        %dma_start3A_241 = tpu.memref_slice %arg7[%dma_start3A_239, %dma_start3A_240] : memref<10112x128xf32, #tpu.memory_space<vmem_shared>> -> memref<128x128xf32, #tpu.memory_space<vmem_shared>>
        tpu.enqueue_dma source(%dma_start3A_241 : memref<128x128xf32, #tpu.memory_space<vmem_shared>>) target(%dma_start3A_238 : memref<128x128xf32, #tpu.memory_space<vmem>>) target_semaphore(%run_scoped3A : memref<!tpu.dma_semaphore, #tpu.memory_space<semaphore_mem>>)
        %dma_wait3A_242 = arith.constant 0 : i32
        %dma_wait3A_243 = arith.constant 0 : i32
        %dma_wait3A_244 = tpu.memref_slice %arg11[%dma_wait3A_242, %dma_wait3A_243] : memref<128x128xf32, #tpu.memory_space<vmem>> -> memref<128x128xf32, #tpu.memory_space<vmem>>
        %dma_wait3A_245 = arith.constant 9744 : i32
        %dma_wait3A_246 = arith.constant 0 : i32
        %dma_wait3A_247 = tpu.memref_slice %arg7[%dma_wait3A_245, %dma_wait3A_246] : memref<10112x128xf32, #tpu.memory_space<vmem_shared>> -> memref<128x128xf32, #tpu.memory_space<vmem_shared>>
        %dma_wait3A_248 = arith.constant 0 : i32
        %dma_wait3A_249 = arith.constant 0 : i32
        %dma_wait3A_250 = tpu.memref_slice %arg11[%dma_wait3A_248, %dma_wait3A_249] : memref<128x128xf32, #tpu.memory_space<vmem>> -> memref<128x128xf32, #tpu.memory_space<vmem>>
        %dma_wait3A_251 = arith.constant 9744 : i32
        %dma_wait3A_252 = arith.constant 0 : i32
        %dma_wait3A_253 = tpu.memref_slice %arg7[%dma_wait3A_251, %dma_wait3A_252] : memref<10112x128xf32, #tpu.memory_space<vmem_shared>> -> memref<128x128xf32, #tpu.memory_space<vmem_shared>>
        tpu.wait_dma2 semaphore(%run_scoped3A : memref<!tpu.dma_semaphore, #tpu.memory_space<semaphore_mem>>) src(%dma_wait3A_253 : memref<128x128xf32, #tpu.memory_space<vmem_shared>>) dst(%dma_wait3A_250 : memref<128x128xf32, #tpu.memory_space<vmem>>)
        tpu.yield
      }) : () -> ()
      %mul3A_150 = arith.constant 10000 : i32
      %mul3A_151 = arith.muli %arg0, %mul3A_150 : i32
      %add3A_152 = arith.constant 9360 : i32
      %add3A_153 = arith.addi %mul3A_151, %add3A_152 : i32
      %add3A_154 = arith.constant 384 : i32
      %add3A_155 = arith.addi %add3A_153, %add3A_154 : i32
      %dma_start3A_156 = arith.constant 0 : i32
      %dma_start3A_157 = arith.constant 0 : i32
      %dma_start3A_158 = tpu.memref_slice %arg11[%dma_start3A_156, %dma_start3A_157] : memref<128x128xf32, #tpu.memory_space<vmem>> -> memref<128x128xf32, #tpu.memory_space<vmem>>
      %dma_start3A_159 = arith.constant 0 : i32
      %dma_start3A_160 = tpu.memref_slice %arg6[%add3A_155, %dma_start3A_159] : memref<20000x128xf32, #tpu.memory_space<hbm>> -> memref<128x128xf32, #tpu.memory_space<hbm>>
      %dma_start3A_161 = arith.constant 0 : i32
      %dma_start3A_162 = tpu.memref_slice %arg6[%add3A_155, %dma_start3A_161] : memref<20000x128xf32, #tpu.memory_space<hbm>> -> memref<128x128xf32, #tpu.memory_space<hbm>>
      %dma_start3A_163 = arith.constant 0 : i32
      %dma_start3A_164 = arith.constant 0 : i32
      %dma_start3A_165 = tpu.memref_slice %arg11[%dma_start3A_163, %dma_start3A_164] : memref<128x128xf32, #tpu.memory_space<vmem>> -> memref<128x128xf32, #tpu.memory_space<vmem>>
      tpu.enqueue_dma source(%dma_start3A_165 : memref<128x128xf32, #tpu.memory_space<vmem>>) target(%dma_start3A_162 : memref<128x128xf32, #tpu.memory_space<hbm>>) target_semaphore(%arg13 : memref<!tpu.dma_semaphore, #tpu.memory_space<semaphore_mem>>)
      %mul3A_166 = arith.constant 10000 : i32
      %mul3A_167 = arith.muli %arg0, %mul3A_166 : i32
      %add3A_168 = arith.constant 9360 : i32
      %add3A_169 = arith.addi %mul3A_167, %add3A_168 : i32
      %add3A_170 = arith.constant 256 : i32
      %add3A_171 = arith.addi %add3A_169, %add3A_170 : i32
      %dma_wait3A_172 = arith.constant 0 : i32
      %dma_wait3A_173 = arith.constant 0 : i32
      %dma_wait3A_174 = tpu.memref_slice %arg10[%dma_wait3A_172, %dma_wait3A_173] : memref<128x128xf32, #tpu.memory_space<vmem>> -> memref<128x128xf32, #tpu.memory_space<vmem>>
      %dma_wait3A_175 = arith.constant 0 : i32
      %dma_wait3A_176 = tpu.memref_slice %arg6[%add3A_171, %dma_wait3A_175] : memref<20000x128xf32, #tpu.memory_space<hbm>> -> memref<128x128xf32, #tpu.memory_space<hbm>>
      %dma_wait3A_177 = arith.constant 0 : i32
      %dma_wait3A_178 = tpu.memref_slice %arg6[%add3A_171, %dma_wait3A_177] : memref<20000x128xf32, #tpu.memory_space<hbm>> -> memref<128x128xf32, #tpu.memory_space<hbm>>
      %dma_wait3A_179 = arith.constant 0 : i32
      %dma_wait3A_180 = arith.constant 0 : i32
      %dma_wait3A_181 = tpu.memref_slice %arg10[%dma_wait3A_179, %dma_wait3A_180] : memref<128x128xf32, #tpu.memory_space<vmem>> -> memref<128x128xf32, #tpu.memory_space<vmem>>
      tpu.wait_dma2 semaphore(%arg12 : memref<!tpu.dma_semaphore, #tpu.memory_space<semaphore_mem>>) src(%dma_wait3A_181 : memref<128x128xf32, #tpu.memory_space<vmem>>) dst(%dma_wait3A_178 : memref<128x128xf32, #tpu.memory_space<hbm>>)
      "tpu.region"() ({
        %run_scoped3A = tpu.sem_alloc : memref<!tpu.dma_semaphore, #tpu.memory_space<semaphore_mem>>
        %dma_start3A_230 = arith.constant 0 : i32
        %dma_start3A_231 = arith.constant 0 : i32
        %dma_start3A_232 = tpu.memref_slice %arg10[%dma_start3A_230, %dma_start3A_231] : memref<128x128xf32, #tpu.memory_space<vmem>> -> memref<128x128xf32, #tpu.memory_space<vmem>>
        %dma_start3A_233 = arith.constant 9872 : i32
        %dma_start3A_234 = arith.constant 0 : i32
        %dma_start3A_235 = tpu.memref_slice %arg7[%dma_start3A_233, %dma_start3A_234] : memref<10112x128xf32, #tpu.memory_space<vmem_shared>> -> memref<128x128xf32, #tpu.memory_space<vmem_shared>>
        %dma_start3A_236 = arith.constant 0 : i32
        %dma_start3A_237 = arith.constant 0 : i32
        %dma_start3A_238 = tpu.memref_slice %arg10[%dma_start3A_236, %dma_start3A_237] : memref<128x128xf32, #tpu.memory_space<vmem>> -> memref<128x128xf32, #tpu.memory_space<vmem>>
        %dma_start3A_239 = arith.constant 9872 : i32
        %dma_start3A_240 = arith.constant 0 : i32
        %dma_start3A_241 = tpu.memref_slice %arg7[%dma_start3A_239, %dma_start3A_240] : memref<10112x128xf32, #tpu.memory_space<vmem_shared>> -> memref<128x128xf32, #tpu.memory_space<vmem_shared>>
        tpu.enqueue_dma source(%dma_start3A_241 : memref<128x128xf32, #tpu.memory_space<vmem_shared>>) target(%dma_start3A_238 : memref<128x128xf32, #tpu.memory_space<vmem>>) target_semaphore(%run_scoped3A : memref<!tpu.dma_semaphore, #tpu.memory_space<semaphore_mem>>)
        %dma_wait3A_242 = arith.constant 0 : i32
        %dma_wait3A_243 = arith.constant 0 : i32
        %dma_wait3A_244 = tpu.memref_slice %arg10[%dma_wait3A_242, %dma_wait3A_243] : memref<128x128xf32, #tpu.memory_space<vmem>> -> memref<128x128xf32, #tpu.memory_space<vmem>>
        %dma_wait3A_245 = arith.constant 9872 : i32
        %dma_wait3A_246 = arith.constant 0 : i32
        %dma_wait3A_247 = tpu.memref_slice %arg7[%dma_wait3A_245, %dma_wait3A_246] : memref<10112x128xf32, #tpu.memory_space<vmem_shared>> -> memref<128x128xf32, #tpu.memory_space<vmem_shared>>
        %dma_wait3A_248 = arith.constant 0 : i32
        %dma_wait3A_249 = arith.constant 0 : i32
        %dma_wait3A_250 = tpu.memref_slice %arg10[%dma_wait3A_248, %dma_wait3A_249] : memref<128x128xf32, #tpu.memory_space<vmem>> -> memref<128x128xf32, #tpu.memory_space<vmem>>
        %dma_wait3A_251 = arith.constant 9872 : i32
        %dma_wait3A_252 = arith.constant 0 : i32
        %dma_wait3A_253 = tpu.memref_slice %arg7[%dma_wait3A_251, %dma_wait3A_252] : memref<10112x128xf32, #tpu.memory_space<vmem_shared>> -> memref<128x128xf32, #tpu.memory_space<vmem_shared>>
        tpu.wait_dma2 semaphore(%run_scoped3A : memref<!tpu.dma_semaphore, #tpu.memory_space<semaphore_mem>>) src(%dma_wait3A_253 : memref<128x128xf32, #tpu.memory_space<vmem_shared>>) dst(%dma_wait3A_250 : memref<128x128xf32, #tpu.memory_space<vmem>>)
        tpu.yield
      }) : () -> ()
      %mul3A_182 = arith.constant 10000 : i32
      %mul3A_183 = arith.muli %arg0, %mul3A_182 : i32
      %add3A_184 = arith.constant 9360 : i32
      %add3A_185 = arith.addi %mul3A_183, %add3A_184 : i32
      %add3A_186 = arith.constant 512 : i32
      %add3A_187 = arith.addi %add3A_185, %add3A_186 : i32
      %dma_start3A_188 = arith.constant 0 : i32
      %dma_start3A_189 = arith.constant 0 : i32
      %dma_start3A_190 = tpu.memref_slice %arg10[%dma_start3A_188, %dma_start3A_189] : memref<128x128xf32, #tpu.memory_space<vmem>> -> memref<128x128xf32, #tpu.memory_space<vmem>>
      %dma_start3A_191 = arith.constant 0 : i32
      %dma_start3A_192 = tpu.memref_slice %arg6[%add3A_187, %dma_start3A_191] : memref<20000x128xf32, #tpu.memory_space<hbm>> -> memref<128x128xf32, #tpu.memory_space<hbm>>
      %dma_start3A_193 = arith.constant 0 : i32
      %dma_start3A_194 = tpu.memref_slice %arg6[%add3A_187, %dma_start3A_193] : memref<20000x128xf32, #tpu.memory_space<hbm>> -> memref<128x128xf32, #tpu.memory_space<hbm>>
      %dma_start3A_195 = arith.constant 0 : i32
      %dma_start3A_196 = arith.constant 0 : i32
      %dma_start3A_197 = tpu.memref_slice %arg10[%dma_start3A_195, %dma_start3A_196] : memref<128x128xf32, #tpu.memory_space<vmem>> -> memref<128x128xf32, #tpu.memory_space<vmem>>
      tpu.enqueue_dma source(%dma_start3A_197 : memref<128x128xf32, #tpu.memory_space<vmem>>) target(%dma_start3A_194 : memref<128x128xf32, #tpu.memory_space<hbm>>) target_semaphore(%arg12 : memref<!tpu.dma_semaphore, #tpu.memory_space<semaphore_mem>>)
      %mul3A_198 = arith.constant 10000 : i32
      %mul3A_199 = arith.muli %arg0, %mul3A_198 : i32
      %add3A_200 = arith.constant 9360 : i32
      %add3A_201 = arith.addi %mul3A_199, %add3A_200 : i32
      %add3A_202 = arith.constant 512 : i32
      %add3A_203 = arith.addi %add3A_201, %add3A_202 : i32
      %dma_wait3A_204 = arith.constant 0 : i32
      %dma_wait3A_205 = arith.constant 0 : i32
      %dma_wait3A_206 = tpu.memref_slice %arg10[%dma_wait3A_204, %dma_wait3A_205] : memref<128x128xf32, #tpu.memory_space<vmem>> -> memref<128x128xf32, #tpu.memory_space<vmem>>
      %dma_wait3A_207 = arith.constant 0 : i32
      %dma_wait3A_208 = tpu.memref_slice %arg6[%add3A_203, %dma_wait3A_207] : memref<20000x128xf32, #tpu.memory_space<hbm>> -> memref<128x128xf32, #tpu.memory_space<hbm>>
      %dma_wait3A_209 = arith.constant 0 : i32
      %dma_wait3A_210 = tpu.memref_slice %arg6[%add3A_203, %dma_wait3A_209] : memref<20000x128xf32, #tpu.memory_space<hbm>> -> memref<128x128xf32, #tpu.memory_space<hbm>>
      %dma_wait3A_211 = arith.constant 0 : i32
      %dma_wait3A_212 = arith.constant 0 : i32
      %dma_wait3A_213 = tpu.memref_slice %arg10[%dma_wait3A_211, %dma_wait3A_212] : memref<128x128xf32, #tpu.memory_space<vmem>> -> memref<128x128xf32, #tpu.memory_space<vmem>>
      tpu.wait_dma2 semaphore(%arg12 : memref<!tpu.dma_semaphore, #tpu.memory_space<semaphore_mem>>) src(%dma_wait3A_213 : memref<128x128xf32, #tpu.memory_space<vmem>>) dst(%dma_wait3A_210 : memref<128x128xf32, #tpu.memory_space<hbm>>)
      %mul3A_214 = arith.constant 10000 : i32
      %mul3A_215 = arith.muli %arg0, %mul3A_214 : i32
      %add3A_216 = arith.constant 9360 : i32
      %add3A_217 = arith.addi %mul3A_215, %add3A_216 : i32
      %add3A_218 = arith.constant 384 : i32
      %add3A_219 = arith.addi %add3A_217, %add3A_218 : i32
      %dma_wait3A_220 = arith.constant 0 : i32
      %dma_wait3A_221 = arith.constant 0 : i32
      %dma_wait3A_222 = tpu.memref_slice %arg11[%dma_wait3A_220, %dma_wait3A_221] : memref<128x128xf32, #tpu.memory_space<vmem>> -> memref<128x128xf32, #tpu.memory_space<vmem>>
      %dma_wait3A_223 = arith.constant 0 : i32
      %dma_wait3A_224 = tpu.memref_slice %arg6[%add3A_219, %dma_wait3A_223] : memref<20000x128xf32, #tpu.memory_space<hbm>> -> memref<128x128xf32, #tpu.memory_space<hbm>>
      %dma_wait3A_225 = arith.constant 0 : i32
      %dma_wait3A_226 = tpu.memref_slice %arg6[%add3A_219, %dma_wait3A_225] : memref<20000x128xf32, #tpu.memory_space<hbm>> -> memref<128x128xf32, #tpu.memory_space<hbm>>
      %dma_wait3A_227 = arith.constant 0 : i32
      %dma_wait3A_228 = arith.constant 0 : i32
      %dma_wait3A_229 = tpu.memref_slice %arg11[%dma_wait3A_227, %dma_wait3A_228] : memref<128x128xf32, #tpu.memory_space<vmem>> -> memref<128x128xf32, #tpu.memory_space<vmem>>
      tpu.wait_dma2 semaphore(%arg13 : memref<!tpu.dma_semaphore, #tpu.memory_space<semaphore_mem>>) src(%dma_wait3A_229 : memref<128x128xf32, #tpu.memory_space<vmem>>) dst(%dma_wait3A_226 : memref<128x128xf32, #tpu.memory_space<hbm>>)
    } else {
    }
    return
  }
}

module attributes {stable_mosaic.version = 14 : i64} {
  func.func @_k1_body(%arg0: i32, %arg1: i32, %arg2: memref<2000x256xf32, #tpu.memory_space<vmem>>, %arg3: memref<256x128xf32, #tpu.memory_space<vmem>>, %arg4: memref<2000x1xf32, #tpu.memory_space<vmem>>, %arg5: memref<2000x1xf32, #tpu.memory_space<vmem>>, %arg6: memref<2000x128xf32, #tpu.memory_space<vmem>>, %arg7: memref<2000x1xf32, #tpu.memory_space<vmem>>) attributes {dimension_semantics = [#tpu.dimension_semantics<arbitrary>, #tpu.dimension_semantics<arbitrary>], iteration_bounds = array<i64: 5, 2>, scalar_prefetch = 0 : i64, scratch_operands = 0 : i64, tpu.core_type = #tpu.core_type<tc>, window_params = [{transform_indices = @transform_0, window_bounds = array<i64: 2000, 256>}, {transform_indices = @transform_1, window_bounds = array<i64: 256, 128>}, {transform_indices = @transform_2, window_bounds = array<i64: 2000, 1>}, {transform_indices = @transform_3, window_bounds = array<i64: 2000, 1>}, {transform_indices = @transform_4, window_bounds = array<i64: 2000, 128>}, {transform_indices = @transform_5, window_bounds = array<i64: 2000, 1>}]} {
    %get3A = arith.constant 0 : index
    %get3A_0 = arith.constant 0 : index
    %get3A_1 = vector.load %arg4[%get3A, %get3A_0] : memref<2000x1xf32, #tpu.memory_space<vmem>>, vector<2000x1xf32>
    %get3A_2 = arith.constant 0 : index
    %get3A_3 = arith.constant 0 : index
    %get3A_4 = vector.load %arg5[%get3A_2, %get3A_3] : memref<2000x1xf32, #tpu.memory_space<vmem>>, vector<2000x1xf32>
    %add3A = arith.addf %get3A_1, %get3A_4 : vector<2000x1xf32>
    %add3A_5 = arith.constant 1.000000e+00 : f32
    %add3A_6 = vector.broadcast %add3A_5 : f32 to vector<2000x1xf32>
    %add3A_7 = arith.addf %add3A, %add3A_6 : vector<2000x1xf32>
    %rsqrt3A = math.rsqrt %add3A_7 : vector<2000x1xf32>
    %get3A_8 = arith.constant 0 : index
    %get3A_9 = arith.constant 0 : index
    %get3A_10 = vector.load %arg2[%get3A_8, %get3A_9] : memref<2000x256xf32, #tpu.memory_space<vmem>>, vector<2000x256xf32>
    %get3A_11 = arith.constant 0 : index
    %get3A_12 = arith.constant 0 : index
    %get3A_13 = vector.load %arg3[%get3A_11, %get3A_12] : memref<256x128xf32, #tpu.memory_space<vmem>>, vector<256x128xf32>
    %dot_general3A = arith.constant dense<0.000000e+00> : vector<2000x128xf32>
    %dot_general3A_14 = tpu.matmul %get3A_10, %get3A_13, %dot_general3A {dimension_numbers = #tpu.dot_dimension_numbers<[1], [0], [0], [1], [0, 0, 1, 1], [], []>, transpose_lhs_hint = false} : vector<2000x256xf32>, vector<256x128xf32>, vector<2000x128xf32> -> vector<2000x128xf32>
    %mul3A = vector.broadcast %rsqrt3A : vector<2000x1xf32> to vector<2000x128xf32>
    %mul3A_15 = arith.mulf %dot_general3A_14, %mul3A : vector<2000x128xf32>
    %swap3A = arith.constant 0 : index
    %swap3A_16 = arith.constant 0 : index
    %swap3A_17 = vector.load %arg6[%swap3A, %swap3A_16] : memref<2000x128xf32, #tpu.memory_space<vmem>>, vector<2000x128xf32>
    tpu.vector_store %arg6[%swap3A, %swap3A_16], %mul3A_15 {strides = array<i32>} : memref<2000x128xf32, #tpu.memory_space<vmem>>, vector<2000x128xf32>,
    %swap3A_18 = arith.constant 0 : index
    %swap3A_19 = arith.constant 0 : index
    %swap3A_20 = vector.load %arg7[%swap3A_18, %swap3A_19] : memref<2000x1xf32, #tpu.memory_space<vmem>>, vector<2000x1xf32>
    tpu.vector_store %arg7[%swap3A_18, %swap3A_19], %rsqrt3A {strides = array<i32>} : memref<2000x1xf32, #tpu.memory_space<vmem>>, vector<2000x1xf32>,
    return
  }
  func.func @transform_0(%arg0: i32, %arg1: i32) -> (i32, i32) {
    %c0_i32 = arith.constant 0 : i32
    %c0_i32_0 = arith.constant 0 : i32
    return %arg0, %c0_i32 : i32, i32
  }
  func.func @transform_1(%arg0: i32, %arg1: i32) -> (i32, i32) {
    %c0_i32 = arith.constant 0 : i32
    %c0_i32_0 = arith.constant 0 : i32
    return %c0_i32, %arg1 : i32, i32
  }
  func.func @transform_2(%arg0: i32, %arg1: i32) -> (i32, i32) {
    %c0_i32 = arith.constant 0 : i32
    %c0_i32_0 = arith.constant 0 : i32
    return %arg0, %c0_i32 : i32, i32
  }
  func.func @transform_3(%arg0: i32, %arg1: i32) -> (i32, i32) {
    %c0_i32 = arith.constant 0 : i32
    %c0_i32_0 = arith.constant 0 : i32
    return %arg0, %c0_i32 : i32, i32
  }
  func.func @transform_4(%arg0: i32, %arg1: i32) -> (i32, i32) {
    %mul3A = arith.constant 5 : i32
    %mul3A_0 = arith.muli %arg1, %mul3A : i32
    %add3A = arith.addi %mul3A_0, %arg0 : i32
    %c0_i32 = arith.constant 0 : i32
    %c0_i32_1 = arith.constant 0 : i32
    return %add3A, %c0_i32 : i32, i32
  }
  func.func @transform_5(%arg0: i32, %arg1: i32) -> (i32, i32) {
    %c0_i32 = arith.constant 0 : i32
    %c0_i32_0 = arith.constant 0 : i32
    return %arg0, %c0_i32 : i32, i32
  }
}

module attributes {stable_mosaic.version = 14 : i64} {
  func.func @_k_stats_body(%arg0: i32, %arg1: i32, %arg2: memref<2000x128xf32, #tpu.memory_space<vmem>>, %arg3: memref<2000x128xf32, #tpu.memory_space<vmem>>, %arg4: memref<2000x1xf32, #tpu.memory_space<vmem>>, %arg5: memref<2000x128xf32, #tpu.memory_space<vmem>>, %arg6: memref<1x1x128xf32, #tpu.memory_space<vmem>>, %arg7: memref<1x1x128xf32, #tpu.memory_space<vmem>>) attributes {dimension_semantics = [#tpu.dimension_semantics<arbitrary>, #tpu.dimension_semantics<arbitrary>], iteration_bounds = array<i64: 2, 5>, scalar_prefetch = 0 : i64, scratch_operands = 0 : i64, tpu.core_type = #tpu.core_type<tc>, window_params = [{transform_indices = @transform_0, window_bounds = array<i64: 2000, 128>}, {transform_indices = @transform_1, window_bounds = array<i64: 2000, 128>}, {transform_indices = @transform_2, window_bounds = array<i64: 2000, 1>}, {transform_indices = @transform_3, window_bounds = array<i64: 2000, 128>}, {transform_indices = @transform_4, window_bounds = array<i64: 1, 1, 128>}, {transform_indices = @transform_5, window_bounds = array<i64: 1, 1, 128>}]} {
    %get3A = arith.constant 0 : index
    %get3A_0 = arith.constant 0 : index
    %get3A_1 = vector.load %arg2[%get3A, %get3A_0] : memref<2000x128xf32, #tpu.memory_space<vmem>>, vector<2000x128xf32>
    %get3A_2 = arith.constant 0 : index
    %get3A_3 = arith.constant 0 : index
    %get3A_4 = vector.load %arg3[%get3A_2, %get3A_3] : memref<2000x128xf32, #tpu.memory_space<vmem>>, vector<2000x128xf32>
    %add3A = arith.addf %get3A_1, %get3A_4 : vector<2000x128xf32>
    %get3A_5 = arith.constant 0 : index
    %get3A_6 = arith.constant 0 : index
    %get3A_7 = vector.load %arg4[%get3A_5, %get3A_6] : memref<2000x1xf32, #tpu.memory_space<vmem>>, vector<2000x1xf32>
    %mul3A = vector.broadcast %get3A_7 : vector<2000x1xf32> to vector<2000x128xf32>
    %mul3A_8 = arith.mulf %add3A, %mul3A : vector<2000x128xf32>
    %swap3A = arith.constant 0 : index
    %swap3A_9 = arith.constant 0 : index
    %swap3A_10 = vector.load %arg5[%swap3A, %swap3A_9] : memref<2000x128xf32, #tpu.memory_space<vmem>>, vector<2000x128xf32>
    tpu.vector_store %arg5[%swap3A, %swap3A_9], %mul3A_8 {strides = array<i32>} : memref<2000x128xf32, #tpu.memory_space<vmem>>, vector<2000x128xf32>,
    %reduce_sum3A = arith.constant dense<0.000000e+00> : vector<128xf32>
    %reduce_sum3A_11 = vector.multi_reduction <add>, %mul3A_8, %reduce_sum3A [0] : vector<2000x128xf32> to vector<128xf32>
    %broadcast_in_dim3A = vector.shape_cast %reduce_sum3A_11 : vector<128xf32> to vector<1x1x128xf32>
    %mul3A_12 = arith.mulf %mul3A_8, %mul3A_8 : vector<2000x128xf32>
    %reduce_sum3A_13 = arith.constant dense<0.000000e+00> : vector<128xf32>
    %reduce_sum3A_14 = vector.multi_reduction <add>, %mul3A_12, %reduce_sum3A_13 [0] : vector<2000x128xf32> to vector<128xf32>
    %broadcast_in_dim3A_15 = vector.shape_cast %reduce_sum3A_14 : vector<128xf32> to vector<1x1x128xf32>
    %eq3A = arith.constant 0 : i32
    %eq3A_16 = arith.cmpi eq, %arg1, %eq3A : i32
    %convert_element_type3A = arith.extui %eq3A_16 : i1 to i32
    %cond3A = arith.constant 0 : i32
    %cond3A_17 = arith.cmpi ne, %convert_element_type3A, %cond3A : i32
    scf.if %cond3A_17 {
      %swap3A_22 = arith.constant 0 : index
      %swap3A_23 = arith.constant 0 : index
      %swap3A_24 = arith.constant 0 : index
      %swap3A_25 = vector.load %arg6[%swap3A_22, %swap3A_23, %swap3A_24] : memref<1x1x128xf32, #tpu.memory_space<vmem>>, vector<1x1x128xf32>
      tpu.vector_store %arg6[%swap3A_22, %swap3A_23, %swap3A_24], %broadcast_in_dim3A {strides = array<i32>} : memref<1x1x128xf32, #tpu.memory_space<vmem>>, vector<1x1x128xf32>,
      %swap3A_26 = arith.constant 0 : index
      %swap3A_27 = arith.constant 0 : index
      %swap3A_28 = arith.constant 0 : index
      %swap3A_29 = vector.load %arg7[%swap3A_26, %swap3A_27, %swap3A_28] : memref<1x1x128xf32, #tpu.memory_space<vmem>>, vector<1x1x128xf32>
      tpu.vector_store %arg7[%swap3A_26, %swap3A_27, %swap3A_28], %broadcast_in_dim3A_15 {strides = array<i32>} : memref<1x1x128xf32, #tpu.memory_space<vmem>>, vector<1x1x128xf32>,
    } else {
    }
    %gt3A = arith.constant 0 : i32
    %gt3A_18 = arith.cmpi sgt, %arg1, %gt3A : i32
    %convert_element_type3A_19 = arith.extui %gt3A_18 : i1 to i32
    %cond3A_20 = arith.constant 0 : i32
    %cond3A_21 = arith.cmpi ne, %convert_element_type3A_19, %cond3A_20 : i32
    scf.if %cond3A_21 {
      %get3A_22 = arith.constant 0 : index
      %get3A_23 = arith.constant 0 : index
      %get3A_24 = arith.constant 0 : index
      %get3A_25 = vector.load %arg6[%get3A_22, %get3A_23, %get3A_24] : memref<1x1x128xf32, #tpu.memory_space<vmem>>, vector<1x1x128xf32>
      %add3A_26 = arith.addf %get3A_25, %broadcast_in_dim3A : vector<1x1x128xf32>
      %swap3A_27 = arith.constant 0 : index
      %swap3A_28 = arith.constant 0 : index
      %swap3A_29 = arith.constant 0 : index
      %swap3A_30 = vector.load %arg6[%swap3A_27, %swap3A_28, %swap3A_29] : memref<1x1x128xf32, #tpu.memory_space<vmem>>, vector<1x1x128xf32>
      tpu.vector_store %arg6[%swap3A_27, %swap3A_28, %swap3A_29], %add3A_26 {strides = array<i32>} : memref<1x1x128xf32, #tpu.memory_space<vmem>>, vector<1x1x128xf32>,
      %get3A_31 = arith.constant 0 : index
      %get3A_32 = arith.constant 0 : index
      %get3A_33 = arith.constant 0 : index
      %get3A_34 = vector.load %arg7[%get3A_31, %get3A_32, %get3A_33] : memref<1x1x128xf32, #tpu.memory_space<vmem>>, vector<1x1x128xf32>
      %add3A_35 = arith.addf %get3A_34, %broadcast_in_dim3A_15 : vector<1x1x128xf32>
      %swap3A_36 = arith.constant 0 : index
      %swap3A_37 = arith.constant 0 : index
      %swap3A_38 = arith.constant 0 : index
      %swap3A_39 = vector.load %arg7[%swap3A_36, %swap3A_37, %swap3A_38] : memref<1x1x128xf32, #tpu.memory_space<vmem>>, vector<1x1x128xf32>
      tpu.vector_store %arg7[%swap3A_36, %swap3A_37, %swap3A_38], %add3A_35 {strides = array<i32>} : memref<1x1x128xf32, #tpu.memory_space<vmem>>, vector<1x1x128xf32>,
    } else {
    }
    return
  }
  func.func @transform_0(%arg0: i32, %arg1: i32) -> (i32, i32) {
    %mul3A = arith.constant 5 : i32
    %mul3A_0 = arith.muli %arg0, %mul3A : i32
    %add3A = arith.addi %mul3A_0, %arg1 : i32
    %c0_i32 = arith.constant 0 : i32
    %c0_i32_1 = arith.constant 0 : i32
    return %add3A, %c0_i32 : i32, i32
  }
  func.func @transform_1(%arg0: i32, %arg1: i32) -> (i32, i32) {
    %mul3A = arith.constant 5 : i32
    %mul3A_0 = arith.muli %arg0, %mul3A : i32
    %add3A = arith.addi %mul3A_0, %arg1 : i32
    %c0_i32 = arith.constant 0 : i32
    %c0_i32_1 = arith.constant 0 : i32
    return %add3A, %c0_i32 : i32, i32
  }
  func.func @transform_2(%arg0: i32, %arg1: i32) -> (i32, i32) {
    %c0_i32 = arith.constant 0 : i32
    %c0_i32_0 = arith.constant 0 : i32
    return %arg1, %c0_i32 : i32, i32
  }
  func.func @transform_3(%arg0: i32, %arg1: i32) -> (i32, i32) {
    %mul3A = arith.constant 5 : i32
    %mul3A_0 = arith.muli %arg0, %mul3A : i32
    %add3A = arith.addi %mul3A_0, %arg1 : i32
    %c0_i32 = arith.constant 0 : i32
    %c0_i32_1 = arith.constant 0 : i32
    return %add3A, %c0_i32 : i32, i32
  }
  func.func @transform_4(%arg0: i32, %arg1: i32) -> (i32, i32, i32) {
    %c0_i32 = arith.constant 0 : i32
    %c0_i32_0 = arith.constant 0 : i32
    %c0_i32_1 = arith.constant 0 : i32
    return %arg0, %c0_i32, %c0_i32_0 : i32, i32, i32
  }
  func.func @transform_5(%arg0: i32, %arg1: i32) -> (i32, i32, i32) {
    %c0_i32 = arith.constant 0 : i32
    %c0_i32_0 = arith.constant 0 : i32
    %c0_i32_1 = arith.constant 0 : i32
    return %arg0, %c0_i32, %c0_i32_0 : i32, i32, i32
  }
}

module attributes {stable_mosaic.version = 14 : i64} {
  func.func @_k_mid_body(%arg0: i32, %arg1: i32, %arg2: memref<2000x128xf32, #tpu.memory_space<vmem>>, %arg3: memref<2000x128xf32, #tpu.memory_space<vmem>>, %arg4: memref<2x1x128xf32, #tpu.memory_space<vmem>>, %arg5: memref<2x1x128xf32, #tpu.memory_space<vmem>>, %arg6: memref<2x1x128xf32, #tpu.memory_space<vmem>>, %arg7: memref<2x1x128xf32, #tpu.memory_space<vmem>>, %arg8: memref<256x128xf32, #tpu.memory_space<vmem>>, %arg9: memref<2000x1xf32, #tpu.memory_space<vmem>>, %arg10: memref<2000x128xf32, #tpu.memory_space<vmem>>) attributes {dimension_semantics = [#tpu.dimension_semantics<arbitrary>, #tpu.dimension_semantics<arbitrary>], iteration_bounds = array<i64: 5, 2>, scalar_prefetch = 0 : i64, scratch_operands = 0 : i64, tpu.core_type = #tpu.core_type<tc>, window_params = [{transform_indices = @transform_0, window_bounds = array<i64: 2000, 128>}, {transform_indices = @transform_1, window_bounds = array<i64: 2000, 128>}, {pipeline_mode = #tpu.pipeline_mode<synchronous>, transform_indices = @transform_2, window_bounds = array<i64: 2, 1, 128>}, {pipeline_mode = #tpu.pipeline_mode<synchronous>, transform_indices = @transform_3, window_bounds = array<i64: 2, 1, 128>}, {pipeline_mode = #tpu.pipeline_mode<synchronous>, transform_indices = @transform_4, window_bounds = array<i64: 2, 1, 128>}, {pipeline_mode = #tpu.pipeline_mode<synchronous>, transform_indices = @transform_5, window_bounds = array<i64: 2, 1, 128>}, {transform_indices = @transform_6, window_bounds = array<i64: 256, 128>}, {transform_indices = @transform_7, window_bounds = array<i64: 2000, 1>}, {transform_indices = @transform_8, window_bounds = array<i64: 2000, 128>}]} {
    %get3A = arith.constant 0 : index
    %get3A_0 = arith.constant 0 : index
    %get3A_1 = arith.constant 0 : index
    %get3A_2 = vector.load %arg4[%get3A, %get3A_0, %get3A_1] : memref<2x1x128xf32, #tpu.memory_space<vmem>>, vector<2x1x128xf32>
    %div3A = arith.constant 1.000000e+04 : f32
    %div3A_3 = vector.broadcast %div3A : f32 to vector<2x1x128xf32>
    %div3A_4 = arith.divf %get3A_2, %div3A_3 : vector<2x1x128xf32>
    %get3A_5 = arith.constant 0 : index
    %get3A_6 = arith.constant 0 : index
    %get3A_7 = arith.constant 0 : index
    %get3A_8 = vector.load %arg5[%get3A_5, %get3A_6, %get3A_7] : memref<2x1x128xf32, #tpu.memory_space<vmem>>, vector<2x1x128xf32>
    %div3A_9 = arith.constant 1.000000e+04 : f32
    %div3A_10 = vector.broadcast %div3A_9 : f32 to vector<2x1x128xf32>
    %div3A_11 = arith.divf %get3A_8, %div3A_10 : vector<2x1x128xf32>
    %mul3A = arith.mulf %div3A_4, %div3A_4 : vector<2x1x128xf32>
    %sub3A = arith.subf %div3A_11, %mul3A : vector<2x1x128xf32>
    %add3A = arith.constant 9.99999974E-6 : f32
    %add3A_12 = vector.broadcast %add3A : f32 to vector<2x1x128xf32>
    %add3A_13 = arith.addf %sub3A, %add3A_12 : vector<2x1x128xf32>
    %rsqrt3A = math.rsqrt %add3A_13 : vector<2x1x128xf32>
    %get3A_14 = arith.constant 0 : index
    %get3A_15 = arith.constant 0 : index
    %get3A_16 = arith.constant 0 : index
    %get3A_17 = vector.load %arg6[%get3A_14, %get3A_15, %get3A_16] : memref<2x1x128xf32, #tpu.memory_space<vmem>>, vector<2x1x128xf32>
    %mul3A_18 = arith.mulf %rsqrt3A, %get3A_17 : vector<2x1x128xf32>
    %get3A_19 = arith.constant 0 : index
    %get3A_20 = arith.constant 0 : index
    %get3A_21 = arith.constant 0 : index
    %get3A_22 = vector.load %arg7[%get3A_19, %get3A_20, %get3A_21] : memref<2x1x128xf32, #tpu.memory_space<vmem>>, vector<2x1x128xf32>
    %mul3A_23 = arith.mulf %div3A_4, %mul3A_18 : vector<2x1x128xf32>
    %sub3A_24 = arith.subf %get3A_22, %mul3A_23 : vector<2x1x128xf32>
    %get3A_25 = arith.constant 0 : index
    %get3A_26 = arith.constant 0 : index
    %get3A_27 = vector.load %arg2[%get3A_25, %get3A_26] : memref<2000x128xf32, #tpu.memory_space<vmem>>, vector<2000x128xf32>
    %slice3A = vector.extract_strided_slice %mul3A_18 {offsets = [0, 0, 0], sizes = [1, 1, 128], strides = [1, 1, 1]} : vector<2x1x128xf32> to vector<1x1x128xf32>
    %squeeze3A = vector.shape_cast %slice3A : vector<1x1x128xf32> to vector<1x128xf32>
    %mul3A_28 = vector.broadcast %squeeze3A : vector<1x128xf32> to vector<2000x128xf32>
    %mul3A_29 = arith.mulf %get3A_27, %mul3A_28 : vector<2000x128xf32>
    %slice3A_30 = vector.extract_strided_slice %sub3A_24 {offsets = [0, 0, 0], sizes = [1, 1, 128], strides = [1, 1, 1]} : vector<2x1x128xf32> to vector<1x1x128xf32>
    %squeeze3A_31 = vector.shape_cast %slice3A_30 : vector<1x1x128xf32> to vector<1x128xf32>
    %add3A_32 = vector.broadcast %squeeze3A_31 : vector<1x128xf32> to vector<2000x128xf32>
    %add3A_33 = arith.addf %mul3A_29, %add3A_32 : vector<2000x128xf32>
    %max3A = arith.constant 0.000000e+00 : f32
    %max3A_34 = vector.broadcast %max3A : f32 to vector<2000x128xf32>
    %max3A_35 = arith.maximumf %add3A_33, %max3A_34 : vector<2000x128xf32>
    %get3A_36 = arith.constant 0 : index
    %get3A_37 = arith.constant 0 : index
    %get3A_38 = vector.load %arg3[%get3A_36, %get3A_37] : memref<2000x128xf32, #tpu.memory_space<vmem>>, vector<2000x128xf32>
    %slice3A_39 = vector.extract_strided_slice %mul3A_18 {offsets = [1, 0, 0], sizes = [1, 1, 128], strides = [1, 1, 1]} : vector<2x1x128xf32> to vector<1x1x128xf32>
    %squeeze3A_40 = vector.shape_cast %slice3A_39 : vector<1x1x128xf32> to vector<1x128xf32>
    %mul3A_41 = vector.broadcast %squeeze3A_40 : vector<1x128xf32> to vector<2000x128xf32>
    %mul3A_42 = arith.mulf %get3A_38, %mul3A_41 : vector<2000x128xf32>
    %slice3A_43 = vector.extract_strided_slice %sub3A_24 {offsets = [1, 0, 0], sizes = [1, 1, 128], strides = [1, 1, 1]} : vector<2x1x128xf32> to vector<1x1x128xf32>
    %squeeze3A_44 = vector.shape_cast %slice3A_43 : vector<1x1x128xf32> to vector<1x128xf32>
    %add3A_45 = vector.broadcast %squeeze3A_44 : vector<1x128xf32> to vector<2000x128xf32>
    %add3A_46 = arith.addf %mul3A_42, %add3A_45 : vector<2000x128xf32>
    %max3A_47 = arith.constant 0.000000e+00 : f32
    %max3A_48 = vector.broadcast %max3A_47 : f32 to vector<2000x128xf32>
    %max3A_49 = arith.maximumf %add3A_46, %max3A_48 : vector<2000x128xf32>
    %get3A_50 = arith.constant 0 : index
    %get3A_51 = arith.constant 0 : index
    %get3A_52 = vector.load %arg8[%get3A_50, %get3A_51] : memref<256x128xf32, #tpu.memory_space<vmem>>, vector<128x128xf32>
    %dot_general3A = arith.constant dense<0.000000e+00> : vector<2000x128xf32>
    %dot_general3A_53 = tpu.matmul %max3A_35, %get3A_52, %dot_general3A {dimension_numbers = #tpu.dot_dimension_numbers<[1], [0], [0], [1], [0, 0, 1, 1], [], []>, transpose_lhs_hint = false} : vector<2000x128xf32>, vector<128x128xf32>, vector<2000x128xf32> -> vector<2000x128xf32>
    %get3A_54 = arith.constant 128 : index
    %get3A_55 = arith.constant 0 : index
    %get3A_56 = vector.load %arg8[%get3A_54, %get3A_55] : memref<256x128xf32, #tpu.memory_space<vmem>>, vector<128x128xf32>
    %dot_general3A_57 = arith.constant dense<0.000000e+00> : vector<2000x128xf32>
    %dot_general3A_58 = tpu.matmul %max3A_49, %get3A_56, %dot_general3A_57 {dimension_numbers = #tpu.dot_dimension_numbers<[1], [0], [0], [1], [0, 0, 1, 1], [], []>, transpose_lhs_hint = false} : vector<2000x128xf32>, vector<128x128xf32>, vector<2000x128xf32> -> vector<2000x128xf32>
    %add3A_59 = arith.addf %dot_general3A_53, %dot_general3A_58 : vector<2000x128xf32>
    %get3A_60 = arith.constant 0 : index
    %get3A_61 = arith.constant 0 : index
    %get3A_62 = vector.load %arg9[%get3A_60, %get3A_61] : memref<2000x1xf32, #tpu.memory_space<vmem>>, vector<2000x1xf32>
    %mul3A_63 = vector.broadcast %get3A_62 : vector<2000x1xf32> to vector<2000x128xf32>
    %mul3A_64 = arith.mulf %add3A_59, %mul3A_63 : vector<2000x128xf32>
    %swap3A = arith.constant 0 : index
    %swap3A_65 = arith.constant 0 : index
    %swap3A_66 = vector.load %arg10[%swap3A, %swap3A_65] : memref<2000x128xf32, #tpu.memory_space<vmem>>, vector<2000x128xf32>
    tpu.vector_store %arg10[%swap3A, %swap3A_65], %mul3A_64 {strides = array<i32>} : memref<2000x128xf32, #tpu.memory_space<vmem>>, vector<2000x128xf32>,
    return
  }
  func.func @transform_0(%arg0: i32, %arg1: i32) -> (i32, i32) {
    %c0_i32 = arith.constant 0 : i32
    %c0_i32_0 = arith.constant 0 : i32
    return %arg0, %c0_i32 : i32, i32
  }
  func.func @transform_1(%arg0: i32, %arg1: i32) -> (i32, i32) {
    %add3A = arith.constant 5 : i32
    %add3A_0 = arith.addi %add3A, %arg0 : i32
    %c0_i32 = arith.constant 0 : i32
    %c0_i32_1 = arith.constant 0 : i32
    return %add3A_0, %c0_i32 : i32, i32
  }
  func.func @transform_2(%arg0: i32, %arg1: i32) -> (i32, i32, i32) {
    %c0_i32 = arith.constant 0 : i32
    %c0_i32_0 = arith.constant 0 : i32
    %c0_i32_1 = arith.constant 0 : i32
    %c0_i32_2 = arith.constant 0 : i32
    return %c0_i32, %c0_i32_0, %c0_i32_1 : i32, i32, i32
  }
  func.func @transform_3(%arg0: i32, %arg1: i32) -> (i32, i32, i32) {
    %c0_i32 = arith.constant 0 : i32
    %c0_i32_0 = arith.constant 0 : i32
    %c0_i32_1 = arith.constant 0 : i32
    %c0_i32_2 = arith.constant 0 : i32
    return %c0_i32, %c0_i32_0, %c0_i32_1 : i32, i32, i32
  }
  func.func @transform_4(%arg0: i32, %arg1: i32) -> (i32, i32, i32) {
    %c0_i32 = arith.constant 0 : i32
    %c0_i32_0 = arith.constant 0 : i32
    %c0_i32_1 = arith.constant 0 : i32
    %c0_i32_2 = arith.constant 0 : i32
    return %c0_i32, %c0_i32_0, %c0_i32_1 : i32, i32, i32
  }
  func.func @transform_5(%arg0: i32, %arg1: i32) -> (i32, i32, i32) {
    %c0_i32 = arith.constant 0 : i32
    %c0_i32_0 = arith.constant 0 : i32
    %c0_i32_1 = arith.constant 0 : i32
    %c0_i32_2 = arith.constant 0 : i32
    return %c0_i32, %c0_i32_0, %c0_i32_1 : i32, i32, i32
  }
  func.func @transform_6(%arg0: i32, %arg1: i32) -> (i32, i32) {
    %c0_i32 = arith.constant 0 : i32
    %c0_i32_0 = arith.constant 0 : i32
    return %c0_i32, %arg1 : i32, i32
  }
  func.func @transform_7(%arg0: i32, %arg1: i32) -> (i32, i32) {
    %c0_i32 = arith.constant 0 : i32
    %c0_i32_0 = arith.constant 0 : i32
    return %arg0, %c0_i32 : i32, i32
  }
  func.func @transform_8(%arg0: i32, %arg1: i32) -> (i32, i32) {
    %mul3A = arith.constant 5 : i32
    %mul3A_0 = arith.muli %arg1, %mul3A : i32
    %add3A = arith.addi %mul3A_0, %arg0 : i32
    %c0_i32 = arith.constant 0 : i32
    %c0_i32_1 = arith.constant 0 : i32
    return %add3A, %c0_i32 : i32, i32
  }
}

module attributes {stable_mosaic.version = 14 : i64} {
  func.func @_k_final_body(%arg0: i32, %arg1: memref<2000x128xf32, #tpu.memory_space<vmem>>, %arg2: memref<2000x128xf32, #tpu.memory_space<vmem>>, %arg3: memref<2x1x128xf32, #tpu.memory_space<vmem>>, %arg4: memref<2x1x128xf32, #tpu.memory_space<vmem>>, %arg5: memref<2x1x128xf32, #tpu.memory_space<vmem>>, %arg6: memref<2x1x128xf32, #tpu.memory_space<vmem>>, %arg7: memref<2000x256xf32, #tpu.memory_space<vmem>>) attributes {dimension_semantics = [#tpu.dimension_semantics<arbitrary>], iteration_bounds = array<i64: 5>, scalar_prefetch = 0 : i64, scratch_operands = 0 : i64, tpu.core_type = #tpu.core_type<tc>, window_params = [{transform_indices = @transform_0, window_bounds = array<i64: 2000, 128>}, {transform_indices = @transform_1, window_bounds = array<i64: 2000, 128>}, {pipeline_mode = #tpu.pipeline_mode<synchronous>, transform_indices = @transform_2, window_bounds = array<i64: 2, 1, 128>}, {pipeline_mode = #tpu.pipeline_mode<synchronous>, transform_indices = @transform_3, window_bounds = array<i64: 2, 1, 128>}, {pipeline_mode = #tpu.pipeline_mode<synchronous>, transform_indices = @transform_4, window_bounds = array<i64: 2, 1, 128>}, {pipeline_mode = #tpu.pipeline_mode<synchronous>, transform_indices = @transform_5, window_bounds = array<i64: 2, 1, 128>}, {transform_indices = @transform_6, window_bounds = array<i64: 2000, 256>}]} {
    %get3A = arith.constant 0 : index
    %get3A_0 = arith.constant 0 : index
    %get3A_1 = arith.constant 0 : index
    %get3A_2 = vector.load %arg3[%get3A, %get3A_0, %get3A_1] : memref<2x1x128xf32, #tpu.memory_space<vmem>>, vector<2x1x128xf32>
    %div3A = arith.constant 1.000000e+04 : f32
    %div3A_3 = vector.broadcast %div3A : f32 to vector<2x1x128xf32>
    %div3A_4 = arith.divf %get3A_2, %div3A_3 : vector<2x1x128xf32>
    %get3A_5 = arith.constant 0 : index
    %get3A_6 = arith.constant 0 : index
    %get3A_7 = arith.constant 0 : index
    %get3A_8 = vector.load %arg4[%get3A_5, %get3A_6, %get3A_7] : memref<2x1x128xf32, #tpu.memory_space<vmem>>, vector<2x1x128xf32>
    %div3A_9 = arith.constant 1.000000e+04 : f32
    %div3A_10 = vector.broadcast %div3A_9 : f32 to vector<2x1x128xf32>
    %div3A_11 = arith.divf %get3A_8, %div3A_10 : vector<2x1x128xf32>
    %mul3A = arith.mulf %div3A_4, %div3A_4 : vector<2x1x128xf32>
    %sub3A = arith.subf %div3A_11, %mul3A : vector<2x1x128xf32>
    %add3A = arith.constant 9.99999974E-6 : f32
    %add3A_12 = vector.broadcast %add3A : f32 to vector<2x1x128xf32>
    %add3A_13 = arith.addf %sub3A, %add3A_12 : vector<2x1x128xf32>
    %rsqrt3A = math.rsqrt %add3A_13 : vector<2x1x128xf32>
    %get3A_14 = arith.constant 0 : index
    %get3A_15 = arith.constant 0 : index
    %get3A_16 = arith.constant 0 : index
    %get3A_17 = vector.load %arg5[%get3A_14, %get3A_15, %get3A_16] : memref<2x1x128xf32, #tpu.memory_space<vmem>>, vector<2x1x128xf32>
    %mul3A_18 = arith.mulf %rsqrt3A, %get3A_17 : vector<2x1x128xf32>
    %get3A_19 = arith.constant 0 : index
    %get3A_20 = arith.constant 0 : index
    %get3A_21 = arith.constant 0 : index
    %get3A_22 = vector.load %arg6[%get3A_19, %get3A_20, %get3A_21] : memref<2x1x128xf32, #tpu.memory_space<vmem>>, vector<2x1x128xf32>
    %mul3A_23 = arith.mulf %div3A_4, %mul3A_18 : vector<2x1x128xf32>
    %sub3A_24 = arith.subf %get3A_22, %mul3A_23 : vector<2x1x128xf32>
    %get3A_25 = arith.constant 0 : index
    %get3A_26 = arith.constant 0 : index
    %get3A_27 = vector.load %arg1[%get3A_25, %get3A_26] : memref<2000x128xf32, #tpu.memory_space<vmem>>, vector<2000x128xf32>
    %slice3A = vector.extract_strided_slice %mul3A_18 {offsets = [0, 0, 0], sizes = [1, 1, 128], strides = [1, 1, 1]} : vector<2x1x128xf32> to vector<1x1x128xf32>
    %squeeze3A = vector.shape_cast %slice3A : vector<1x1x128xf32> to vector<1x128xf32>
    %mul3A_28 = vector.broadcast %squeeze3A : vector<1x128xf32> to vector<2000x128xf32>
    %mul3A_29 = arith.mulf %get3A_27, %mul3A_28 : vector<2000x128xf32>
    %slice3A_30 = vector.extract_strided_slice %sub3A_24 {offsets = [0, 0, 0], sizes = [1, 1, 128], strides = [1, 1, 1]} : vector<2x1x128xf32> to vector<1x1x128xf32>
    %squeeze3A_31 = vector.shape_cast %slice3A_30 : vector<1x1x128xf32> to vector<1x128xf32>
    %add3A_32 = vector.broadcast %squeeze3A_31 : vector<1x128xf32> to vector<2000x128xf32>
    %add3A_33 = arith.addf %mul3A_29, %add3A_32 : vector<2000x128xf32>
    %get3A_34 = arith.constant 0 : index
    %get3A_35 = arith.constant 0 : index
    %get3A_36 = vector.load %arg2[%get3A_34, %get3A_35] : memref<2000x128xf32, #tpu.memory_space<vmem>>, vector<2000x128xf32>
    %slice3A_37 = vector.extract_strided_slice %mul3A_18 {offsets = [1, 0, 0], sizes = [1, 1, 128], strides = [1, 1, 1]} : vector<2x1x128xf32> to vector<1x1x128xf32>
    %squeeze3A_38 = vector.shape_cast %slice3A_37 : vector<1x1x128xf32> to vector<1x128xf32>
    %mul3A_39 = vector.broadcast %squeeze3A_38 : vector<1x128xf32> to vector<2000x128xf32>
    %mul3A_40 = arith.mulf %get3A_36, %mul3A_39 : vector<2000x128xf32>
    %slice3A_41 = vector.extract_strided_slice %sub3A_24 {offsets = [1, 0, 0], sizes = [1, 1, 128], strides = [1, 1, 1]} : vector<2x1x128xf32> to vector<1x1x128xf32>
    %squeeze3A_42 = vector.shape_cast %slice3A_41 : vector<1x1x128xf32> to vector<1x128xf32>
    %add3A_43 = vector.broadcast %squeeze3A_42 : vector<1x128xf32> to vector<2000x128xf32>
    %add3A_44 = arith.addf %mul3A_40, %add3A_43 : vector<2000x128xf32>
    %concatenate3A = tpu.concatenate %add3A_33, %add3A_44 in 1 : vector<2000x128xf32>, vector<2000x128xf32> -> vector<2000x256xf32>
    %swap3A = arith.constant 0 : index
    %swap3A_45 = arith.constant 0 : index
    %swap3A_46 = vector.load %arg7[%swap3A, %swap3A_45] : memref<2000x256xf32, #tpu.memory_space<vmem>>, vector<2000x256xf32>
    tpu.vector_store %arg7[%swap3A, %swap3A_45], %concatenate3A {strides = array<i32>} : memref<2000x256xf32, #tpu.memory_space<vmem>>, vector<2000x256xf32>,
    return
  }
  func.func @transform_0(%arg0: i32) -> (i32, i32) {
    %c0_i32 = arith.constant 0 : i32
    %c0_i32_0 = arith.constant 0 : i32
    return %arg0, %c0_i32 : i32, i32
  }
  func.func @transform_1(%arg0: i32) -> (i32, i32) {
    %add3A = arith.constant 5 : i32
    %add3A_0 = arith.addi %add3A, %arg0 : i32
    %c0_i32 = arith.constant 0 : i32
    %c0_i32_1 = arith.constant 0 : i32
    return %add3A_0, %c0_i32 : i32, i32
  }
  func.func @transform_2(%arg0: i32) -> (i32, i32, i32) {
    %c0_i32 = arith.constant 0 : i32
    %c0_i32_0 = arith.constant 0 : i32
    %c0_i32_1 = arith.constant 0 : i32
    %c0_i32_2 = arith.constant 0 : i32
    return %c0_i32, %c0_i32_0, %c0_i32_1 : i32, i32, i32
  }
  func.func @transform_3(%arg0: i32) -> (i32, i32, i32) {
    %c0_i32 = arith.constant 0 : i32
    %c0_i32_0 = arith.constant 0 : i32
    %c0_i32_1 = arith.constant 0 : i32
    %c0_i32_2 = arith.constant 0 : i32
    return %c0_i32, %c0_i32_0, %c0_i32_1 : i32, i32, i32
  }
  func.func @transform_4(%arg0: i32) -> (i32, i32, i32) {
    %c0_i32 = arith.constant 0 : i32
    %c0_i32_0 = arith.constant 0 : i32
    %c0_i32_1 = arith.constant 0 : i32
    %c0_i32_2 = arith.constant 0 : i32
    return %c0_i32, %c0_i32_0, %c0_i32_1 : i32, i32, i32
  }
  func.func @transform_5(%arg0: i32) -> (i32, i32, i32) {
    %c0_i32 = arith.constant 0 : i32
    %c0_i32_0 = arith.constant 0 : i32
    %c0_i32_1 = arith.constant 0 : i32
    %c0_i32_2 = arith.constant 0 : i32
    return %c0_i32, %c0_i32_0, %c0_i32_1 : i32, i32, i32
  }
  func.func @transform_6(%arg0: i32) -> (i32, i32) {
    %c0_i32 = arith.constant 0 : i32
    %c0_i32_0 = arith.constant 0 : i32
    return %arg0, %c0_i32 : i32, i32
  }
}

</mosaic_0001>

<sc_bundles>
// kernel: kernel.10.cloned.1.call-start
scs
__scs_entry_jumppad:
0x0: {  	(pc) =	sbr.rel $0x88, $3  }
0x1: {  	(tag) =	ssettag $0x0;
	lr =	simm.s32 $0x1  }
0x2: {  	[smem:$0x3F99] =	sst lr;
	_ =	strace $0xD0000000  }
0x3: {  	_ = 	snop  }
0x4: {  	_ = 	snop  }
0x5: {  	_ = 	snop  }
0x6: {  	_ = 	snop  }
0x7: {  	_ = 	snop  }
__scs_overlays_trampoline_lowered:
0x8: {  	[smem:$0x3FA8] =	sst s0  }
0x9: {  	[smem:$0x3FA9] =	sst s1  }
0xa: {  	[smem:$0x3FAA] =	sst s2  }
0xb: {  	[smem:$0x3FAB] =	sst s3  }
0xc: {  	[smem:$0x3FAC] =	sst s4  }
0xd: {  	[smem:$0x3FAD] =	sst s5  }
0xe: {  	[smem:$0x3FAE] =	sst s6  }
0xf: {  	[smem:$0x3FAF] =	sst s7  }
0x10: {  	[smem:$0x3FB0] =	sst s8  }
0x11: {  	[smem:$0x3FB1] =	sst s9;
	s0 =	simm.s32 @!p0 $0x0  }
0x12: {  	s1 =	sld [smem:$0x3F97];
	s0 =	simm.s32 @p0 $0x1  }
0x13: {  	[smem:$0x3FB2] =	sst s0;
	s0 =	simm.s32 @!p1 $0x0  }
0x14: {  	s2 =	sld [smem:$0x3F96];
	s0 =	simm.s32 @p1 $0x1  }
0x15: {  	[smem:$0x3FB3] =	sst s0;
	s0 =	simm.s32 @!p2 $0x0  }
0x16: {  	s3 =	sld [smem:$0x3FDB];
	s0 =	simm.s32 @p2 $0x1  }
0x17: {  	s4 =	simm.s32 $0x1BF5;
	[smem:$0x3FB5] =	sst s0  }
0x18: {  	s0 =	sld [smem:$0x3F98];
	_ =	swait.ge [sflag:s4], $0x0  }
0x19: {  	s7 =	sld [smem:$0x3F99]  }
0x1a: {  	s8 =	sadd.s32 $0xFFFFE003, lr  }
0x1b: {  	s9 =	sadd.s32 $0xFFFFFEF7, lr;
	s5 =	simm.s32 $0xFFFFFFFF;
	p2 =	slt.u32 s8, $0xFFFFF086  }
0x1c: {  	p1 =	slt.u32 s9, $0xF7A;
	s5 =	simm.s32 @!p2 $0x0  }
0x1d: {  	s5 =	simm.s32 @p1 $0x1;
	p0 =	seq.s32 s7, s2  }
0x1e: {  	s7 =	smul.u32 @!p0 $0xF7A, s2;
	p2 =	seq.s32 @!p0 s5, $0x0  }
0x1f: {  	s9 =	smul.u32 $0xF7A, s1;
	s8 =	simm.s32 @!p0 $0x1BF5;
	p2 =	por !p2, p0  }
0x20: {  	[sflag:s8] =	ssyncset.s32 @!p0 $0xFFFFF086;
	s6 =	sadd.s32 @!p0 s3, s7;
	s7 =	simm.s32 @!p0 $0x108  }
0x21: {  	s3 =	sadd.s32 s3, s9;
	s6 =	sadd.s32 @!p0 $0x88, s6;
	s7 =	simm.s32 @p2 $0x1082  }
0x22: {  	[simem:s7], [sflag:s8] =	dma.local @!p0 [hbm:s6], $0xF7A  }
0x23: {  	s9 =	sor.u32 $0xD0000000, s2;
	s6 =	simm.s32 $0x108;
	_ =	swait.ge @!p0 [sflag:s8], $0x0  }
0x24: {  	s3 =	sadd.s32 $0x88, s3;
	s6 =	simm.s32 @!p1 $0x1082;
	[sflag:s4] =	ssyncset.s32 $0xFFFFF086  }
0x25: {  	[simem:s6], [sflag:s4] =	dma.local [hbm:s3], $0xF7A  }
0x26: {  	[smem:$0x3F99] =	sst s1;
	(tag) =	ssettag s2;
	_ =	strace s9  }
0x27: {  	s1 =	sld [smem:$0x3FA9]  }
0x28: {  	s2 =	sld [smem:$0x3FAA]  }
0x29: {  	s4 =	sld [smem:$0x3FAC]  }
0x2a: {  	p0 =	seq.s32 s5, $0x0;
	s5 =	sld [smem:$0x3FAD]  }
0x2b: {  	s6 =	sld [smem:$0x3FAE]  }
0x2c: {  	s7 =	sld [smem:$0x3FAF]  }
0x2d: {  	s3 =	simm.s32 $0x108;
	s8 =	sld [smem:$0x3FB0]  }
0x2e: {  	s3 =	simm.s32 @!p0 $0x1082;
	s9 =	sld [smem:$0x3FB1]  }
0x2f: {  	lr =	sadd.s32 s0, s3;
	s0 =	sld [smem:$0x3FA8]  }
0x30: {  	s3 =	sld [smem:$0x3FAB]  }
0x31: {  	[smem:$0x3FB4] =	sst s10  }
0x32: {  	s10 =	sld [smem:$0x3FB2];
	_ =	sdelay $0x3  }
0x33: {  	p0 =	seq.s32 s10, $0x1;
	s10 =	sld [smem:$0x3FB4];
	_ =	sdelay $0x3  }
0x34: {  	[smem:$0x3FB4] =	sst s10  }
0x35: {  	s10 =	sld [smem:$0x3FB3];
	_ =	sdelay $0x3  }
0x36: {  	p1 =	seq.s32 s10, $0x1;
	s10 =	sld [smem:$0x3FB4];
	_ =	sdelay $0x3  }
0x37: {  	[smem:$0x3FB4] =	sst s10  }
0x38: {  	s10 =	sld [smem:$0x3FB5]  }
0x39: {  	_ = 	snop;
	(pc) =	sbr.ind lr, $3  }
0x3a: {  	_ = 	snop  }
0x3b: {  	_ = 	snop  }
0x3c: {  	p2 =	seq.s32 s10, $0x1;
	s10 =	sld [smem:$0x3FB4]  }
0x3d: {  	_ =	shalt  }
0x3e: {  	_ =	shalt  }
0x3f: {  	_ =	shalt  }
0x40: {  	_ =	shalt  }
0x41: {  	_ =	shalt  }
0x42: {  	_ =	shalt  }
0x43: {  	_ =	shalt  }
0x44: {  	_ =	shalt  }
0x45: {  	_ =	shalt  }
0x46: {  	_ =	shalt  }
0x47: {  	_ =	shalt  }
0x48: {  	_ =	shalt  }
0x49: {  	_ =	shalt  }
0x4a: {  	_ =	shalt  }
0x4b: {  	_ =	shalt  }
0x4c: {  	_ =	shalt  }
0x4d: {  	_ =	shalt  }
0x4e: {  	_ =	shalt  }
0x4f: {  	_ =	shalt  }
0x50: {  	_ =	shalt  }
0x51: {  	_ =	shalt  }
0x52: {  	_ =	shalt  }
0x53: {  	_ =	shalt  }
0x54: {  	_ =	shalt  }
0x55: {  	_ =	shalt  }
0x56: {  	_ =	shalt  }
0x57: {  	_ =	shalt  }
0x58: {  	_ =	shalt  }
0x59: {  	_ =	shalt  }
0x5a: {  	_ =	shalt  }
0x5b: {  	_ =	shalt  }
0x5c: {  	_ =	shalt  }
0x5d: {  	_ =	shalt  }
0x5e: {  	_ =	shalt  }
0x5f: {  	_ =	shalt  }
0x60: {  	_ =	shalt  }
0x61: {  	_ =	shalt  }
0x62: {  	_ =	shalt  }
0x63: {  	_ =	shalt  }
0x64: {  	_ =	shalt  }
0x65: {  	_ =	shalt  }
0x66: {  	_ =	shalt  }
0x67: {  	_ =	shalt  }
0x68: {  	_ =	shalt  }
0x69: {  	_ =	shalt  }
0x6a: {  	_ =	shalt  }
0x6b: {  	_ =	shalt  }
0x6c: {  	_ =	shalt  }
0x6d: {  	_ =	shalt  }
0x6e: {  	_ =	shalt  }
0x6f: {  	_ =	shalt  }
0x70: {  	_ =	shalt  }
0x71: {  	_ =	shalt  }
0x72: {  	_ =	shalt  }
0x73: {  	_ =	shalt  }
0x74: {  	_ =	shalt  }
0x75: {  	_ =	shalt  }
0x76: {  	_ =	shalt  }
0x77: {  	_ =	shalt  }
0x78: {  	_ =	shalt  }
0x79: {  	_ =	shalt  }
0x7a: {  	_ =	shalt  }
0x7b: {  	_ =	shalt  }
0x7c: {  	_ =	shalt  }
0x7d: {  	_ =	shalt  }
0x7e: {  	_ =	shalt  }
0x7f: {  	_ =	shalt  }
0x80: {  	_ =	shalt  }
0x81: {  	_ =	shalt  }
0x82: {  	_ =	shalt  }
0x83: {  	_ =	shalt  }
0x84: {  	_ =	shalt  }
0x85: {  	_ =	shalt  }
0x86: {  	_ =	shalt  }
0x87: {  	_ =	shalt  }
.Lfunc_end0:
.L_simem_size_0:
called_computation_lowered:
.L_overlay_start_0:
0x88: {  	s2 =	sld [smem:$0x3FD9]  }
0x89: {  	s3 =	sld [smem:$0x3FFE];
	_ =	sdelay $0x1  }
0x8a: {  	s1 =	srdreg.scid  }
0x8b: {  	s0 =	sand.u32 $0x1, s1  }
0x8c: {  	s17 =	sshll.u32 s0, $0xA;
	s2 =	sadd.s32 s3, s2  }
0x8d: {  	s2 =	sadd.s32 s2, s17  }
0x8e: {  	[smem:$0x3FC0] =	sst s2  }
0x8f: {  	_ = 	snop  }
0x90: {  	s2 =	sld [smem:$0x3FD0];
	(tm) =	ssettm $0x1  }
0x91: {  	s18 =	sld [smem:$0x3FFB];
	_ =	sdelay $0x3  }
0x92: {  	_ =	strace s18  }
0x93: {  	s3 =	sld [smem:$0x3FFC];
	_ =	sdelay $0x3  }
0x94: {  	_ =	strace s3  }
0x95: {  	s3 =	sld [smem:$0x3FFD];
	_ =	sdelay $0x3  }
0x96: {  	_ =	strace s3  }
0x97: {  	_ =	strace $0x8FFFFFFF  }
0x98: {  	s19 =	sld [smem:$0x3FDB];
	_ =	sdelay $0x1  }
0x99: {  	s4 =	simm.s32 $_scs_section_size  }
0x9a: {  	s5 =	simm.s32 $_size__tile_overlayer_lowered;
	s6 =	simm.s32 $_tile_overlayer_lowered  }
0x9b: {  	s22 =	simm.s32 $0x1BFF;
	s21 =	sshll.u32 s6, $0x1;
	s3 =	sadd.s32 s4, s19  }
0x9c: {  	s7 =	simm.s32 $0x0;
	s20 =	sshll.u32 s5, $0x1;
	s5 =	sadd.s32 s21, s3  }
0x9d: {  	[timem:s7], [sflag:s22] =	dma.local [hbm:s5], s20  }
0x9e: {  	_ =	swait.ge [sflag:s22], s20  }
0x9f: {  	s4 =	ssub.s32 $0x0, s20;
	[sflag:s22] =	ssyncset.done $0x0  }
0xa0: {  	[sflag:s22] =	ssyncadd.s32 s4;
	_ =	sdelay $0x1  }
0xa1: {  	s23 =	simm.s32 $0x1B8B  }
0xa2: {  	_ =	swait.ge [sflag:s23], $0x1  }
0xa3: {  	[sflag:s23] =	ssyncset.done $0x0  }
0xa4: {  	s25 =	simm.s32 $0x1B8E;
	s24 =	sld [smem:$0x3FFE];
	[sflag:s23] =	ssyncadd.s32 $0xFFFFFFFF  }
0xa5: {  	s26 =	simm.s32 $execute0_lowered;
	[smem:$0x3FD2] =	sst s25  }
0xa6: {  	s5 =	sshll.u32 s26, $0x1;
	_ =	strace $0x80000046;
	[dreg:$0x1] =	wrdreg $0xFFFFFFFF  }
0xa7: {  	s28 =	simm.s32 $_size_execute0_lowered;
	s3 =	sadd.s32 s3, s5;
	[dreg:$0x0] =	wrdreg $0x0  }
0xa8: {  	s5 =	sshll.u32 s28, $0x1;
	[dreg:$0x2] =	wrdreg s3  }
0xa9: {  	[dreg:$0x3] =	wrdreg s5  }
0xaa: {  	[dreg:$0x4] =	wrdreg $0xC0  }
0xab: {  	_ =	task [dreg:s7], $0x5FFFF  }
0xac: {  	[dreg:$0x1] =	wrdreg $0xFFFFFFFF  }
0xad: {  	[dreg:$0x0] =	wrdreg $0x60  }
0xae: {  	[dreg:$0x2] =	wrdreg s24  }
0xaf: {  	[dreg:$0x3] =	wrdreg s2  }
0xb0: {  	[dreg:$0x4] =	wrdreg $0x0  }
0xb1: {  	[dreg:$0x5] =	wrdreg $0x9  }
0xb2: {  	_ =	task.clear_ibuf [dreg:s7], $0x6FFFF;
	_ =	strace $0x90000046  }
0xb3: {  	s29 =	simm.s32 $0x9;
	_ =	strace $0x80000048  }
0xb4: {  	_ =	swait.ge [sflag:s29], $0x1  }
0xb5: {  	[sflag:s29] =	ssyncadd.s32 $0xFFFFFFFF  }
0xb6: {  	_ =	strace $0x90000048  }
0xb7: {  	_ =	sfence  }
0xb8: {  	s30 =	sld [smem:$0x0];
	_ =	sdelay $0x2  }
0xb9: {  	s31 =	sshll.u32 s1, $0xD;
	s1 =	sshrl.u32 s1, $0x2  }
0xba: {  	s3 =	sand.u32 $0x4000, s31;
	s1 =	sadd.s32 s1, s30  }
0xbb: {  	s0 =	sor.u32 s3, s0;
	s1 =	sshll.u32 s1, $0x11  }
0xbc: {  	s0 =	sor.u32 s1, s0  }
0xbd: {  	s0 =	sadd.s32 $0x8F2B, s0  }
0xbe: {  	[sflag:s0] =	ssyncadd.remote.s32 $0x1  }
0xbf: {  	_ =	sfence.sel $0xFFFF  }
0xc0: {  	[dreg:$0x0] =	wrdreg $0xFFFFFFFF;
	(pc) =	sbr.abs _section_cstart, $3  }
0xc1: {  	[dreg:$0x1] =	wrdreg $0xFFFFFFFF  }
0xc2: {  	_ =	task.clear_ibuf [dreg:s7], $0x2FFFF;
	_ =	strace $0x9FFFFFFF  }
0xc3: {  	(tm) =	ssettm $0x7FFFFFFF  }
tec
execute0_lowered:
.L_overlay_start_1:
0x0: {  	(tag) =	ssettag $0x1  }
0x1: {  	s6 =	rddreg [dreg:$0x0]  }
0x2: {  	s9 =	rddreg [dreg:$0x1]  }
0x3: {  	s2 =	rddreg [dreg:$0x2]  }
0x4: {  	s0 =	rddreg [dreg:$0x3];
	s3 =	simm.s32 $0x0  }
0x5: {  	s1 =	stileid.u32;
	s5 =	srdreg.scid;
	s14 =	simm.s32 $0x280  }
0x6: {  	s15 =	simm.s32 $0x80;
	s16 =	simm.s32 $0x0;
	[smem:$0x7FF] =	sst s3  }
0x7: {  	s4 =	smul.u32 $0x500, s1;
	s8 =	sand.u32 $0x1, s5;
	s5 =	sadd.s32 $0x7200, s6  }
0x8: {  	s12 =	smul.u32 $0x280, s1;
	s13 =	sadd.s32 $0x7400, s6;
	_ =	strace $0x80000047  }
0x9: {  	s10 =	ssub.s32 $0x2, s8;
	s31 =	smul.u32 $0x5000, s8;
	p0 =	seq.s32 s8, $0x1  }
0xa: {  	s7 =	sadd.s32 s4, s6;
	s4 =	sadd.s32 $0x7000, s6;
	s11 =	sshrl.u32 s10, $0x1  }
0xb: {  	s6 =	sadd.s32 s12, s2;
	s12 =	sshrl.u32 s12, $0x3;
	s9 =	smov.u32 @p0 s13  }
0xc: {  	s13 =	simm.s32 $0x2A80;
	s10 =	ssub.s32 s10, s11;
	s7 =	sadd.s32 $0x2000, s7  }
0xd: {  	s11 =	sshrl.u32 s31, $0x2;
	s9 =	sadd.s32 s9, s12;
	s12 =	simm.s32 $0x1  }
0xe: {  	s8 =	smax.u32 s10, $0x1;
	s10 =	sor.u32 $0x280, s11;
	s11 =	simm.s32 $0x2B00  }
.LBB2_1:
0xf: {  	[tilespmem:s11], [sflag:$0x1] =	stream.linear.gather [hbm4b:s5+s3], $0x280, $0x38;
	[tilespmem:$0x2D80] =	vst v63  }
0x10: {  	_ =	swait.ge [sflag:s12], $0x280  }
0x11: {  	[sflag:s12] =	ssyncset.done $0x0  }
0x12: {  	[sflag:s12] =	ssyncadd.s32 $0xFFFFFD80  }
0x13: {  	[spmem:s6] =	stream.linear.scatter [tilespmem:s11], [sflag:$0x1], $0x280, $0x38;
	[tilespmem:$0x2D80] =	vst v63  }
0x14: {  	_ =	swait.ge [sflag:s12], $0x280  }
0x15: {  	[sflag:s12] =	ssyncset.done $0x0  }
0x16: {  	[sflag:s12] =	ssyncadd.s32 $0xFFFFFD80  }
0x17: {  	[tilespmem:s13], [sflag:$0x1] =	stream.linear.gather [hbm4b:s4+s3], $0x80, $0x38;
	[tilespmem:$0x2D80] =	vst v63  }
0x18: {  	_ =	swait.ge [sflag:s12], $0x80  }
0x19: {  	[sflag:s12] =	ssyncset.done $0x0  }
0x1a: {  	[sflag:s12] =	ssyncadd.s32 $0xFFFFFF80  }
0x1b: {  	[tilespmem:s14], [sflag:$0x1] =	stream.linear.gather [hbm4b:s7+s3], $0x2800, $0x38;
	[tilespmem:$0x2D80] =	vst v63  }
0x1c: {  	_ =	swait.ge [sflag:s12], $0x2800  }
0x1d: {  	[sflag:s12] =	ssyncset.done $0x0  }
0x1e: {  	[sflag:s12] =	ssyncadd.s32 $0xFFFFD800  }
0x1f: {  	s17 =	sadd.s32 $0x0, s10;
	[bflag:$0x0] =	sbarrier.arrive $0xFFFF  }
0x20: {  	[spmem:s2] =	stream.indirect.scatter.add.f32 [tilespmem:s13], [sflag:$0x1], $0x1, s17, s15, $0xb8;
	[tilespmem:$0x2D80] =	vst v63  }
0x21: {  	s17 =	simm.s32 $0x200;
	_ =	swait.ge [sflag:s12], $0x80  }
.LBB2_2:
0x22: {  	s18 =	sshra.s32 s17, $0x2;
	[sflag:s12] =	ssyncset.done $0x0;
	p0 =	sne.s32 s17, $0x4E00  }
.Ltmp0:
0x23: {  	s18 =	sadd.s32 s18, s10;
	[sflag:s12] =	ssyncadd.s32 $0xFFFFFF80;
	(pc) =	sbr.rel @p0 .LBB2_2-.Ltmp0, $3  }
0x24: {  	[spmem:s2] =	stream.indirect.scatter.add.f32 [tilespmem:s13], [sflag:$0x1], $0x1, s18, s15, $0xb8;
	[tilespmem:$0x2D80] =	vst v63  }
0x25: {  	s17 =	sadd.s32 $0x200, s17;
	_ =	sdelay $0x1  }
0x26: {  	_ =	swait.ge [sflag:s12], $0x80  }
0x27: {  	[sflag:s12] =	ssyncset.done $0x0  }
0x28: {  	[sflag:s12] =	ssyncadd.s32 $0xFFFFFF80  }
0x29: {  	[bflag:$0x0] =	sbarrier.arrive $0xFFFF  }
0x2a: {  	[tilespmem:s11], [sflag:$0x1] =	stream.linear.gather [spmem:s6], $0x280, $0x38;
	[tilespmem:$0x2D80] =	vst v63  }
0x2b: {  	s16 =	sadd.s32 $0x1, s16;
	_ =	swait.ge [sflag:s12], $0x280  }
0x2c: {  	p0 =	sne.s32 s16, s8;
	[sflag:s12] =	ssyncset.done $0x0  }
.Ltmp1:
0x2d: {  	[sflag:s12] =	ssyncadd.s32 $0xFFFFFD80;
	(pc) =	sbr.rel @p0 .LBB2_1-.Ltmp1, $4  }
0x2e: {  	[hbm4b:s9+s3] =	stream.linear.scatter [tilespmem:s11], [sflag:$0x1], $0x280, $0x38;
	[tilespmem:$0x2D80] =	vst v63  }
0x2f: {  	_ =	swait.ge [sflag:s12], $0x280  }
0x30: {  	[sflag:s12] =	ssyncset.done $0x0  }
0x31: {  	[sflag:s12] =	ssyncadd.s32 $0xFFFFFD80  }
0x32: {  	_ =	sfence.sel $0x180000  }
0x33: {  	[bflag:$0x0] =	sbarrier.arrive $0xFFFF  }
0x34: {  	p0 =	sne.s32 s1, $0x0;
	_ =	strace $0x90000047  }
0x35: {  	s0 =	sadd.s32 @!p0 $0x100000, s0;
	[bflag:$0x2] =	sbarrier.arrive $0xFFFF  }
0x36: {  	[sflag:s0] =	ssyncadd.tile.s32 @!p0 $0x1;
	_ =	shalt  }
.Lfunc_end2:
_tile_overlayer_lowered:
.L_overlay_start_2:
0x37: {  	(tag) =	ssettag $0x2  }
0x38: {  	s0 =	rddreg [dreg:$0x0];
	s2 =	stileid.u32  }
0x39: {  	s1 =	rddreg [dreg:$0x1];
	p0 =	sne.s32 s2, $0x0  }
0x3a: {  	s3 =	rddreg [dreg:$0x2];
	[bflag:$0x3] =	sbarrier.arrive $0xFFFF;
	s2 =	simm.s32 @!p0 $0x1C01  }
0x3b: {  	[timem:s3], [sflag:s2] =	dma.local @!p0 [hbm:s0], s1  }
0x3c: {  	s0 =	simm.s32 @!p0 $0x1  }
0x3d: {  	_ =	swait.ge @!p0 [sflag:s0], s1  }
0x3e: {  	s1 =	ssub.s32 @!p0 $0x0, s1;
	[sflag:s0] =	ssyncset.done @!p0 $0x0  }
0x3f: {  	[sflag:s0] =	ssyncadd.s32 @!p0 s1  }
0x40: {  	[bflag:$0x3] =	sbarrier.arrive $0xFFFF  }
0x41: {  	_ =	shalt  }

// kernel: kernel.13.cloned.1.call-start
scs
__scs_entry_jumppad:
0x0: {  	(pc) =	sbr.rel $0x88, $3  }
0x1: {  	(tag) =	ssettag $0x0;
	lr =	simm.s32 $0x1  }
0x2: {  	[smem:$0x3F99] =	sst lr;
	_ =	strace $0xD0000000  }
0x3: {  	_ = 	snop  }
0x4: {  	_ = 	snop  }
0x5: {  	_ = 	snop  }
0x6: {  	_ = 	snop  }
0x7: {  	_ = 	snop  }
__scs_overlays_trampoline_lowered:
0x8: {  	[smem:$0x3FA8] =	sst s0  }
0x9: {  	[smem:$0x3FA9] =	sst s1  }
0xa: {  	[smem:$0x3FAA] =	sst s2  }
0xb: {  	[smem:$0x3FAB] =	sst s3  }
0xc: {  	[smem:$0x3FAC] =	sst s4  }
0xd: {  	[smem:$0x3FAD] =	sst s5  }
0xe: {  	[smem:$0x3FAE] =	sst s6  }
0xf: {  	[smem:$0x3FAF] =	sst s7  }
0x10: {  	[smem:$0x3FB0] =	sst s8  }
0x11: {  	[smem:$0x3FB1] =	sst s9;
	s0 =	simm.s32 @!p0 $0x0  }
0x12: {  	s1 =	sld [smem:$0x3F97];
	s0 =	simm.s32 @p0 $0x1  }
0x13: {  	[smem:$0x3FB2] =	sst s0;
	s0 =	simm.s32 @!p1 $0x0  }
0x14: {  	s2 =	sld [smem:$0x3F96];
	s0 =	simm.s32 @p1 $0x1  }
0x15: {  	[smem:$0x3FB3] =	sst s0;
	s0 =	simm.s32 @!p2 $0x0  }
0x16: {  	s3 =	sld [smem:$0x3FDB];
	s0 =	simm.s32 @p2 $0x1  }
0x17: {  	s4 =	simm.s32 $0x1BF5;
	[smem:$0x3FB5] =	sst s0  }
0x18: {  	s0 =	sld [smem:$0x3F98];
	_ =	swait.ge [sflag:s4], $0x0  }
0x19: {  	s7 =	sld [smem:$0x3F99]  }
0x1a: {  	s8 =	sadd.s32 $0xFFFFE003, lr  }
0x1b: {  	s9 =	sadd.s32 $0xFFFFFEF7, lr;
	s5 =	simm.s32 $0xFFFFFFFF;
	p2 =	slt.u32 s8, $0xFFFFF086  }
0x1c: {  	p1 =	slt.u32 s9, $0xF7A;
	s5 =	simm.s32 @!p2 $0x0  }
0x1d: {  	s5 =	simm.s32 @p1 $0x1;
	p0 =	seq.s32 s7, s2  }
0x1e: {  	s7 =	smul.u32 @!p0 $0xF7A, s2;
	p2 =	seq.s32 @!p0 s5, $0x0  }
0x1f: {  	s9 =	smul.u32 $0xF7A, s1;
	s8 =	simm.s32 @!p0 $0x1BF5;
	p2 =	por !p2, p0  }
0x20: {  	[sflag:s8] =	ssyncset.s32 @!p0 $0xFFFFF086;
	s6 =	sadd.s32 @!p0 s3, s7;
	s7 =	simm.s32 @!p0 $0x108  }
0x21: {  	s3 =	sadd.s32 s3, s9;
	s6 =	sadd.s32 @!p0 $0x88, s6;
	s7 =	simm.s32 @p2 $0x1082  }
0x22: {  	[simem:s7], [sflag:s8] =	dma.local @!p0 [hbm:s6], $0xF7A  }
0x23: {  	s9 =	sor.u32 $0xD0000000, s2;
	s6 =	simm.s32 $0x108;
	_ =	swait.ge @!p0 [sflag:s8], $0x0  }
0x24: {  	s3 =	sadd.s32 $0x88, s3;
	s6 =	simm.s32 @!p1 $0x1082;
	[sflag:s4] =	ssyncset.s32 $0xFFFFF086  }
0x25: {  	[simem:s6], [sflag:s4] =	dma.local [hbm:s3], $0xF7A  }
0x26: {  	[smem:$0x3F99] =	sst s1;
	(tag) =	ssettag s2;
	_ =	strace s9  }
0x27: {  	s1 =	sld [smem:$0x3FA9]  }
0x28: {  	s2 =	sld [smem:$0x3FAA]  }
0x29: {  	s4 =	sld [smem:$0x3FAC]  }
0x2a: {  	p0 =	seq.s32 s5, $0x0;
	s5 =	sld [smem:$0x3FAD]  }
0x2b: {  	s6 =	sld [smem:$0x3FAE]  }
0x2c: {  	s7 =	sld [smem:$0x3FAF]  }
0x2d: {  	s3 =	simm.s32 $0x108;
	s8 =	sld [smem:$0x3FB0]  }
0x2e: {  	s3 =	simm.s32 @!p0 $0x1082;
	s9 =	sld [smem:$0x3FB1]  }
0x2f: {  	lr =	sadd.s32 s0, s3;
	s0 =	sld [smem:$0x3FA8]  }
0x30: {  	s3 =	sld [smem:$0x3FAB]  }
0x31: {  	[smem:$0x3FB4] =	sst s10  }
0x32: {  	s10 =	sld [smem:$0x3FB2];
	_ =	sdelay $0x3  }
0x33: {  	p0 =	seq.s32 s10, $0x1;
	s10 =	sld [smem:$0x3FB4];
	_ =	sdelay $0x3  }
0x34: {  	[smem:$0x3FB4] =	sst s10  }
0x35: {  	s10 =	sld [smem:$0x3FB3];
	_ =	sdelay $0x3  }
0x36: {  	p1 =	seq.s32 s10, $0x1;
	s10 =	sld [smem:$0x3FB4];
	_ =	sdelay $0x3  }
0x37: {  	[smem:$0x3FB4] =	sst s10  }
0x38: {  	s10 =	sld [smem:$0x3FB5]  }
0x39: {  	_ = 	snop;
	(pc) =	sbr.ind lr, $3  }
0x3a: {  	_ = 	snop  }
0x3b: {  	_ = 	snop  }
0x3c: {  	p2 =	seq.s32 s10, $0x1;
	s10 =	sld [smem:$0x3FB4]  }
0x3d: {  	_ =	shalt  }
0x3e: {  	_ =	shalt  }
0x3f: {  	_ =	shalt  }
0x40: {  	_ =	shalt  }
0x41: {  	_ =	shalt  }
0x42: {  	_ =	shalt  }
0x43: {  	_ =	shalt  }
0x44: {  	_ =	shalt  }
0x45: {  	_ =	shalt  }
0x46: {  	_ =	shalt  }
0x47: {  	_ =	shalt  }
0x48: {  	_ =	shalt  }
0x49: {  	_ =	shalt  }
0x4a: {  	_ =	shalt  }
0x4b: {  	_ =	shalt  }
0x4c: {  	_ =	shalt  }
0x4d: {  	_ =	shalt  }
0x4e: {  	_ =	shalt  }
0x4f: {  	_ =	shalt  }
0x50: {  	_ =	shalt  }
0x51: {  	_ =	shalt  }
0x52: {  	_ =	shalt  }
0x53: {  	_ =	shalt  }
0x54: {  	_ =	shalt  }
0x55: {  	_ =	shalt  }
0x56: {  	_ =	shalt  }
0x57: {  	_ =	shalt  }
0x58: {  	_ =	shalt  }
0x59: {  	_ =	shalt  }
0x5a: {  	_ =	shalt  }
0x5b: {  	_ =	shalt  }
0x5c: {  	_ =	shalt  }
0x5d: {  	_ =	shalt  }
0x5e: {  	_ =	shalt  }
0x5f: {  	_ =	shalt  }
0x60: {  	_ =	shalt  }
0x61: {  	_ =	shalt  }
0x62: {  	_ =	shalt  }
0x63: {  	_ =	shalt  }
0x64: {  	_ =	shalt  }
0x65: {  	_ =	shalt  }
0x66: {  	_ =	shalt  }
0x67: {  	_ =	shalt  }
0x68: {  	_ =	shalt  }
0x69: {  	_ =	shalt  }
0x6a: {  	_ =	shalt  }
0x6b: {  	_ =	shalt  }
0x6c: {  	_ =	shalt  }
0x6d: {  	_ =	shalt  }
0x6e: {  	_ =	shalt  }
0x6f: {  	_ =	shalt  }
0x70: {  	_ =	shalt  }
0x71: {  	_ =	shalt  }
0x72: {  	_ =	shalt  }
0x73: {  	_ =	shalt  }
0x74: {  	_ =	shalt  }
0x75: {  	_ =	shalt  }
0x76: {  	_ =	shalt  }
0x77: {  	_ =	shalt  }
0x78: {  	_ =	shalt  }
0x79: {  	_ =	shalt  }
0x7a: {  	_ =	shalt  }
0x7b: {  	_ =	shalt  }
0x7c: {  	_ =	shalt  }
0x7d: {  	_ =	shalt  }
0x7e: {  	_ =	shalt  }
0x7f: {  	_ =	shalt  }
0x80: {  	_ =	shalt  }
0x81: {  	_ =	shalt  }
0x82: {  	_ =	shalt  }
0x83: {  	_ =	shalt  }
0x84: {  	_ =	shalt  }
0x85: {  	_ =	shalt  }
0x86: {  	_ =	shalt  }
0x87: {  	_ =	shalt  }
.Lfunc_end0:
.L_simem_size_0:
called_computation.1_lowered:
.L_overlay_start_0:
0x88: {  	s2 =	sld [smem:$0x3FD9]  }
0x89: {  	s3 =	sld [smem:$0x3FFE];
	_ =	sdelay $0x1  }
0x8a: {  	s1 =	srdreg.scid  }
0x8b: {  	s0 =	sand.u32 $0x1, s1  }
0x8c: {  	s17 =	sshll.u32 s0, $0xA;
	s2 =	sadd.s32 s3, s2  }
0x8d: {  	s2 =	sadd.s32 s2, s17  }
0x8e: {  	[smem:$0x3FC0] =	sst s2  }
0x8f: {  	_ = 	snop  }
0x90: {  	s2 =	sld [smem:$0x3FD0];
	(tm) =	ssettm $0x1  }
0x91: {  	s18 =	sld [smem:$0x3FFB];
	_ =	sdelay $0x3  }
0x92: {  	_ =	strace s18  }
0x93: {  	s3 =	sld [smem:$0x3FFC];
	_ =	sdelay $0x3  }
0x94: {  	_ =	strace s3  }
0x95: {  	s3 =	sld [smem:$0x3FFD];
	_ =	sdelay $0x3  }
0x96: {  	_ =	strace s3  }
0x97: {  	_ =	strace $0x8FFFFFFF  }
0x98: {  	s19 =	sld [smem:$0x3FDB];
	_ =	sdelay $0x1  }
0x99: {  	s4 =	simm.s32 $_scs_section_size  }
0x9a: {  	s5 =	simm.s32 $_size__tile_overlayer_lowered;
	s6 =	simm.s32 $_tile_overlayer_lowered  }
0x9b: {  	s22 =	simm.s32 $0x1BFF;
	s21 =	sshll.u32 s6, $0x1;
	s3 =	sadd.s32 s4, s19  }
0x9c: {  	s7 =	simm.s32 $0x0;
	s20 =	sshll.u32 s5, $0x1;
	s5 =	sadd.s32 s21, s3  }
0x9d: {  	[timem:s7], [sflag:s22] =	dma.local [hbm:s5], s20  }
0x9e: {  	_ =	swait.ge [sflag:s22], s20  }
0x9f: {  	s4 =	ssub.s32 $0x0, s20;
	[sflag:s22] =	ssyncset.done $0x0  }
0xa0: {  	[sflag:s22] =	ssyncadd.s32 s4;
	_ =	sdelay $0x1  }
0xa1: {  	s23 =	simm.s32 $0x1B8B  }
0xa2: {  	_ =	swait.ge [sflag:s23], $0x1  }
0xa3: {  	[sflag:s23] =	ssyncset.done $0x0  }
0xa4: {  	s25 =	simm.s32 $0x1B8E;
	s24 =	sld [smem:$0x3FFE];
	[sflag:s23] =	ssyncadd.s32 $0xFFFFFFFF  }
0xa5: {  	s26 =	simm.s32 $execute0_lowered;
	[smem:$0x3FD2] =	sst s25  }
0xa6: {  	s5 =	sshll.u32 s26, $0x1;
	_ =	strace $0x80000049;
	[dreg:$0x1] =	wrdreg $0xFFFFFFFF  }
0xa7: {  	s28 =	simm.s32 $_size_execute0_lowered;
	s3 =	sadd.s32 s3, s5;
	[dreg:$0x0] =	wrdreg $0x0  }
0xa8: {  	s5 =	sshll.u32 s28, $0x1;
	[dreg:$0x2] =	wrdreg s3  }
0xa9: {  	[dreg:$0x3] =	wrdreg s5  }
0xaa: {  	[dreg:$0x4] =	wrdreg $0xC0  }
0xab: {  	_ =	task [dreg:s7], $0x5FFFF  }
0xac: {  	[dreg:$0x1] =	wrdreg $0xFFFFFFFF  }
0xad: {  	[dreg:$0x0] =	wrdreg $0x60  }
0xae: {  	[dreg:$0x2] =	wrdreg s2  }
0xaf: {  	[dreg:$0x3] =	wrdreg s24  }
0xb0: {  	[dreg:$0x4] =	wrdreg $0x0  }
0xb1: {  	[dreg:$0x5] =	wrdreg $0x9  }
0xb2: {  	_ =	task.clear_ibuf [dreg:s7], $0x6FFFF;
	_ =	strace $0x90000049  }
0xb3: {  	s29 =	simm.s32 $0x9;
	_ =	strace $0x8000004B  }
0xb4: {  	_ =	swait.ge [sflag:s29], $0x1  }
0xb5: {  	[sflag:s29] =	ssyncadd.s32 $0xFFFFFFFF  }
0xb6: {  	_ =	strace $0x9000004B  }
0xb7: {  	_ =	sfence  }
0xb8: {  	s30 =	sld [smem:$0x0];
	_ =	sdelay $0x2  }
0xb9: {  	s31 =	sshll.u32 s1, $0xD;
	s1 =	sshrl.u32 s1, $0x2  }
0xba: {  	s3 =	sand.u32 $0x4000, s31;
	s1 =	sadd.s32 s1, s30  }
0xbb: {  	s0 =	sor.u32 s3, s0;
	s1 =	sshll.u32 s1, $0x11  }
0xbc: {  	s0 =	sor.u32 s1, s0  }
0xbd: {  	s0 =	sadd.s32 $0x8F2B, s0  }
0xbe: {  	[sflag:s0] =	ssyncadd.remote.s32 $0x1  }
0xbf: {  	_ =	sfence.sel $0xFFFF  }
0xc0: {  	[dreg:$0x0] =	wrdreg $0xFFFFFFFF;
	(pc) =	sbr.abs _section_cstart, $3  }
0xc1: {  	[dreg:$0x1] =	wrdreg $0xFFFFFFFF  }
0xc2: {  	_ =	task.clear_ibuf [dreg:s7], $0x2FFFF;
	_ =	strace $0x9FFFFFFF  }
0xc3: {  	(tm) =	ssettm $0x7FFFFFFF  }
tec
execute0_lowered:
.L_overlay_start_1:
0x0: {  	(tag) =	ssettag $0x1  }
0x1: {  	s0 =	srdreg.scid;
	s13 =	stileid.u32  }
0x2: {  	s2 =	rddreg [dreg:$0x0];
	s3 =	smul.u32 $0x2800, s13  }
0x3: {  	s1 =	rddreg [dreg:$0x1];
	s8 =	smul.u32 $0x4F000, s13  }
0x4: {  	s4 =	rddreg [dreg:$0x2];
	s5 =	simm.s32 $0x0;
	s29 =	smul.u32 $0x270, s13  }
0x5: {  	s0 =	sand.u32 $0x1, s0;
	[smem:$0x7FF] =	sst s5;
	s31 =	smul.u32 $0x4E000, s13  }
0x6: {  	s9 =	sadd.s32 $0x7000, s1;
	s6 =	smul.u32 $0x28000, s0;
	_ =	strace $0x8000004A  }
0x7: {  	[dreg:$0x4] =	wrdreg s9;
	s28 =	ssub.s32 $0x2, s0;
	s14 =	smul.u32 $0x2710, s0  }
0x8: {  	s0 =	smul.u32 $0x138800, s0;
	s10 =	sshrl.u32 s28, $0x1;
	s8 =	sshrl.u32 s8, $0x2  }
0x9: {  	s15 =	sshrl.u32 s3, $0x3;
	s6 =	sadd.s32 s3, s6;
	s8 =	sadd.s32 s8, s4  }
0xa: {  	s9 =	ssub.s32 s28, s10;
	s10 =	sadd.s32 s29, s14;
	s30 =	sadd.s32 $0x4000, s8  }
0xb: {  	s0 =	sshrl.u32 s0, $0x3;
	s11 =	sadd.s32 $0x8000, s8;
	[dreg:$0x6] =	wrdreg s30  }
0xc: {  	s6 =	sshrl.u32 s6, $0x3;
	s12 =	sadd.s32 $0xC000, s8;
	[dreg:$0x7] =	wrdreg s11  }
0xd: {  	s16 =	sshll.u32 s10, $0x4;
	s24 =	smax.u32 s9, $0x1;
	[dreg:$0x8] =	wrdreg s12  }
0xe: {  	s7 =	sadd.s32 s6, s1;
	s12 =	sadd.s32 $0x10000, s8;
	[dreg:$0x13] =	wrdreg s24  }
0xf: {  	s6 =	sadd.s32 $0x2000, s1;
	s30 =	sadd.s32 $0x124800, s4;
	[dreg:$0x9] =	wrdreg s12  }
0x10: {  	s1 =	sadd.s32 $0x11A00, s1;
	s7 =	sadd.s32 $0x7A00, s7;
	[dreg:$0x18] =	wrdreg s30  }
0x11: {  	s12 =	sadd.s32 s6, s15;
	s16 =	sadd.s32 s1, s16;
	[dreg:$0x5] =	wrdreg s7  }
0x12: {  	s0 =	sadd.s32 s1, s0;
	s19 =	sadd.s32 $0x1000, s16;
	[dreg:$0xa] =	wrdreg s12  }
0x13: {  	p0 =	seq.s32 s13, $0xF;
	s20 =	sadd.s32 $0x24900, s0;
	[dreg:$0xd] =	wrdreg s19  }
0x14: {  	s13 =	simm.s32 $0x5;
	s21 =	sadd.s32 $0x25100, s0;
	[dreg:$0xe] =	wrdreg s20  }
0x15: {  	s14 =	simm.s32 $0x16480;
	s22 =	sadd.s32 $0x25900, s0;
	[dreg:$0xf] =	wrdreg s21  }
0x16: {  	s9 =	sadd.s32 $0x130800, s4;
	s23 =	sadd.s32 $0x26100, s0;
	[dreg:$0x10] =	wrdreg s22  }
0x17: {  	s11 =	sadd.s32 $0x134800, s4;
	s0 =	sadd.s32 $0x26900, s0;
	[dreg:$0x11] =	wrdreg s23  }
0x18: {  	s24 =	simm.s32 $0x4;
	s26 =	sadd.s32 $0x1800, s16;
	[dreg:$0x12] =	wrdreg s0  }
0x19: {  	s7 =	sshrl.u32 s31, $0x2;
	s29 =	sadd.s32 $0x10, s12;
	[dreg:$0x15] =	wrdreg s26  }
0x1a: {  	s31 =	sadd.s32 $0x128800, s4;
	s10 =	sadd.s32 $0x2000, s16;
	[dreg:$0x17] =	wrdreg s29  }
0x1b: {  	s12 =	simm.s32 $0x13C00;
	s15 =	sadd.s32 s7, s4;
	[dreg:$0x19] =	wrdreg s31  }
0x1c: {  	s0 =	sadd.s32 $0x800, s16;
	s7 =	sadd.s32 $0x12C800, s4;
	s17 =	sadd.s32 $0x4000, s15  }
0x1d: {  	s19 =	simm.s32 $0x80;
	s18 =	sadd.s32 $0x8000, s15;
	[dreg:$0xb] =	wrdreg s17  }
0x1e: {  	s20 =	simm.s32 $0x1A500;
	s25 =	sadd.s32 $0xC000, s15;
	[dreg:$0xc] =	wrdreg s18  }
0x1f: {  	s21 =	simm.s32 $0x1;
	s28 =	sadd.s32 $0x10000, s15;
	[dreg:$0x14] =	wrdreg s25  }
0x20: {  	s22 =	simm.s32 $0x3;
	s23 =	simm.s32 $0x2;
	[dreg:$0x16] =	wrdreg s28  }
0x21: {  	s17 =	simm.s32 $0x16500;
	s18 =	simm.s32 $0x16400;
	s25 =	simm.s32 $0x0  }
.LBB2_1:
0x22: {  	s1 =	rddreg [dreg:$0x5]  }
0x23: {  	[tilespmem:s12], [sflag:$0x5] =	stream.linear.gather [hbm4b:s1+s5], $0x2800, $0x38;
	[tilespmem:$0x1E500] =	vst v63  }
0x24: {  	_ =	swait.ge [sflag:s13], $0x2800  }
0x25: {  	[sflag:s13] =	ssyncset.done $0x0  }
0x26: {  	s31 =	rddreg [dreg:$0x4];
	[sflag:s13] =	ssyncadd.s32 $0xFFFFD800  }
0x27: {  	[tilespmem:s17], [sflag:$0x5] =	stream.linear.gather [hbm4b:s31+s5], $0x4000, $0x38;
	[tilespmem:$0x1E500] =	vst v63  }
0x28: {  	_ =	swait.ge [sflag:s13], $0x4000  }
0x29: {  	[sflag:s13] =	ssyncset.done $0x0  }
0x2a: {  	[sflag:s13] =	ssyncadd.s32 $0xFFFFC000  }
0x2b: {  	[spmem:s8] =	stream.linear.scatter [tilespmem:s17], [sflag:$0x5], $0x4000, $0x38;
	[tilespmem:$0x1E500] =	vst v63  }
0x2c: {  	_ =	swait.ge [sflag:s13], $0x4000  }
0x2d: {  	[sflag:s13] =	ssyncset.done $0x0  }
0x2e: {  	s26 =	rddreg [dreg:$0x6];
	[sflag:s13] =	ssyncadd.s32 $0xFFFFC000  }
0x2f: {  	[spmem:s26] =	stream.linear.scatter [tilespmem:s17], [sflag:$0x5], $0x4000, $0x38;
	[tilespmem:$0x1E500] =	vst v63  }
0x30: {  	_ =	swait.ge [sflag:s13], $0x4000  }
0x31: {  	[sflag:s13] =	ssyncset.done $0x0  }
0x32: {  	s30 =	rddreg [dreg:$0x7];
	[sflag:s13] =	ssyncadd.s32 $0xFFFFC000  }
0x33: {  	[spmem:s30] =	stream.linear.scatter [tilespmem:s17], [sflag:$0x5], $0x4000, $0x38;
	[tilespmem:$0x1E500] =	vst v63  }
0x34: {  	_ =	swait.ge [sflag:s13], $0x4000  }
0x35: {  	[sflag:s13] =	ssyncset.done $0x0  }
0x36: {  	s31 =	rddreg [dreg:$0x8];
	[sflag:s13] =	ssyncadd.s32 $0xFFFFC000  }
0x37: {  	[spmem:s31] =	stream.linear.scatter [tilespmem:s17], [sflag:$0x5], $0x4000, $0x38;
	[tilespmem:$0x1E500] =	vst v63  }
0x38: {  	_ =	swait.ge [sflag:s13], $0x4000  }
0x39: {  	[sflag:s13] =	ssyncset.done $0x0  }
0x3a: {  	s26 =	rddreg [dreg:$0x9];
	[sflag:s13] =	ssyncadd.s32 $0xFFFFC000  }
0x3b: {  	[spmem:s26] =	stream.linear.scatter [tilespmem:s17], [sflag:$0x5], $0x3C00, $0x38;
	[tilespmem:$0x1E500] =	vst v63  }
0x3c: {  	_ =	swait.ge [sflag:s13], $0x3C00  }
0x3d: {  	[sflag:s13] =	ssyncset.done $0x0  }
0x3e: {  	s30 =	rddreg [dreg:$0xa];
	[sflag:s13] =	ssyncadd.s32 $0xFFFFC400  }
0x3f: {  	[tilespmem:s18], [sflag:$0x3] =	stream.linear.gather [hbm4b:s30+s5], $0x80, $0x38;
	[tilespmem:$0x1E500] =	vst v63  }
0x40: {  	s31 =	rddreg [dreg:$0x17]  }
0x41: {  	[tilespmem:s14], [sflag:$0x4] =	stream.linear.gather [hbm4b:s31+s5], $0x80, $0x38;
	[tilespmem:$0x1E500] =	vst v63  }
0x42: {  	_ = 	snop  }
0x43: {  	[tilespmem:s17], [sflag:$0x1] =	stream.indirect.gather [hbm4b:s2+s19], $0x80, s12, s19, $0xb8;
	[tilespmem:$0x1E500] =	vst v63  }
0x44: {  	s26 =	simm.s32 $0x13C80  }
0x45: {  	[tilespmem:s20], [sflag:$0x2] =	stream.indirect.gather [hbm4b:s2+s19], $0x80, s26, s19, $0xb8;
	[tilespmem:$0x1E500] =	vst v63  }
0x46: {  	[bflag:$0x0] =	sbarrier.arrive $0xFFFF  }
0x47: {  	_ =	swait.ge [sflag:s21], $0x4000  }
0x48: {  	[sflag:s21] =	ssyncset.done $0x0  }
0x49: {  	[sflag:s21] =	ssyncadd.s32 $0xFFFFC000  }
0x4a: {  	s26 =	simm.s32 $0x100;
	_ =	swait.ge [sflag:s22], $0x80  }
0x4b: {  	s28 =	sand.u32 $0x7C00, s26;
	[sflag:s22] =	ssyncset.done $0x0  }
0x4c: {  	s26 =	sand.u32 $0x300, s26;
	s28 =	sadd.s32 s3, s28;
	[sflag:s22] =	ssyncadd.s32 $0xFFFFFF80  }
0x4d: {  	[spmem:s4] =	stream.indirect.scatter.add.f32 [tilespmem:s17], [sflag:$0x5], $0x80, s18, s19, $0xb8;
	[tilespmem:$0x1E500] =	vst v63  }
0x4e: {  	s26 =	sor.u32 s26, s28;
	_ =	swait.ge [sflag:s13], $0x4000  }
0x4f: {  	s26 =	sshrl.u32 s26, $0x3;
	[sflag:s13] =	ssyncset.done $0x0  }
0x50: {  	s26 =	sadd.s32 s6, s26;
	[sflag:s13] =	ssyncadd.s32 $0xFFFFC000  }
0x51: {  	[tilespmem:s18], [sflag:$0x3] =	stream.linear.gather [hbm4b:s26+s5], $0x80, $0x38;
	[tilespmem:$0x1E500] =	vst v63  }
0x52: {  	s30 =	simm.s32 $0x13D00  }
0x53: {  	[tilespmem:s17], [sflag:$0x1] =	stream.indirect.gather [hbm4b:s2+s19], $0x80, s30, s19, $0xb8;
	[tilespmem:$0x1E500] =	vst v63  }
0x54: {  	_ =	swait.ge [sflag:s23], $0x4000  }
0x55: {  	[sflag:s23] =	ssyncset.done $0x0  }
0x56: {  	[sflag:s23] =	ssyncadd.s32 $0xFFFFC000  }
0x57: {  	s31 =	simm.s32 $0x180;
	_ =	swait.ge [sflag:s24], $0x80  }
0x58: {  	s28 =	sand.u32 $0x7C00, s31;
	[sflag:s24] =	ssyncset.done $0x0  }
0x59: {  	s28 =	sadd.s32 s3, s28;
	s26 =	sand.u32 $0x380, s31;
	[sflag:s24] =	ssyncadd.s32 $0xFFFFFF80  }
0x5a: {  	[spmem:s4] =	stream.indirect.scatter.add.f32 [tilespmem:s20], [sflag:$0x5], $0x80, s14, s19, $0xb8;
	[tilespmem:$0x1E500] =	vst v63  }
0x5b: {  	s26 =	sor.u32 s26, s28;
	_ =	swait.ge [sflag:s13], $0x4000  }
0x5c: {  	s26 =	sshrl.u32 s26, $0x3;
	[sflag:s13] =	ssyncset.done $0x0  }
0x5d: {  	s26 =	sadd.s32 s6, s26;
	[sflag:s13] =	ssyncadd.s32 $0xFFFFC000  }
0x5e: {  	[tilespmem:s14], [sflag:$0x4] =	stream.linear.gather [hbm4b:s26+s5], $0x80, $0x38;
	[tilespmem:$0x1E500] =	vst v63  }
0x5f: {  	s29 =	simm.s32 $0x13E00;
	s28 =	simm.s32 $0x13D80;
	s26 =	simm.s32 $0x280  }
.LBB2_2:
0x60: {  	s30 =	sadd.s32 $0x80, s29  }
0x61: {  	p1 =	sne.s32 s26, $0x2780;
	s31 =	smov.u32 s26;
	s26 =	sadd.s32 $0x100, s26  }
0x62: {  	[tilespmem:s20], [sflag:$0x2] =	stream.indirect.gather [hbm4b:s2+s19], $0x80, s28, s19, $0xb8;
	[tilespmem:$0x1E500] =	vst v63  }
0x63: {  	s28 =	smov.u32 s30;
	_ =	swait.ge [sflag:s21], $0x4000  }
0x64: {  	[sflag:s21] =	ssyncset.done $0x0  }
0x65: {  	[sflag:s21] =	ssyncadd.s32 $0xFFFFC000  }
0x66: {  	_ =	swait.ge [sflag:s22], $0x80  }
0x67: {  	s30 =	sadd.s32 $0xFFFFFF80, s31;
	[sflag:s22] =	ssyncset.done $0x0  }
0x68: {  	s1 =	sand.u32 $0x7C00, s30;
	s30 =	sand.u32 $0x300, s30;
	[sflag:s22] =	ssyncadd.s32 $0xFFFFFF80  }
0x69: {  	[spmem:s4] =	stream.indirect.scatter.add.f32 [tilespmem:s17], [sflag:$0x5], $0x80, s18, s19, $0xb8;
	[tilespmem:$0x1E500] =	vst v63  }
0x6a: {  	s1 =	sadd.s32 s3, s1;
	_ =	swait.ge [sflag:s13], $0x4000  }
0x6b: {  	s1 =	sor.u32 s30, s1;
	[sflag:s13] =	ssyncset.done $0x0  }
0x6c: {  	s1 =	sshrl.u32 s1, $0x3;
	[sflag:s13] =	ssyncadd.s32 $0xFFFFC000  }
0x6d: {  	s1 =	sadd.s32 s6, s1  }
0x6e: {  	[tilespmem:s18], [sflag:$0x3] =	stream.linear.gather [hbm4b:s1+s5], $0x80, $0x38;
	[tilespmem:$0x1E500] =	vst v63  }
0x6f: {  	_ = 	snop  }
0x70: {  	[tilespmem:s17], [sflag:$0x1] =	stream.indirect.gather [hbm4b:s2+s19], $0x80, s29, s19, $0xb8;
	[tilespmem:$0x1E500] =	vst v63  }
0x71: {  	_ =	swait.ge [sflag:s23], $0x4000  }
0x72: {  	[sflag:s23] =	ssyncset.done $0x0  }
0x73: {  	[sflag:s23] =	ssyncadd.s32 $0xFFFFC000  }
0x74: {  	_ =	swait.ge [sflag:s24], $0x80  }
0x75: {  	s1 =	sand.u32 $0x7C00, s31;
	[sflag:s24] =	ssyncset.done $0x0  }
0x76: {  	s30 =	sand.u32 $0x380, s31;
	s1 =	sadd.s32 s3, s1;
	[sflag:s24] =	ssyncadd.s32 $0xFFFFFF80  }
0x77: {  	[spmem:s4] =	stream.indirect.scatter.add.f32 [tilespmem:s20], [sflag:$0x5], $0x80, s14, s19, $0xb8;
	[tilespmem:$0x1E500] =	vst v63  }
.Ltmp0:
0x78: {  	_ = 	snop;
	(pc) =	sbr.rel @p1 .LBB2_2-.Ltmp0, $4  }
0x79: {  	s1 =	sor.u32 s30, s1;
	_ =	swait.ge [sflag:s13], $0x4000  }
0x7a: {  	s1 =	sshrl.u32 s1, $0x3;
	[sflag:s13] =	ssyncset.done $0x0  }
0x7b: {  	s29 =	sadd.s32 $0x100, s29;
	s1 =	sadd.s32 s6, s1;
	[sflag:s13] =	ssyncadd.s32 $0xFFFFC000  }
0x7c: {  	[tilespmem:s14], [sflag:$0x4] =	stream.linear.gather [hbm4b:s1+s5], $0x80, $0x38;
	[tilespmem:$0x1E500] =	vst v63  }
0x7d: {  	[tilespmem:s20], [sflag:$0x2] =	stream.indirect.gather [hbm4b:s2+s19], $0x80, s28, s19, $0xb8;
	[tilespmem:$0x1E500] =	vst v63  }
0x7e: {  	_ =	swait.ge [sflag:s21], $0x4000  }
0x7f: {  	[sflag:s21] =	ssyncset.done $0x0  }
0x80: {  	[sflag:s21] =	ssyncadd.s32 $0xFFFFC000  }
0x81: {  	_ =	swait.ge [sflag:s22], $0x80  }
0x82: {  	[sflag:s22] =	ssyncset.done $0x0  }
0x83: {  	[sflag:s22] =	ssyncadd.s32 $0xFFFFFF80  }
0x84: {  	[spmem:s4] =	stream.indirect.scatter.add.f32 [tilespmem:s17], [sflag:$0x5], $0x80, s18, s19, $0xb8;
	[tilespmem:$0x1E500] =	vst v63  }
0x85: {  	_ =	swait.ge [sflag:s13], $0x4000  }
0x86: {  	[sflag:s13] =	ssyncset.done $0x0  }
0x87: {  	[sflag:s13] =	ssyncadd.s32 $0xFFFFC000  }
0x88: {  	_ =	swait.ge [sflag:s23], $0x4000  }
0x89: {  	[sflag:s23] =	ssyncset.done $0x0  }
0x8a: {  	[sflag:s23] =	ssyncadd.s32 $0xFFFFC000  }
0x8b: {  	_ =	swait.ge [sflag:s24], $0x80  }
0x8c: {  	[sflag:s24] =	ssyncset.done $0x0  }
0x8d: {  	[sflag:s24] =	ssyncadd.s32 $0xFFFFFF80  }
0x8e: {  	[spmem:s4] =	stream.indirect.scatter.add.f32 [tilespmem:s20], [sflag:$0x5], $0x80, s14, s19, $0xb8;
	[tilespmem:$0x1E500] =	vst v63  }
0x8f: {  	_ =	swait.ge [sflag:s13], $0x4000  }
0x90: {  	[sflag:s13] =	ssyncset.done $0x0  }
0x91: {  	[sflag:s13] =	ssyncadd.s32 $0xFFFFC000  }
0x92: {  	[bflag:$0x0] =	sbarrier.arrive $0xFFFF  }
0x93: {  	s1 =	simm.s32 @p0 $0x16500;
	s26 =	rddreg [dreg:$0x18]  }
0x94: {  	[tilespmem:s1], [sflag:$0x5] =	stream.linear.gather @p0 [spmem:s26], $0x4000, $0x38;
	[tilespmem:$0x1E500] =	vst v63  }
0x95: {  	s26 =	simm.s32 @p0 $0x5  }
0x96: {  	_ =	swait.ge @p0 [sflag:s26], $0x4000  }
0x97: {  	[sflag:s26] =	ssyncset.done @p0 $0x0  }
0x98: {  	s28 =	simm.s32 @p0 $0x0;
	s29 =	rddreg [dreg:$0xe];
	[sflag:s26] =	ssyncadd.s32 @p0 $0xFFFFC000  }
0x99: {  	[hbm4b:s29+s28] =	stream.linear.scatter @p0 [tilespmem:s1], [sflag:$0x1], $0x4000, $0x38;
	[tilespmem:$0x1E500] =	vst v63  }
0x9a: {  	s30 =	rddreg [dreg:$0x19];
	s29 =	simm.s32 @p0 $0x1A500  }
0x9b: {  	[tilespmem:s29], [sflag:$0x5] =	stream.linear.gather @p0 [spmem:s30], $0x4000, $0x38;
	[tilespmem:$0x1E500] =	vst v63  }
0x9c: {  	_ =	swait.ge @p0 [sflag:s26], $0x4000  }
0x9d: {  	[sflag:s26] =	ssyncset.done @p0 $0x0  }
0x9e: {  	s30 =	rddreg [dreg:$0xf];
	[sflag:s26] =	ssyncadd.s32 @p0 $0xFFFFC000  }
0x9f: {  	[hbm4b:s30+s28] =	stream.linear.scatter @p0 [tilespmem:s29], [sflag:$0x2], $0x4000, $0x38;
	[tilespmem:$0x1E500] =	vst v63  }
0xa0: {  	s30 =	simm.s32 @p0 $0x1  }
0xa1: {  	_ =	swait.ge @p0 [sflag:s30], $0x4000  }
0xa2: {  	[sflag:s30] =	ssyncset.done @p0 $0x0  }
0xa3: {  	[sflag:s30] =	ssyncadd.s32 @p0 $0xFFFFC000  }
0xa4: {  	[tilespmem:s1], [sflag:$0x5] =	stream.linear.gather @p0 [spmem:s7], $0x4000, $0x38;
	[tilespmem:$0x1E500] =	vst v63  }
0xa5: {  	_ =	swait.ge @p0 [sflag:s26], $0x4000  }
0xa6: {  	[sflag:s26] =	ssyncset.done @p0 $0x0  }
0xa7: {  	s31 =	rddreg [dreg:$0x10];
	[sflag:s26] =	ssyncadd.s32 @p0 $0xFFFFC000  }
0xa8: {  	[hbm4b:s31+s28] =	stream.linear.scatter @p0 [tilespmem:s1], [sflag:$0x1], $0x4000, $0x38;
	[tilespmem:$0x1E500] =	vst v63  }
0xa9: {  	s31 =	simm.s32 @p0 $0x2  }
0xaa: {  	_ =	swait.ge @p0 [sflag:s31], $0x4000  }
0xab: {  	[sflag:s31] =	ssyncset.done @p0 $0x0  }
0xac: {  	[sflag:s31] =	ssyncadd.s32 @p0 $0xFFFFC000  }
0xad: {  	[tilespmem:s29], [sflag:$0x5] =	stream.linear.gather @p0 [spmem:s9], $0x4000, $0x38;
	[tilespmem:$0x1E500] =	vst v63  }
0xae: {  	_ =	swait.ge @p0 [sflag:s26], $0x4000  }
0xaf: {  	[sflag:s26] =	ssyncset.done @p0 $0x0  }
0xb0: {  	s31 =	rddreg [dreg:$0x11];
	[sflag:s26] =	ssyncadd.s32 @p0 $0xFFFFC000  }
0xb1: {  	[hbm4b:s31+s28] =	stream.linear.scatter @p0 [tilespmem:s29], [sflag:$0x2], $0x4000, $0x38;
	[tilespmem:$0x1E500] =	vst v63  }
0xb2: {  	_ =	swait.ge @p0 [sflag:s30], $0x4000  }
0xb3: {  	[sflag:s30] =	ssyncset.done @p0 $0x0  }
0xb4: {  	[sflag:s30] =	ssyncadd.s32 @p0 $0xFFFFC000  }
0xb5: {  	[tilespmem:s1], [sflag:$0x5] =	stream.linear.gather @p0 [spmem:s11], $0x4000, $0x38;
	[tilespmem:$0x1E500] =	vst v63  }
0xb6: {  	_ =	swait.ge @p0 [sflag:s26], $0x4000  }
0xb7: {  	[sflag:s26] =	ssyncset.done @p0 $0x0  }
0xb8: {  	[sflag:s26] =	ssyncadd.s32 @p0 $0xFFFFC000;
	s26 =	rddreg [dreg:$0x12]  }
0xb9: {  	[hbm4b:s26+s28] =	stream.linear.scatter @p0 [tilespmem:s1], [sflag:$0x1], $0x4000, $0x38;
	[tilespmem:$0x1E500] =	vst v63  }
0xba: {  	_ =	swait.ge @p0 [sflag:s30], $0x4000  }
0xbb: {  	[sflag:s30] =	ssyncset.done @p0 $0x0  }
0xbc: {  	s1 =	simm.s32 @!p0 $0x16500;
	s26 =	simm.s32 @!p0 $0x5;
	[sflag:s30] =	ssyncadd.s32 @p0 $0xFFFFC000  }
0xbd: {  	[tilespmem:s1], [sflag:$0x5] =	stream.linear.gather @!p0 [spmem:s15], $0x4000, $0x38;
	[tilespmem:$0x1E500] =	vst v63  }
0xbe: {  	_ =	swait.ge @!p0 [sflag:s26], $0x4000  }
0xbf: {  	[sflag:s26] =	ssyncset.done @!p0 $0x0  }
0xc0: {  	s28 =	simm.s32 @!p0 $0x0;
	[sflag:s26] =	ssyncadd.s32 @!p0 $0xFFFFC000  }
0xc1: {  	[hbm4b:s16+s28] =	stream.linear.scatter @!p0 [tilespmem:s1], [sflag:$0x1], $0x4000, $0x38;
	[tilespmem:$0x1E500] =	vst v63  }
0xc2: {  	s29 =	simm.s32 @!p0 $0x1A500;
	s30 =	rddreg [dreg:$0xb]  }
0xc3: {  	[tilespmem:s29], [sflag:$0x5] =	stream.linear.gather @!p0 [spmem:s30], $0x4000, $0x38;
	[tilespmem:$0x1E500] =	vst v63  }
0xc4: {  	_ =	swait.ge @!p0 [sflag:s26], $0x4000  }
0xc5: {  	[sflag:s26] =	ssyncset.done @!p0 $0x0  }
0xc6: {  	s30 =	simm.s32 @!p0 $0x1;
	[sflag:s26] =	ssyncadd.s32 @!p0 $0xFFFFC000  }
0xc7: {  	[hbm4b:s0+s28] =	stream.linear.scatter @!p0 [tilespmem:s29], [sflag:$0x2], $0x4000, $0x38;
	[tilespmem:$0x1E500] =	vst v63  }
0xc8: {  	_ =	swait.ge @!p0 [sflag:s30], $0x4000  }
0xc9: {  	[sflag:s30] =	ssyncset.done @!p0 $0x0  }
0xca: {  	s31 =	rddreg [dreg:$0xc];
	[sflag:s30] =	ssyncadd.s32 @!p0 $0xFFFFC000  }
0xcb: {  	[tilespmem:s1], [sflag:$0x5] =	stream.linear.gather @!p0 [spmem:s31], $0x4000, $0x38;
	[tilespmem:$0x1E500] =	vst v63  }
0xcc: {  	_ =	swait.ge @!p0 [sflag:s26], $0x4000  }
0xcd: {  	[sflag:s26] =	ssyncset.done @!p0 $0x0  }
0xce: {  	s31 =	rddreg [dreg:$0xd];
	[sflag:s26] =	ssyncadd.s32 @!p0 $0xFFFFC000  }
0xcf: {  	[hbm4b:s31+s28] =	stream.linear.scatter @!p0 [tilespmem:s1], [sflag:$0x1], $0x4000, $0x38;
	[tilespmem:$0x1E500] =	vst v63  }
0xd0: {  	s31 =	simm.s32 @!p0 $0x2  }
0xd1: {  	_ =	swait.ge @!p0 [sflag:s31], $0x4000  }
0xd2: {  	[sflag:s31] =	ssyncset.done @!p0 $0x0  }
0xd3: {  	[sflag:s31] =	ssyncadd.s32 @!p0 $0xFFFFC000;
	s31 =	rddreg [dreg:$0x14]  }
0xd4: {  	[tilespmem:s29], [sflag:$0x5] =	stream.linear.gather @!p0 [spmem:s31], $0x4000, $0x38;
	[tilespmem:$0x1E500] =	vst v63  }
0xd5: {  	_ =	swait.ge @!p0 [sflag:s26], $0x4000  }
0xd6: {  	[sflag:s26] =	ssyncset.done @!p0 $0x0  }
0xd7: {  	s31 =	rddreg [dreg:$0x15];
	[sflag:s26] =	ssyncadd.s32 @!p0 $0xFFFFC000  }
0xd8: {  	[hbm4b:s31+s28] =	stream.linear.scatter @!p0 [tilespmem:s29], [sflag:$0x2], $0x4000, $0x38;
	[tilespmem:$0x1E500] =	vst v63  }
0xd9: {  	_ =	swait.ge @!p0 [sflag:s30], $0x4000  }
0xda: {  	[sflag:s30] =	ssyncset.done @!p0 $0x0  }
0xdb: {  	s29 =	rddreg [dreg:$0x16];
	[sflag:s30] =	ssyncadd.s32 @!p0 $0xFFFFC000  }
0xdc: {  	[tilespmem:s1], [sflag:$0x5] =	stream.linear.gather @!p0 [spmem:s29], $0x3800, $0x38;
	[tilespmem:$0x1E500] =	vst v63  }
0xdd: {  	_ =	swait.ge @!p0 [sflag:s26], $0x3800  }
0xde: {  	[sflag:s26] =	ssyncset.done @!p0 $0x0  }
0xdf: {  	[sflag:s26] =	ssyncadd.s32 @!p0 $0xFFFFC800  }
0xe0: {  	[hbm4b:s10+s28] =	stream.linear.scatter @!p0 [tilespmem:s1], [sflag:$0x1], $0x3800, $0x38;
	[tilespmem:$0x1E500] =	vst v63  }
0xe1: {  	_ =	swait.ge @!p0 [sflag:s30], $0x3800  }
0xe2: {  	[sflag:s30] =	ssyncset.done @!p0 $0x0  }
0xe3: {  	[sflag:s30] =	ssyncadd.s32 @!p0 $0xFFFFC800  }
0xe4: {  	_ =	swait.ge [sflag:s23], $0x4000  }
0xe5: {  	s25 =	sadd.s32 $0x1, s25;
	s31 =	rddreg [dreg:$0x13]  }
0xe6: {  	p1 =	sne.s32 s25, s31  }
.Ltmp1:
0xe7: {  	_ = 	snop;
	(pc) =	sbr.rel @p1 .LBB2_1-.Ltmp1, $3  }
0xe8: {  	_ =	sdelay $0x1  }
0xe9: {  	[sflag:s23] =	ssyncset.done $0x0  }
0xea: {  	[sflag:s23] =	ssyncadd.s32 $0xFFFFC000  }
0xeb: {  	_ =	sfence.sel $0x180000  }
0xec: {  	[bflag:$0x0] =	sbarrier.arrive $0xFFFF  }
0xed: {  	_ =	strace $0x9000004A  }
0xee: {  	s0 =	stileid.u32;
	[bflag:$0x2] =	sbarrier.arrive $0xFFFF  }
0xef: {  	p0 =	sne.s32 s0, $0x0;
	s0 =	rddreg [dreg:$0x3]  }
0xf0: {  	s0 =	sadd.s32 @!p0 $0x100000, s0  }
0xf1: {  	[sflag:s0] =	ssyncadd.tile.s32 @!p0 $0x1;
	_ =	shalt  }
.Lfunc_end2:
_tile_overlayer_lowered:
.L_overlay_start_2:
0xf2: {  	(tag) =	ssettag $0x2  }
0xf3: {  	s0 =	rddreg [dreg:$0x0];
	s2 =	stileid.u32  }
0xf4: {  	s1 =	rddreg [dreg:$0x1];
	p0 =	sne.s32 s2, $0x0  }
0xf5: {  	s3 =	rddreg [dreg:$0x2];
	[bflag:$0x3] =	sbarrier.arrive $0xFFFF;
	s2 =	simm.s32 @!p0 $0x1C05  }
0xf6: {  	[timem:s3], [sflag:s2] =	dma.local @!p0 [hbm:s0], s1  }
0xf7: {  	s0 =	simm.s32 @!p0 $0x5  }
0xf8: {  	_ =	swait.ge @!p0 [sflag:s0], s1  }
0xf9: {  	s1 =	ssub.s32 @!p0 $0x0, s1;
	[sflag:s0] =	ssyncset.done @!p0 $0x0  }
0xfa: {  	[sflag:s0] =	ssyncadd.s32 @!p0 s1  }
0xfb: {  	[bflag:$0x3] =	sbarrier.arrive $0xFFFF  }
0xfc: {  	_ =	shalt  }

// kernel: kernel.16.cloned.1.call-start
scs
__scs_entry_jumppad:
0x0: {  	(pc) =	sbr.rel $0x88, $3  }
0x1: {  	(tag) =	ssettag $0x0;
	lr =	simm.s32 $0x1  }
0x2: {  	[smem:$0x3F99] =	sst lr;
	_ =	strace $0xD0000000  }
0x3: {  	_ = 	snop  }
0x4: {  	_ = 	snop  }
0x5: {  	_ = 	snop  }
0x6: {  	_ = 	snop  }
0x7: {  	_ = 	snop  }
__scs_overlays_trampoline_lowered:
0x8: {  	[smem:$0x3FA8] =	sst s0  }
0x9: {  	[smem:$0x3FA9] =	sst s1  }
0xa: {  	[smem:$0x3FAA] =	sst s2  }
0xb: {  	[smem:$0x3FAB] =	sst s3  }
0xc: {  	[smem:$0x3FAC] =	sst s4  }
0xd: {  	[smem:$0x3FAD] =	sst s5  }
0xe: {  	[smem:$0x3FAE] =	sst s6  }
0xf: {  	[smem:$0x3FAF] =	sst s7  }
0x10: {  	[smem:$0x3FB0] =	sst s8  }
0x11: {  	[smem:$0x3FB1] =	sst s9;
	s0 =	simm.s32 @!p0 $0x0  }
0x12: {  	s1 =	sld [smem:$0x3F97];
	s0 =	simm.s32 @p0 $0x1  }
0x13: {  	[smem:$0x3FB2] =	sst s0;
	s0 =	simm.s32 @!p1 $0x0  }
0x14: {  	s2 =	sld [smem:$0x3F96];
	s0 =	simm.s32 @p1 $0x1  }
0x15: {  	[smem:$0x3FB3] =	sst s0;
	s0 =	simm.s32 @!p2 $0x0  }
0x16: {  	s3 =	sld [smem:$0x3FDB];
	s0 =	simm.s32 @p2 $0x1  }
0x17: {  	s4 =	simm.s32 $0x1BF5;
	[smem:$0x3FB5] =	sst s0  }
0x18: {  	s0 =	sld [smem:$0x3F98];
	_ =	swait.ge [sflag:s4], $0x0  }
0x19: {  	s7 =	sld [smem:$0x3F99]  }
0x1a: {  	s8 =	sadd.s32 $0xFFFFE003, lr  }
0x1b: {  	s9 =	sadd.s32 $0xFFFFFEF7, lr;
	s5 =	simm.s32 $0xFFFFFFFF;
	p2 =	slt.u32 s8, $0xFFFFF086  }
0x1c: {  	p1 =	slt.u32 s9, $0xF7A;
	s5 =	simm.s32 @!p2 $0x0  }
0x1d: {  	s5 =	simm.s32 @p1 $0x1;
	p0 =	seq.s32 s7, s2  }
0x1e: {  	s7 =	smul.u32 @!p0 $0xF7A, s2;
	p2 =	seq.s32 @!p0 s5, $0x0  }
0x1f: {  	s9 =	smul.u32 $0xF7A, s1;
	s8 =	simm.s32 @!p0 $0x1BF5;
	p2 =	por !p2, p0  }
0x20: {  	[sflag:s8] =	ssyncset.s32 @!p0 $0xFFFFF086;
	s6 =	sadd.s32 @!p0 s3, s7;
	s7 =	simm.s32 @!p0 $0x108  }
0x21: {  	s3 =	sadd.s32 s3, s9;
	s6 =	sadd.s32 @!p0 $0x88, s6;
	s7 =	simm.s32 @p2 $0x1082  }
0x22: {  	[simem:s7], [sflag:s8] =	dma.local @!p0 [hbm:s6], $0xF7A  }
0x23: {  	s9 =	sor.u32 $0xD0000000, s2;
	s6 =	simm.s32 $0x108;
	_ =	swait.ge @!p0 [sflag:s8], $0x0  }
0x24: {  	s3 =	sadd.s32 $0x88, s3;
	s6 =	simm.s32 @!p1 $0x1082;
	[sflag:s4] =	ssyncset.s32 $0xFFFFF086  }
0x25: {  	[simem:s6], [sflag:s4] =	dma.local [hbm:s3], $0xF7A  }
0x26: {  	[smem:$0x3F99] =	sst s1;
	(tag) =	ssettag s2;
	_ =	strace s9  }
0x27: {  	s1 =	sld [smem:$0x3FA9]  }
0x28: {  	s2 =	sld [smem:$0x3FAA]  }
0x29: {  	s4 =	sld [smem:$0x3FAC]  }
0x2a: {  	p0 =	seq.s32 s5, $0x0;
	s5 =	sld [smem:$0x3FAD]  }
0x2b: {  	s6 =	sld [smem:$0x3FAE]  }
0x2c: {  	s7 =	sld [smem:$0x3FAF]  }
0x2d: {  	s3 =	simm.s32 $0x108;
	s8 =	sld [smem:$0x3FB0]  }
0x2e: {  	s3 =	simm.s32 @!p0 $0x1082;
	s9 =	sld [smem:$0x3FB1]  }
0x2f: {  	lr =	sadd.s32 s0, s3;
	s0 =	sld [smem:$0x3FA8]  }
0x30: {  	s3 =	sld [smem:$0x3FAB]  }
0x31: {  	[smem:$0x3FB4] =	sst s10  }
0x32: {  	s10 =	sld [smem:$0x3FB2];
	_ =	sdelay $0x3  }
0x33: {  	p0 =	seq.s32 s10, $0x1;
	s10 =	sld [smem:$0x3FB4];
	_ =	sdelay $0x3  }
0x34: {  	[smem:$0x3FB4] =	sst s10  }
0x35: {  	s10 =	sld [smem:$0x3FB3];
	_ =	sdelay $0x3  }
0x36: {  	p1 =	seq.s32 s10, $0x1;
	s10 =	sld [smem:$0x3FB4];
	_ =	sdelay $0x3  }
0x37: {  	[smem:$0x3FB4] =	sst s10  }
0x38: {  	s10 =	sld [smem:$0x3FB5]  }
0x39: {  	_ = 	snop;
	(pc) =	sbr.ind lr, $3  }
0x3a: {  	_ = 	snop  }
0x3b: {  	_ = 	snop  }
0x3c: {  	p2 =	seq.s32 s10, $0x1;
	s10 =	sld [smem:$0x3FB4]  }
0x3d: {  	_ =	shalt  }
0x3e: {  	_ =	shalt  }
0x3f: {  	_ =	shalt  }
0x40: {  	_ =	shalt  }
0x41: {  	_ =	shalt  }
0x42: {  	_ =	shalt  }
0x43: {  	_ =	shalt  }
0x44: {  	_ =	shalt  }
0x45: {  	_ =	shalt  }
0x46: {  	_ =	shalt  }
0x47: {  	_ =	shalt  }
0x48: {  	_ =	shalt  }
0x49: {  	_ =	shalt  }
0x4a: {  	_ =	shalt  }
0x4b: {  	_ =	shalt  }
0x4c: {  	_ =	shalt  }
0x4d: {  	_ =	shalt  }
0x4e: {  	_ =	shalt  }
0x4f: {  	_ =	shalt  }
0x50: {  	_ =	shalt  }
0x51: {  	_ =	shalt  }
0x52: {  	_ =	shalt  }
0x53: {  	_ =	shalt  }
0x54: {  	_ =	shalt  }
0x55: {  	_ =	shalt  }
0x56: {  	_ =	shalt  }
0x57: {  	_ =	shalt  }
0x58: {  	_ =	shalt  }
0x59: {  	_ =	shalt  }
0x5a: {  	_ =	shalt  }
0x5b: {  	_ =	shalt  }
0x5c: {  	_ =	shalt  }
0x5d: {  	_ =	shalt  }
0x5e: {  	_ =	shalt  }
0x5f: {  	_ =	shalt  }
0x60: {  	_ =	shalt  }
0x61: {  	_ =	shalt  }
0x62: {  	_ =	shalt  }
0x63: {  	_ =	shalt  }
0x64: {  	_ =	shalt  }
0x65: {  	_ =	shalt  }
0x66: {  	_ =	shalt  }
0x67: {  	_ =	shalt  }
0x68: {  	_ =	shalt  }
0x69: {  	_ =	shalt  }
0x6a: {  	_ =	shalt  }
0x6b: {  	_ =	shalt  }
0x6c: {  	_ =	shalt  }
0x6d: {  	_ =	shalt  }
0x6e: {  	_ =	shalt  }
0x6f: {  	_ =	shalt  }
0x70: {  	_ =	shalt  }
0x71: {  	_ =	shalt  }
0x72: {  	_ =	shalt  }
0x73: {  	_ =	shalt  }
0x74: {  	_ =	shalt  }
0x75: {  	_ =	shalt  }
0x76: {  	_ =	shalt  }
0x77: {  	_ =	shalt  }
0x78: {  	_ =	shalt  }
0x79: {  	_ =	shalt  }
0x7a: {  	_ =	shalt  }
0x7b: {  	_ =	shalt  }
0x7c: {  	_ =	shalt  }
0x7d: {  	_ =	shalt  }
0x7e: {  	_ =	shalt  }
0x7f: {  	_ =	shalt  }
0x80: {  	_ =	shalt  }
0x81: {  	_ =	shalt  }
0x82: {  	_ =	shalt  }
0x83: {  	_ =	shalt  }
0x84: {  	_ =	shalt  }
0x85: {  	_ =	shalt  }
0x86: {  	_ =	shalt  }
0x87: {  	_ =	shalt  }
.Lfunc_end0:
.L_simem_size_0:
called_computation.2_lowered:
.L_overlay_start_0:
0x88: {  	s2 =	sld [smem:$0x3FD9]  }
0x89: {  	s3 =	sld [smem:$0x3FFE];
	_ =	sdelay $0x1  }
0x8a: {  	s1 =	srdreg.scid  }
0x8b: {  	s0 =	sand.u32 $0x1, s1  }
0x8c: {  	s17 =	sshll.u32 s0, $0xA;
	s2 =	sadd.s32 s3, s2  }
0x8d: {  	s2 =	sadd.s32 s2, s17  }
0x8e: {  	[smem:$0x3FC0] =	sst s2  }
0x8f: {  	_ = 	snop  }
0x90: {  	s2 =	sld [smem:$0x3FD0];
	(tm) =	ssettm $0x1  }
0x91: {  	s18 =	sld [smem:$0x3FFB];
	_ =	sdelay $0x3  }
0x92: {  	_ =	strace s18  }
0x93: {  	s3 =	sld [smem:$0x3FFC];
	_ =	sdelay $0x3  }
0x94: {  	_ =	strace s3  }
0x95: {  	s3 =	sld [smem:$0x3FFD];
	_ =	sdelay $0x3  }
0x96: {  	_ =	strace s3  }
0x97: {  	_ =	strace $0x8FFFFFFF  }
0x98: {  	s19 =	sld [smem:$0x3FDB];
	_ =	sdelay $0x1  }
0x99: {  	s4 =	simm.s32 $_scs_section_size  }
0x9a: {  	s5 =	simm.s32 $_size__tile_overlayer_lowered;
	s6 =	simm.s32 $_tile_overlayer_lowered  }
0x9b: {  	s22 =	simm.s32 $0x1BFF;
	s21 =	sshll.u32 s6, $0x1;
	s3 =	sadd.s32 s4, s19  }
0x9c: {  	s7 =	simm.s32 $0x0;
	s20 =	sshll.u32 s5, $0x1;
	s5 =	sadd.s32 s21, s3  }
0x9d: {  	[timem:s7], [sflag:s22] =	dma.local [hbm:s5], s20  }
0x9e: {  	_ =	swait.ge [sflag:s22], s20  }
0x9f: {  	s4 =	ssub.s32 $0x0, s20;
	[sflag:s22] =	ssyncset.done $0x0  }
0xa0: {  	[sflag:s22] =	ssyncadd.s32 s4;
	_ =	sdelay $0x1  }
0xa1: {  	s23 =	simm.s32 $0x1B8B  }
0xa2: {  	_ =	swait.ge [sflag:s23], $0x1  }
0xa3: {  	[sflag:s23] =	ssyncset.done $0x0  }
0xa4: {  	s25 =	simm.s32 $0x1B8E;
	s24 =	sld [smem:$0x3FFE];
	[sflag:s23] =	ssyncadd.s32 $0xFFFFFFFF  }
0xa5: {  	s26 =	simm.s32 $execute0_lowered;
	[smem:$0x3FD2] =	sst s25  }
0xa6: {  	s5 =	sshll.u32 s26, $0x1;
	_ =	strace $0x8000004C;
	[dreg:$0x1] =	wrdreg $0xFFFFFFFF  }
0xa7: {  	s28 =	simm.s32 $_size_execute0_lowered;
	s3 =	sadd.s32 s3, s5;
	[dreg:$0x0] =	wrdreg $0x0  }
0xa8: {  	s5 =	sshll.u32 s28, $0x1;
	[dreg:$0x2] =	wrdreg s3  }
0xa9: {  	[dreg:$0x3] =	wrdreg s5  }
0xaa: {  	[dreg:$0x4] =	wrdreg $0xC0  }
0xab: {  	_ =	task [dreg:s7], $0x5FFFF  }
0xac: {  	[dreg:$0x1] =	wrdreg $0xFFFFFFFF  }
0xad: {  	[dreg:$0x0] =	wrdreg $0x60  }
0xae: {  	[dreg:$0x2] =	wrdreg s2  }
0xaf: {  	[dreg:$0x3] =	wrdreg s24  }
0xb0: {  	[dreg:$0x4] =	wrdreg $0x0  }
0xb1: {  	[dreg:$0x5] =	wrdreg $0x9  }
0xb2: {  	_ =	task.clear_ibuf [dreg:s7], $0x6FFFF;
	_ =	strace $0x9000004C  }
0xb3: {  	s29 =	simm.s32 $0x9;
	_ =	strace $0x8000004E  }
0xb4: {  	_ =	swait.ge [sflag:s29], $0x1  }
0xb5: {  	[sflag:s29] =	ssyncadd.s32 $0xFFFFFFFF  }
0xb6: {  	_ =	strace $0x9000004E  }
0xb7: {  	_ =	sfence  }
0xb8: {  	s30 =	sld [smem:$0x0];
	_ =	sdelay $0x2  }
0xb9: {  	s31 =	sshll.u32 s1, $0xD;
	s1 =	sshrl.u32 s1, $0x2  }
0xba: {  	s3 =	sand.u32 $0x4000, s31;
	s1 =	sadd.s32 s1, s30  }
0xbb: {  	s0 =	sor.u32 s3, s0;
	s1 =	sshll.u32 s1, $0x11  }
0xbc: {  	s0 =	sor.u32 s1, s0  }
0xbd: {  	s0 =	sadd.s32 $0x8F2B, s0  }
0xbe: {  	[sflag:s0] =	ssyncadd.remote.s32 $0x1  }
0xbf: {  	_ =	sfence.sel $0xFFFF  }
0xc0: {  	[dreg:$0x0] =	wrdreg $0xFFFFFFFF;
	(pc) =	sbr.abs _section_cstart, $3  }
0xc1: {  	[dreg:$0x1] =	wrdreg $0xFFFFFFFF  }
0xc2: {  	_ =	task.clear_ibuf [dreg:s7], $0x2FFFF;
	_ =	strace $0x9FFFFFFF  }
0xc3: {  	(tm) =	ssettm $0x7FFFFFFF  }
tec
execute0_lowered:
.L_overlay_start_1:
0x0: {  	(tag) =	ssettag $0x1  }
0x1: {  	s0 =	srdreg.scid;
	s13 =	stileid.u32  }
0x2: {  	s2 =	rddreg [dreg:$0x0];
	s3 =	smul.u32 $0x2800, s13  }
0x3: {  	s1 =	rddreg [dreg:$0x1];
	s8 =	smul.u32 $0x4F000, s13  }
0x4: {  	s4 =	rddreg [dreg:$0x2];
	s5 =	simm.s32 $0x0;
	s29 =	smul.u32 $0x270, s13  }
0x5: {  	s0 =	sand.u32 $0x1, s0;
	[smem:$0x7FF] =	sst s5;
	s31 =	smul.u32 $0x4E000, s13  }
0x6: {  	s9 =	sadd.s32 $0x7000, s1;
	s6 =	smul.u32 $0x28000, s0;
	_ =	strace $0x8000004D  }
0x7: {  	[dreg:$0x4] =	wrdreg s9;
	s28 =	ssub.s32 $0x2, s0;
	s14 =	smul.u32 $0x2710, s0  }
0x8: {  	s0 =	smul.u32 $0x138800, s0;
	s10 =	sshrl.u32 s28, $0x1;
	s8 =	sshrl.u32 s8, $0x2  }
0x9: {  	s15 =	sshrl.u32 s3, $0x3;
	s6 =	sadd.s32 s3, s6;
	s8 =	sadd.s32 s8, s4  }
0xa: {  	s9 =	ssub.s32 s28, s10;
	s10 =	sadd.s32 s29, s14;
	s30 =	sadd.s32 $0x4000, s8  }
0xb: {  	s0 =	sshrl.u32 s0, $0x3;
	s11 =	sadd.s32 $0x8000, s8;
	[dreg:$0x6] =	wrdreg s30  }
0xc: {  	s6 =	sshrl.u32 s6, $0x3;
	s12 =	sadd.s32 $0xC000, s8;
	[dreg:$0x7] =	wrdreg s11  }
0xd: {  	s16 =	sshll.u32 s10, $0x4;
	s24 =	smax.u32 s9, $0x1;
	[dreg:$0x8] =	wrdreg s12  }
0xe: {  	s7 =	sadd.s32 s6, s1;
	s12 =	sadd.s32 $0x10000, s8;
	[dreg:$0x13] =	wrdreg s24  }
0xf: {  	s6 =	sadd.s32 $0x2000, s1;
	s30 =	sadd.s32 $0x124800, s4;
	[dreg:$0x9] =	wrdreg s12  }
0x10: {  	s1 =	sadd.s32 $0x11A00, s1;
	s7 =	sadd.s32 $0x7A00, s7;
	[dreg:$0x18] =	wrdreg s30  }
0x11: {  	s12 =	sadd.s32 s6, s15;
	s16 =	sadd.s32 s1, s16;
	[dreg:$0x5] =	wrdreg s7  }
0x12: {  	s0 =	sadd.s32 s1, s0;
	s19 =	sadd.s32 $0x1000, s16;
	[dreg:$0xa] =	wrdreg s12  }
0x13: {  	p0 =	seq.s32 s13, $0xF;
	s20 =	sadd.s32 $0x24900, s0;
	[dreg:$0xd] =	wrdreg s19  }
0x14: {  	s13 =	simm.s32 $0x5;
	s21 =	sadd.s32 $0x25100, s0;
	[dreg:$0xe] =	wrdreg s20  }
0x15: {  	s14 =	simm.s32 $0x16480;
	s22 =	sadd.s32 $0x25900, s0;
	[dreg:$0xf] =	wrdreg s21  }
0x16: {  	s9 =	sadd.s32 $0x130800, s4;
	s23 =	sadd.s32 $0x26100, s0;
	[dreg:$0x10] =	wrdreg s22  }
0x17: {  	s11 =	sadd.s32 $0x134800, s4;
	s0 =	sadd.s32 $0x26900, s0;
	[dreg:$0x11] =	wrdreg s23  }
0x18: {  	s24 =	simm.s32 $0x4;
	s26 =	sadd.s32 $0x1800, s16;
	[dreg:$0x12] =	wrdreg s0  }
0x19: {  	s7 =	sshrl.u32 s31, $0x2;
	s29 =	sadd.s32 $0x10, s12;
	[dreg:$0x15] =	wrdreg s26  }
0x1a: {  	s31 =	sadd.s32 $0x128800, s4;
	s10 =	sadd.s32 $0x2000, s16;
	[dreg:$0x17] =	wrdreg s29  }
0x1b: {  	s12 =	simm.s32 $0x13C00;
	s15 =	sadd.s32 s7, s4;
	[dreg:$0x19] =	wrdreg s31  }
0x1c: {  	s0 =	sadd.s32 $0x800, s16;
	s7 =	sadd.s32 $0x12C800, s4;
	s17 =	sadd.s32 $0x4000, s15  }
0x1d: {  	s19 =	simm.s32 $0x80;
	s18 =	sadd.s32 $0x8000, s15;
	[dreg:$0xb] =	wrdreg s17  }
0x1e: {  	s20 =	simm.s32 $0x1A500;
	s25 =	sadd.s32 $0xC000, s15;
	[dreg:$0xc] =	wrdreg s18  }
0x1f: {  	s21 =	simm.s32 $0x1;
	s28 =	sadd.s32 $0x10000, s15;
	[dreg:$0x14] =	wrdreg s25  }
0x20: {  	s22 =	simm.s32 $0x3;
	s23 =	simm.s32 $0x2;
	[dreg:$0x16] =	wrdreg s28  }
0x21: {  	s17 =	simm.s32 $0x16500;
	s18 =	simm.s32 $0x16400;
	s25 =	simm.s32 $0x0  }
.LBB2_1:
0x22: {  	s1 =	rddreg [dreg:$0x5]  }
0x23: {  	[tilespmem:s12], [sflag:$0x5] =	stream.linear.gather [hbm4b:s1+s5], $0x2800, $0x38;
	[tilespmem:$0x1E500] =	vst v63  }
0x24: {  	_ =	swait.ge [sflag:s13], $0x2800  }
0x25: {  	[sflag:s13] =	ssyncset.done $0x0  }
0x26: {  	s31 =	rddreg [dreg:$0x4];
	[sflag:s13] =	ssyncadd.s32 $0xFFFFD800  }
0x27: {  	[tilespmem:s17], [sflag:$0x5] =	stream.linear.gather [hbm4b:s31+s5], $0x4000, $0x38;
	[tilespmem:$0x1E500] =	vst v63  }
0x28: {  	_ =	swait.ge [sflag:s13], $0x4000  }
0x29: {  	[sflag:s13] =	ssyncset.done $0x0  }
0x2a: {  	[sflag:s13] =	ssyncadd.s32 $0xFFFFC000  }
0x2b: {  	[spmem:s8] =	stream.linear.scatter [tilespmem:s17], [sflag:$0x5], $0x4000, $0x38;
	[tilespmem:$0x1E500] =	vst v63  }
0x2c: {  	_ =	swait.ge [sflag:s13], $0x4000  }
0x2d: {  	[sflag:s13] =	ssyncset.done $0x0  }
0x2e: {  	s26 =	rddreg [dreg:$0x6];
	[sflag:s13] =	ssyncadd.s32 $0xFFFFC000  }
0x2f: {  	[spmem:s26] =	stream.linear.scatter [tilespmem:s17], [sflag:$0x5], $0x4000, $0x38;
	[tilespmem:$0x1E500] =	vst v63  }
0x30: {  	_ =	swait.ge [sflag:s13], $0x4000  }
0x31: {  	[sflag:s13] =	ssyncset.done $0x0  }
0x32: {  	s30 =	rddreg [dreg:$0x7];
	[sflag:s13] =	ssyncadd.s32 $0xFFFFC000  }
0x33: {  	[spmem:s30] =	stream.linear.scatter [tilespmem:s17], [sflag:$0x5], $0x4000, $0x38;
	[tilespmem:$0x1E500] =	vst v63  }
0x34: {  	_ =	swait.ge [sflag:s13], $0x4000  }
0x35: {  	[sflag:s13] =	ssyncset.done $0x0  }
0x36: {  	s31 =	rddreg [dreg:$0x8];
	[sflag:s13] =	ssyncadd.s32 $0xFFFFC000  }
0x37: {  	[spmem:s31] =	stream.linear.scatter [tilespmem:s17], [sflag:$0x5], $0x4000, $0x38;
	[tilespmem:$0x1E500] =	vst v63  }
0x38: {  	_ =	swait.ge [sflag:s13], $0x4000  }
0x39: {  	[sflag:s13] =	ssyncset.done $0x0  }
0x3a: {  	s26 =	rddreg [dreg:$0x9];
	[sflag:s13] =	ssyncadd.s32 $0xFFFFC000  }
0x3b: {  	[spmem:s26] =	stream.linear.scatter [tilespmem:s17], [sflag:$0x5], $0x3C00, $0x38;
	[tilespmem:$0x1E500] =	vst v63  }
0x3c: {  	_ =	swait.ge [sflag:s13], $0x3C00  }
0x3d: {  	[sflag:s13] =	ssyncset.done $0x0  }
0x3e: {  	s30 =	rddreg [dreg:$0xa];
	[sflag:s13] =	ssyncadd.s32 $0xFFFFC400  }
0x3f: {  	[tilespmem:s18], [sflag:$0x3] =	stream.linear.gather [hbm4b:s30+s5], $0x80, $0x38;
	[tilespmem:$0x1E500] =	vst v63  }
0x40: {  	s31 =	rddreg [dreg:$0x17]  }
0x41: {  	[tilespmem:s14], [sflag:$0x4] =	stream.linear.gather [hbm4b:s31+s5], $0x80, $0x38;
	[tilespmem:$0x1E500] =	vst v63  }
0x42: {  	_ = 	snop  }
0x43: {  	[tilespmem:s17], [sflag:$0x1] =	stream.indirect.gather [hbm4b:s2+s19], $0x80, s12, s19, $0xb8;
	[tilespmem:$0x1E500] =	vst v63  }
0x44: {  	s26 =	simm.s32 $0x13C80  }
0x45: {  	[tilespmem:s20], [sflag:$0x2] =	stream.indirect.gather [hbm4b:s2+s19], $0x80, s26, s19, $0xb8;
	[tilespmem:$0x1E500] =	vst v63  }
0x46: {  	[bflag:$0x0] =	sbarrier.arrive $0xFFFF  }
0x47: {  	_ =	swait.ge [sflag:s21], $0x4000  }
0x48: {  	[sflag:s21] =	ssyncset.done $0x0  }
0x49: {  	[sflag:s21] =	ssyncadd.s32 $0xFFFFC000  }
0x4a: {  	s26 =	simm.s32 $0x100;
	_ =	swait.ge [sflag:s22], $0x80  }
0x4b: {  	s28 =	sand.u32 $0x7C00, s26;
	[sflag:s22] =	ssyncset.done $0x0  }
0x4c: {  	s26 =	sand.u32 $0x300, s26;
	s28 =	sadd.s32 s3, s28;
	[sflag:s22] =	ssyncadd.s32 $0xFFFFFF80  }
0x4d: {  	[spmem:s4] =	stream.indirect.scatter.add.f32 [tilespmem:s17], [sflag:$0x5], $0x80, s18, s19, $0xb8;
	[tilespmem:$0x1E500] =	vst v63  }
0x4e: {  	s26 =	sor.u32 s26, s28;
	_ =	swait.ge [sflag:s13], $0x4000  }
0x4f: {  	s26 =	sshrl.u32 s26, $0x3;
	[sflag:s13] =	ssyncset.done $0x0  }
0x50: {  	s26 =	sadd.s32 s6, s26;
	[sflag:s13] =	ssyncadd.s32 $0xFFFFC000  }
0x51: {  	[tilespmem:s18], [sflag:$0x3] =	stream.linear.gather [hbm4b:s26+s5], $0x80, $0x38;
	[tilespmem:$0x1E500] =	vst v63  }
0x52: {  	s30 =	simm.s32 $0x13D00  }
0x53: {  	[tilespmem:s17], [sflag:$0x1] =	stream.indirect.gather [hbm4b:s2+s19], $0x80, s30, s19, $0xb8;
	[tilespmem:$0x1E500] =	vst v63  }
0x54: {  	_ =	swait.ge [sflag:s23], $0x4000  }
0x55: {  	[sflag:s23] =	ssyncset.done $0x0  }
0x56: {  	[sflag:s23] =	ssyncadd.s32 $0xFFFFC000  }
0x57: {  	s31 =	simm.s32 $0x180;
	_ =	swait.ge [sflag:s24], $0x80  }
0x58: {  	s28 =	sand.u32 $0x7C00, s31;
	[sflag:s24] =	ssyncset.done $0x0  }
0x59: {  	s28 =	sadd.s32 s3, s28;
	s26 =	sand.u32 $0x380, s31;
	[sflag:s24] =	ssyncadd.s32 $0xFFFFFF80  }
0x5a: {  	[spmem:s4] =	stream.indirect.scatter.add.f32 [tilespmem:s20], [sflag:$0x5], $0x80, s14, s19, $0xb8;
	[tilespmem:$0x1E500] =	vst v63  }
0x5b: {  	s26 =	sor.u32 s26, s28;
	_ =	swait.ge [sflag:s13], $0x4000  }
0x5c: {  	s26 =	sshrl.u32 s26, $0x3;
	[sflag:s13] =	ssyncset.done $0x0  }
0x5d: {  	s26 =	sadd.s32 s6, s26;
	[sflag:s13] =	ssyncadd.s32 $0xFFFFC000  }
0x5e: {  	[tilespmem:s14], [sflag:$0x4] =	stream.linear.gather [hbm4b:s26+s5], $0x80, $0x38;
	[tilespmem:$0x1E500] =	vst v63  }
0x5f: {  	s29 =	simm.s32 $0x13E00;
	s28 =	simm.s32 $0x13D80;
	s26 =	simm.s32 $0x280  }
.LBB2_2:
0x60: {  	s30 =	sadd.s32 $0x80, s29  }
0x61: {  	p1 =	sne.s32 s26, $0x2780;
	s31 =	smov.u32 s26;
	s26 =	sadd.s32 $0x100, s26  }
0x62: {  	[tilespmem:s20], [sflag:$0x2] =	stream.indirect.gather [hbm4b:s2+s19], $0x80, s28, s19, $0xb8;
	[tilespmem:$0x1E500] =	vst v63  }
0x63: {  	s28 =	smov.u32 s30;
	_ =	swait.ge [sflag:s21], $0x4000  }
0x64: {  	[sflag:s21] =	ssyncset.done $0x0  }
0x65: {  	[sflag:s21] =	ssyncadd.s32 $0xFFFFC000  }
0x66: {  	_ =	swait.ge [sflag:s22], $0x80  }
0x67: {  	s30 =	sadd.s32 $0xFFFFFF80, s31;
	[sflag:s22] =	ssyncset.done $0x0  }
0x68: {  	s1 =	sand.u32 $0x7C00, s30;
	s30 =	sand.u32 $0x300, s30;
	[sflag:s22] =	ssyncadd.s32 $0xFFFFFF80  }
0x69: {  	[spmem:s4] =	stream.indirect.scatter.add.f32 [tilespmem:s17], [sflag:$0x5], $0x80, s18, s19, $0xb8;
	[tilespmem:$0x1E500] =	vst v63  }
0x6a: {  	s1 =	sadd.s32 s3, s1;
	_ =	swait.ge [sflag:s13], $0x4000  }
0x6b: {  	s1 =	sor.u32 s30, s1;
	[sflag:s13] =	ssyncset.done $0x0  }
0x6c: {  	s1 =	sshrl.u32 s1, $0x3;
	[sflag:s13] =	ssyncadd.s32 $0xFFFFC000  }
0x6d: {  	s1 =	sadd.s32 s6, s1  }
0x6e: {  	[tilespmem:s18], [sflag:$0x3] =	stream.linear.gather [hbm4b:s1+s5], $0x80, $0x38;
	[tilespmem:$0x1E500] =	vst v63  }
0x6f: {  	_ = 	snop  }
0x70: {  	[tilespmem:s17], [sflag:$0x1] =	stream.indirect.gather [hbm4b:s2+s19], $0x80, s29, s19, $0xb8;
	[tilespmem:$0x1E500] =	vst v63  }
0x71: {  	_ =	swait.ge [sflag:s23], $0x4000  }
0x72: {  	[sflag:s23] =	ssyncset.done $0x0  }
0x73: {  	[sflag:s23] =	ssyncadd.s32 $0xFFFFC000  }
0x74: {  	_ =	swait.ge [sflag:s24], $0x80  }
0x75: {  	s1 =	sand.u32 $0x7C00, s31;
	[sflag:s24] =	ssyncset.done $0x0  }
0x76: {  	s30 =	sand.u32 $0x380, s31;
	s1 =	sadd.s32 s3, s1;
	[sflag:s24] =	ssyncadd.s32 $0xFFFFFF80  }
0x77: {  	[spmem:s4] =	stream.indirect.scatter.add.f32 [tilespmem:s20], [sflag:$0x5], $0x80, s14, s19, $0xb8;
	[tilespmem:$0x1E500] =	vst v63  }
.Ltmp0:
0x78: {  	_ = 	snop;
	(pc) =	sbr.rel @p1 .LBB2_2-.Ltmp0, $4  }
0x79: {  	s1 =	sor.u32 s30, s1;
	_ =	swait.ge [sflag:s13], $0x4000  }
0x7a: {  	s1 =	sshrl.u32 s1, $0x3;
	[sflag:s13] =	ssyncset.done $0x0  }
0x7b: {  	s29 =	sadd.s32 $0x100, s29;
	s1 =	sadd.s32 s6, s1;
	[sflag:s13] =	ssyncadd.s32 $0xFFFFC000  }
0x7c: {  	[tilespmem:s14], [sflag:$0x4] =	stream.linear.gather [hbm4b:s1+s5], $0x80, $0x38;
	[tilespmem:$0x1E500] =	vst v63  }
0x7d: {  	[tilespmem:s20], [sflag:$0x2] =	stream.indirect.gather [hbm4b:s2+s19], $0x80, s28, s19, $0xb8;
	[tilespmem:$0x1E500] =	vst v63  }
0x7e: {  	_ =	swait.ge [sflag:s21], $0x4000  }
0x7f: {  	[sflag:s21] =	ssyncset.done $0x0  }
0x80: {  	[sflag:s21] =	ssyncadd.s32 $0xFFFFC000  }
0x81: {  	_ =	swait.ge [sflag:s22], $0x80  }
0x82: {  	[sflag:s22] =	ssyncset.done $0x0  }
0x83: {  	[sflag:s22] =	ssyncadd.s32 $0xFFFFFF80  }
0x84: {  	[spmem:s4] =	stream.indirect.scatter.add.f32 [tilespmem:s17], [sflag:$0x5], $0x80, s18, s19, $0xb8;
	[tilespmem:$0x1E500] =	vst v63  }
0x85: {  	_ =	swait.ge [sflag:s13], $0x4000  }
0x86: {  	[sflag:s13] =	ssyncset.done $0x0  }
0x87: {  	[sflag:s13] =	ssyncadd.s32 $0xFFFFC000  }
0x88: {  	_ =	swait.ge [sflag:s23], $0x4000  }
0x89: {  	[sflag:s23] =	ssyncset.done $0x0  }
0x8a: {  	[sflag:s23] =	ssyncadd.s32 $0xFFFFC000  }
0x8b: {  	_ =	swait.ge [sflag:s24], $0x80  }
0x8c: {  	[sflag:s24] =	ssyncset.done $0x0  }
0x8d: {  	[sflag:s24] =	ssyncadd.s32 $0xFFFFFF80  }
0x8e: {  	[spmem:s4] =	stream.indirect.scatter.add.f32 [tilespmem:s20], [sflag:$0x5], $0x80, s14, s19, $0xb8;
	[tilespmem:$0x1E500] =	vst v63  }
0x8f: {  	_ =	swait.ge [sflag:s13], $0x4000  }
0x90: {  	[sflag:s13] =	ssyncset.done $0x0  }
0x91: {  	[sflag:s13] =	ssyncadd.s32 $0xFFFFC000  }
0x92: {  	[bflag:$0x0] =	sbarrier.arrive $0xFFFF  }
0x93: {  	s1 =	simm.s32 @p0 $0x16500;
	s26 =	rddreg [dreg:$0x18]  }
0x94: {  	[tilespmem:s1], [sflag:$0x5] =	stream.linear.gather @p0 [spmem:s26], $0x4000, $0x38;
	[tilespmem:$0x1E500] =	vst v63  }
0x95: {  	s26 =	simm.s32 @p0 $0x5  }
0x96: {  	_ =	swait.ge @p0 [sflag:s26], $0x4000  }
0x97: {  	[sflag:s26] =	ssyncset.done @p0 $0x0  }
0x98: {  	s28 =	simm.s32 @p0 $0x0;
	s29 =	rddreg [dreg:$0xe];
	[sflag:s26] =	ssyncadd.s32 @p0 $0xFFFFC000  }
0x99: {  	[hbm4b:s29+s28] =	stream.linear.scatter @p0 [tilespmem:s1], [sflag:$0x1], $0x4000, $0x38;
	[tilespmem:$0x1E500] =	vst v63  }
0x9a: {  	s30 =	rddreg [dreg:$0x19];
	s29 =	simm.s32 @p0 $0x1A500  }
0x9b: {  	[tilespmem:s29], [sflag:$0x5] =	stream.linear.gather @p0 [spmem:s30], $0x4000, $0x38;
	[tilespmem:$0x1E500] =	vst v63  }
0x9c: {  	_ =	swait.ge @p0 [sflag:s26], $0x4000  }
0x9d: {  	[sflag:s26] =	ssyncset.done @p0 $0x0  }
0x9e: {  	s30 =	rddreg [dreg:$0xf];
	[sflag:s26] =	ssyncadd.s32 @p0 $0xFFFFC000  }
0x9f: {  	[hbm4b:s30+s28] =	stream.linear.scatter @p0 [tilespmem:s29], [sflag:$0x2], $0x4000, $0x38;
	[tilespmem:$0x1E500] =	vst v63  }
0xa0: {  	s30 =	simm.s32 @p0 $0x1  }
0xa1: {  	_ =	swait.ge @p0 [sflag:s30], $0x4000  }
0xa2: {  	[sflag:s30] =	ssyncset.done @p0 $0x0  }
0xa3: {  	[sflag:s30] =	ssyncadd.s32 @p0 $0xFFFFC000  }
0xa4: {  	[tilespmem:s1], [sflag:$0x5] =	stream.linear.gather @p0 [spmem:s7], $0x4000, $0x38;
	[tilespmem:$0x1E500] =	vst v63  }
0xa5: {  	_ =	swait.ge @p0 [sflag:s26], $0x4000  }
0xa6: {  	[sflag:s26] =	ssyncset.done @p0 $0x0  }
0xa7: {  	s31 =	rddreg [dreg:$0x10];
	[sflag:s26] =	ssyncadd.s32 @p0 $0xFFFFC000  }
0xa8: {  	[hbm4b:s31+s28] =	stream.linear.scatter @p0 [tilespmem:s1], [sflag:$0x1], $0x4000, $0x38;
	[tilespmem:$0x1E500] =	vst v63  }
0xa9: {  	s31 =	simm.s32 @p0 $0x2  }
0xaa: {  	_ =	swait.ge @p0 [sflag:s31], $0x4000  }
0xab: {  	[sflag:s31] =	ssyncset.done @p0 $0x0  }
0xac: {  	[sflag:s31] =	ssyncadd.s32 @p0 $0xFFFFC000  }
0xad: {  	[tilespmem:s29], [sflag:$0x5] =	stream.linear.gather @p0 [spmem:s9], $0x4000, $0x38;
	[tilespmem:$0x1E500] =	vst v63  }
0xae: {  	_ =	swait.ge @p0 [sflag:s26], $0x4000  }
0xaf: {  	[sflag:s26] =	ssyncset.done @p0 $0x0  }
0xb0: {  	s31 =	rddreg [dreg:$0x11];
	[sflag:s26] =	ssyncadd.s32 @p0 $0xFFFFC000  }
0xb1: {  	[hbm4b:s31+s28] =	stream.linear.scatter @p0 [tilespmem:s29], [sflag:$0x2], $0x4000, $0x38;
	[tilespmem:$0x1E500] =	vst v63  }
0xb2: {  	_ =	swait.ge @p0 [sflag:s30], $0x4000  }
0xb3: {  	[sflag:s30] =	ssyncset.done @p0 $0x0  }
0xb4: {  	[sflag:s30] =	ssyncadd.s32 @p0 $0xFFFFC000  }
0xb5: {  	[tilespmem:s1], [sflag:$0x5] =	stream.linear.gather @p0 [spmem:s11], $0x4000, $0x38;
	[tilespmem:$0x1E500] =	vst v63  }
0xb6: {  	_ =	swait.ge @p0 [sflag:s26], $0x4000  }
0xb7: {  	[sflag:s26] =	ssyncset.done @p0 $0x0  }
0xb8: {  	[sflag:s26] =	ssyncadd.s32 @p0 $0xFFFFC000;
	s26 =	rddreg [dreg:$0x12]  }
0xb9: {  	[hbm4b:s26+s28] =	stream.linear.scatter @p0 [tilespmem:s1], [sflag:$0x1], $0x4000, $0x38;
	[tilespmem:$0x1E500] =	vst v63  }
0xba: {  	_ =	swait.ge @p0 [sflag:s30], $0x4000  }
0xbb: {  	[sflag:s30] =	ssyncset.done @p0 $0x0  }
0xbc: {  	s1 =	simm.s32 @!p0 $0x16500;
	s26 =	simm.s32 @!p0 $0x5;
	[sflag:s30] =	ssyncadd.s32 @p0 $0xFFFFC000  }
0xbd: {  	[tilespmem:s1], [sflag:$0x5] =	stream.linear.gather @!p0 [spmem:s15], $0x4000, $0x38;
	[tilespmem:$0x1E500] =	vst v63  }
0xbe: {  	_ =	swait.ge @!p0 [sflag:s26], $0x4000  }
0xbf: {  	[sflag:s26] =	ssyncset.done @!p0 $0x0  }
0xc0: {  	s28 =	simm.s32 @!p0 $0x0;
	[sflag:s26] =	ssyncadd.s32 @!p0 $0xFFFFC000  }
0xc1: {  	[hbm4b:s16+s28] =	stream.linear.scatter @!p0 [tilespmem:s1], [sflag:$0x1], $0x4000, $0x38;
	[tilespmem:$0x1E500] =	vst v63  }
0xc2: {  	s29 =	simm.s32 @!p0 $0x1A500;
	s30 =	rddreg [dreg:$0xb]  }
0xc3: {  	[tilespmem:s29], [sflag:$0x5] =	stream.linear.gather @!p0 [spmem:s30], $0x4000, $0x38;
	[tilespmem:$0x1E500] =	vst v63  }
0xc4: {  	_ =	swait.ge @!p0 [sflag:s26], $0x4000  }
0xc5: {  	[sflag:s26] =	ssyncset.done @!p0 $0x0  }
0xc6: {  	s30 =	simm.s32 @!p0 $0x1;
	[sflag:s26] =	ssyncadd.s32 @!p0 $0xFFFFC000  }
0xc7: {  	[hbm4b:s0+s28] =	stream.linear.scatter @!p0 [tilespmem:s29], [sflag:$0x2], $0x4000, $0x38;
	[tilespmem:$0x1E500] =	vst v63  }
0xc8: {  	_ =	swait.ge @!p0 [sflag:s30], $0x4000  }
0xc9: {  	[sflag:s30] =	ssyncset.done @!p0 $0x0  }
0xca: {  	s31 =	rddreg [dreg:$0xc];
	[sflag:s30] =	ssyncadd.s32 @!p0 $0xFFFFC000  }
0xcb: {  	[tilespmem:s1], [sflag:$0x5] =	stream.linear.gather @!p0 [spmem:s31], $0x4000, $0x38;
	[tilespmem:$0x1E500] =	vst v63  }
0xcc: {  	_ =	swait.ge @!p0 [sflag:s26], $0x4000  }
0xcd: {  	[sflag:s26] =	ssyncset.done @!p0 $0x0  }
0xce: {  	s31 =	rddreg [dreg:$0xd];
	[sflag:s26] =	ssyncadd.s32 @!p0 $0xFFFFC000  }
0xcf: {  	[hbm4b:s31+s28] =	stream.linear.scatter @!p0 [tilespmem:s1], [sflag:$0x1], $0x4000, $0x38;
	[tilespmem:$0x1E500] =	vst v63  }
0xd0: {  	s31 =	simm.s32 @!p0 $0x2  }
0xd1: {  	_ =	swait.ge @!p0 [sflag:s31], $0x4000  }
0xd2: {  	[sflag:s31] =	ssyncset.done @!p0 $0x0  }
0xd3: {  	[sflag:s31] =	ssyncadd.s32 @!p0 $0xFFFFC000;
	s31 =	rddreg [dreg:$0x14]  }
0xd4: {  	[tilespmem:s29], [sflag:$0x5] =	stream.linear.gather @!p0 [spmem:s31], $0x4000, $0x38;
	[tilespmem:$0x1E500] =	vst v63  }
0xd5: {  	_ =	swait.ge @!p0 [sflag:s26], $0x4000  }
0xd6: {  	[sflag:s26] =	ssyncset.done @!p0 $0x0  }
0xd7: {  	s31 =	rddreg [dreg:$0x15];
	[sflag:s26] =	ssyncadd.s32 @!p0 $0xFFFFC000  }
0xd8: {  	[hbm4b:s31+s28] =	stream.linear.scatter @!p0 [tilespmem:s29], [sflag:$0x2], $0x4000, $0x38;
	[tilespmem:$0x1E500] =	vst v63  }
0xd9: {  	_ =	swait.ge @!p0 [sflag:s30], $0x4000  }
0xda: {  	[sflag:s30] =	ssyncset.done @!p0 $0x0  }
0xdb: {  	s29 =	rddreg [dreg:$0x16];
	[sflag:s30] =	ssyncadd.s32 @!p0 $0xFFFFC000  }
0xdc: {  	[tilespmem:s1], [sflag:$0x5] =	stream.linear.gather @!p0 [spmem:s29], $0x3800, $0x38;
	[tilespmem:$0x1E500] =	vst v63  }
0xdd: {  	_ =	swait.ge @!p0 [sflag:s26], $0x3800  }
0xde: {  	[sflag:s26] =	ssyncset.done @!p0 $0x0  }
0xdf: {  	[sflag:s26] =	ssyncadd.s32 @!p0 $0xFFFFC800  }
0xe0: {  	[hbm4b:s10+s28] =	stream.linear.scatter @!p0 [tilespmem:s1], [sflag:$0x1], $0x3800, $0x38;
	[tilespmem:$0x1E500] =	vst v63  }
0xe1: {  	_ =	swait.ge @!p0 [sflag:s30], $0x3800  }
0xe2: {  	[sflag:s30] =	ssyncset.done @!p0 $0x0  }
0xe3: {  	[sflag:s30] =	ssyncadd.s32 @!p0 $0xFFFFC800  }
0xe4: {  	_ =	swait.ge [sflag:s23], $0x4000  }
0xe5: {  	s25 =	sadd.s32 $0x1, s25;
	s31 =	rddreg [dreg:$0x13]  }
0xe6: {  	p1 =	sne.s32 s25, s31  }
.Ltmp1:
0xe7: {  	_ = 	snop;
	(pc) =	sbr.rel @p1 .LBB2_1-.Ltmp1, $3  }
0xe8: {  	_ =	sdelay $0x1  }
0xe9: {  	[sflag:s23] =	ssyncset.done $0x0  }
0xea: {  	[sflag:s23] =	ssyncadd.s32 $0xFFFFC000  }
0xeb: {  	_ =	sfence.sel $0x180000  }
0xec: {  	[bflag:$0x0] =	sbarrier.arrive $0xFFFF  }
0xed: {  	_ =	strace $0x9000004D  }
0xee: {  	s0 =	stileid.u32;
	[bflag:$0x2] =	sbarrier.arrive $0xFFFF  }
0xef: {  	p0 =	sne.s32 s0, $0x0;
	s0 =	rddreg [dreg:$0x3]  }
0xf0: {  	s0 =	sadd.s32 @!p0 $0x100000, s0  }
0xf1: {  	[sflag:s0] =	ssyncadd.tile.s32 @!p0 $0x1;
	_ =	shalt  }
.Lfunc_end2:
_tile_overlayer_lowered:
.L_overlay_start_2:
0xf2: {  	(tag) =	ssettag $0x2  }
0xf3: {  	s0 =	rddreg [dreg:$0x0];
	s2 =	stileid.u32  }
0xf4: {  	s1 =	rddreg [dreg:$0x1];
	p0 =	sne.s32 s2, $0x0  }
0xf5: {  	s3 =	rddreg [dreg:$0x2];
	[bflag:$0x3] =	sbarrier.arrive $0xFFFF;
	s2 =	simm.s32 @!p0 $0x1C05  }
0xf6: {  	[timem:s3], [sflag:s2] =	dma.local @!p0 [hbm:s0], s1  }
0xf7: {  	s0 =	simm.s32 @!p0 $0x5  }
0xf8: {  	_ =	swait.ge @!p0 [sflag:s0], s1  }
0xf9: {  	s1 =	ssub.s32 @!p0 $0x0, s1;
	[sflag:s0] =	ssyncset.done @!p0 $0x0  }
0xfa: {  	[sflag:s0] =	ssyncadd.s32 @!p0 s1  }
0xfb: {  	[bflag:$0x3] =	sbarrier.arrive $0xFFFF  }
0xfc: {  	_ =	shalt  }

</sc_bundles>
